<compile_context>
chip_gen: v7x
topology: tpu7x:2x2x1
jax: 0.10.2.dev20260603
libtpu: 0.0.44.dev20260713+nightly
codegen_flags: <defaults>
</compile_context>

<pallas_src>
import functools
import math

import jax
import jax.numpy as jnp
from jax import lax
from jax.experimental import pallas as pl
from jax.experimental.pallas import tpu as pltpu
from jax.experimental.pallas import tpu_sc as plsc

_F32 = jnp.float32


def _rs(n):
    return 1.0 / math.sqrt(float(n))


def _silu_layer(x, w_ref):
    w = w_ref[...]
    y = jnp.dot(x, w, preferred_element_type=_F32) * _rs(w.shape[0])
    return y * jax.nn.sigmoid(y)



def _pa_body(D, QK, ni_ref, na_ref, wl1_ref, w3f_ref, whq8_ref, wd816_ref,
             wsc2_ref, feat_ref, u_ref, qd_ref, sc_ref):
    ni = ni_ref[...]
    feat = jnp.dot(ni, wl1_ref[...], preferred_element_type=_F32) * _rs(D)
    feat_ref[...] = feat
    u_ref[...] = jnp.dot(feat, w3f_ref[...], preferred_element_type=_F32)
    q8 = jnp.dot(feat, whq8_ref[...], preferred_element_type=_F32) * _rs(D)
    qd_ref[...] = jnp.dot(q8, wd816_ref[...],
                          preferred_element_type=_F32) * (1.0 / QK)
    sc_ref[...] = jnp.dot(ni * na_ref[...], wsc2_ref[...],
                          preferred_element_type=_F32) * _rs(D)


def _pass_a(ni, na, wl1, w3f, whq8, wd816, wsc2, BN):
    N, D = ni.shape
    QK = 4
    grid = (N // BN,)
    full = lambda shp: pl.BlockSpec(shp, lambda i: (0, 0))
    return pl.pallas_call(
        functools.partial(_pa_body, D, QK),
        grid=grid,
        in_specs=[
            pl.BlockSpec((BN, D), lambda i: (i, 0)),
            pl.BlockSpec((BN, 1), lambda i: (i, 0)),
            full((D, D)),
            full((D, 128)),
            full((D, 8)),
            full((8, 128)),
            full((D, D)),
        ],
        out_specs=[
            pl.BlockSpec((BN, D), lambda i: (i, 0)),
            pl.BlockSpec((BN, 128), lambda i: (i, 0)),
            pl.BlockSpec((BN, 128), lambda i: (i, 0)),
            pl.BlockSpec((BN, D), lambda i: (i, 0)),
        ],
        out_shape=[
            jax.ShapeDtypeStruct((N, D), _F32),
            jax.ShapeDtypeStruct((N, 128), _F32),
            jax.ShapeDtypeStruct((N, 128), _F32),
            jax.ShapeDtypeStruct((N, D), _F32),
        ],
    )(ni, na, wl1, w3f, whq8, wd816, wsc2)




def _pc1_body(SCAL, HID, es8_ref, w0_ref, w1_ref, w2_ref, h_ref):
    def layer(x, w_ref, fan_in):
        y = jnp.dot(x, w_ref[...], preferred_element_type=_F32) * _rs(fan_in)
        return y * jax.nn.sigmoid(y)
    h = layer(es8_ref[...], w0_ref, SCAL)
    h = layer(h, w1_ref, HID)
    h = layer(h, w2_ref, HID)
    h_ref[...] = h


def _pass_c1(es8, w0kv, w1kv, w2kv, SCAL, HID, BE8):
    E8 = es8.shape[0]
    grid = (E8 // BE8,)
    blk = pl.BlockSpec((BE8, 128), lambda i: (i, 0))
    full = pl.BlockSpec((128, 128), lambda i: (0, 0))
    return pl.pallas_call(
        functools.partial(_pc1_body, SCAL, HID),
        grid=grid,
        in_specs=[blk, full, full, full],
        out_specs=blk,
        out_shape=jax.ShapeDtypeStruct((E8, 128), _F32),
    )(es8, w0kv, w1kv, w2kv)



def _pc_body(D, HID, h_ref, usrc_ref, qdd_ref, ea_ref,
             v3_ref, r_ref, s_ref, m0_ref, x_ref, xmax_ref, macc_ref):
    h = h_ref[...]
    h3k = h[:, :HID]
    h3v = h[:, HID:2 * HID]
    wv = jnp.dot(h3v, v3_ref[...], preferred_element_type=_F32) * _rs(HID)
    ea = ea_ref[...]
    m0_ref[...] = wv * ea
    s = usrc_ref[...] * jnp.dot(h3k, r_ref[...], preferred_element_type=_F32)
    t16 = jnp.dot(s, s_ref[...], preferred_element_type=_F32)
    x = jnp.sum(t16 * qdd_ref[...], axis=1, keepdims=True)
    x = x * ea * (_rs(D) * _rs(HID))
    x_ref[...] = x

    @pl.when(pl.program_id(0) == 0)
    def _():
        macc_ref[0] = jnp.float32(-jnp.inf)

    m = jnp.maximum(macc_ref[0], jnp.max(x))
    macc_ref[0] = m
    xmax_ref[...] = jnp.full((1, 128), m, dtype=_F32)


def _pass_c(h3kv, usrc, qdd16, ea, v3, R, S16, D, HID, BE):
    E = h3kv.shape[0]
    grid = (E // BE,)
    full2 = lambda a, b: pl.BlockSpec((a, b), lambda i: (0, 0))
    return pl.pallas_call(
        functools.partial(_pc_body, D, HID),
        grid=grid,
        in_specs=[
            pl.BlockSpec((BE, 16), lambda i: (i, 0)),
            pl.BlockSpec((BE, 32), lambda i: (i, 0)),
            pl.BlockSpec((BE, 128), lambda i: (i, 0)),
            pl.BlockSpec((BE, 1), lambda i: (i, 0)),
            full2(HID, D),
            full2(HID, 32), full2(32, 128),
        ],
        out_specs=[
            pl.BlockSpec((BE, D), lambda i: (i, 0)),
            pl.BlockSpec((BE, 1), lambda i: (i, 0)),
            pl.BlockSpec((1, 128), lambda i: (0, 0)),
        ],
        out_shape=[
            jax.ShapeDtypeStruct((E, D), _F32),
            jax.ShapeDtypeStruct((E, 1), _F32),
            jax.ShapeDtypeStruct((1, 128), _F32),
        ],
        scratch_shapes=[pltpu.SMEM((1,), _F32)],
    )(h3kv, usrc, qdd16, ea, v3, R, S16)



def _pg_body(D, sc_ref, nf0_ref, nf1_ref, z0_ref, z1_ref, wl2_ref, out_ref):
    zs = z0_ref[...] + z1_ref[...]
    zs = jnp.where(zs == 0.0, jnp.ones_like(zs), zs)
    nf = (nf0_ref[...] + nf1_ref[...]) / zs
    out_ref[...] = sc_ref[...] + jnp.dot(
        nf, wl2_ref[...], preferred_element_type=_F32) * _rs(D)


def _pass_g(sc, nf0, nf1, z0, z1, wl2, BN):
    N, D = sc.shape
    grid = (N // BN,)
    blk = pl.BlockSpec((BN, D), lambda i: (i, 0))
    col = pl.BlockSpec((BN, 1), lambda i: (i, 0))
    return pl.pallas_call(
        functools.partial(_pg_body, D),
        grid=grid,
        in_specs=[blk, blk, blk, col, col,
                  pl.BlockSpec((D, D), lambda i: (0, 0))],
        out_specs=blk,
        out_shape=jax.ShapeDtypeStruct((N, D), _F32),
    )(sc, nf0, nf1, z0, z1, wl2)



_CH = 128
_NW = 32
_SC_PARAMS = pltpu.CompilerParams(needs_layout_passes=False)


def _worker_id():
    return lax.axis_index("s") * 2 + lax.axis_index("c")


def _n_chunks(total_chunks, wid):
    base = total_chunks // _NW
    rem = total_chunks % _NW
    return jnp.where(wid < rem, base + 1, base).astype(jnp.int32)


def _pass_b(u, qd, src, dst):
    N, HQ = u.shape
    E = src.shape[0]
    total_chunks = E // _CH
    mesh = plsc.VectorSubcoreMesh(core_axis_name="c", subcore_axis_name="s")

    @functools.partial(
        pl.kernel,
        out_type=(
            jax.ShapeDtypeStruct((E * 32,), _F32),
            jax.ShapeDtypeStruct((E, HQ), _F32),
        ),
        mesh=mesh,
        compiler_params=_SC_PARAMS,
        scratch_types=[
            pltpu.VMEM((2, _CH), jnp.int32),
            pltpu.VMEM((2, _CH), jnp.int32),
            pltpu.VMEM((2, _CH, HQ), _F32),
            pltpu.VMEM((2, _CH, HQ), _F32),
            pltpu.VMEM((2, _CH * 32), _F32),
        ] + [pltpu.SemaphoreType.DMA] * 10,
    )
    def kfn(u_hbm, qd_hbm, src_hbm, dst_hbm, usrc_hbm, qdd_hbm,
            sidx, didx, urows, qrows, ucomp,
            ss0, ss1, sd0, sd1, su0, su1, sq0, sq1, sc0, sc1):
        wid = _worker_id()
        nchunks = _n_chunks(total_chunks, wid)
        ssem = [ss0, ss1]
        dsem = [sd0, sd1]
        usem = [su0, su1]
        qsem = [sq0, sq1]
        csem = [sc0, sc1]

        def pair(jj, carry):
            for b in range(2):
                ci = jj * 2 + b

                @pl.when(ci < nchunks)
                def _():
                    base = (wid + _NW * ci) * _CH
                    pltpu.async_copy(src_hbm.at[pl.ds(base, _CH)],
                                     sidx.at[b], ssem[b])
                    pltpu.async_copy(dst_hbm.at[pl.ds(base, _CH)],
                                     didx.at[b], dsem[b])
            for b in range(2):
                ci = jj * 2 + b

                @pl.when(ci < nchunks)
                def _():
                    pltpu.make_async_copy(src_hbm.at[pl.ds(0, _CH)],
                                          sidx.at[b], ssem[b]).wait()
                    pltpu.make_async_copy(dst_hbm.at[pl.ds(0, _CH)],
                                          didx.at[b], dsem[b]).wait()
                    pltpu.async_copy(u_hbm.at[sidx.at[b]], urows.at[b],
                                     usem[b])
                    pltpu.async_copy(qd_hbm.at[didx.at[b]], qrows.at[b],
                                     qsem[b])
            for b in range(2):
                ci = jj * 2 + b

                @pl.when(ci < nchunks)
                def _():
                    base = (wid + _NW * ci) * _CH
                    pltpu.make_async_copy(u_hbm.at[pl.ds(0, _CH)],
                                          urows.at[b], usem[b]).wait()

                    def comp(kk, carry2):
                        for uu in range(4):
                            j = kk * 4 + uu
                            ucomp[b, pl.ds(j * 32, 16)] = (
                                urows[b, j, pl.ds(0, 16)])
                            ucomp[b, pl.ds(j * 32 + 16, 16)] = (
                                urows[b, j, pl.ds(16, 16)])
                        return carry2
                    lax.fori_loop(0, _CH // 4, comp, 0)
                    pltpu.async_copy(
                        ucomp.at[b],
                        usrc_hbm.at[pl.ds(base * 32, _CH * 32)], csem[b])
                    pltpu.make_async_copy(qd_hbm.at[pl.ds(0, _CH)],
                                          qrows.at[b], qsem[b]).wait()
                    pltpu.async_copy(qrows.at[b],
                                     qdd_hbm.at[pl.ds(base, _CH)], qsem[b])
            for b in range(2):
                ci = jj * 2 + b

                @pl.when(ci < nchunks)
                def _():
                    base = (wid + _NW * ci) * _CH
                    pltpu.make_async_copy(
                        ucomp.at[b],
                        usrc_hbm.at[pl.ds(base * 32, _CH * 32)],
                        csem[b]).wait()
                    pltpu.make_async_copy(qrows.at[b],
                                          qdd_hbm.at[pl.ds(base, _CH)],
                                          qsem[b]).wait()
            return carry

        lax.fori_loop(0, (total_chunks // _NW + 2) // 2, pair, 0)

    return kfn(u, qd, src, dst)


def _pass_f(feat, src, dst, x, xmax, m0, NP):
    N, D = feat.shape
    E = src.shape[0]
    total_chunks = E // _CH
    rows_per_tile = NP // 16
    nvec = D // 16
    mesh = plsc.VectorSubcoreMesh(core_axis_name="c", subcore_axis_name="s")

    @functools.partial(
        pl.kernel,
        out_type=(
            jax.ShapeDtypeStruct((2, NP, D), _F32),
            jax.ShapeDtypeStruct((2, NP), _F32),
        ),
        mesh=mesh,
        compiler_params=_SC_PARAMS,
        scratch_types=[
            pltpu.VMEM((_CH,), jnp.int32),
            pltpu.VMEM((_CH,), jnp.int32),
            pltpu.VMEM((_CH,), _F32),
            pltpu.VMEM((_CH,), _F32),
            pltpu.VMEM((128,), _F32),
            pltpu.VMEM((_CH, D), _F32),
            pltpu.VMEM((_CH, D), _F32),
            pltpu.VMEM((1024,), _F32),
            pltpu.VMEM_SHARED((NP, D), _F32),
            pltpu.VMEM_SHARED((NP,), _F32),
            pltpu.SemaphoreType.DMA,
            pltpu.SemaphoreType.DMA,
            pltpu.SemaphoreType.DMA,
            pltpu.SemaphoreType.DMA,
            pltpu.SemaphoreType.DMA,
        ],
    )
    def kfn(feat_hbm, src_hbm, dst_hbm, x_hbm, xmax_hbm, m0_hbm,
            nf_hbm, z_hbm,
            sidx, didx, xc, ec, xmv, featg, m0c, zb, nfsp, zsp,
            semA, semB, semC, semD, semE):
        cid = lax.axis_index("c")
        sid = lax.axis_index("s")
        wid = _worker_id()
        nchunks = _n_chunks(total_chunks, wid)

        pltpu.sync_copy(xmax_hbm, xmv)
        gmv = xmv[pl.ds(0, 16)]

        def zfill(i, carry):
            for v in range(nvec):
                featg[i, pl.ds(v * 16, 16)] = jnp.zeros((16,), _F32)
            return carry
        lax.fori_loop(0, _CH, zfill, 0)
        for v in range(1024 // 16):
            zb[pl.ds(v * 16, 16)] = jnp.zeros((16,), _F32)

        def zrows(i, carry):
            pltpu.sync_copy(
                featg, nfsp.at[pl.ds(sid * rows_per_tile + i * _CH, _CH)])
            return carry
        lax.fori_loop(0, rows_per_tile // _CH, zrows, 0)
        pltpu.sync_copy(zb.at[pl.ds(0, rows_per_tile)],
                        zsp.at[pl.ds(sid * rows_per_tile, rows_per_tile)])
        plsc.subcore_barrier()

        def body(i, carry):
            base = (wid + _NW * i) * _CH
            cp_s = pltpu.async_copy(src_hbm.at[pl.ds(base, _CH)], sidx, semA)
            cp_d = pltpu.async_copy(dst_hbm.at[pl.ds(base, _CH)], didx, semB)
            cp_x = pltpu.async_copy(x_hbm.at[pl.ds(base, _CH)], xc, semC)
            cp_m = pltpu.async_copy(m0_hbm.at[pl.ds(base, _CH)], m0c, semD)
            cp_s.wait()
            cp_g = pltpu.async_copy(feat_hbm.at[sidx], featg, semE)
            cp_x.wait()
            for v in range(_CH // 16):
                sl = pl.ds(v * 16, 16)
                ec[sl] = jnp.exp(xc[sl] - gmv)
            cp_d.wait()
            pltpu.sync_copy(ec, zsp.at[didx], add=True)
            cp_m.wait()
            cp_g.wait()

            def rows(jj, carry2):
                for uu in range(4):
                    j = jj * 4 + uu
                    av = plsc.load_gather(
                        ec, [jnp.full((16,), j, jnp.int32)])
                    for v in range(nvec):
                        sl = pl.ds(v * 16, 16)
                        m0c[j, sl] = m0c[j, sl] * featg[j, sl] * av
                return carry2
            lax.fori_loop(0, _CH // 4, rows, 0)

            pltpu.sync_copy(m0c, nfsp.at[didx], add=True)
            return carry

        lax.fori_loop(0, nchunks, body, 0)
        plsc.subcore_barrier()

        def dbody(i, carry):
            r0 = sid * rows_per_tile + i * _CH
            pltpu.sync_copy(nfsp.at[pl.ds(r0, _CH)], featg)
            pltpu.sync_copy(featg, nf_hbm.at[cid, pl.ds(r0, _CH)])
            return carry
        lax.fori_loop(0, rows_per_tile // _CH, dbody, 0)
        pltpu.sync_copy(zsp.at[pl.ds(sid * rows_per_tile, rows_per_tile)],
                        zb.at[pl.ds(0, rows_per_tile)])
        pltpu.sync_copy(zb.at[pl.ds(0, rows_per_tile)],
                        z_hbm.at[cid, pl.ds(sid * rows_per_tile,
                                            rows_per_tile)])

    return kfn(feat, src, dst, x, xmax, m0)



def kernel(node_input, node_attr, edge_src, edge_dst, edge_attr, edge_scalars,
           W_sc, W_lin1, W_hq, W_dot, W_lin2,
           fck_W0, fck_W1, fck_W2, fck_W3,
           fc_W0, fc_W1, fc_W2, fc_W3):
    N, D = node_input.shape
    E = edge_src.shape[0]
    QK = W_hq.shape[1]
    HID = fck_W0.shape[1]
    NP = ((N + 1023) // 1024) * 1024
    BN = 2000 if N % 2000 == 0 else 8
    BE = 4000 if E % 4000 == 0 else 128

    w3f = jnp.transpose(fck_W3.reshape(HID, D, QK), (1, 0, 2)).reshape(
        D, HID * QK)
    w3f = jnp.pad(w3f, ((0, 0), (0, 128 - HID * QK)))
    whq8 = jnp.pad(W_hq, ((0, 0), (0, 8 - QK)))
    wd816 = jnp.pad(W_dot[:, :, 0], ((0, 8 - QK), (0, 128 - QK)))
    wsc2 = W_sc[:, 0, :]
    R = jnp.repeat(jnp.eye(HID, dtype=_F32), QK, axis=1)
    S16 = jnp.pad(jnp.tile(jnp.eye(QK, dtype=_F32), (HID, 1)),
                  ((0, 0), (0, 128 - QK)))
    src = edge_src.astype(jnp.int32)
    dst = edge_dst.astype(jnp.int32)
    SCAL = edge_scalars.shape[1]
    b0 = jnp.concatenate([fck_W0, fc_W0], axis=1)
    b1 = jnp.concatenate([
        jnp.concatenate([fck_W1, jnp.zeros((HID, HID), _F32)], axis=1),
        jnp.concatenate([jnp.zeros((HID, HID), _F32), fc_W1], axis=1)],
        axis=0)
    b2 = jnp.concatenate([
        jnp.concatenate([fck_W2, jnp.zeros((HID, HID), _F32)], axis=1),
        jnp.concatenate([jnp.zeros((HID, HID), _F32), fc_W2], axis=1)],
        axis=0)
    eye8 = jnp.eye(128 // SCAL, dtype=_F32)
    w0kv = jnp.kron(eye8, b0)
    w1kv = jnp.kron(eye8, b1)
    w2kv = jnp.kron(eye8, b2)
    es8 = edge_scalars.reshape(E * SCAL // 128, 128)

    feat, u, qd16, sc = _pass_a(node_input, node_attr, W_lin1, w3f, whq8,
                                wd816, wsc2, BN)
    usrcf, qdd16 = _pass_b(u, qd16, src, dst)
    usrc = usrcf.reshape(E, 32)
    h3kv8 = _pass_c1(es8, w0kv, w1kv, w2kv, SCAL, HID, 2000)
    h3kv = h3kv8.reshape(E, 2 * HID)
    m0, x, xmax = _pass_c(h3kv, usrc, qdd16, edge_attr, fc_W3, R, S16,
                          D, HID, BE)
    nf2, z2 = _pass_f(feat, src, dst, x.reshape(E), xmax.reshape(128),
                      m0, NP)
    z0 = z2[0, :N].reshape(N, 1)
    z1 = z2[1, :N].reshape(N, 1)
    out = _pass_g(sc, nf2[0, :N, :], nf2[1, :N, :], z0, z1, W_lin2, BN)
    return out

# --- scband reference (transcript-rebuilt; emitter-appended) ---
"""Pipeline reference for scband-convolution-54563264528556 (READ-ONLY COPY).

The authoritative reference and input builder live on the scoring server;
editing this copy changes nothing except your own understanding.
"""

import jax, jax.numpy as jnp
import numpy as np

N = 10000
E = 160000
D = 128
QK = 4
SCAL = 16
HID = 8

def _mlp(x, Ws):
    for W in Ws[:-1]:
        x = jax.nn.silu(x @ W / jnp.sqrt(float(W.shape[0])))
    W = Ws[-1]
    return x @ W / jnp.sqrt(float(W.shape[0]))

def setup_inputs(seed: int = 0):
    key = jax.random.key(seed)
    ks = jax.random.split(key, 24)
    inp = {}
    inp['node_input'] = jax.random.normal(ks[0], (N, D), dtype=jnp.float32)
    inp['node_attr'] = jnp.ones((N, 1), dtype=jnp.float32)
    inp['edge_src'] = jax.random.randint(ks[1], (E,), 0, N)
    inp['edge_dst'] = jax.random.randint(ks[2], (E,), 0, N)
    inp['edge_attr'] = jax.random.normal(ks[3], (E, 1), dtype=jnp.float32)
    inp['edge_scalars'] = jax.random.normal(ks[4], (E, SCAL), dtype=jnp.float32)
    inp['W_sc'] = jax.random.normal(ks[5], (D, 1, D), dtype=jnp.float32)
    inp['W_lin1'] = jax.random.normal(ks[6], (D, D), dtype=jnp.float32)
    inp['W_hq'] = jax.random.normal(ks[7], (D, QK), dtype=jnp.float32)
    inp['W_dot'] = jax.random.normal(ks[8], (QK, QK, 1), dtype=jnp.float32)
    inp['W_lin2'] = jax.random.normal(ks[9], (D, D), dtype=jnp.float32)
    inp['fck_W0'] = jax.random.normal(ks[10], (SCAL, HID), dtype=jnp.float32)
    inp['fck_W1'] = jax.random.normal(ks[11], (HID, HID), dtype=jnp.float32)
    inp['fck_W2'] = jax.random.normal(ks[12], (HID, HID), dtype=jnp.float32)
    inp['fck_W3'] = jax.random.normal(ks[13], (HID, D * 1 * QK), dtype=jnp.float32)
    inp['fc_W0'] = jax.random.normal(ks[14], (SCAL, HID), dtype=jnp.float32)
    inp['fc_W1'] = jax.random.normal(ks[15], (HID, HID), dtype=jnp.float32)
    inp['fc_W2'] = jax.random.normal(ks[16], (HID, HID), dtype=jnp.float32)
    inp['fc_W3'] = jax.random.normal(ks[17], (HID, D), dtype=jnp.float32)
    return inp

def reference(node_input, node_attr, edge_src, edge_dst, edge_attr, edge_scalars,
              W_sc, W_lin1, W_hq, W_dot, W_lin2,
              fck_W0, fck_W1, fck_W2, fck_W3,
              fc_W0, fc_W1, fc_W2, fc_W3):
    n = node_input.shape[0]
    # self connection: FullyConnectedTensorProduct(128x0e, 1x0e, 128x0e)
    sc = jnp.einsum('bi,bj,ijk->bk', node_input, node_attr, W_sc) / jnp.sqrt(float(D * 1))
    # lin1 (e3nn Linear on scalars)
    feat = node_input @ W_lin1 / jnp.sqrt(float(D))
    # h_q
    q = feat @ W_hq / jnp.sqrt(float(D))
    # tp_k: FCTP(128x0e, 1x0e, 4x0e) with per-edge weights from fc_k MLP
    wk = _mlp(edge_scalars, [fck_W0, fck_W1, fck_W2, fck_W3]).reshape(-1, D, 1, QK)
    k = jnp.einsum('ei,ej,eijk->ek', feat[edge_src], edge_attr, wk) / jnp.sqrt(float(D * 1))
    # tp: 'uvu' TensorProduct (128x0e x 1x0e -> 128x0e) with per-edge weights from fc MLP
    wv = _mlp(edge_scalars, [fc_W0, fc_W1, fc_W2, fc_W3])
    v = wv * feat[edge_src] * edge_attr
    # dot: FCTP(4x0e, 4x0e, 0e)
    x = jnp.einsum('ei,ej,ijk->ek', q[edge_dst], k, W_dot) / jnp.sqrt(float(QK * QK))
    # scatter softmax over incoming edges
    expv = jnp.exp(x - jnp.max(x))
    z = jnp.zeros((n, 1), dtype=expv.dtype).at[edge_dst].add(expv)
    z = jnp.where(z == 0, jnp.ones_like(z), z)
    alpha = expv / z[edge_dst]
    nf = jnp.zeros((n, D), dtype=v.dtype).at[edge_dst].add(alpha * v)
    conv = nf @ W_lin2 / jnp.sqrt(float(D))
    return sc + conv

if __name__ == "__main__":
    import jax
    _d = setup_inputs()
    print(jax.jit(kernel)(*tuple(_d.values())))

</pallas_src>

<mosaic_0001>
#map = affine_map<(d0, d1) -> (0, 0)>
#map1 = affine_map<(d0, d1) -> (0)>
module attributes {stable_mosaic.version = 14 : i64} {
  func.func @kfn(%arg0: i32, %arg1: i32, %arg2: memref<10000x128xf32, #tpu.memory_space<hbm>>, %arg3: memref<10000x128xf32, #tpu.memory_space<hbm>>, %arg4: memref<160000xi32, #tpu.memory_space<hbm>>, %arg5: memref<160000xi32, #tpu.memory_space<hbm>>, %arg6: memref<5120000xf32, #tpu.memory_space<hbm>>, %arg7: memref<160000x128xf32, #tpu.memory_space<hbm>>, %arg8: memref<2x128xi32, #tpu.memory_space<vmem>>, %arg9: memref<2x128xi32, #tpu.memory_space<vmem>>, %arg10: memref<2x128x128xf32, #tpu.memory_space<vmem>>, %arg11: memref<2x128x128xf32, #tpu.memory_space<vmem>>, %arg12: memref<2x4096xf32, #tpu.memory_space<vmem>>, %arg13: memref<!tpu.dma_semaphore, #tpu.memory_space<semaphore_mem>>, %arg14: memref<!tpu.dma_semaphore, #tpu.memory_space<semaphore_mem>>, %arg15: memref<!tpu.dma_semaphore, #tpu.memory_space<semaphore_mem>>, %arg16: memref<!tpu.dma_semaphore, #tpu.memory_space<semaphore_mem>>, %arg17: memref<!tpu.dma_semaphore, #tpu.memory_space<semaphore_mem>>, %arg18: memref<!tpu.dma_semaphore, #tpu.memory_space<semaphore_mem>>, %arg19: memref<!tpu.dma_semaphore, #tpu.memory_space<semaphore_mem>>, %arg20: memref<!tpu.dma_semaphore, #tpu.memory_space<semaphore_mem>>, %arg21: memref<!tpu.dma_semaphore, #tpu.memory_space<semaphore_mem>>, %arg22: memref<!tpu.dma_semaphore, #tpu.memory_space<semaphore_mem>>) attributes {dimension_semantics = [#tpu.dimension_semantics<core_parallel>, #tpu.dimension_semantics<subcore_parallel>], iteration_bounds = array<i64: 2, 16>, scalar_prefetch = 0 : i64, scratch_operands = 15 : i64, tpu.core_type = #tpu.core_type<sc_vector_subcore>, window_params = [{transform_indices = #map}, {transform_indices = #map}, {transform_indices = #map1}, {transform_indices = #map1}, {transform_indices = #map1}, {transform_indices = #map}]} {
    %mul3A = arith.constant 2 : i32
    %mul3A_0 = arith.muli %arg1, %mul3A : i32
    %add3A = arith.addi %mul3A_0, %arg0 : i32
    %lt3A = arith.constant 2 : i32
    %lt3A_1 = arith.cmpi slt, %add3A, %lt3A : i32
    %jit3A = arith.constant 40 : i32
    %jit3A_2 = arith.constant 39 : i32
    %select_n3A = arith.select %lt3A_1, %jit3A, %jit3A_2 : i32
    %scan3A = arith.constant 0 : i32
    %scan3A_3 = arith.constant 0 : i32
    %scan3A_4 = arith.constant 20 : i32
    %scan3A_5 = arith.addi %scan3A_3, %scan3A_4 : i32
    %scan3A_6 = arith.constant 1 : i32
    scf.for %scan3A_8 = %scan3A_3 to %scan3A_5 step %scan3A_6  : i32 {
      %mul3A_9 = arith.constant 2 : i32
      %mul3A_10 = arith.muli %scan3A_8, %mul3A_9 : i32
      %add3A_11 = arith.constant 0 : i32
      %add3A_12 = arith.addi %mul3A_10, %add3A_11 : i32
      %lt3A_13 = arith.cmpi slt, %add3A_12, %select_n3A : i32
      %convert_element_type3A = arith.extui %lt3A_13 : i1 to i32
      %cond3A = arith.constant 0 : i32
      %cond3A_14 = arith.cmpi ne, %convert_element_type3A, %cond3A : i32
      scf.if %cond3A_14 {
        %mul3A_71 = arith.constant 32 : i32
        %mul3A_72 = arith.muli %mul3A_71, %add3A_12 : i32
        %add3A_73 = arith.addi %add3A, %mul3A_72 : i32
        %mul3A_74 = arith.constant 128 : i32
        %mul3A_75 = arith.muli %add3A_73, %mul3A_74 : i32
        %dma_start3A = arith.constant 0 : i32
        %dma_start3A_76 = arith.constant 0 : i32
        %dma_start3A_77 = tpu.memref_slice %arg8[%dma_start3A, %dma_start3A_76] : memref<2x128xi32, #tpu.memory_space<vmem>> -> memref<1x128xi32, #tpu.memory_space<vmem>>
        %dma_start3A_78 = tpu.memref_squeeze %dma_start3A_77 : memref<1x128xi32, #tpu.memory_space<vmem>> -> memref<128xi32, #tpu.memory_space<vmem>>
        %dma_start3A_79 = tpu.memref_slice %arg4[%mul3A_75] : memref<160000xi32, #tpu.memory_space<hbm>> -> memref<128xi32, #tpu.memory_space<hbm>>
        %dma_start3A_80 = arith.constant 0 : i32
        %dma_start3A_81 = tpu.memref_slice %arg8[%dma_start3A, %dma_start3A_80] : memref<2x128xi32, #tpu.memory_space<vmem>> -> memref<1x128xi32, #tpu.memory_space<vmem>>
        %dma_start3A_82 = tpu.memref_squeeze %dma_start3A_81 : memref<1x128xi32, #tpu.memory_space<vmem>> -> memref<128xi32, #tpu.memory_space<vmem>>
        %dma_start3A_83 = tpu.memref_slice %arg4[%mul3A_75] : memref<160000xi32, #tpu.memory_space<hbm>> -> memref<128xi32, #tpu.memory_space<hbm>>
        tpu.enqueue_dma source(%dma_start3A_83 : memref<128xi32, #tpu.memory_space<hbm>>) target(%dma_start3A_82 : memref<128xi32, #tpu.memory_space<vmem>>) target_semaphore(%arg13 : memref<!tpu.dma_semaphore, #tpu.memory_space<semaphore_mem>>)
        %dma_start3A_84 = arith.constant 0 : i32
        %dma_start3A_85 = arith.constant 0 : i32
        %dma_start3A_86 = tpu.memref_slice %arg9[%dma_start3A_84, %dma_start3A_85] : memref<2x128xi32, #tpu.memory_space<vmem>> -> memref<1x128xi32, #tpu.memory_space<vmem>>
        %dma_start3A_87 = tpu.memref_squeeze %dma_start3A_86 : memref<1x128xi32, #tpu.memory_space<vmem>> -> memref<128xi32, #tpu.memory_space<vmem>>
        %dma_start3A_88 = tpu.memref_slice %arg5[%mul3A_75] : memref<160000xi32, #tpu.memory_space<hbm>> -> memref<128xi32, #tpu.memory_space<hbm>>
        %dma_start3A_89 = arith.constant 0 : i32
        %dma_start3A_90 = tpu.memref_slice %arg9[%dma_start3A_84, %dma_start3A_89] : memref<2x128xi32, #tpu.memory_space<vmem>> -> memref<1x128xi32, #tpu.memory_space<vmem>>
        %dma_start3A_91 = tpu.memref_squeeze %dma_start3A_90 : memref<1x128xi32, #tpu.memory_space<vmem>> -> memref<128xi32, #tpu.memory_space<vmem>>
        %dma_start3A_92 = tpu.memref_slice %arg5[%mul3A_75] : memref<160000xi32, #tpu.memory_space<hbm>> -> memref<128xi32, #tpu.memory_space<hbm>>
        tpu.enqueue_dma source(%dma_start3A_92 : memref<128xi32, #tpu.memory_space<hbm>>) target(%dma_start3A_91 : memref<128xi32, #tpu.memory_space<vmem>>) target_semaphore(%arg15 : memref<!tpu.dma_semaphore, #tpu.memory_space<semaphore_mem>>)
      } else {
      }
      %mul3A_15 = arith.constant 2 : i32
      %mul3A_16 = arith.muli %scan3A_8, %mul3A_15 : i32
      %add3A_17 = arith.constant 1 : i32
      %add3A_18 = arith.addi %mul3A_16, %add3A_17 : i32
      %lt3A_19 = arith.cmpi slt, %add3A_18, %select_n3A : i32
      %convert_element_type3A_20 = arith.extui %lt3A_19 : i1 to i32
      %cond3A_21 = arith.constant 0 : i32
      %cond3A_22 = arith.cmpi ne, %convert_element_type3A_20, %cond3A_21 : i32
      scf.if %cond3A_22 {
        %mul3A_71 = arith.constant 32 : i32
        %mul3A_72 = arith.muli %mul3A_71, %add3A_18 : i32
        %add3A_73 = arith.addi %add3A, %mul3A_72 : i32
        %mul3A_74 = arith.constant 128 : i32
        %mul3A_75 = arith.muli %add3A_73, %mul3A_74 : i32
        %dma_start3A = arith.constant 1 : i32
        %dma_start3A_76 = arith.constant 0 : i32
        %dma_start3A_77 = tpu.memref_slice %arg8[%dma_start3A, %dma_start3A_76] : memref<2x128xi32, #tpu.memory_space<vmem>> -> memref<1x128xi32, #tpu.memory_space<vmem>>
        %dma_start3A_78 = tpu.memref_squeeze %dma_start3A_77 : memref<1x128xi32, #tpu.memory_space<vmem>> -> memref<128xi32, #tpu.memory_space<vmem>>
        %dma_start3A_79 = tpu.memref_slice %arg4[%mul3A_75] : memref<160000xi32, #tpu.memory_space<hbm>> -> memref<128xi32, #tpu.memory_space<hbm>>
        %dma_start3A_80 = arith.constant 0 : i32
        %dma_start3A_81 = tpu.memref_slice %arg8[%dma_start3A, %dma_start3A_80] : memref<2x128xi32, #tpu.memory_space<vmem>> -> memref<1x128xi32, #tpu.memory_space<vmem>>
        %dma_start3A_82 = tpu.memref_squeeze %dma_start3A_81 : memref<1x128xi32, #tpu.memory_space<vmem>> -> memref<128xi32, #tpu.memory_space<vmem>>
        %dma_start3A_83 = tpu.memref_slice %arg4[%mul3A_75] : memref<160000xi32, #tpu.memory_space<hbm>> -> memref<128xi32, #tpu.memory_space<hbm>>
        tpu.enqueue_dma source(%dma_start3A_83 : memref<128xi32, #tpu.memory_space<hbm>>) target(%dma_start3A_82 : memref<128xi32, #tpu.memory_space<vmem>>) target_semaphore(%arg14 : memref<!tpu.dma_semaphore, #tpu.memory_space<semaphore_mem>>)
        %dma_start3A_84 = arith.constant 1 : i32
        %dma_start3A_85 = arith.constant 0 : i32
        %dma_start3A_86 = tpu.memref_slice %arg9[%dma_start3A_84, %dma_start3A_85] : memref<2x128xi32, #tpu.memory_space<vmem>> -> memref<1x128xi32, #tpu.memory_space<vmem>>
        %dma_start3A_87 = tpu.memref_squeeze %dma_start3A_86 : memref<1x128xi32, #tpu.memory_space<vmem>> -> memref<128xi32, #tpu.memory_space<vmem>>
        %dma_start3A_88 = tpu.memref_slice %arg5[%mul3A_75] : memref<160000xi32, #tpu.memory_space<hbm>> -> memref<128xi32, #tpu.memory_space<hbm>>
        %dma_start3A_89 = arith.constant 0 : i32
        %dma_start3A_90 = tpu.memref_slice %arg9[%dma_start3A_84, %dma_start3A_89] : memref<2x128xi32, #tpu.memory_space<vmem>> -> memref<1x128xi32, #tpu.memory_space<vmem>>
        %dma_start3A_91 = tpu.memref_squeeze %dma_start3A_90 : memref<1x128xi32, #tpu.memory_space<vmem>> -> memref<128xi32, #tpu.memory_space<vmem>>
        %dma_start3A_92 = tpu.memref_slice %arg5[%mul3A_75] : memref<160000xi32, #tpu.memory_space<hbm>> -> memref<128xi32, #tpu.memory_space<hbm>>
        tpu.enqueue_dma source(%dma_start3A_92 : memref<128xi32, #tpu.memory_space<hbm>>) target(%dma_start3A_91 : memref<128xi32, #tpu.memory_space<vmem>>) target_semaphore(%arg16 : memref<!tpu.dma_semaphore, #tpu.memory_space<semaphore_mem>>)
      } else {
      }
      %mul3A_23 = arith.constant 2 : i32
      %mul3A_24 = arith.muli %scan3A_8, %mul3A_23 : i32
      %add3A_25 = arith.constant 0 : i32
      %add3A_26 = arith.addi %mul3A_24, %add3A_25 : i32
      %lt3A_27 = arith.cmpi slt, %add3A_26, %select_n3A : i32
      %convert_element_type3A_28 = arith.extui %lt3A_27 : i1 to i32
      %cond3A_29 = arith.constant 0 : i32
      %cond3A_30 = arith.cmpi ne, %convert_element_type3A_28, %cond3A_29 : i32
      scf.if %cond3A_30 {
        %dma_wait3A = arith.constant 0 : i32
        %dma_wait3A_71 = arith.constant 0 : i32
        %dma_wait3A_72 = tpu.memref_slice %arg8[%dma_wait3A, %dma_wait3A_71] : memref<2x128xi32, #tpu.memory_space<vmem>> -> memref<1x128xi32, #tpu.memory_space<vmem>>
        %dma_wait3A_73 = tpu.memref_squeeze %dma_wait3A_72 : memref<1x128xi32, #tpu.memory_space<vmem>> -> memref<128xi32, #tpu.memory_space<vmem>>
        %dma_wait3A_74 = arith.constant 0 : i32
        %dma_wait3A_75 = tpu.memref_slice %arg4[%dma_wait3A_74] : memref<160000xi32, #tpu.memory_space<hbm>> -> memref<128xi32, #tpu.memory_space<hbm>>
        %dma_wait3A_76 = arith.constant 0 : i32
        %dma_wait3A_77 = tpu.memref_slice %arg8[%dma_wait3A, %dma_wait3A_76] : memref<2x128xi32, #tpu.memory_space<vmem>> -> memref<1x128xi32, #tpu.memory_space<vmem>>
        %dma_wait3A_78 = tpu.memref_squeeze %dma_wait3A_77 : memref<1x128xi32, #tpu.memory_space<vmem>> -> memref<128xi32, #tpu.memory_space<vmem>>
        %dma_wait3A_79 = arith.constant 0 : i32
        %dma_wait3A_80 = tpu.memref_slice %arg4[%dma_wait3A_79] : memref<160000xi32, #tpu.memory_space<hbm>> -> memref<128xi32, #tpu.memory_space<hbm>>
        tpu.wait_dma2 semaphore(%arg13 : memref<!tpu.dma_semaphore, #tpu.memory_space<semaphore_mem>>) src(%dma_wait3A_80 : memref<128xi32, #tpu.memory_space<hbm>>) dst(%dma_wait3A_78 : memref<128xi32, #tpu.memory_space<vmem>>)
        %dma_wait3A_81 = arith.constant 0 : i32
        %dma_wait3A_82 = arith.constant 0 : i32
        %dma_wait3A_83 = tpu.memref_slice %arg9[%dma_wait3A_81, %dma_wait3A_82] : memref<2x128xi32, #tpu.memory_space<vmem>> -> memref<1x128xi32, #tpu.memory_space<vmem>>
        %dma_wait3A_84 = tpu.memref_squeeze %dma_wait3A_83 : memref<1x128xi32, #tpu.memory_space<vmem>> -> memref<128xi32, #tpu.memory_space<vmem>>
        %dma_wait3A_85 = arith.constant 0 : i32
        %dma_wait3A_86 = tpu.memref_slice %arg5[%dma_wait3A_85] : memref<160000xi32, #tpu.memory_space<hbm>> -> memref<128xi32, #tpu.memory_space<hbm>>
        %dma_wait3A_87 = arith.constant 0 : i32
        %dma_wait3A_88 = tpu.memref_slice %arg9[%dma_wait3A_81, %dma_wait3A_87] : memref<2x128xi32, #tpu.memory_space<vmem>> -> memref<1x128xi32, #tpu.memory_space<vmem>>
        %dma_wait3A_89 = tpu.memref_squeeze %dma_wait3A_88 : memref<1x128xi32, #tpu.memory_space<vmem>> -> memref<128xi32, #tpu.memory_space<vmem>>
        %dma_wait3A_90 = arith.constant 0 : i32
        %dma_wait3A_91 = tpu.memref_slice %arg5[%dma_wait3A_90] : memref<160000xi32, #tpu.memory_space<hbm>> -> memref<128xi32, #tpu.memory_space<hbm>>
        tpu.wait_dma2 semaphore(%arg15 : memref<!tpu.dma_semaphore, #tpu.memory_space<semaphore_mem>>) src(%dma_wait3A_91 : memref<128xi32, #tpu.memory_space<hbm>>) dst(%dma_wait3A_89 : memref<128xi32, #tpu.memory_space<vmem>>)
        %dma_start3A = arith.constant 0 : i32
        %dma_start3A_92 = arith.constant 0 : i32
        %dma_start3A_93 = arith.constant 0 : i32
        %dma_start3A_94 = arith.constant 0 : i32
        %dma_start3A_95 = tpu.memref_slice %arg10[%dma_start3A_92, %dma_start3A_93, %dma_start3A_94] : memref<2x128x128xf32, #tpu.memory_space<vmem>> -> memref<1x128x128xf32, #tpu.memory_space<vmem>>
        %dma_start3A_96 = tpu.memref_squeeze %dma_start3A_95 : memref<1x128x128xf32, #tpu.memory_space<vmem>> -> memref<128x128xf32, #tpu.memory_space<vmem>>
        %dma_start3A_97 = arith.constant 0 : i32
        %dma_start3A_98 = tpu.memref_slice %arg8[%dma_start3A, %dma_start3A_97] : memref<2x128xi32, #tpu.memory_space<vmem>> -> memref<1x128xi32, #tpu.memory_space<vmem>>
        %dma_start3A_99 = tpu.memref_squeeze %dma_start3A_98 : memref<1x128xi32, #tpu.memory_space<vmem>> -> memref<128xi32, #tpu.memory_space<vmem>>
        %dma_start3A_100 = arith.constant 0 : i32
        %dma_start3A_101 = arith.constant 0 : i32
        %dma_start3A_102 = tpu.memref_slice %arg2[%dma_start3A_100, %dma_start3A_101] : memref<10000x128xf32, #tpu.memory_space<hbm>> -> memref<10000x128xf32, #tpu.memory_space<hbm>>
        tpu.enqueue_indirect_dma source(%dma_start3A_102 : memref<10000x128xf32, #tpu.memory_space<hbm>>) target(%dma_start3A_96 : memref<128x128xf32, #tpu.memory_space<vmem>>) offsets(%dma_start3A_99 : memref<128xi32, #tpu.memory_space<vmem>>) semaphore(%arg17 : memref<!tpu.dma_semaphore, #tpu.memory_space<semaphore_mem>>)
        %dma_start3A_103 = arith.constant 0 : i32
        %dma_start3A_104 = arith.constant 0 : i32
        %dma_start3A_105 = arith.constant 0 : i32
        %dma_start3A_106 = arith.constant 0 : i32
        %dma_start3A_107 = tpu.memref_slice %arg11[%dma_start3A_104, %dma_start3A_105, %dma_start3A_106] : memref<2x128x128xf32, #tpu.memory_space<vmem>> -> memref<1x128x128xf32, #tpu.memory_space<vmem>>
        %dma_start3A_108 = tpu.memref_squeeze %dma_start3A_107 : memref<1x128x128xf32, #tpu.memory_space<vmem>> -> memref<128x128xf32, #tpu.memory_space<vmem>>
        %dma_start3A_109 = arith.constant 0 : i32
        %dma_start3A_110 = tpu.memref_slice %arg9[%dma_start3A_103, %dma_start3A_109] : memref<2x128xi32, #tpu.memory_space<vmem>> -> memref<1x128xi32, #tpu.memory_space<vmem>>
        %dma_start3A_111 = tpu.memref_squeeze %dma_start3A_110 : memref<1x128xi32, #tpu.memory_space<vmem>> -> memref<128xi32, #tpu.memory_space<vmem>>
        %dma_start3A_112 = arith.constant 0 : i32
        %dma_start3A_113 = arith.constant 0 : i32
        %dma_start3A_114 = tpu.memref_slice %arg3[%dma_start3A_112, %dma_start3A_113] : memref<10000x128xf32, #tpu.memory_space<hbm>> -> memref<10000x128xf32, #tpu.memory_space<hbm>>
        tpu.enqueue_indirect_dma source(%dma_start3A_114 : memref<10000x128xf32, #tpu.memory_space<hbm>>) target(%dma_start3A_108 : memref<128x128xf32, #tpu.memory_space<vmem>>) offsets(%dma_start3A_111 : memref<128xi32, #tpu.memory_space<vmem>>) semaphore(%arg19 : memref<!tpu.dma_semaphore, #tpu.memory_space<semaphore_mem>>)
      } else {
      }
      %mul3A_31 = arith.constant 2 : i32
      %mul3A_32 = arith.muli %scan3A_8, %mul3A_31 : i32
      %add3A_33 = arith.constant 1 : i32
      %add3A_34 = arith.addi %mul3A_32, %add3A_33 : i32
      %lt3A_35 = arith.cmpi slt, %add3A_34, %select_n3A : i32
      %convert_element_type3A_36 = arith.extui %lt3A_35 : i1 to i32
      %cond3A_37 = arith.constant 0 : i32
      %cond3A_38 = arith.cmpi ne, %convert_element_type3A_36, %cond3A_37 : i32
      scf.if %cond3A_38 {
        %dma_wait3A = arith.constant 1 : i32
        %dma_wait3A_71 = arith.constant 0 : i32
        %dma_wait3A_72 = tpu.memref_slice %arg8[%dma_wait3A, %dma_wait3A_71] : memref<2x128xi32, #tpu.memory_space<vmem>> -> memref<1x128xi32, #tpu.memory_space<vmem>>
        %dma_wait3A_73 = tpu.memref_squeeze %dma_wait3A_72 : memref<1x128xi32, #tpu.memory_space<vmem>> -> memref<128xi32, #tpu.memory_space<vmem>>
        %dma_wait3A_74 = arith.constant 0 : i32
        %dma_wait3A_75 = tpu.memref_slice %arg4[%dma_wait3A_74] : memref<160000xi32, #tpu.memory_space<hbm>> -> memref<128xi32, #tpu.memory_space<hbm>>
        %dma_wait3A_76 = arith.constant 0 : i32
        %dma_wait3A_77 = tpu.memref_slice %arg8[%dma_wait3A, %dma_wait3A_76] : memref<2x128xi32, #tpu.memory_space<vmem>> -> memref<1x128xi32, #tpu.memory_space<vmem>>
        %dma_wait3A_78 = tpu.memref_squeeze %dma_wait3A_77 : memref<1x128xi32, #tpu.memory_space<vmem>> -> memref<128xi32, #tpu.memory_space<vmem>>
        %dma_wait3A_79 = arith.constant 0 : i32
        %dma_wait3A_80 = tpu.memref_slice %arg4[%dma_wait3A_79] : memref<160000xi32, #tpu.memory_space<hbm>> -> memref<128xi32, #tpu.memory_space<hbm>>
        tpu.wait_dma2 semaphore(%arg14 : memref<!tpu.dma_semaphore, #tpu.memory_space<semaphore_mem>>) src(%dma_wait3A_80 : memref<128xi32, #tpu.memory_space<hbm>>) dst(%dma_wait3A_78 : memref<128xi32, #tpu.memory_space<vmem>>)
        %dma_wait3A_81 = arith.constant 1 : i32
        %dma_wait3A_82 = arith.constant 0 : i32
        %dma_wait3A_83 = tpu.memref_slice %arg9[%dma_wait3A_81, %dma_wait3A_82] : memref<2x128xi32, #tpu.memory_space<vmem>> -> memref<1x128xi32, #tpu.memory_space<vmem>>
        %dma_wait3A_84 = tpu.memref_squeeze %dma_wait3A_83 : memref<1x128xi32, #tpu.memory_space<vmem>> -> memref<128xi32, #tpu.memory_space<vmem>>
        %dma_wait3A_85 = arith.constant 0 : i32
        %dma_wait3A_86 = tpu.memref_slice %arg5[%dma_wait3A_85] : memref<160000xi32, #tpu.memory_space<hbm>> -> memref<128xi32, #tpu.memory_space<hbm>>
        %dma_wait3A_87 = arith.constant 0 : i32
        %dma_wait3A_88 = tpu.memref_slice %arg9[%dma_wait3A_81, %dma_wait3A_87] : memref<2x128xi32, #tpu.memory_space<vmem>> -> memref<1x128xi32, #tpu.memory_space<vmem>>
        %dma_wait3A_89 = tpu.memref_squeeze %dma_wait3A_88 : memref<1x128xi32, #tpu.memory_space<vmem>> -> memref<128xi32, #tpu.memory_space<vmem>>
        %dma_wait3A_90 = arith.constant 0 : i32
        %dma_wait3A_91 = tpu.memref_slice %arg5[%dma_wait3A_90] : memref<160000xi32, #tpu.memory_space<hbm>> -> memref<128xi32, #tpu.memory_space<hbm>>
        tpu.wait_dma2 semaphore(%arg16 : memref<!tpu.dma_semaphore, #tpu.memory_space<semaphore_mem>>) src(%dma_wait3A_91 : memref<128xi32, #tpu.memory_space<hbm>>) dst(%dma_wait3A_89 : memref<128xi32, #tpu.memory_space<vmem>>)
        %dma_start3A = arith.constant 1 : i32
        %dma_start3A_92 = arith.constant 1 : i32
        %dma_start3A_93 = arith.constant 0 : i32
        %dma_start3A_94 = arith.constant 0 : i32
        %dma_start3A_95 = tpu.memref_slice %arg10[%dma_start3A_92, %dma_start3A_93, %dma_start3A_94] : memref<2x128x128xf32, #tpu.memory_space<vmem>> -> memref<1x128x128xf32, #tpu.memory_space<vmem>>
        %dma_start3A_96 = tpu.memref_squeeze %dma_start3A_95 : memref<1x128x128xf32, #tpu.memory_space<vmem>> -> memref<128x128xf32, #tpu.memory_space<vmem>>
        %dma_start3A_97 = arith.constant 0 : i32
        %dma_start3A_98 = tpu.memref_slice %arg8[%dma_start3A, %dma_start3A_97] : memref<2x128xi32, #tpu.memory_space<vmem>> -> memref<1x128xi32, #tpu.memory_space<vmem>>
        %dma_start3A_99 = tpu.memref_squeeze %dma_start3A_98 : memref<1x128xi32, #tpu.memory_space<vmem>> -> memref<128xi32, #tpu.memory_space<vmem>>
        %dma_start3A_100 = arith.constant 0 : i32
        %dma_start3A_101 = arith.constant 0 : i32
        %dma_start3A_102 = tpu.memref_slice %arg2[%dma_start3A_100, %dma_start3A_101] : memref<10000x128xf32, #tpu.memory_space<hbm>> -> memref<10000x128xf32, #tpu.memory_space<hbm>>
        tpu.enqueue_indirect_dma source(%dma_start3A_102 : memref<10000x128xf32, #tpu.memory_space<hbm>>) target(%dma_start3A_96 : memref<128x128xf32, #tpu.memory_space<vmem>>) offsets(%dma_start3A_99 : memref<128xi32, #tpu.memory_space<vmem>>) semaphore(%arg18 : memref<!tpu.dma_semaphore, #tpu.memory_space<semaphore_mem>>)
        %dma_start3A_103 = arith.constant 1 : i32
        %dma_start3A_104 = arith.constant 1 : i32
        %dma_start3A_105 = arith.constant 0 : i32
        %dma_start3A_106 = arith.constant 0 : i32
        %dma_start3A_107 = tpu.memref_slice %arg11[%dma_start3A_104, %dma_start3A_105, %dma_start3A_106] : memref<2x128x128xf32, #tpu.memory_space<vmem>> -> memref<1x128x128xf32, #tpu.memory_space<vmem>>
        %dma_start3A_108 = tpu.memref_squeeze %dma_start3A_107 : memref<1x128x128xf32, #tpu.memory_space<vmem>> -> memref<128x128xf32, #tpu.memory_space<vmem>>
        %dma_start3A_109 = arith.constant 0 : i32
        %dma_start3A_110 = tpu.memref_slice %arg9[%dma_start3A_103, %dma_start3A_109] : memref<2x128xi32, #tpu.memory_space<vmem>> -> memref<1x128xi32, #tpu.memory_space<vmem>>
        %dma_start3A_111 = tpu.memref_squeeze %dma_start3A_110 : memref<1x128xi32, #tpu.memory_space<vmem>> -> memref<128xi32, #tpu.memory_space<vmem>>
        %dma_start3A_112 = arith.constant 0 : i32
        %dma_start3A_113 = arith.constant 0 : i32
        %dma_start3A_114 = tpu.memref_slice %arg3[%dma_start3A_112, %dma_start3A_113] : memref<10000x128xf32, #tpu.memory_space<hbm>> -> memref<10000x128xf32, #tpu.memory_space<hbm>>
        tpu.enqueue_indirect_dma source(%dma_start3A_114 : memref<10000x128xf32, #tpu.memory_space<hbm>>) target(%dma_start3A_108 : memref<128x128xf32, #tpu.memory_space<vmem>>) offsets(%dma_start3A_111 : memref<128xi32, #tpu.memory_space<vmem>>) semaphore(%arg20 : memref<!tpu.dma_semaphore, #tpu.memory_space<semaphore_mem>>)
      } else {
      }
      %mul3A_39 = arith.constant 2 : i32
      %mul3A_40 = arith.muli %scan3A_8, %mul3A_39 : i32
      %add3A_41 = arith.constant 0 : i32
      %add3A_42 = arith.addi %mul3A_40, %add3A_41 : i32
      %lt3A_43 = arith.cmpi slt, %add3A_42, %select_n3A : i32
      %convert_element_type3A_44 = arith.extui %lt3A_43 : i1 to i32
      %cond3A_45 = arith.constant 0 : i32
      %cond3A_46 = arith.cmpi ne, %convert_element_type3A_44, %cond3A_45 : i32
      scf.if %cond3A_46 {
        %mul3A_71 = arith.constant 32 : i32
        %mul3A_72 = arith.muli %mul3A_71, %add3A_42 : i32
        %add3A_73 = arith.addi %add3A, %mul3A_72 : i32
        %mul3A_74 = arith.constant 128 : i32
        %mul3A_75 = arith.muli %add3A_73, %mul3A_74 : i32
        %dma_wait3A = arith.constant 0 : i32
        %dma_wait3A_76 = arith.constant 0 : i32
        %dma_wait3A_77 = arith.constant 0 : i32
        %dma_wait3A_78 = tpu.memref_slice %arg10[%dma_wait3A, %dma_wait3A_76, %dma_wait3A_77] : memref<2x128x128xf32, #tpu.memory_space<vmem>> -> memref<1x128x128xf32, #tpu.memory_space<vmem>>
        %dma_wait3A_79 = tpu.memref_squeeze %dma_wait3A_78 : memref<1x128x128xf32, #tpu.memory_space<vmem>> -> memref<128x128xf32, #tpu.memory_space<vmem>>
        %dma_wait3A_80 = arith.constant 0 : i32
        %dma_wait3A_81 = arith.constant 0 : i32
        %dma_wait3A_82 = tpu.memref_slice %arg2[%dma_wait3A_80, %dma_wait3A_81] : memref<10000x128xf32, #tpu.memory_space<hbm>> -> memref<128x128xf32, #tpu.memory_space<hbm>>
        %dma_wait3A_83 = arith.constant 0 : i32
        %dma_wait3A_84 = arith.constant 0 : i32
        %dma_wait3A_85 = tpu.memref_slice %arg10[%dma_wait3A, %dma_wait3A_83, %dma_wait3A_84] : memref<2x128x128xf32, #tpu.memory_space<vmem>> -> memref<1x128x128xf32, #tpu.memory_space<vmem>>
        %dma_wait3A_86 = tpu.memref_squeeze %dma_wait3A_85 : memref<1x128x128xf32, #tpu.memory_space<vmem>> -> memref<128x128xf32, #tpu.memory_space<vmem>>
        %dma_wait3A_87 = arith.constant 0 : i32
        %dma_wait3A_88 = arith.constant 0 : i32
        %dma_wait3A_89 = tpu.memref_slice %arg2[%dma_wait3A_87, %dma_wait3A_88] : memref<10000x128xf32, #tpu.memory_space<hbm>> -> memref<128x128xf32, #tpu.memory_space<hbm>>
        tpu.wait_dma2 semaphore(%arg17 : memref<!tpu.dma_semaphore, #tpu.memory_space<semaphore_mem>>) src(%dma_wait3A_89 : memref<128x128xf32, #tpu.memory_space<hbm>>) dst(%dma_wait3A_86 : memref<128x128xf32, #tpu.memory_space<vmem>>)
        %scan3A_90 = arith.constant 0 : i32
        %scan3A_91 = arith.constant 0 : i32
        %scan3A_92 = arith.constant 32 : i32
        %scan3A_93 = arith.addi %scan3A_91, %scan3A_92 : i32
        %scan3A_94 = arith.constant 1 : i32
        scf.for %scan3A_134 = %scan3A_91 to %scan3A_93 step %scan3A_94  : i32 {
          %mul3A_135 = arith.constant 4 : i32
          %mul3A_136 = arith.muli %scan3A_134, %mul3A_135 : i32
          %add3A_137 = arith.constant 0 : i32
          %add3A_138 = arith.addi %mul3A_136, %add3A_137 : i32
          %get3A = arith.constant 0 : i32
          %get3A_139 = arith.index_cast %get3A : i32 to index
          %get3A_140 = arith.index_cast %add3A_138 : i32 to index
          %get3A_141 = arith.constant 0 : index
          %get3A_142 = tpu.vector_load %arg10[%get3A_139, %get3A_140, %get3A_141] {strides = array<i32>} : memref<2x128x128xf32, #tpu.memory_space<vmem>>, vector<16xf32>,
          %mul3A_143 = arith.constant 32 : i32
          %mul3A_144 = arith.muli %add3A_138, %mul3A_143 : i32
          %swap3A = arith.constant 0 : i32
          %swap3A_145 = arith.index_cast %swap3A : i32 to index
          %swap3A_146 = arith.index_cast %mul3A_144 : i32 to index
          %swap3A_147 = tpu.vector_load %arg12[%swap3A_145, %swap3A_146] {strides = array<i32>} : memref<2x4096xf32, #tpu.memory_space<vmem>>, vector<16xf32>,
          tpu.vector_store %arg12[%swap3A_145, %swap3A_146], %get3A_142 {strides = array<i32>} : memref<2x4096xf32, #tpu.memory_space<vmem>>, vector<16xf32>,
          %get3A_148 = arith.constant 0 : i32
          %get3A_149 = arith.index_cast %get3A_148 : i32 to index
          %get3A_150 = arith.index_cast %add3A_138 : i32 to index
          %get3A_151 = arith.constant 16 : index
          %get3A_152 = tpu.vector_load %arg10[%get3A_149, %get3A_150, %get3A_151] {strides = array<i32>} : memref<2x128x128xf32, #tpu.memory_space<vmem>>, vector<16xf32>,
          %mul3A_153 = arith.constant 32 : i32
          %mul3A_154 = arith.muli %add3A_138, %mul3A_153 : i32
          %add3A_155 = arith.constant 16 : i32
          %add3A_156 = arith.addi %mul3A_154, %add3A_155 : i32
          %swap3A_157 = arith.constant 0 : i32
          %swap3A_158 = arith.index_cast %swap3A_157 : i32 to index
          %swap3A_159 = arith.index_cast %add3A_156 : i32 to index
          %swap3A_160 = tpu.vector_load %arg12[%swap3A_158, %swap3A_159] {strides = array<i32>} : memref<2x4096xf32, #tpu.memory_space<vmem>>, vector<16xf32>,
          tpu.vector_store %arg12[%swap3A_158, %swap3A_159], %get3A_152 {strides = array<i32>} : memref<2x4096xf32, #tpu.memory_space<vmem>>, vector<16xf32>,
          %mul3A_161 = arith.constant 4 : i32
          %mul3A_162 = arith.muli %scan3A_134, %mul3A_161 : i32
          %add3A_163 = arith.constant 1 : i32
          %add3A_164 = arith.addi %mul3A_162, %add3A_163 : i32
          %get3A_165 = arith.constant 0 : i32
          %get3A_166 = arith.index_cast %get3A_165 : i32 to index
          %get3A_167 = arith.index_cast %add3A_164 : i32 to index
          %get3A_168 = arith.constant 0 : index
          %get3A_169 = tpu.vector_load %arg10[%get3A_166, %get3A_167, %get3A_168] {strides = array<i32>} : memref<2x128x128xf32, #tpu.memory_space<vmem>>, vector<16xf32>,
          %mul3A_170 = arith.constant 32 : i32
          %mul3A_171 = arith.muli %add3A_164, %mul3A_170 : i32
          %swap3A_172 = arith.constant 0 : i32
          %swap3A_173 = arith.index_cast %swap3A_172 : i32 to index
          %swap3A_174 = arith.index_cast %mul3A_171 : i32 to index
          %swap3A_175 = tpu.vector_load %arg12[%swap3A_173, %swap3A_174] {strides = array<i32>} : memref<2x4096xf32, #tpu.memory_space<vmem>>, vector<16xf32>,
          tpu.vector_store %arg12[%swap3A_173, %swap3A_174], %get3A_169 {strides = array<i32>} : memref<2x4096xf32, #tpu.memory_space<vmem>>, vector<16xf32>,
          %get3A_176 = arith.constant 0 : i32
          %get3A_177 = arith.index_cast %get3A_176 : i32 to index
          %get3A_178 = arith.index_cast %add3A_164 : i32 to index
          %get3A_179 = arith.constant 16 : index
          %get3A_180 = tpu.vector_load %arg10[%get3A_177, %get3A_178, %get3A_179] {strides = array<i32>} : memref<2x128x128xf32, #tpu.memory_space<vmem>>, vector<16xf32>,
          %mul3A_181 = arith.constant 32 : i32
          %mul3A_182 = arith.muli %add3A_164, %mul3A_181 : i32
          %add3A_183 = arith.constant 16 : i32
          %add3A_184 = arith.addi %mul3A_182, %add3A_183 : i32
          %swap3A_185 = arith.constant 0 : i32
          %swap3A_186 = arith.index_cast %swap3A_185 : i32 to index
          %swap3A_187 = arith.index_cast %add3A_184 : i32 to index
          %swap3A_188 = tpu.vector_load %arg12[%swap3A_186, %swap3A_187] {strides = array<i32>} : memref<2x4096xf32, #tpu.memory_space<vmem>>, vector<16xf32>,
          tpu.vector_store %arg12[%swap3A_186, %swap3A_187], %get3A_180 {strides = array<i32>} : memref<2x4096xf32, #tpu.memory_space<vmem>>, vector<16xf32>,
          %mul3A_189 = arith.constant 4 : i32
          %mul3A_190 = arith.muli %scan3A_134, %mul3A_189 : i32
          %add3A_191 = arith.constant 2 : i32
          %add3A_192 = arith.addi %mul3A_190, %add3A_191 : i32
          %get3A_193 = arith.constant 0 : i32
          %get3A_194 = arith.index_cast %get3A_193 : i32 to index
          %get3A_195 = arith.index_cast %add3A_192 : i32 to index
          %get3A_196 = arith.constant 0 : index
          %get3A_197 = tpu.vector_load %arg10[%get3A_194, %get3A_195, %get3A_196] {strides = array<i32>} : memref<2x128x128xf32, #tpu.memory_space<vmem>>, vector<16xf32>,
          %mul3A_198 = arith.constant 32 : i32
          %mul3A_199 = arith.muli %add3A_192, %mul3A_198 : i32
          %swap3A_200 = arith.constant 0 : i32
          %swap3A_201 = arith.index_cast %swap3A_200 : i32 to index
          %swap3A_202 = arith.index_cast %mul3A_199 : i32 to index
          %swap3A_203 = tpu.vector_load %arg12[%swap3A_201, %swap3A_202] {strides = array<i32>} : memref<2x4096xf32, #tpu.memory_space<vmem>>, vector<16xf32>,
          tpu.vector_store %arg12[%swap3A_201, %swap3A_202], %get3A_197 {strides = array<i32>} : memref<2x4096xf32, #tpu.memory_space<vmem>>, vector<16xf32>,
          %get3A_204 = arith.constant 0 : i32
          %get3A_205 = arith.index_cast %get3A_204 : i32 to index
          %get3A_206 = arith.index_cast %add3A_192 : i32 to index
          %get3A_207 = arith.constant 16 : index
          %get3A_208 = tpu.vector_load %arg10[%get3A_205, %get3A_206, %get3A_207] {strides = array<i32>} : memref<2x128x128xf32, #tpu.memory_space<vmem>>, vector<16xf32>,
          %mul3A_209 = arith.constant 32 : i32
          %mul3A_210 = arith.muli %add3A_192, %mul3A_209 : i32
          %add3A_211 = arith.constant 16 : i32
          %add3A_212 = arith.addi %mul3A_210, %add3A_211 : i32
          %swap3A_213 = arith.constant 0 : i32
          %swap3A_214 = arith.index_cast %swap3A_213 : i32 to index
          %swap3A_215 = arith.index_cast %add3A_212 : i32 to index
          %swap3A_216 = tpu.vector_load %arg12[%swap3A_214, %swap3A_215] {strides = array<i32>} : memref<2x4096xf32, #tpu.memory_space<vmem>>, vector<16xf32>,
          tpu.vector_store %arg12[%swap3A_214, %swap3A_215], %get3A_208 {strides = array<i32>} : memref<2x4096xf32, #tpu.memory_space<vmem>>, vector<16xf32>,
          %mul3A_217 = arith.constant 4 : i32
          %mul3A_218 = arith.muli %scan3A_134, %mul3A_217 : i32
          %add3A_219 = arith.constant 3 : i32
          %add3A_220 = arith.addi %mul3A_218, %add3A_219 : i32
          %get3A_221 = arith.constant 0 : i32
          %get3A_222 = arith.index_cast %get3A_221 : i32 to index
          %get3A_223 = arith.index_cast %add3A_220 : i32 to index
          %get3A_224 = arith.constant 0 : index
          %get3A_225 = tpu.vector_load %arg10[%get3A_222, %get3A_223, %get3A_224] {strides = array<i32>} : memref<2x128x128xf32, #tpu.memory_space<vmem>>, vector<16xf32>,
          %mul3A_226 = arith.constant 32 : i32
          %mul3A_227 = arith.muli %add3A_220, %mul3A_226 : i32
          %swap3A_228 = arith.constant 0 : i32
          %swap3A_229 = arith.index_cast %swap3A_228 : i32 to index
          %swap3A_230 = arith.index_cast %mul3A_227 : i32 to index
          %swap3A_231 = tpu.vector_load %arg12[%swap3A_229, %swap3A_230] {strides = array<i32>} : memref<2x4096xf32, #tpu.memory_space<vmem>>, vector<16xf32>,
          tpu.vector_store %arg12[%swap3A_229, %swap3A_230], %get3A_225 {strides = array<i32>} : memref<2x4096xf32, #tpu.memory_space<vmem>>, vector<16xf32>,
          %get3A_232 = arith.constant 0 : i32
          %get3A_233 = arith.index_cast %get3A_232 : i32 to index
          %get3A_234 = arith.index_cast %add3A_220 : i32 to index
          %get3A_235 = arith.constant 16 : index
          %get3A_236 = tpu.vector_load %arg10[%get3A_233, %get3A_234, %get3A_235] {strides = array<i32>} : memref<2x128x128xf32, #tpu.memory_space<vmem>>, vector<16xf32>,
          %mul3A_237 = arith.constant 32 : i32
          %mul3A_238 = arith.muli %add3A_220, %mul3A_237 : i32
          %add3A_239 = arith.constant 16 : i32
          %add3A_240 = arith.addi %mul3A_238, %add3A_239 : i32
          %swap3A_241 = arith.constant 0 : i32
          %swap3A_242 = arith.index_cast %swap3A_241 : i32 to index
          %swap3A_243 = arith.index_cast %add3A_240 : i32 to index
          %swap3A_244 = tpu.vector_load %arg12[%swap3A_242, %swap3A_243] {strides = array<i32>} : memref<2x4096xf32, #tpu.memory_space<vmem>>, vector<16xf32>,
          tpu.vector_store %arg12[%swap3A_242, %swap3A_243], %get3A_236 {strides = array<i32>} : memref<2x4096xf32, #tpu.memory_space<vmem>>, vector<16xf32>,
        }
        %scan3A_95 = arith.constant 32 : i32
        %mul3A_96 = arith.constant 32 : i32
        %mul3A_97 = arith.muli %mul3A_75, %mul3A_96 : i32
        %dma_start3A = arith.constant 0 : i32
        %dma_start3A_98 = arith.constant 0 : i32
        %dma_start3A_99 = tpu.memref_slice %arg12[%dma_start3A, %dma_start3A_98] : memref<2x4096xf32, #tpu.memory_space<vmem>> -> memref<1x4096xf32, #tpu.memory_space<vmem>>
        %dma_start3A_100 = tpu.memref_squeeze %dma_start3A_99 : memref<1x4096xf32, #tpu.memory_space<vmem>> -> memref<4096xf32, #tpu.memory_space<vmem>>
        %dma_start3A_101 = tpu.memref_slice %arg6[%mul3A_97] : memref<5120000xf32, #tpu.memory_space<hbm>> -> memref<4096xf32, #tpu.memory_space<hbm>>
        %dma_start3A_102 = tpu.memref_slice %arg6[%mul3A_97] : memref<5120000xf32, #tpu.memory_space<hbm>> -> memref<4096xf32, #tpu.memory_space<hbm>>
        %dma_start3A_103 = arith.constant 0 : i32
        %dma_start3A_104 = tpu.memref_slice %arg12[%dma_start3A, %dma_start3A_103] : memref<2x4096xf32, #tpu.memory_space<vmem>> -> memref<1x4096xf32, #tpu.memory_space<vmem>>
        %dma_start3A_105 = tpu.memref_squeeze %dma_start3A_104 : memref<1x4096xf32, #tpu.memory_space<vmem>> -> memref<4096xf32, #tpu.memory_space<vmem>>
        tpu.enqueue_dma source(%dma_start3A_105 : memref<4096xf32, #tpu.memory_space<vmem>>) target(%dma_start3A_102 : memref<4096xf32, #tpu.memory_space<hbm>>) target_semaphore(%arg21 : memref<!tpu.dma_semaphore, #tpu.memory_space<semaphore_mem>>)
        %dma_wait3A_106 = arith.constant 0 : i32
        %dma_wait3A_107 = arith.constant 0 : i32
        %dma_wait3A_108 = arith.constant 0 : i32
        %dma_wait3A_109 = tpu.memref_slice %arg11[%dma_wait3A_106, %dma_wait3A_107, %dma_wait3A_108] : memref<2x128x128xf32, #tpu.memory_space<vmem>> -> memref<1x128x128xf32, #tpu.memory_space<vmem>>
        %dma_wait3A_110 = tpu.memref_squeeze %dma_wait3A_109 : memref<1x128x128xf32, #tpu.memory_space<vmem>> -> memref<128x128xf32, #tpu.memory_space<vmem>>
        %dma_wait3A_111 = arith.constant 0 : i32
        %dma_wait3A_112 = arith.constant 0 : i32
        %dma_wait3A_113 = tpu.memref_slice %arg3[%dma_wait3A_111, %dma_wait3A_112] : memref<10000x128xf32, #tpu.memory_space<hbm>> -> memref<128x128xf32, #tpu.memory_space<hbm>>
        %dma_wait3A_114 = arith.constant 0 : i32
        %dma_wait3A_115 = arith.constant 0 : i32
        %dma_wait3A_116 = tpu.memref_slice %arg11[%dma_wait3A_106, %dma_wait3A_114, %dma_wait3A_115] : memref<2x128x128xf32, #tpu.memory_space<vmem>> -> memref<1x128x128xf32, #tpu.memory_space<vmem>>
        %dma_wait3A_117 = tpu.memref_squeeze %dma_wait3A_116 : memref<1x128x128xf32, #tpu.memory_space<vmem>> -> memref<128x128xf32, #tpu.memory_space<vmem>>
        %dma_wait3A_118 = arith.constant 0 : i32
        %dma_wait3A_119 = arith.constant 0 : i32
        %dma_wait3A_120 = tpu.memref_slice %arg3[%dma_wait3A_118, %dma_wait3A_119] : memref<10000x128xf32, #tpu.memory_space<hbm>> -> memref<128x128xf32, #tpu.memory_space<hbm>>
        tpu.wait_dma2 semaphore(%arg19 : memref<!tpu.dma_semaphore, #tpu.memory_space<semaphore_mem>>) src(%dma_wait3A_120 : memref<128x128xf32, #tpu.memory_space<hbm>>) dst(%dma_wait3A_117 : memref<128x128xf32, #tpu.memory_space<vmem>>)
        %dma_start3A_121 = arith.constant 0 : i32
        %dma_start3A_122 = arith.constant 0 : i32
        %dma_start3A_123 = arith.constant 0 : i32
        %dma_start3A_124 = tpu.memref_slice %arg11[%dma_start3A_121, %dma_start3A_122, %dma_start3A_123] : memref<2x128x128xf32, #tpu.memory_space<vmem>> -> memref<1x128x128xf32, #tpu.memory_space<vmem>>
        %dma_start3A_125 = tpu.memref_squeeze %dma_start3A_124 : memref<1x128x128xf32, #tpu.memory_space<vmem>> -> memref<128x128xf32, #tpu.memory_space<vmem>>
        %dma_start3A_126 = arith.constant 0 : i32
        %dma_start3A_127 = tpu.memref_slice %arg7[%mul3A_75, %dma_start3A_126] : memref<160000x128xf32, #tpu.memory_space<hbm>> -> memref<128x128xf32, #tpu.memory_space<hbm>>
        %dma_start3A_128 = arith.constant 0 : i32
        %dma_start3A_129 = tpu.memref_slice %arg7[%mul3A_75, %dma_start3A_128] : memref<160000x128xf32, #tpu.memory_space<hbm>> -> memref<128x128xf32, #tpu.memory_space<hbm>>
        %dma_start3A_130 = arith.constant 0 : i32
        %dma_start3A_131 = arith.constant 0 : i32
        %dma_start3A_132 = tpu.memref_slice %arg11[%dma_start3A_121, %dma_start3A_130, %dma_start3A_131] : memref<2x128x128xf32, #tpu.memory_space<vmem>> -> memref<1x128x128xf32, #tpu.memory_space<vmem>>
        %dma_start3A_133 = tpu.memref_squeeze %dma_start3A_132 : memref<1x128x128xf32, #tpu.memory_space<vmem>> -> memref<128x128xf32, #tpu.memory_space<vmem>>
        tpu.enqueue_dma source(%dma_start3A_133 : memref<128x128xf32, #tpu.memory_space<vmem>>) target(%dma_start3A_129 : memref<128x128xf32, #tpu.memory_space<hbm>>) target_semaphore(%arg19 : memref<!tpu.dma_semaphore, #tpu.memory_space<semaphore_mem>>)
      } else {
      }
      %mul3A_47 = arith.constant 2 : i32
      %mul3A_48 = arith.muli %scan3A_8, %mul3A_47 : i32
      %add3A_49 = arith.constant 1 : i32
      %add3A_50 = arith.addi %mul3A_48, %add3A_49 : i32
      %lt3A_51 = arith.cmpi slt, %add3A_50, %select_n3A : i32
      %convert_element_type3A_52 = arith.extui %lt3A_51 : i1 to i32
      %cond3A_53 = arith.constant 0 : i32
      %cond3A_54 = arith.cmpi ne, %convert_element_type3A_52, %cond3A_53 : i32
      scf.if %cond3A_54 {
        %mul3A_71 = arith.constant 32 : i32
        %mul3A_72 = arith.muli %mul3A_71, %add3A_50 : i32
        %add3A_73 = arith.addi %add3A, %mul3A_72 : i32
        %mul3A_74 = arith.constant 128 : i32
        %mul3A_75 = arith.muli %add3A_73, %mul3A_74 : i32
        %dma_wait3A = arith.constant 1 : i32
        %dma_wait3A_76 = arith.constant 0 : i32
        %dma_wait3A_77 = arith.constant 0 : i32
        %dma_wait3A_78 = tpu.memref_slice %arg10[%dma_wait3A, %dma_wait3A_76, %dma_wait3A_77] : memref<2x128x128xf32, #tpu.memory_space<vmem>> -> memref<1x128x128xf32, #tpu.memory_space<vmem>>
        %dma_wait3A_79 = tpu.memref_squeeze %dma_wait3A_78 : memref<1x128x128xf32, #tpu.memory_space<vmem>> -> memref<128x128xf32, #tpu.memory_space<vmem>>
        %dma_wait3A_80 = arith.constant 0 : i32
        %dma_wait3A_81 = arith.constant 0 : i32
        %dma_wait3A_82 = tpu.memref_slice %arg2[%dma_wait3A_80, %dma_wait3A_81] : memref<10000x128xf32, #tpu.memory_space<hbm>> -> memref<128x128xf32, #tpu.memory_space<hbm>>
        %dma_wait3A_83 = arith.constant 0 : i32
        %dma_wait3A_84 = arith.constant 0 : i32
        %dma_wait3A_85 = tpu.memref_slice %arg10[%dma_wait3A, %dma_wait3A_83, %dma_wait3A_84] : memref<2x128x128xf32, #tpu.memory_space<vmem>> -> memref<1x128x128xf32, #tpu.memory_space<vmem>>
        %dma_wait3A_86 = tpu.memref_squeeze %dma_wait3A_85 : memref<1x128x128xf32, #tpu.memory_space<vmem>> -> memref<128x128xf32, #tpu.memory_space<vmem>>
        %dma_wait3A_87 = arith.constant 0 : i32
        %dma_wait3A_88 = arith.constant 0 : i32
        %dma_wait3A_89 = tpu.memref_slice %arg2[%dma_wait3A_87, %dma_wait3A_88] : memref<10000x128xf32, #tpu.memory_space<hbm>> -> memref<128x128xf32, #tpu.memory_space<hbm>>
        tpu.wait_dma2 semaphore(%arg18 : memref<!tpu.dma_semaphore, #tpu.memory_space<semaphore_mem>>) src(%dma_wait3A_89 : memref<128x128xf32, #tpu.memory_space<hbm>>) dst(%dma_wait3A_86 : memref<128x128xf32, #tpu.memory_space<vmem>>)
        %scan3A_90 = arith.constant 0 : i32
        %scan3A_91 = arith.constant 0 : i32
        %scan3A_92 = arith.constant 32 : i32
        %scan3A_93 = arith.addi %scan3A_91, %scan3A_92 : i32
        %scan3A_94 = arith.constant 1 : i32
        scf.for %scan3A_134 = %scan3A_91 to %scan3A_93 step %scan3A_94  : i32 {
          %mul3A_135 = arith.constant 4 : i32
          %mul3A_136 = arith.muli %scan3A_134, %mul3A_135 : i32
          %add3A_137 = arith.constant 0 : i32
          %add3A_138 = arith.addi %mul3A_136, %add3A_137 : i32
          %get3A = arith.constant 1 : i32
          %get3A_139 = arith.index_cast %get3A : i32 to index
          %get3A_140 = arith.index_cast %add3A_138 : i32 to index
          %get3A_141 = arith.constant 0 : index
          %get3A_142 = tpu.vector_load %arg10[%get3A_139, %get3A_140, %get3A_141] {strides = array<i32>} : memref<2x128x128xf32, #tpu.memory_space<vmem>>, vector<16xf32>,
          %mul3A_143 = arith.constant 32 : i32
          %mul3A_144 = arith.muli %add3A_138, %mul3A_143 : i32
          %swap3A = arith.constant 1 : i32
          %swap3A_145 = arith.index_cast %swap3A : i32 to index
          %swap3A_146 = arith.index_cast %mul3A_144 : i32 to index
          %swap3A_147 = tpu.vector_load %arg12[%swap3A_145, %swap3A_146] {strides = array<i32>} : memref<2x4096xf32, #tpu.memory_space<vmem>>, vector<16xf32>,
          tpu.vector_store %arg12[%swap3A_145, %swap3A_146], %get3A_142 {strides = array<i32>} : memref<2x4096xf32, #tpu.memory_space<vmem>>, vector<16xf32>,
          %get3A_148 = arith.constant 1 : i32
          %get3A_149 = arith.index_cast %get3A_148 : i32 to index
          %get3A_150 = arith.index_cast %add3A_138 : i32 to index
          %get3A_151 = arith.constant 16 : index
          %get3A_152 = tpu.vector_load %arg10[%get3A_149, %get3A_150, %get3A_151] {strides = array<i32>} : memref<2x128x128xf32, #tpu.memory_space<vmem>>, vector<16xf32>,
          %mul3A_153 = arith.constant 32 : i32
          %mul3A_154 = arith.muli %add3A_138, %mul3A_153 : i32
          %add3A_155 = arith.constant 16 : i32
          %add3A_156 = arith.addi %mul3A_154, %add3A_155 : i32
          %swap3A_157 = arith.constant 1 : i32
          %swap3A_158 = arith.index_cast %swap3A_157 : i32 to index
          %swap3A_159 = arith.index_cast %add3A_156 : i32 to index
          %swap3A_160 = tpu.vector_load %arg12[%swap3A_158, %swap3A_159] {strides = array<i32>} : memref<2x4096xf32, #tpu.memory_space<vmem>>, vector<16xf32>,
          tpu.vector_store %arg12[%swap3A_158, %swap3A_159], %get3A_152 {strides = array<i32>} : memref<2x4096xf32, #tpu.memory_space<vmem>>, vector<16xf32>,
          %mul3A_161 = arith.constant 4 : i32
          %mul3A_162 = arith.muli %scan3A_134, %mul3A_161 : i32
          %add3A_163 = arith.constant 1 : i32
          %add3A_164 = arith.addi %mul3A_162, %add3A_163 : i32
          %get3A_165 = arith.constant 1 : i32
          %get3A_166 = arith.index_cast %get3A_165 : i32 to index
          %get3A_167 = arith.index_cast %add3A_164 : i32 to index
          %get3A_168 = arith.constant 0 : index
          %get3A_169 = tpu.vector_load %arg10[%get3A_166, %get3A_167, %get3A_168] {strides = array<i32>} : memref<2x128x128xf32, #tpu.memory_space<vmem>>, vector<16xf32>,
          %mul3A_170 = arith.constant 32 : i32
          %mul3A_171 = arith.muli %add3A_164, %mul3A_170 : i32
          %swap3A_172 = arith.constant 1 : i32
          %swap3A_173 = arith.index_cast %swap3A_172 : i32 to index
          %swap3A_174 = arith.index_cast %mul3A_171 : i32 to index
          %swap3A_175 = tpu.vector_load %arg12[%swap3A_173, %swap3A_174] {strides = array<i32>} : memref<2x4096xf32, #tpu.memory_space<vmem>>, vector<16xf32>,
          tpu.vector_store %arg12[%swap3A_173, %swap3A_174], %get3A_169 {strides = array<i32>} : memref<2x4096xf32, #tpu.memory_space<vmem>>, vector<16xf32>,
          %get3A_176 = arith.constant 1 : i32
          %get3A_177 = arith.index_cast %get3A_176 : i32 to index
          %get3A_178 = arith.index_cast %add3A_164 : i32 to index
          %get3A_179 = arith.constant 16 : index
          %get3A_180 = tpu.vector_load %arg10[%get3A_177, %get3A_178, %get3A_179] {strides = array<i32>} : memref<2x128x128xf32, #tpu.memory_space<vmem>>, vector<16xf32>,
          %mul3A_181 = arith.constant 32 : i32
          %mul3A_182 = arith.muli %add3A_164, %mul3A_181 : i32
          %add3A_183 = arith.constant 16 : i32
          %add3A_184 = arith.addi %mul3A_182, %add3A_183 : i32
          %swap3A_185 = arith.constant 1 : i32
          %swap3A_186 = arith.index_cast %swap3A_185 : i32 to index
          %swap3A_187 = arith.index_cast %add3A_184 : i32 to index
          %swap3A_188 = tpu.vector_load %arg12[%swap3A_186, %swap3A_187] {strides = array<i32>} : memref<2x4096xf32, #tpu.memory_space<vmem>>, vector<16xf32>,
          tpu.vector_store %arg12[%swap3A_186, %swap3A_187], %get3A_180 {strides = array<i32>} : memref<2x4096xf32, #tpu.memory_space<vmem>>, vector<16xf32>,
          %mul3A_189 = arith.constant 4 : i32
          %mul3A_190 = arith.muli %scan3A_134, %mul3A_189 : i32
          %add3A_191 = arith.constant 2 : i32
          %add3A_192 = arith.addi %mul3A_190, %add3A_191 : i32
          %get3A_193 = arith.constant 1 : i32
          %get3A_194 = arith.index_cast %get3A_193 : i32 to index
          %get3A_195 = arith.index_cast %add3A_192 : i32 to index
          %get3A_196 = arith.constant 0 : index
          %get3A_197 = tpu.vector_load %arg10[%get3A_194, %get3A_195, %get3A_196] {strides = array<i32>} : memref<2x128x128xf32, #tpu.memory_space<vmem>>, vector<16xf32>,
          %mul3A_198 = arith.constant 32 : i32
          %mul3A_199 = arith.muli %add3A_192, %mul3A_198 : i32
          %swap3A_200 = arith.constant 1 : i32
          %swap3A_201 = arith.index_cast %swap3A_200 : i32 to index
          %swap3A_202 = arith.index_cast %mul3A_199 : i32 to index
          %swap3A_203 = tpu.vector_load %arg12[%swap3A_201, %swap3A_202] {strides = array<i32>} : memref<2x4096xf32, #tpu.memory_space<vmem>>, vector<16xf32>,
          tpu.vector_store %arg12[%swap3A_201, %swap3A_202], %get3A_197 {strides = array<i32>} : memref<2x4096xf32, #tpu.memory_space<vmem>>, vector<16xf32>,
          %get3A_204 = arith.constant 1 : i32
          %get3A_205 = arith.index_cast %get3A_204 : i32 to index
          %get3A_206 = arith.index_cast %add3A_192 : i32 to index
          %get3A_207 = arith.constant 16 : index
          %get3A_208 = tpu.vector_load %arg10[%get3A_205, %get3A_206, %get3A_207] {strides = array<i32>} : memref<2x128x128xf32, #tpu.memory_space<vmem>>, vector<16xf32>,
          %mul3A_209 = arith.constant 32 : i32
          %mul3A_210 = arith.muli %add3A_192, %mul3A_209 : i32
          %add3A_211 = arith.constant 16 : i32
          %add3A_212 = arith.addi %mul3A_210, %add3A_211 : i32
          %swap3A_213 = arith.constant 1 : i32
          %swap3A_214 = arith.index_cast %swap3A_213 : i32 to index
          %swap3A_215 = arith.index_cast %add3A_212 : i32 to index
          %swap3A_216 = tpu.vector_load %arg12[%swap3A_214, %swap3A_215] {strides = array<i32>} : memref<2x4096xf32, #tpu.memory_space<vmem>>, vector<16xf32>,
          tpu.vector_store %arg12[%swap3A_214, %swap3A_215], %get3A_208 {strides = array<i32>} : memref<2x4096xf32, #tpu.memory_space<vmem>>, vector<16xf32>,
          %mul3A_217 = arith.constant 4 : i32
          %mul3A_218 = arith.muli %scan3A_134, %mul3A_217 : i32
          %add3A_219 = arith.constant 3 : i32
          %add3A_220 = arith.addi %mul3A_218, %add3A_219 : i32
          %get3A_221 = arith.constant 1 : i32
          %get3A_222 = arith.index_cast %get3A_221 : i32 to index
          %get3A_223 = arith.index_cast %add3A_220 : i32 to index
          %get3A_224 = arith.constant 0 : index
          %get3A_225 = tpu.vector_load %arg10[%get3A_222, %get3A_223, %get3A_224] {strides = array<i32>} : memref<2x128x128xf32, #tpu.memory_space<vmem>>, vector<16xf32>,
          %mul3A_226 = arith.constant 32 : i32
          %mul3A_227 = arith.muli %add3A_220, %mul3A_226 : i32
          %swap3A_228 = arith.constant 1 : i32
          %swap3A_229 = arith.index_cast %swap3A_228 : i32 to index
          %swap3A_230 = arith.index_cast %mul3A_227 : i32 to index
          %swap3A_231 = tpu.vector_load %arg12[%swap3A_229, %swap3A_230] {strides = array<i32>} : memref<2x4096xf32, #tpu.memory_space<vmem>>, vector<16xf32>,
          tpu.vector_store %arg12[%swap3A_229, %swap3A_230], %get3A_225 {strides = array<i32>} : memref<2x4096xf32, #tpu.memory_space<vmem>>, vector<16xf32>,
          %get3A_232 = arith.constant 1 : i32
          %get3A_233 = arith.index_cast %get3A_232 : i32 to index
          %get3A_234 = arith.index_cast %add3A_220 : i32 to index
          %get3A_235 = arith.constant 16 : index
          %get3A_236 = tpu.vector_load %arg10[%get3A_233, %get3A_234, %get3A_235] {strides = array<i32>} : memref<2x128x128xf32, #tpu.memory_space<vmem>>, vector<16xf32>,
          %mul3A_237 = arith.constant 32 : i32
          %mul3A_238 = arith.muli %add3A_220, %mul3A_237 : i32
          %add3A_239 = arith.constant 16 : i32
          %add3A_240 = arith.addi %mul3A_238, %add3A_239 : i32
          %swap3A_241 = arith.constant 1 : i32
          %swap3A_242 = arith.index_cast %swap3A_241 : i32 to index
          %swap3A_243 = arith.index_cast %add3A_240 : i32 to index
          %swap3A_244 = tpu.vector_load %arg12[%swap3A_242, %swap3A_243] {strides = array<i32>} : memref<2x4096xf32, #tpu.memory_space<vmem>>, vector<16xf32>,
          tpu.vector_store %arg12[%swap3A_242, %swap3A_243], %get3A_236 {strides = array<i32>} : memref<2x4096xf32, #tpu.memory_space<vmem>>, vector<16xf32>,
        }
        %scan3A_95 = arith.constant 32 : i32
        %mul3A_96 = arith.constant 32 : i32
        %mul3A_97 = arith.muli %mul3A_75, %mul3A_96 : i32
        %dma_start3A = arith.constant 1 : i32
        %dma_start3A_98 = arith.constant 0 : i32
        %dma_start3A_99 = tpu.memref_slice %arg12[%dma_start3A, %dma_start3A_98] : memref<2x4096xf32, #tpu.memory_space<vmem>> -> memref<1x4096xf32, #tpu.memory_space<vmem>>
        %dma_start3A_100 = tpu.memref_squeeze %dma_start3A_99 : memref<1x4096xf32, #tpu.memory_space<vmem>> -> memref<4096xf32, #tpu.memory_space<vmem>>
        %dma_start3A_101 = tpu.memref_slice %arg6[%mul3A_97] : memref<5120000xf32, #tpu.memory_space<hbm>> -> memref<4096xf32, #tpu.memory_space<hbm>>
        %dma_start3A_102 = tpu.memref_slice %arg6[%mul3A_97] : memref<5120000xf32, #tpu.memory_space<hbm>> -> memref<4096xf32, #tpu.memory_space<hbm>>
        %dma_start3A_103 = arith.constant 0 : i32
        %dma_start3A_104 = tpu.memref_slice %arg12[%dma_start3A, %dma_start3A_103] : memref<2x4096xf32, #tpu.memory_space<vmem>> -> memref<1x4096xf32, #tpu.memory_space<vmem>>
        %dma_start3A_105 = tpu.memref_squeeze %dma_start3A_104 : memref<1x4096xf32, #tpu.memory_space<vmem>> -> memref<4096xf32, #tpu.memory_space<vmem>>
        tpu.enqueue_dma source(%dma_start3A_105 : memref<4096xf32, #tpu.memory_space<vmem>>) target(%dma_start3A_102 : memref<4096xf32, #tpu.memory_space<hbm>>) target_semaphore(%arg22 : memref<!tpu.dma_semaphore, #tpu.memory_space<semaphore_mem>>)
        %dma_wait3A_106 = arith.constant 1 : i32
        %dma_wait3A_107 = arith.constant 0 : i32
        %dma_wait3A_108 = arith.constant 0 : i32
        %dma_wait3A_109 = tpu.memref_slice %arg11[%dma_wait3A_106, %dma_wait3A_107, %dma_wait3A_108] : memref<2x128x128xf32, #tpu.memory_space<vmem>> -> memref<1x128x128xf32, #tpu.memory_space<vmem>>
        %dma_wait3A_110 = tpu.memref_squeeze %dma_wait3A_109 : memref<1x128x128xf32, #tpu.memory_space<vmem>> -> memref<128x128xf32, #tpu.memory_space<vmem>>
        %dma_wait3A_111 = arith.constant 0 : i32
        %dma_wait3A_112 = arith.constant 0 : i32
        %dma_wait3A_113 = tpu.memref_slice %arg3[%dma_wait3A_111, %dma_wait3A_112] : memref<10000x128xf32, #tpu.memory_space<hbm>> -> memref<128x128xf32, #tpu.memory_space<hbm>>
        %dma_wait3A_114 = arith.constant 0 : i32
        %dma_wait3A_115 = arith.constant 0 : i32
        %dma_wait3A_116 = tpu.memref_slice %arg11[%dma_wait3A_106, %dma_wait3A_114, %dma_wait3A_115] : memref<2x128x128xf32, #tpu.memory_space<vmem>> -> memref<1x128x128xf32, #tpu.memory_space<vmem>>
        %dma_wait3A_117 = tpu.memref_squeeze %dma_wait3A_116 : memref<1x128x128xf32, #tpu.memory_space<vmem>> -> memref<128x128xf32, #tpu.memory_space<vmem>>
        %dma_wait3A_118 = arith.constant 0 : i32
        %dma_wait3A_119 = arith.constant 0 : i32
        %dma_wait3A_120 = tpu.memref_slice %arg3[%dma_wait3A_118, %dma_wait3A_119] : memref<10000x128xf32, #tpu.memory_space<hbm>> -> memref<128x128xf32, #tpu.memory_space<hbm>>
        tpu.wait_dma2 semaphore(%arg20 : memref<!tpu.dma_semaphore, #tpu.memory_space<semaphore_mem>>) src(%dma_wait3A_120 : memref<128x128xf32, #tpu.memory_space<hbm>>) dst(%dma_wait3A_117 : memref<128x128xf32, #tpu.memory_space<vmem>>)
        %dma_start3A_121 = arith.constant 1 : i32
        %dma_start3A_122 = arith.constant 0 : i32
        %dma_start3A_123 = arith.constant 0 : i32
        %dma_start3A_124 = tpu.memref_slice %arg11[%dma_start3A_121, %dma_start3A_122, %dma_start3A_123] : memref<2x128x128xf32, #tpu.memory_space<vmem>> -> memref<1x128x128xf32, #tpu.memory_space<vmem>>
        %dma_start3A_125 = tpu.memref_squeeze %dma_start3A_124 : memref<1x128x128xf32, #tpu.memory_space<vmem>> -> memref<128x128xf32, #tpu.memory_space<vmem>>
        %dma_start3A_126 = arith.constant 0 : i32
        %dma_start3A_127 = tpu.memref_slice %arg7[%mul3A_75, %dma_start3A_126] : memref<160000x128xf32, #tpu.memory_space<hbm>> -> memref<128x128xf32, #tpu.memory_space<hbm>>
        %dma_start3A_128 = arith.constant 0 : i32
        %dma_start3A_129 = tpu.memref_slice %arg7[%mul3A_75, %dma_start3A_128] : memref<160000x128xf32, #tpu.memory_space<hbm>> -> memref<128x128xf32, #tpu.memory_space<hbm>>
        %dma_start3A_130 = arith.constant 0 : i32
        %dma_start3A_131 = arith.constant 0 : i32
        %dma_start3A_132 = tpu.memref_slice %arg11[%dma_start3A_121, %dma_start3A_130, %dma_start3A_131] : memref<2x128x128xf32, #tpu.memory_space<vmem>> -> memref<1x128x128xf32, #tpu.memory_space<vmem>>
        %dma_start3A_133 = tpu.memref_squeeze %dma_start3A_132 : memref<1x128x128xf32, #tpu.memory_space<vmem>> -> memref<128x128xf32, #tpu.memory_space<vmem>>
        tpu.enqueue_dma source(%dma_start3A_133 : memref<128x128xf32, #tpu.memory_space<vmem>>) target(%dma_start3A_129 : memref<128x128xf32, #tpu.memory_space<hbm>>) target_semaphore(%arg20 : memref<!tpu.dma_semaphore, #tpu.memory_space<semaphore_mem>>)
      } else {
      }
      %mul3A_55 = arith.constant 2 : i32
      %mul3A_56 = arith.muli %scan3A_8, %mul3A_55 : i32
      %add3A_57 = arith.constant 0 : i32
      %add3A_58 = arith.addi %mul3A_56, %add3A_57 : i32
      %lt3A_59 = arith.cmpi slt, %add3A_58, %select_n3A : i32
      %convert_element_type3A_60 = arith.extui %lt3A_59 : i1 to i32
      %cond3A_61 = arith.constant 0 : i32
      %cond3A_62 = arith.cmpi ne, %convert_element_type3A_60, %cond3A_61 : i32
      scf.if %cond3A_62 {
        %mul3A_71 = arith.constant 32 : i32
        %mul3A_72 = arith.muli %mul3A_71, %add3A_58 : i32
        %add3A_73 = arith.addi %add3A, %mul3A_72 : i32
        %mul3A_74 = arith.constant 128 : i32
        %mul3A_75 = arith.muli %add3A_73, %mul3A_74 : i32
        %mul3A_76 = arith.constant 32 : i32
        %mul3A_77 = arith.muli %mul3A_75, %mul3A_76 : i32
        %dma_wait3A = arith.constant 0 : i32
        %dma_wait3A_78 = arith.constant 0 : i32
        %dma_wait3A_79 = tpu.memref_slice %arg12[%dma_wait3A, %dma_wait3A_78] : memref<2x4096xf32, #tpu.memory_space<vmem>> -> memref<1x4096xf32, #tpu.memory_space<vmem>>
        %dma_wait3A_80 = tpu.memref_squeeze %dma_wait3A_79 : memref<1x4096xf32, #tpu.memory_space<vmem>> -> memref<4096xf32, #tpu.memory_space<vmem>>
        %dma_wait3A_81 = tpu.memref_slice %arg6[%mul3A_77] : memref<5120000xf32, #tpu.memory_space<hbm>> -> memref<4096xf32, #tpu.memory_space<hbm>>
        %dma_wait3A_82 = tpu.memref_slice %arg6[%mul3A_77] : memref<5120000xf32, #tpu.memory_space<hbm>> -> memref<4096xf32, #tpu.memory_space<hbm>>
        %dma_wait3A_83 = arith.constant 0 : i32
        %dma_wait3A_84 = tpu.memref_slice %arg12[%dma_wait3A, %dma_wait3A_83] : memref<2x4096xf32, #tpu.memory_space<vmem>> -> memref<1x4096xf32, #tpu.memory_space<vmem>>
        %dma_wait3A_85 = tpu.memref_squeeze %dma_wait3A_84 : memref<1x4096xf32, #tpu.memory_space<vmem>> -> memref<4096xf32, #tpu.memory_space<vmem>>
        tpu.wait_dma2 semaphore(%arg21 : memref<!tpu.dma_semaphore, #tpu.memory_space<semaphore_mem>>) src(%dma_wait3A_85 : memref<4096xf32, #tpu.memory_space<vmem>>) dst(%dma_wait3A_82 : memref<4096xf32, #tpu.memory_space<hbm>>)
        %dma_wait3A_86 = arith.constant 0 : i32
        %dma_wait3A_87 = arith.constant 0 : i32
        %dma_wait3A_88 = arith.constant 0 : i32
        %dma_wait3A_89 = tpu.memref_slice %arg11[%dma_wait3A_86, %dma_wait3A_87, %dma_wait3A_88] : memref<2x128x128xf32, #tpu.memory_space<vmem>> -> memref<1x128x128xf32, #tpu.memory_space<vmem>>
        %dma_wait3A_90 = tpu.memref_squeeze %dma_wait3A_89 : memref<1x128x128xf32, #tpu.memory_space<vmem>> -> memref<128x128xf32, #tpu.memory_space<vmem>>
        %dma_wait3A_91 = arith.constant 0 : i32
        %dma_wait3A_92 = tpu.memref_slice %arg7[%mul3A_75, %dma_wait3A_91] : memref<160000x128xf32, #tpu.memory_space<hbm>> -> memref<128x128xf32, #tpu.memory_space<hbm>>
        %dma_wait3A_93 = arith.constant 0 : i32
        %dma_wait3A_94 = tpu.memref_slice %arg7[%mul3A_75, %dma_wait3A_93] : memref<160000x128xf32, #tpu.memory_space<hbm>> -> memref<128x128xf32, #tpu.memory_space<hbm>>
        %dma_wait3A_95 = arith.constant 0 : i32
        %dma_wait3A_96 = arith.constant 0 : i32
        %dma_wait3A_97 = tpu.memref_slice %arg11[%dma_wait3A_86, %dma_wait3A_95, %dma_wait3A_96] : memref<2x128x128xf32, #tpu.memory_space<vmem>> -> memref<1x128x128xf32, #tpu.memory_space<vmem>>
        %dma_wait3A_98 = tpu.memref_squeeze %dma_wait3A_97 : memref<1x128x128xf32, #tpu.memory_space<vmem>> -> memref<128x128xf32, #tpu.memory_space<vmem>>
        tpu.wait_dma2 semaphore(%arg19 : memref<!tpu.dma_semaphore, #tpu.memory_space<semaphore_mem>>) src(%dma_wait3A_98 : memref<128x128xf32, #tpu.memory_space<vmem>>) dst(%dma_wait3A_94 : memref<128x128xf32, #tpu.memory_space<hbm>>)
      } else {
      }
      %mul3A_63 = arith.constant 2 : i32
      %mul3A_64 = arith.muli %scan3A_8, %mul3A_63 : i32
      %add3A_65 = arith.constant 1 : i32
      %add3A_66 = arith.addi %mul3A_64, %add3A_65 : i32
      %lt3A_67 = arith.cmpi slt, %add3A_66, %select_n3A : i32
      %convert_element_type3A_68 = arith.extui %lt3A_67 : i1 to i32
      %cond3A_69 = arith.constant 0 : i32
      %cond3A_70 = arith.cmpi ne, %convert_element_type3A_68, %cond3A_69 : i32
      scf.if %cond3A_70 {
        %mul3A_71 = arith.constant 32 : i32
        %mul3A_72 = arith.muli %mul3A_71, %add3A_66 : i32
        %add3A_73 = arith.addi %add3A, %mul3A_72 : i32
        %mul3A_74 = arith.constant 128 : i32
        %mul3A_75 = arith.muli %add3A_73, %mul3A_74 : i32
        %mul3A_76 = arith.constant 32 : i32
        %mul3A_77 = arith.muli %mul3A_75, %mul3A_76 : i32
        %dma_wait3A = arith.constant 1 : i32
        %dma_wait3A_78 = arith.constant 0 : i32
        %dma_wait3A_79 = tpu.memref_slice %arg12[%dma_wait3A, %dma_wait3A_78] : memref<2x4096xf32, #tpu.memory_space<vmem>> -> memref<1x4096xf32, #tpu.memory_space<vmem>>
        %dma_wait3A_80 = tpu.memref_squeeze %dma_wait3A_79 : memref<1x4096xf32, #tpu.memory_space<vmem>> -> memref<4096xf32, #tpu.memory_space<vmem>>
        %dma_wait3A_81 = tpu.memref_slice %arg6[%mul3A_77] : memref<5120000xf32, #tpu.memory_space<hbm>> -> memref<4096xf32, #tpu.memory_space<hbm>>
        %dma_wait3A_82 = tpu.memref_slice %arg6[%mul3A_77] : memref<5120000xf32, #tpu.memory_space<hbm>> -> memref<4096xf32, #tpu.memory_space<hbm>>
        %dma_wait3A_83 = arith.constant 0 : i32
        %dma_wait3A_84 = tpu.memref_slice %arg12[%dma_wait3A, %dma_wait3A_83] : memref<2x4096xf32, #tpu.memory_space<vmem>> -> memref<1x4096xf32, #tpu.memory_space<vmem>>
        %dma_wait3A_85 = tpu.memref_squeeze %dma_wait3A_84 : memref<1x4096xf32, #tpu.memory_space<vmem>> -> memref<4096xf32, #tpu.memory_space<vmem>>
        tpu.wait_dma2 semaphore(%arg22 : memref<!tpu.dma_semaphore, #tpu.memory_space<semaphore_mem>>) src(%dma_wait3A_85 : memref<4096xf32, #tpu.memory_space<vmem>>) dst(%dma_wait3A_82 : memref<4096xf32, #tpu.memory_space<hbm>>)
        %dma_wait3A_86 = arith.constant 1 : i32
        %dma_wait3A_87 = arith.constant 0 : i32
        %dma_wait3A_88 = arith.constant 0 : i32
        %dma_wait3A_89 = tpu.memref_slice %arg11[%dma_wait3A_86, %dma_wait3A_87, %dma_wait3A_88] : memref<2x128x128xf32, #tpu.memory_space<vmem>> -> memref<1x128x128xf32, #tpu.memory_space<vmem>>
        %dma_wait3A_90 = tpu.memref_squeeze %dma_wait3A_89 : memref<1x128x128xf32, #tpu.memory_space<vmem>> -> memref<128x128xf32, #tpu.memory_space<vmem>>
        %dma_wait3A_91 = arith.constant 0 : i32
        %dma_wait3A_92 = tpu.memref_slice %arg7[%mul3A_75, %dma_wait3A_91] : memref<160000x128xf32, #tpu.memory_space<hbm>> -> memref<128x128xf32, #tpu.memory_space<hbm>>
        %dma_wait3A_93 = arith.constant 0 : i32
        %dma_wait3A_94 = tpu.memref_slice %arg7[%mul3A_75, %dma_wait3A_93] : memref<160000x128xf32, #tpu.memory_space<hbm>> -> memref<128x128xf32, #tpu.memory_space<hbm>>
        %dma_wait3A_95 = arith.constant 0 : i32
        %dma_wait3A_96 = arith.constant 0 : i32
        %dma_wait3A_97 = tpu.memref_slice %arg11[%dma_wait3A_86, %dma_wait3A_95, %dma_wait3A_96] : memref<2x128x128xf32, #tpu.memory_space<vmem>> -> memref<1x128x128xf32, #tpu.memory_space<vmem>>
        %dma_wait3A_98 = tpu.memref_squeeze %dma_wait3A_97 : memref<1x128x128xf32, #tpu.memory_space<vmem>> -> memref<128x128xf32, #tpu.memory_space<vmem>>
        tpu.wait_dma2 semaphore(%arg20 : memref<!tpu.dma_semaphore, #tpu.memory_space<semaphore_mem>>) src(%dma_wait3A_98 : memref<128x128xf32, #tpu.memory_space<vmem>>) dst(%dma_wait3A_94 : memref<128x128xf32, #tpu.memory_space<hbm>>)
      } else {
      }
    }
    %scan3A_7 = arith.constant 20 : i32
    return
  }
}

#map = affine_map<(d0, d1) -> (0, 0)>
#map1 = affine_map<(d0, d1) -> (0)>
#map2 = affine_map<(d0, d1) -> (0, 0, 0)>
module attributes {stable_mosaic.version = 14 : i64} {
  func.func @kfn(%arg0: i32, %arg1: i32, %arg2: memref<10000x128xf32, #tpu.memory_space<hbm>>, %arg3: memref<160000xi32, #tpu.memory_space<hbm>>, %arg4: memref<160000xi32, #tpu.memory_space<hbm>>, %arg5: memref<160000xf32, #tpu.memory_space<hbm>>, %arg6: memref<128xf32, #tpu.memory_space<hbm>>, %arg7: memref<160000x128xf32, #tpu.memory_space<hbm>>, %arg8: memref<2x10240x128xf32, #tpu.memory_space<hbm>>, %arg9: memref<2x10240xf32, #tpu.memory_space<hbm>>, %arg10: memref<128xi32, #tpu.memory_space<vmem>>, %arg11: memref<128xi32, #tpu.memory_space<vmem>>, %arg12: memref<128xf32, #tpu.memory_space<vmem>>, %arg13: memref<128xf32, #tpu.memory_space<vmem>>, %arg14: memref<128xf32, #tpu.memory_space<vmem>>, %arg15: memref<128x128xf32, #tpu.memory_space<vmem>>, %arg16: memref<128x128xf32, #tpu.memory_space<vmem>>, %arg17: memref<1024xf32, #tpu.memory_space<vmem>>, %arg18: memref<10240x128xf32, #tpu.memory_space<vmem_shared>>, %arg19: memref<10240xf32, #tpu.memory_space<vmem_shared>>, %arg20: memref<!tpu.dma_semaphore, #tpu.memory_space<semaphore_mem>>, %arg21: memref<!tpu.dma_semaphore, #tpu.memory_space<semaphore_mem>>, %arg22: memref<!tpu.dma_semaphore, #tpu.memory_space<semaphore_mem>>, %arg23: memref<!tpu.dma_semaphore, #tpu.memory_space<semaphore_mem>>, %arg24: memref<!tpu.dma_semaphore, #tpu.memory_space<semaphore_mem>>) attributes {dimension_semantics = [#tpu.dimension_semantics<core_parallel>, #tpu.dimension_semantics<subcore_parallel>], iteration_bounds = array<i64: 2, 16>, scalar_prefetch = 0 : i64, scratch_operands = 15 : i64, tpu.core_type = #tpu.core_type<sc_vector_subcore>, window_params = [{transform_indices = #map}, {transform_indices = #map1}, {transform_indices = #map1}, {transform_indices = #map1}, {transform_indices = #map1}, {transform_indices = #map}, {transform_indices = #map2}, {transform_indices = #map}]} {
    %mul3A = arith.constant 2 : i32
    %mul3A_0 = arith.muli %arg1, %mul3A : i32
    %add3A = arith.addi %mul3A_0, %arg0 : i32
    %lt3A = arith.constant 2 : i32
    %lt3A_1 = arith.cmpi slt, %add3A, %lt3A : i32
    %jit3A = arith.constant 40 : i32
    %jit3A_2 = arith.constant 39 : i32
    %select_n3A = arith.select %lt3A_1, %jit3A, %jit3A_2 : i32
    "tpu.region"() ({
      %run_scoped3A = tpu.sem_alloc : memref<!tpu.dma_semaphore, #tpu.memory_space<semaphore_mem>>
      tpu.enqueue_dma source(%arg6 : memref<128xf32, #tpu.memory_space<hbm>>) target(%arg14 : memref<128xf32, #tpu.memory_space<vmem>>) target_semaphore(%run_scoped3A : memref<!tpu.dma_semaphore, #tpu.memory_space<semaphore_mem>>)
      tpu.wait_dma2 semaphore(%run_scoped3A : memref<!tpu.dma_semaphore, #tpu.memory_space<semaphore_mem>>) src(%arg6 : memref<128xf32, #tpu.memory_space<hbm>>) dst(%arg14 : memref<128xf32, #tpu.memory_space<vmem>>)
      tpu.yield
    }) : () -> ()
    %get3A = arith.constant 0 : index
    %get3A_3 = tpu.vector_load %arg14[%get3A] {strides = array<i32>} : memref<128xf32, #tpu.memory_space<vmem>>, vector<16xf32>,
    %scan3A = arith.constant 0 : i32
    %scan3A_4 = arith.constant 0 : i32
    %scan3A_5 = arith.constant 128 : i32
    %scan3A_6 = arith.addi %scan3A_4, %scan3A_5 : i32
    %scan3A_7 = arith.constant 1 : i32
    scf.for %scan3A_291 = %scan3A_4 to %scan3A_6 step %scan3A_7  : i32 {
      %broadcast_in_dim3A_292 = arith.constant 0.000000e+00 : f32
      %broadcast_in_dim3A_293 = vector.broadcast %broadcast_in_dim3A_292 : f32 to vector<16xf32>
      %swap3A_294 = arith.index_cast %scan3A_291 : i32 to index
      %swap3A_295 = arith.constant 0 : index
      %swap3A_296 = tpu.vector_load %arg15[%swap3A_294, %swap3A_295] {strides = array<i32>} : memref<128x128xf32, #tpu.memory_space<vmem>>, vector<16xf32>,
      tpu.vector_store %arg15[%swap3A_294, %swap3A_295], %broadcast_in_dim3A_293 {strides = array<i32>} : memref<128x128xf32, #tpu.memory_space<vmem>>, vector<16xf32>,
      %broadcast_in_dim3A_297 = arith.constant 0.000000e+00 : f32
      %broadcast_in_dim3A_298 = vector.broadcast %broadcast_in_dim3A_297 : f32 to vector<16xf32>
      %swap3A_299 = arith.index_cast %scan3A_291 : i32 to index
      %swap3A_300 = arith.constant 16 : index
      %swap3A_301 = tpu.vector_load %arg15[%swap3A_299, %swap3A_300] {strides = array<i32>} : memref<128x128xf32, #tpu.memory_space<vmem>>, vector<16xf32>,
      tpu.vector_store %arg15[%swap3A_299, %swap3A_300], %broadcast_in_dim3A_298 {strides = array<i32>} : memref<128x128xf32, #tpu.memory_space<vmem>>, vector<16xf32>,
      %broadcast_in_dim3A_302 = arith.constant 0.000000e+00 : f32
      %broadcast_in_dim3A_303 = vector.broadcast %broadcast_in_dim3A_302 : f32 to vector<16xf32>
      %swap3A_304 = arith.index_cast %scan3A_291 : i32 to index
      %swap3A_305 = arith.constant 32 : index
      %swap3A_306 = tpu.vector_load %arg15[%swap3A_304, %swap3A_305] {strides = array<i32>} : memref<128x128xf32, #tpu.memory_space<vmem>>, vector<16xf32>,
      tpu.vector_store %arg15[%swap3A_304, %swap3A_305], %broadcast_in_dim3A_303 {strides = array<i32>} : memref<128x128xf32, #tpu.memory_space<vmem>>, vector<16xf32>,
      %broadcast_in_dim3A_307 = arith.constant 0.000000e+00 : f32
      %broadcast_in_dim3A_308 = vector.broadcast %broadcast_in_dim3A_307 : f32 to vector<16xf32>
      %swap3A_309 = arith.index_cast %scan3A_291 : i32 to index
      %swap3A_310 = arith.constant 48 : index
      %swap3A_311 = tpu.vector_load %arg15[%swap3A_309, %swap3A_310] {strides = array<i32>} : memref<128x128xf32, #tpu.memory_space<vmem>>, vector<16xf32>,
      tpu.vector_store %arg15[%swap3A_309, %swap3A_310], %broadcast_in_dim3A_308 {strides = array<i32>} : memref<128x128xf32, #tpu.memory_space<vmem>>, vector<16xf32>,
      %broadcast_in_dim3A_312 = arith.constant 0.000000e+00 : f32
      %broadcast_in_dim3A_313 = vector.broadcast %broadcast_in_dim3A_312 : f32 to vector<16xf32>
      %swap3A_314 = arith.index_cast %scan3A_291 : i32 to index
      %swap3A_315 = arith.constant 64 : index
      %swap3A_316 = tpu.vector_load %arg15[%swap3A_314, %swap3A_315] {strides = array<i32>} : memref<128x128xf32, #tpu.memory_space<vmem>>, vector<16xf32>,
      tpu.vector_store %arg15[%swap3A_314, %swap3A_315], %broadcast_in_dim3A_313 {strides = array<i32>} : memref<128x128xf32, #tpu.memory_space<vmem>>, vector<16xf32>,
      %broadcast_in_dim3A_317 = arith.constant 0.000000e+00 : f32
      %broadcast_in_dim3A_318 = vector.broadcast %broadcast_in_dim3A_317 : f32 to vector<16xf32>
      %swap3A_319 = arith.index_cast %scan3A_291 : i32 to index
      %swap3A_320 = arith.constant 80 : index
      %swap3A_321 = tpu.vector_load %arg15[%swap3A_319, %swap3A_320] {strides = array<i32>} : memref<128x128xf32, #tpu.memory_space<vmem>>, vector<16xf32>,
      tpu.vector_store %arg15[%swap3A_319, %swap3A_320], %broadcast_in_dim3A_318 {strides = array<i32>} : memref<128x128xf32, #tpu.memory_space<vmem>>, vector<16xf32>,
      %broadcast_in_dim3A_322 = arith.constant 0.000000e+00 : f32
      %broadcast_in_dim3A_323 = vector.broadcast %broadcast_in_dim3A_322 : f32 to vector<16xf32>
      %swap3A_324 = arith.index_cast %scan3A_291 : i32 to index
      %swap3A_325 = arith.constant 96 : index
      %swap3A_326 = tpu.vector_load %arg15[%swap3A_324, %swap3A_325] {strides = array<i32>} : memref<128x128xf32, #tpu.memory_space<vmem>>, vector<16xf32>,
      tpu.vector_store %arg15[%swap3A_324, %swap3A_325], %broadcast_in_dim3A_323 {strides = array<i32>} : memref<128x128xf32, #tpu.memory_space<vmem>>, vector<16xf32>,
      %broadcast_in_dim3A_327 = arith.constant 0.000000e+00 : f32
      %broadcast_in_dim3A_328 = vector.broadcast %broadcast_in_dim3A_327 : f32 to vector<16xf32>
      %swap3A_329 = arith.index_cast %scan3A_291 : i32 to index
      %swap3A_330 = arith.constant 112 : index
      %swap3A_331 = tpu.vector_load %arg15[%swap3A_329, %swap3A_330] {strides = array<i32>} : memref<128x128xf32, #tpu.memory_space<vmem>>, vector<16xf32>,
      tpu.vector_store %arg15[%swap3A_329, %swap3A_330], %broadcast_in_dim3A_328 {strides = array<i32>} : memref<128x128xf32, #tpu.memory_space<vmem>>, vector<16xf32>,
    }
    %scan3A_8 = arith.constant 128 : i32
    %broadcast_in_dim3A = arith.constant 0.000000e+00 : f32
    %broadcast_in_dim3A_9 = vector.broadcast %broadcast_in_dim3A : f32 to vector<16xf32>
    %swap3A = arith.constant 0 : index
    %swap3A_10 = tpu.vector_load %arg17[%swap3A] {strides = array<i32>} : memref<1024xf32, #tpu.memory_space<vmem>>, vector<16xf32>,
    tpu.vector_store %arg17[%swap3A], %broadcast_in_dim3A_9 {strides = array<i32>} : memref<1024xf32, #tpu.memory_space<vmem>>, vector<16xf32>,
    %broadcast_in_dim3A_11 = arith.constant 0.000000e+00 : f32
    %broadcast_in_dim3A_12 = vector.broadcast %broadcast_in_dim3A_11 : f32 to vector<16xf32>
    %swap3A_13 = arith.constant 16 : index
    %swap3A_14 = tpu.vector_load %arg17[%swap3A_13] {strides = array<i32>} : memref<1024xf32, #tpu.memory_space<vmem>>, vector<16xf32>,
    tpu.vector_store %arg17[%swap3A_13], %broadcast_in_dim3A_12 {strides = array<i32>} : memref<1024xf32, #tpu.memory_space<vmem>>, vector<16xf32>,
    %broadcast_in_dim3A_15 = arith.constant 0.000000e+00 : f32
    %broadcast_in_dim3A_16 = vector.broadcast %broadcast_in_dim3A_15 : f32 to vector<16xf32>
    %swap3A_17 = arith.constant 32 : index
    %swap3A_18 = tpu.vector_load %arg17[%swap3A_17] {strides = array<i32>} : memref<1024xf32, #tpu.memory_space<vmem>>, vector<16xf32>,
    tpu.vector_store %arg17[%swap3A_17], %broadcast_in_dim3A_16 {strides = array<i32>} : memref<1024xf32, #tpu.memory_space<vmem>>, vector<16xf32>,
    %broadcast_in_dim3A_19 = arith.constant 0.000000e+00 : f32
    %broadcast_in_dim3A_20 = vector.broadcast %broadcast_in_dim3A_19 : f32 to vector<16xf32>
    %swap3A_21 = arith.constant 48 : index
    %swap3A_22 = tpu.vector_load %arg17[%swap3A_21] {strides = array<i32>} : memref<1024xf32, #tpu.memory_space<vmem>>, vector<16xf32>,
    tpu.vector_store %arg17[%swap3A_21], %broadcast_in_dim3A_20 {strides = array<i32>} : memref<1024xf32, #tpu.memory_space<vmem>>, vector<16xf32>,
    %broadcast_in_dim3A_23 = arith.constant 0.000000e+00 : f32
    %broadcast_in_dim3A_24 = vector.broadcast %broadcast_in_dim3A_23 : f32 to vector<16xf32>
    %swap3A_25 = arith.constant 64 : index
    %swap3A_26 = tpu.vector_load %arg17[%swap3A_25] {strides = array<i32>} : memref<1024xf32, #tpu.memory_space<vmem>>, vector<16xf32>,
    tpu.vector_store %arg17[%swap3A_25], %broadcast_in_dim3A_24 {strides = array<i32>} : memref<1024xf32, #tpu.memory_space<vmem>>, vector<16xf32>,
    %broadcast_in_dim3A_27 = arith.constant 0.000000e+00 : f32
    %broadcast_in_dim3A_28 = vector.broadcast %broadcast_in_dim3A_27 : f32 to vector<16xf32>
    %swap3A_29 = arith.constant 80 : index
    %swap3A_30 = tpu.vector_load %arg17[%swap3A_29] {strides = array<i32>} : memref<1024xf32, #tpu.memory_space<vmem>>, vector<16xf32>,
    tpu.vector_store %arg17[%swap3A_29], %broadcast_in_dim3A_28 {strides = array<i32>} : memref<1024xf32, #tpu.memory_space<vmem>>, vector<16xf32>,
    %broadcast_in_dim3A_31 = arith.constant 0.000000e+00 : f32
    %broadcast_in_dim3A_32 = vector.broadcast %broadcast_in_dim3A_31 : f32 to vector<16xf32>
    %swap3A_33 = arith.constant 96 : index
    %swap3A_34 = tpu.vector_load %arg17[%swap3A_33] {strides = array<i32>} : memref<1024xf32, #tpu.memory_space<vmem>>, vector<16xf32>,
    tpu.vector_store %arg17[%swap3A_33], %broadcast_in_dim3A_32 {strides = array<i32>} : memref<1024xf32, #tpu.memory_space<vmem>>, vector<16xf32>,
    %broadcast_in_dim3A_35 = arith.constant 0.000000e+00 : f32
    %broadcast_in_dim3A_36 = vector.broadcast %broadcast_in_dim3A_35 : f32 to vector<16xf32>
    %swap3A_37 = arith.constant 112 : index
    %swap3A_38 = tpu.vector_load %arg17[%swap3A_37] {strides = array<i32>} : memref<1024xf32, #tpu.memory_space<vmem>>, vector<16xf32>,
    tpu.vector_store %arg17[%swap3A_37], %broadcast_in_dim3A_36 {strides = array<i32>} : memref<1024xf32, #tpu.memory_space<vmem>>, vector<16xf32>,
    %broadcast_in_dim3A_39 = arith.constant 0.000000e+00 : f32
    %broadcast_in_dim3A_40 = vector.broadcast %broadcast_in_dim3A_39 : f32 to vector<16xf32>
    %swap3A_41 = arith.constant 128 : index
    %swap3A_42 = tpu.vector_load %arg17[%swap3A_41] {strides = array<i32>} : memref<1024xf32, #tpu.memory_space<vmem>>, vector<16xf32>,
    tpu.vector_store %arg17[%swap3A_41], %broadcast_in_dim3A_40 {strides = array<i32>} : memref<1024xf32, #tpu.memory_space<vmem>>, vector<16xf32>,
    %broadcast_in_dim3A_43 = arith.constant 0.000000e+00 : f32
    %broadcast_in_dim3A_44 = vector.broadcast %broadcast_in_dim3A_43 : f32 to vector<16xf32>
    %swap3A_45 = arith.constant 144 : index
    %swap3A_46 = tpu.vector_load %arg17[%swap3A_45] {strides = array<i32>} : memref<1024xf32, #tpu.memory_space<vmem>>, vector<16xf32>,
    tpu.vector_store %arg17[%swap3A_45], %broadcast_in_dim3A_44 {strides = array<i32>} : memref<1024xf32, #tpu.memory_space<vmem>>, vector<16xf32>,
    %broadcast_in_dim3A_47 = arith.constant 0.000000e+00 : f32
    %broadcast_in_dim3A_48 = vector.broadcast %broadcast_in_dim3A_47 : f32 to vector<16xf32>
    %swap3A_49 = arith.constant 160 : index
    %swap3A_50 = tpu.vector_load %arg17[%swap3A_49] {strides = array<i32>} : memref<1024xf32, #tpu.memory_space<vmem>>, vector<16xf32>,
    tpu.vector_store %arg17[%swap3A_49], %broadcast_in_dim3A_48 {strides = array<i32>} : memref<1024xf32, #tpu.memory_space<vmem>>, vector<16xf32>,
    %broadcast_in_dim3A_51 = arith.constant 0.000000e+00 : f32
    %broadcast_in_dim3A_52 = vector.broadcast %broadcast_in_dim3A_51 : f32 to vector<16xf32>
    %swap3A_53 = arith.constant 176 : index
    %swap3A_54 = tpu.vector_load %arg17[%swap3A_53] {strides = array<i32>} : memref<1024xf32, #tpu.memory_space<vmem>>, vector<16xf32>,
    tpu.vector_store %arg17[%swap3A_53], %broadcast_in_dim3A_52 {strides = array<i32>} : memref<1024xf32, #tpu.memory_space<vmem>>, vector<16xf32>,
    %broadcast_in_dim3A_55 = arith.constant 0.000000e+00 : f32
    %broadcast_in_dim3A_56 = vector.broadcast %broadcast_in_dim3A_55 : f32 to vector<16xf32>
    %swap3A_57 = arith.constant 192 : index
    %swap3A_58 = tpu.vector_load %arg17[%swap3A_57] {strides = array<i32>} : memref<1024xf32, #tpu.memory_space<vmem>>, vector<16xf32>,
    tpu.vector_store %arg17[%swap3A_57], %broadcast_in_dim3A_56 {strides = array<i32>} : memref<1024xf32, #tpu.memory_space<vmem>>, vector<16xf32>,
    %broadcast_in_dim3A_59 = arith.constant 0.000000e+00 : f32
    %broadcast_in_dim3A_60 = vector.broadcast %broadcast_in_dim3A_59 : f32 to vector<16xf32>
    %swap3A_61 = arith.constant 208 : index
    %swap3A_62 = tpu.vector_load %arg17[%swap3A_61] {strides = array<i32>} : memref<1024xf32, #tpu.memory_space<vmem>>, vector<16xf32>,
    tpu.vector_store %arg17[%swap3A_61], %broadcast_in_dim3A_60 {strides = array<i32>} : memref<1024xf32, #tpu.memory_space<vmem>>, vector<16xf32>,
    %broadcast_in_dim3A_63 = arith.constant 0.000000e+00 : f32
    %broadcast_in_dim3A_64 = vector.broadcast %broadcast_in_dim3A_63 : f32 to vector<16xf32>
    %swap3A_65 = arith.constant 224 : index
    %swap3A_66 = tpu.vector_load %arg17[%swap3A_65] {strides = array<i32>} : memref<1024xf32, #tpu.memory_space<vmem>>, vector<16xf32>,
    tpu.vector_store %arg17[%swap3A_65], %broadcast_in_dim3A_64 {strides = array<i32>} : memref<1024xf32, #tpu.memory_space<vmem>>, vector<16xf32>,
    %broadcast_in_dim3A_67 = arith.constant 0.000000e+00 : f32
    %broadcast_in_dim3A_68 = vector.broadcast %broadcast_in_dim3A_67 : f32 to vector<16xf32>
    %swap3A_69 = arith.constant 240 : index
    %swap3A_70 = tpu.vector_load %arg17[%swap3A_69] {strides = array<i32>} : memref<1024xf32, #tpu.memory_space<vmem>>, vector<16xf32>,
    tpu.vector_store %arg17[%swap3A_69], %broadcast_in_dim3A_68 {strides = array<i32>} : memref<1024xf32, #tpu.memory_space<vmem>>, vector<16xf32>,
    %broadcast_in_dim3A_71 = arith.constant 0.000000e+00 : f32
    %broadcast_in_dim3A_72 = vector.broadcast %broadcast_in_dim3A_71 : f32 to vector<16xf32>
    %swap3A_73 = arith.constant 256 : index
    %swap3A_74 = tpu.vector_load %arg17[%swap3A_73] {strides = array<i32>} : memref<1024xf32, #tpu.memory_space<vmem>>, vector<16xf32>,
    tpu.vector_store %arg17[%swap3A_73], %broadcast_in_dim3A_72 {strides = array<i32>} : memref<1024xf32, #tpu.memory_space<vmem>>, vector<16xf32>,
    %broadcast_in_dim3A_75 = arith.constant 0.000000e+00 : f32
    %broadcast_in_dim3A_76 = vector.broadcast %broadcast_in_dim3A_75 : f32 to vector<16xf32>
    %swap3A_77 = arith.constant 272 : index
    %swap3A_78 = tpu.vector_load %arg17[%swap3A_77] {strides = array<i32>} : memref<1024xf32, #tpu.memory_space<vmem>>, vector<16xf32>,
    tpu.vector_store %arg17[%swap3A_77], %broadcast_in_dim3A_76 {strides = array<i32>} : memref<1024xf32, #tpu.memory_space<vmem>>, vector<16xf32>,
    %broadcast_in_dim3A_79 = arith.constant 0.000000e+00 : f32
    %broadcast_in_dim3A_80 = vector.broadcast %broadcast_in_dim3A_79 : f32 to vector<16xf32>
    %swap3A_81 = arith.constant 288 : index
    %swap3A_82 = tpu.vector_load %arg17[%swap3A_81] {strides = array<i32>} : memref<1024xf32, #tpu.memory_space<vmem>>, vector<16xf32>,
    tpu.vector_store %arg17[%swap3A_81], %broadcast_in_dim3A_80 {strides = array<i32>} : memref<1024xf32, #tpu.memory_space<vmem>>, vector<16xf32>,
    %broadcast_in_dim3A_83 = arith.constant 0.000000e+00 : f32
    %broadcast_in_dim3A_84 = vector.broadcast %broadcast_in_dim3A_83 : f32 to vector<16xf32>
    %swap3A_85 = arith.constant 304 : index
    %swap3A_86 = tpu.vector_load %arg17[%swap3A_85] {strides = array<i32>} : memref<1024xf32, #tpu.memory_space<vmem>>, vector<16xf32>,
    tpu.vector_store %arg17[%swap3A_85], %broadcast_in_dim3A_84 {strides = array<i32>} : memref<1024xf32, #tpu.memory_space<vmem>>, vector<16xf32>,
    %broadcast_in_dim3A_87 = arith.constant 0.000000e+00 : f32
    %broadcast_in_dim3A_88 = vector.broadcast %broadcast_in_dim3A_87 : f32 to vector<16xf32>
    %swap3A_89 = arith.constant 320 : index
    %swap3A_90 = tpu.vector_load %arg17[%swap3A_89] {strides = array<i32>} : memref<1024xf32, #tpu.memory_space<vmem>>, vector<16xf32>,
    tpu.vector_store %arg17[%swap3A_89], %broadcast_in_dim3A_88 {strides = array<i32>} : memref<1024xf32, #tpu.memory_space<vmem>>, vector<16xf32>,
    %broadcast_in_dim3A_91 = arith.constant 0.000000e+00 : f32
    %broadcast_in_dim3A_92 = vector.broadcast %broadcast_in_dim3A_91 : f32 to vector<16xf32>
    %swap3A_93 = arith.constant 336 : index
    %swap3A_94 = tpu.vector_load %arg17[%swap3A_93] {strides = array<i32>} : memref<1024xf32, #tpu.memory_space<vmem>>, vector<16xf32>,
    tpu.vector_store %arg17[%swap3A_93], %broadcast_in_dim3A_92 {strides = array<i32>} : memref<1024xf32, #tpu.memory_space<vmem>>, vector<16xf32>,
    %broadcast_in_dim3A_95 = arith.constant 0.000000e+00 : f32
    %broadcast_in_dim3A_96 = vector.broadcast %broadcast_in_dim3A_95 : f32 to vector<16xf32>
    %swap3A_97 = arith.constant 352 : index
    %swap3A_98 = tpu.vector_load %arg17[%swap3A_97] {strides = array<i32>} : memref<1024xf32, #tpu.memory_space<vmem>>, vector<16xf32>,
    tpu.vector_store %arg17[%swap3A_97], %broadcast_in_dim3A_96 {strides = array<i32>} : memref<1024xf32, #tpu.memory_space<vmem>>, vector<16xf32>,
    %broadcast_in_dim3A_99 = arith.constant 0.000000e+00 : f32
    %broadcast_in_dim3A_100 = vector.broadcast %broadcast_in_dim3A_99 : f32 to vector<16xf32>
    %swap3A_101 = arith.constant 368 : index
    %swap3A_102 = tpu.vector_load %arg17[%swap3A_101] {strides = array<i32>} : memref<1024xf32, #tpu.memory_space<vmem>>, vector<16xf32>,
    tpu.vector_store %arg17[%swap3A_101], %broadcast_in_dim3A_100 {strides = array<i32>} : memref<1024xf32, #tpu.memory_space<vmem>>, vector<16xf32>,
    %broadcast_in_dim3A_103 = arith.constant 0.000000e+00 : f32
    %broadcast_in_dim3A_104 = vector.broadcast %broadcast_in_dim3A_103 : f32 to vector<16xf32>
    %swap3A_105 = arith.constant 384 : index
    %swap3A_106 = tpu.vector_load %arg17[%swap3A_105] {strides = array<i32>} : memref<1024xf32, #tpu.memory_space<vmem>>, vector<16xf32>,
    tpu.vector_store %arg17[%swap3A_105], %broadcast_in_dim3A_104 {strides = array<i32>} : memref<1024xf32, #tpu.memory_space<vmem>>, vector<16xf32>,
    %broadcast_in_dim3A_107 = arith.constant 0.000000e+00 : f32
    %broadcast_in_dim3A_108 = vector.broadcast %broadcast_in_dim3A_107 : f32 to vector<16xf32>
    %swap3A_109 = arith.constant 400 : index
    %swap3A_110 = tpu.vector_load %arg17[%swap3A_109] {strides = array<i32>} : memref<1024xf32, #tpu.memory_space<vmem>>, vector<16xf32>,
    tpu.vector_store %arg17[%swap3A_109], %broadcast_in_dim3A_108 {strides = array<i32>} : memref<1024xf32, #tpu.memory_space<vmem>>, vector<16xf32>,
    %broadcast_in_dim3A_111 = arith.constant 0.000000e+00 : f32
    %broadcast_in_dim3A_112 = vector.broadcast %broadcast_in_dim3A_111 : f32 to vector<16xf32>
    %swap3A_113 = arith.constant 416 : index
    %swap3A_114 = tpu.vector_load %arg17[%swap3A_113] {strides = array<i32>} : memref<1024xf32, #tpu.memory_space<vmem>>, vector<16xf32>,
    tpu.vector_store %arg17[%swap3A_113], %broadcast_in_dim3A_112 {strides = array<i32>} : memref<1024xf32, #tpu.memory_space<vmem>>, vector<16xf32>,
    %broadcast_in_dim3A_115 = arith.constant 0.000000e+00 : f32
    %broadcast_in_dim3A_116 = vector.broadcast %broadcast_in_dim3A_115 : f32 to vector<16xf32>
    %swap3A_117 = arith.constant 432 : index
    %swap3A_118 = tpu.vector_load %arg17[%swap3A_117] {strides = array<i32>} : memref<1024xf32, #tpu.memory_space<vmem>>, vector<16xf32>,
    tpu.vector_store %arg17[%swap3A_117], %broadcast_in_dim3A_116 {strides = array<i32>} : memref<1024xf32, #tpu.memory_space<vmem>>, vector<16xf32>,
    %broadcast_in_dim3A_119 = arith.constant 0.000000e+00 : f32
    %broadcast_in_dim3A_120 = vector.broadcast %broadcast_in_dim3A_119 : f32 to vector<16xf32>
    %swap3A_121 = arith.constant 448 : index
    %swap3A_122 = tpu.vector_load %arg17[%swap3A_121] {strides = array<i32>} : memref<1024xf32, #tpu.memory_space<vmem>>, vector<16xf32>,
    tpu.vector_store %arg17[%swap3A_121], %broadcast_in_dim3A_120 {strides = array<i32>} : memref<1024xf32, #tpu.memory_space<vmem>>, vector<16xf32>,
    %broadcast_in_dim3A_123 = arith.constant 0.000000e+00 : f32
    %broadcast_in_dim3A_124 = vector.broadcast %broadcast_in_dim3A_123 : f32 to vector<16xf32>
    %swap3A_125 = arith.constant 464 : index
    %swap3A_126 = tpu.vector_load %arg17[%swap3A_125] {strides = array<i32>} : memref<1024xf32, #tpu.memory_space<vmem>>, vector<16xf32>,
    tpu.vector_store %arg17[%swap3A_125], %broadcast_in_dim3A_124 {strides = array<i32>} : memref<1024xf32, #tpu.memory_space<vmem>>, vector<16xf32>,
    %broadcast_in_dim3A_127 = arith.constant 0.000000e+00 : f32
    %broadcast_in_dim3A_128 = vector.broadcast %broadcast_in_dim3A_127 : f32 to vector<16xf32>
    %swap3A_129 = arith.constant 480 : index
    %swap3A_130 = tpu.vector_load %arg17[%swap3A_129] {strides = array<i32>} : memref<1024xf32, #tpu.memory_space<vmem>>, vector<16xf32>,
    tpu.vector_store %arg17[%swap3A_129], %broadcast_in_dim3A_128 {strides = array<i32>} : memref<1024xf32, #tpu.memory_space<vmem>>, vector<16xf32>,
    %broadcast_in_dim3A_131 = arith.constant 0.000000e+00 : f32
    %broadcast_in_dim3A_132 = vector.broadcast %broadcast_in_dim3A_131 : f32 to vector<16xf32>
    %swap3A_133 = arith.constant 496 : index
    %swap3A_134 = tpu.vector_load %arg17[%swap3A_133] {strides = array<i32>} : memref<1024xf32, #tpu.memory_space<vmem>>, vector<16xf32>,
    tpu.vector_store %arg17[%swap3A_133], %broadcast_in_dim3A_132 {strides = array<i32>} : memref<1024xf32, #tpu.memory_space<vmem>>, vector<16xf32>,
    %broadcast_in_dim3A_135 = arith.constant 0.000000e+00 : f32
    %broadcast_in_dim3A_136 = vector.broadcast %broadcast_in_dim3A_135 : f32 to vector<16xf32>
    %swap3A_137 = arith.constant 512 : index
    %swap3A_138 = tpu.vector_load %arg17[%swap3A_137] {strides = array<i32>} : memref<1024xf32, #tpu.memory_space<vmem>>, vector<16xf32>,
    tpu.vector_store %arg17[%swap3A_137], %broadcast_in_dim3A_136 {strides = array<i32>} : memref<1024xf32, #tpu.memory_space<vmem>>, vector<16xf32>,
    %broadcast_in_dim3A_139 = arith.constant 0.000000e+00 : f32
    %broadcast_in_dim3A_140 = vector.broadcast %broadcast_in_dim3A_139 : f32 to vector<16xf32>
    %swap3A_141 = arith.constant 528 : index
    %swap3A_142 = tpu.vector_load %arg17[%swap3A_141] {strides = array<i32>} : memref<1024xf32, #tpu.memory_space<vmem>>, vector<16xf32>,
    tpu.vector_store %arg17[%swap3A_141], %broadcast_in_dim3A_140 {strides = array<i32>} : memref<1024xf32, #tpu.memory_space<vmem>>, vector<16xf32>,
    %broadcast_in_dim3A_143 = arith.constant 0.000000e+00 : f32
    %broadcast_in_dim3A_144 = vector.broadcast %broadcast_in_dim3A_143 : f32 to vector<16xf32>
    %swap3A_145 = arith.constant 544 : index
    %swap3A_146 = tpu.vector_load %arg17[%swap3A_145] {strides = array<i32>} : memref<1024xf32, #tpu.memory_space<vmem>>, vector<16xf32>,
    tpu.vector_store %arg17[%swap3A_145], %broadcast_in_dim3A_144 {strides = array<i32>} : memref<1024xf32, #tpu.memory_space<vmem>>, vector<16xf32>,
    %broadcast_in_dim3A_147 = arith.constant 0.000000e+00 : f32
    %broadcast_in_dim3A_148 = vector.broadcast %broadcast_in_dim3A_147 : f32 to vector<16xf32>
    %swap3A_149 = arith.constant 560 : index
    %swap3A_150 = tpu.vector_load %arg17[%swap3A_149] {strides = array<i32>} : memref<1024xf32, #tpu.memory_space<vmem>>, vector<16xf32>,
    tpu.vector_store %arg17[%swap3A_149], %broadcast_in_dim3A_148 {strides = array<i32>} : memref<1024xf32, #tpu.memory_space<vmem>>, vector<16xf32>,
    %broadcast_in_dim3A_151 = arith.constant 0.000000e+00 : f32
    %broadcast_in_dim3A_152 = vector.broadcast %broadcast_in_dim3A_151 : f32 to vector<16xf32>
    %swap3A_153 = arith.constant 576 : index
    %swap3A_154 = tpu.vector_load %arg17[%swap3A_153] {strides = array<i32>} : memref<1024xf32, #tpu.memory_space<vmem>>, vector<16xf32>,
    tpu.vector_store %arg17[%swap3A_153], %broadcast_in_dim3A_152 {strides = array<i32>} : memref<1024xf32, #tpu.memory_space<vmem>>, vector<16xf32>,
    %broadcast_in_dim3A_155 = arith.constant 0.000000e+00 : f32
    %broadcast_in_dim3A_156 = vector.broadcast %broadcast_in_dim3A_155 : f32 to vector<16xf32>
    %swap3A_157 = arith.constant 592 : index
    %swap3A_158 = tpu.vector_load %arg17[%swap3A_157] {strides = array<i32>} : memref<1024xf32, #tpu.memory_space<vmem>>, vector<16xf32>,
    tpu.vector_store %arg17[%swap3A_157], %broadcast_in_dim3A_156 {strides = array<i32>} : memref<1024xf32, #tpu.memory_space<vmem>>, vector<16xf32>,
    %broadcast_in_dim3A_159 = arith.constant 0.000000e+00 : f32
    %broadcast_in_dim3A_160 = vector.broadcast %broadcast_in_dim3A_159 : f32 to vector<16xf32>
    %swap3A_161 = arith.constant 608 : index
    %swap3A_162 = tpu.vector_load %arg17[%swap3A_161] {strides = array<i32>} : memref<1024xf32, #tpu.memory_space<vmem>>, vector<16xf32>,
    tpu.vector_store %arg17[%swap3A_161], %broadcast_in_dim3A_160 {strides = array<i32>} : memref<1024xf32, #tpu.memory_space<vmem>>, vector<16xf32>,
    %broadcast_in_dim3A_163 = arith.constant 0.000000e+00 : f32
    %broadcast_in_dim3A_164 = vector.broadcast %broadcast_in_dim3A_163 : f32 to vector<16xf32>
    %swap3A_165 = arith.constant 624 : index
    %swap3A_166 = tpu.vector_load %arg17[%swap3A_165] {strides = array<i32>} : memref<1024xf32, #tpu.memory_space<vmem>>, vector<16xf32>,
    tpu.vector_store %arg17[%swap3A_165], %broadcast_in_dim3A_164 {strides = array<i32>} : memref<1024xf32, #tpu.memory_space<vmem>>, vector<16xf32>,
    %broadcast_in_dim3A_167 = arith.constant 0.000000e+00 : f32
    %broadcast_in_dim3A_168 = vector.broadcast %broadcast_in_dim3A_167 : f32 to vector<16xf32>
    %swap3A_169 = arith.constant 640 : index
    %swap3A_170 = tpu.vector_load %arg17[%swap3A_169] {strides = array<i32>} : memref<1024xf32, #tpu.memory_space<vmem>>, vector<16xf32>,
    tpu.vector_store %arg17[%swap3A_169], %broadcast_in_dim3A_168 {strides = array<i32>} : memref<1024xf32, #tpu.memory_space<vmem>>, vector<16xf32>,
    %broadcast_in_dim3A_171 = arith.constant 0.000000e+00 : f32
    %broadcast_in_dim3A_172 = vector.broadcast %broadcast_in_dim3A_171 : f32 to vector<16xf32>
    %swap3A_173 = arith.constant 656 : index
    %swap3A_174 = tpu.vector_load %arg17[%swap3A_173] {strides = array<i32>} : memref<1024xf32, #tpu.memory_space<vmem>>, vector<16xf32>,
    tpu.vector_store %arg17[%swap3A_173], %broadcast_in_dim3A_172 {strides = array<i32>} : memref<1024xf32, #tpu.memory_space<vmem>>, vector<16xf32>,
    %broadcast_in_dim3A_175 = arith.constant 0.000000e+00 : f32
    %broadcast_in_dim3A_176 = vector.broadcast %broadcast_in_dim3A_175 : f32 to vector<16xf32>
    %swap3A_177 = arith.constant 672 : index
    %swap3A_178 = tpu.vector_load %arg17[%swap3A_177] {strides = array<i32>} : memref<1024xf32, #tpu.memory_space<vmem>>, vector<16xf32>,
    tpu.vector_store %arg17[%swap3A_177], %broadcast_in_dim3A_176 {strides = array<i32>} : memref<1024xf32, #tpu.memory_space<vmem>>, vector<16xf32>,
    %broadcast_in_dim3A_179 = arith.constant 0.000000e+00 : f32
    %broadcast_in_dim3A_180 = vector.broadcast %broadcast_in_dim3A_179 : f32 to vector<16xf32>
    %swap3A_181 = arith.constant 688 : index
    %swap3A_182 = tpu.vector_load %arg17[%swap3A_181] {strides = array<i32>} : memref<1024xf32, #tpu.memory_space<vmem>>, vector<16xf32>,
    tpu.vector_store %arg17[%swap3A_181], %broadcast_in_dim3A_180 {strides = array<i32>} : memref<1024xf32, #tpu.memory_space<vmem>>, vector<16xf32>,
    %broadcast_in_dim3A_183 = arith.constant 0.000000e+00 : f32
    %broadcast_in_dim3A_184 = vector.broadcast %broadcast_in_dim3A_183 : f32 to vector<16xf32>
    %swap3A_185 = arith.constant 704 : index
    %swap3A_186 = tpu.vector_load %arg17[%swap3A_185] {strides = array<i32>} : memref<1024xf32, #tpu.memory_space<vmem>>, vector<16xf32>,
    tpu.vector_store %arg17[%swap3A_185], %broadcast_in_dim3A_184 {strides = array<i32>} : memref<1024xf32, #tpu.memory_space<vmem>>, vector<16xf32>,
    %broadcast_in_dim3A_187 = arith.constant 0.000000e+00 : f32
    %broadcast_in_dim3A_188 = vector.broadcast %broadcast_in_dim3A_187 : f32 to vector<16xf32>
    %swap3A_189 = arith.constant 720 : index
    %swap3A_190 = tpu.vector_load %arg17[%swap3A_189] {strides = array<i32>} : memref<1024xf32, #tpu.memory_space<vmem>>, vector<16xf32>,
    tpu.vector_store %arg17[%swap3A_189], %broadcast_in_dim3A_188 {strides = array<i32>} : memref<1024xf32, #tpu.memory_space<vmem>>, vector<16xf32>,
    %broadcast_in_dim3A_191 = arith.constant 0.000000e+00 : f32
    %broadcast_in_dim3A_192 = vector.broadcast %broadcast_in_dim3A_191 : f32 to vector<16xf32>
    %swap3A_193 = arith.constant 736 : index
    %swap3A_194 = tpu.vector_load %arg17[%swap3A_193] {strides = array<i32>} : memref<1024xf32, #tpu.memory_space<vmem>>, vector<16xf32>,
    tpu.vector_store %arg17[%swap3A_193], %broadcast_in_dim3A_192 {strides = array<i32>} : memref<1024xf32, #tpu.memory_space<vmem>>, vector<16xf32>,
    %broadcast_in_dim3A_195 = arith.constant 0.000000e+00 : f32
    %broadcast_in_dim3A_196 = vector.broadcast %broadcast_in_dim3A_195 : f32 to vector<16xf32>
    %swap3A_197 = arith.constant 752 : index
    %swap3A_198 = tpu.vector_load %arg17[%swap3A_197] {strides = array<i32>} : memref<1024xf32, #tpu.memory_space<vmem>>, vector<16xf32>,
    tpu.vector_store %arg17[%swap3A_197], %broadcast_in_dim3A_196 {strides = array<i32>} : memref<1024xf32, #tpu.memory_space<vmem>>, vector<16xf32>,
    %broadcast_in_dim3A_199 = arith.constant 0.000000e+00 : f32
    %broadcast_in_dim3A_200 = vector.broadcast %broadcast_in_dim3A_199 : f32 to vector<16xf32>
    %swap3A_201 = arith.constant 768 : index
    %swap3A_202 = tpu.vector_load %arg17[%swap3A_201] {strides = array<i32>} : memref<1024xf32, #tpu.memory_space<vmem>>, vector<16xf32>,
    tpu.vector_store %arg17[%swap3A_201], %broadcast_in_dim3A_200 {strides = array<i32>} : memref<1024xf32, #tpu.memory_space<vmem>>, vector<16xf32>,
    %broadcast_in_dim3A_203 = arith.constant 0.000000e+00 : f32
    %broadcast_in_dim3A_204 = vector.broadcast %broadcast_in_dim3A_203 : f32 to vector<16xf32>
    %swap3A_205 = arith.constant 784 : index
    %swap3A_206 = tpu.vector_load %arg17[%swap3A_205] {strides = array<i32>} : memref<1024xf32, #tpu.memory_space<vmem>>, vector<16xf32>,
    tpu.vector_store %arg17[%swap3A_205], %broadcast_in_dim3A_204 {strides = array<i32>} : memref<1024xf32, #tpu.memory_space<vmem>>, vector<16xf32>,
    %broadcast_in_dim3A_207 = arith.constant 0.000000e+00 : f32
    %broadcast_in_dim3A_208 = vector.broadcast %broadcast_in_dim3A_207 : f32 to vector<16xf32>
    %swap3A_209 = arith.constant 800 : index
    %swap3A_210 = tpu.vector_load %arg17[%swap3A_209] {strides = array<i32>} : memref<1024xf32, #tpu.memory_space<vmem>>, vector<16xf32>,
    tpu.vector_store %arg17[%swap3A_209], %broadcast_in_dim3A_208 {strides = array<i32>} : memref<1024xf32, #tpu.memory_space<vmem>>, vector<16xf32>,
    %broadcast_in_dim3A_211 = arith.constant 0.000000e+00 : f32
    %broadcast_in_dim3A_212 = vector.broadcast %broadcast_in_dim3A_211 : f32 to vector<16xf32>
    %swap3A_213 = arith.constant 816 : index
    %swap3A_214 = tpu.vector_load %arg17[%swap3A_213] {strides = array<i32>} : memref<1024xf32, #tpu.memory_space<vmem>>, vector<16xf32>,
    tpu.vector_store %arg17[%swap3A_213], %broadcast_in_dim3A_212 {strides = array<i32>} : memref<1024xf32, #tpu.memory_space<vmem>>, vector<16xf32>,
    %broadcast_in_dim3A_215 = arith.constant 0.000000e+00 : f32
    %broadcast_in_dim3A_216 = vector.broadcast %broadcast_in_dim3A_215 : f32 to vector<16xf32>
    %swap3A_217 = arith.constant 832 : index
    %swap3A_218 = tpu.vector_load %arg17[%swap3A_217] {strides = array<i32>} : memref<1024xf32, #tpu.memory_space<vmem>>, vector<16xf32>,
    tpu.vector_store %arg17[%swap3A_217], %broadcast_in_dim3A_216 {strides = array<i32>} : memref<1024xf32, #tpu.memory_space<vmem>>, vector<16xf32>,
    %broadcast_in_dim3A_219 = arith.constant 0.000000e+00 : f32
    %broadcast_in_dim3A_220 = vector.broadcast %broadcast_in_dim3A_219 : f32 to vector<16xf32>
    %swap3A_221 = arith.constant 848 : index
    %swap3A_222 = tpu.vector_load %arg17[%swap3A_221] {strides = array<i32>} : memref<1024xf32, #tpu.memory_space<vmem>>, vector<16xf32>,
    tpu.vector_store %arg17[%swap3A_221], %broadcast_in_dim3A_220 {strides = array<i32>} : memref<1024xf32, #tpu.memory_space<vmem>>, vector<16xf32>,
    %broadcast_in_dim3A_223 = arith.constant 0.000000e+00 : f32
    %broadcast_in_dim3A_224 = vector.broadcast %broadcast_in_dim3A_223 : f32 to vector<16xf32>
    %swap3A_225 = arith.constant 864 : index
    %swap3A_226 = tpu.vector_load %arg17[%swap3A_225] {strides = array<i32>} : memref<1024xf32, #tpu.memory_space<vmem>>, vector<16xf32>,
    tpu.vector_store %arg17[%swap3A_225], %broadcast_in_dim3A_224 {strides = array<i32>} : memref<1024xf32, #tpu.memory_space<vmem>>, vector<16xf32>,
    %broadcast_in_dim3A_227 = arith.constant 0.000000e+00 : f32
    %broadcast_in_dim3A_228 = vector.broadcast %broadcast_in_dim3A_227 : f32 to vector<16xf32>
    %swap3A_229 = arith.constant 880 : index
    %swap3A_230 = tpu.vector_load %arg17[%swap3A_229] {strides = array<i32>} : memref<1024xf32, #tpu.memory_space<vmem>>, vector<16xf32>,
    tpu.vector_store %arg17[%swap3A_229], %broadcast_in_dim3A_228 {strides = array<i32>} : memref<1024xf32, #tpu.memory_space<vmem>>, vector<16xf32>,
    %broadcast_in_dim3A_231 = arith.constant 0.000000e+00 : f32
    %broadcast_in_dim3A_232 = vector.broadcast %broadcast_in_dim3A_231 : f32 to vector<16xf32>
    %swap3A_233 = arith.constant 896 : index
    %swap3A_234 = tpu.vector_load %arg17[%swap3A_233] {strides = array<i32>} : memref<1024xf32, #tpu.memory_space<vmem>>, vector<16xf32>,
    tpu.vector_store %arg17[%swap3A_233], %broadcast_in_dim3A_232 {strides = array<i32>} : memref<1024xf32, #tpu.memory_space<vmem>>, vector<16xf32>,
    %broadcast_in_dim3A_235 = arith.constant 0.000000e+00 : f32
    %broadcast_in_dim3A_236 = vector.broadcast %broadcast_in_dim3A_235 : f32 to vector<16xf32>
    %swap3A_237 = arith.constant 912 : index
    %swap3A_238 = tpu.vector_load %arg17[%swap3A_237] {strides = array<i32>} : memref<1024xf32, #tpu.memory_space<vmem>>, vector<16xf32>,
    tpu.vector_store %arg17[%swap3A_237], %broadcast_in_dim3A_236 {strides = array<i32>} : memref<1024xf32, #tpu.memory_space<vmem>>, vector<16xf32>,
    %broadcast_in_dim3A_239 = arith.constant 0.000000e+00 : f32
    %broadcast_in_dim3A_240 = vector.broadcast %broadcast_in_dim3A_239 : f32 to vector<16xf32>
    %swap3A_241 = arith.constant 928 : index
    %swap3A_242 = tpu.vector_load %arg17[%swap3A_241] {strides = array<i32>} : memref<1024xf32, #tpu.memory_space<vmem>>, vector<16xf32>,
    tpu.vector_store %arg17[%swap3A_241], %broadcast_in_dim3A_240 {strides = array<i32>} : memref<1024xf32, #tpu.memory_space<vmem>>, vector<16xf32>,
    %broadcast_in_dim3A_243 = arith.constant 0.000000e+00 : f32
    %broadcast_in_dim3A_244 = vector.broadcast %broadcast_in_dim3A_243 : f32 to vector<16xf32>
    %swap3A_245 = arith.constant 944 : index
    %swap3A_246 = tpu.vector_load %arg17[%swap3A_245] {strides = array<i32>} : memref<1024xf32, #tpu.memory_space<vmem>>, vector<16xf32>,
    tpu.vector_store %arg17[%swap3A_245], %broadcast_in_dim3A_244 {strides = array<i32>} : memref<1024xf32, #tpu.memory_space<vmem>>, vector<16xf32>,
    %broadcast_in_dim3A_247 = arith.constant 0.000000e+00 : f32
    %broadcast_in_dim3A_248 = vector.broadcast %broadcast_in_dim3A_247 : f32 to vector<16xf32>
    %swap3A_249 = arith.constant 960 : index
    %swap3A_250 = tpu.vector_load %arg17[%swap3A_249] {strides = array<i32>} : memref<1024xf32, #tpu.memory_space<vmem>>, vector<16xf32>,
    tpu.vector_store %arg17[%swap3A_249], %broadcast_in_dim3A_248 {strides = array<i32>} : memref<1024xf32, #tpu.memory_space<vmem>>, vector<16xf32>,
    %broadcast_in_dim3A_251 = arith.constant 0.000000e+00 : f32
    %broadcast_in_dim3A_252 = vector.broadcast %broadcast_in_dim3A_251 : f32 to vector<16xf32>
    %swap3A_253 = arith.constant 976 : index
    %swap3A_254 = tpu.vector_load %arg17[%swap3A_253] {strides = array<i32>} : memref<1024xf32, #tpu.memory_space<vmem>>, vector<16xf32>,
    tpu.vector_store %arg17[%swap3A_253], %broadcast_in_dim3A_252 {strides = array<i32>} : memref<1024xf32, #tpu.memory_space<vmem>>, vector<16xf32>,
    %broadcast_in_dim3A_255 = arith.constant 0.000000e+00 : f32
    %broadcast_in_dim3A_256 = vector.broadcast %broadcast_in_dim3A_255 : f32 to vector<16xf32>
    %swap3A_257 = arith.constant 992 : index
    %swap3A_258 = tpu.vector_load %arg17[%swap3A_257] {strides = array<i32>} : memref<1024xf32, #tpu.memory_space<vmem>>, vector<16xf32>,
    tpu.vector_store %arg17[%swap3A_257], %broadcast_in_dim3A_256 {strides = array<i32>} : memref<1024xf32, #tpu.memory_space<vmem>>, vector<16xf32>,
    %broadcast_in_dim3A_259 = arith.constant 0.000000e+00 : f32
    %broadcast_in_dim3A_260 = vector.broadcast %broadcast_in_dim3A_259 : f32 to vector<16xf32>
    %swap3A_261 = arith.constant 1008 : index
    %swap3A_262 = tpu.vector_load %arg17[%swap3A_261] {strides = array<i32>} : memref<1024xf32, #tpu.memory_space<vmem>>, vector<16xf32>,
    tpu.vector_store %arg17[%swap3A_261], %broadcast_in_dim3A_260 {strides = array<i32>} : memref<1024xf32, #tpu.memory_space<vmem>>, vector<16xf32>,
    %scan3A_263 = arith.constant 0 : i32
    %scan3A_264 = arith.constant 0 : i32
    %scan3A_265 = arith.constant 5 : i32
    %scan3A_266 = arith.addi %scan3A_264, %scan3A_265 : i32
    %scan3A_267 = arith.constant 1 : i32
    scf.for %scan3A_291 = %scan3A_264 to %scan3A_266 step %scan3A_267  : i32 {
      %mul3A_292 = arith.constant 640 : i32
      %mul3A_293 = arith.muli %arg1, %mul3A_292 : i32
      %mul3A_294 = arith.constant 128 : i32
      %mul3A_295 = arith.muli %scan3A_291, %mul3A_294 : i32
      %add3A_296 = arith.addi %mul3A_293, %mul3A_295 : i32
      "tpu.region"() ({
        %run_scoped3A = tpu.sem_alloc : memref<!tpu.dma_semaphore, #tpu.memory_space<semaphore_mem>>
        %dma_start3A = arith.constant 0 : i32
        %dma_start3A_297 = tpu.memref_slice %arg18[%add3A_296, %dma_start3A] : memref<10240x128xf32, #tpu.memory_space<vmem_shared>> -> memref<128x128xf32, #tpu.memory_space<vmem_shared>>
        %dma_start3A_298 = arith.constant 0 : i32
        %dma_start3A_299 = tpu.memref_slice %arg18[%add3A_296, %dma_start3A_298] : memref<10240x128xf32, #tpu.memory_space<vmem_shared>> -> memref<128x128xf32, #tpu.memory_space<vmem_shared>>
        tpu.enqueue_dma source(%arg15 : memref<128x128xf32, #tpu.memory_space<vmem>>) target(%dma_start3A_299 : memref<128x128xf32, #tpu.memory_space<vmem_shared>>) target_semaphore(%run_scoped3A : memref<!tpu.dma_semaphore, #tpu.memory_space<semaphore_mem>>)
        %dma_wait3A = arith.constant 0 : i32
        %dma_wait3A_300 = tpu.memref_slice %arg18[%add3A_296, %dma_wait3A] : memref<10240x128xf32, #tpu.memory_space<vmem_shared>> -> memref<128x128xf32, #tpu.memory_space<vmem_shared>>
        %dma_wait3A_301 = arith.constant 0 : i32
        %dma_wait3A_302 = tpu.memref_slice %arg18[%add3A_296, %dma_wait3A_301] : memref<10240x128xf32, #tpu.memory_space<vmem_shared>> -> memref<128x128xf32, #tpu.memory_space<vmem_shared>>
        tpu.wait_dma2 semaphore(%run_scoped3A : memref<!tpu.dma_semaphore, #tpu.memory_space<semaphore_mem>>) src(%arg15 : memref<128x128xf32, #tpu.memory_space<vmem>>) dst(%dma_wait3A_302 : memref<128x128xf32, #tpu.memory_space<vmem_shared>>)
        tpu.yield
      }) : () -> ()
    }
    %scan3A_268 = arith.constant 5 : i32
    %mul3A_269 = arith.constant 640 : i32
    %mul3A_270 = arith.muli %arg1, %mul3A_269 : i32
    "tpu.region"() ({
      %run_scoped3A = tpu.sem_alloc : memref<!tpu.dma_semaphore, #tpu.memory_space<semaphore_mem>>
      %dma_start3A = arith.constant 0 : i32
      %dma_start3A_291 = tpu.memref_slice %arg17[%dma_start3A] : memref<1024xf32, #tpu.memory_space<vmem>> -> memref<640xf32, #tpu.memory_space<vmem>>
      %dma_start3A_292 = tpu.memref_slice %arg19[%mul3A_270] : memref<10240xf32, #tpu.memory_space<vmem_shared>> -> memref<640xf32, #tpu.memory_space<vmem_shared>>
      %dma_start3A_293 = tpu.memref_slice %arg19[%mul3A_270] : memref<10240xf32, #tpu.memory_space<vmem_shared>> -> memref<640xf32, #tpu.memory_space<vmem_shared>>
      %dma_start3A_294 = arith.constant 0 : i32
      %dma_start3A_295 = tpu.memref_slice %arg17[%dma_start3A_294] : memref<1024xf32, #tpu.memory_space<vmem>> -> memref<640xf32, #tpu.memory_space<vmem>>
      tpu.enqueue_dma source(%dma_start3A_295 : memref<640xf32, #tpu.memory_space<vmem>>) target(%dma_start3A_293 : memref<640xf32, #tpu.memory_space<vmem_shared>>) target_semaphore(%run_scoped3A : memref<!tpu.dma_semaphore, #tpu.memory_space<semaphore_mem>>)
      %dma_wait3A = arith.constant 0 : i32
      %dma_wait3A_296 = tpu.memref_slice %arg17[%dma_wait3A] : memref<1024xf32, #tpu.memory_space<vmem>> -> memref<640xf32, #tpu.memory_space<vmem>>
      %dma_wait3A_297 = tpu.memref_slice %arg19[%mul3A_270] : memref<10240xf32, #tpu.memory_space<vmem_shared>> -> memref<640xf32, #tpu.memory_space<vmem_shared>>
      %dma_wait3A_298 = tpu.memref_slice %arg19[%mul3A_270] : memref<10240xf32, #tpu.memory_space<vmem_shared>> -> memref<640xf32, #tpu.memory_space<vmem_shared>>
      %dma_wait3A_299 = arith.constant 0 : i32
      %dma_wait3A_300 = tpu.memref_slice %arg17[%dma_wait3A_299] : memref<1024xf32, #tpu.memory_space<vmem>> -> memref<640xf32, #tpu.memory_space<vmem>>
      tpu.wait_dma2 semaphore(%run_scoped3A : memref<!tpu.dma_semaphore, #tpu.memory_space<semaphore_mem>>) src(%dma_wait3A_300 : memref<640xf32, #tpu.memory_space<vmem>>) dst(%dma_wait3A_298 : memref<640xf32, #tpu.memory_space<vmem_shared>>)
      tpu.yield
    }) : () -> ()
    %barrier3A = arith.constant 0 : index
    tpu.barrier barrier_id(%barrier3A)
    %while3A = arith.constant 0 : i32
    %while3A_271 = arith.constant 0 : i32
    %while3A_272 = arith.subi %select_n3A, %while3A_271 : i32
    %while3A_273 = arith.addi %while3A_271, %while3A_272 : i32
    %while3A_274 = arith.constant 1 : i32
    %while3A_275 = arith.divsi %while3A_272, %while3A_274 : i32
    %while3A_276 = arith.muli %while3A_275, %while3A_274 : i32
    %while3A_277 = arith.addi %while3A_271, %while3A_276 : i32
    %while3A_278 = arith.constant 1 : i32
    scf.for %while3A_291 = %while3A_271 to %while3A_277 step %while3A_278  : i32 {
      %mul3A_292 = arith.constant 32 : i32
      %mul3A_293 = arith.muli %mul3A_292, %while3A_291 : i32
      %add3A_294 = arith.addi %add3A, %mul3A_293 : i32
      %mul3A_295 = arith.constant 128 : i32
      %mul3A_296 = arith.muli %add3A_294, %mul3A_295 : i32
      %dma_start3A = tpu.memref_slice %arg3[%mul3A_296] : memref<160000xi32, #tpu.memory_space<hbm>> -> memref<128xi32, #tpu.memory_space<hbm>>
      %dma_start3A_297 = tpu.memref_slice %arg3[%mul3A_296] : memref<160000xi32, #tpu.memory_space<hbm>> -> memref<128xi32, #tpu.memory_space<hbm>>
      tpu.enqueue_dma source(%dma_start3A_297 : memref<128xi32, #tpu.memory_space<hbm>>) target(%arg10 : memref<128xi32, #tpu.memory_space<vmem>>) target_semaphore(%arg20 : memref<!tpu.dma_semaphore, #tpu.memory_space<semaphore_mem>>)
      %dma_start3A_298 = tpu.memref_slice %arg4[%mul3A_296] : memref<160000xi32, #tpu.memory_space<hbm>> -> memref<128xi32, #tpu.memory_space<hbm>>
      %dma_start3A_299 = tpu.memref_slice %arg4[%mul3A_296] : memref<160000xi32, #tpu.memory_space<hbm>> -> memref<128xi32, #tpu.memory_space<hbm>>
      tpu.enqueue_dma source(%dma_start3A_299 : memref<128xi32, #tpu.memory_space<hbm>>) target(%arg11 : memref<128xi32, #tpu.memory_space<vmem>>) target_semaphore(%arg21 : memref<!tpu.dma_semaphore, #tpu.memory_space<semaphore_mem>>)
      %dma_start3A_300 = tpu.memref_slice %arg5[%mul3A_296] : memref<160000xf32, #tpu.memory_space<hbm>> -> memref<128xf32, #tpu.memory_space<hbm>>
      %dma_start3A_301 = tpu.memref_slice %arg5[%mul3A_296] : memref<160000xf32, #tpu.memory_space<hbm>> -> memref<128xf32, #tpu.memory_space<hbm>>
      tpu.enqueue_dma source(%dma_start3A_301 : memref<128xf32, #tpu.memory_space<hbm>>) target(%arg12 : memref<128xf32, #tpu.memory_space<vmem>>) target_semaphore(%arg22 : memref<!tpu.dma_semaphore, #tpu.memory_space<semaphore_mem>>)
      %dma_start3A_302 = arith.constant 0 : i32
      %dma_start3A_303 = tpu.memref_slice %arg7[%mul3A_296, %dma_start3A_302] : memref<160000x128xf32, #tpu.memory_space<hbm>> -> memref<128x128xf32, #tpu.memory_space<hbm>>
      %dma_start3A_304 = arith.constant 0 : i32
      %dma_start3A_305 = tpu.memref_slice %arg7[%mul3A_296, %dma_start3A_304] : memref<160000x128xf32, #tpu.memory_space<hbm>> -> memref<128x128xf32, #tpu.memory_space<hbm>>
      tpu.enqueue_dma source(%dma_start3A_305 : memref<128x128xf32, #tpu.memory_space<hbm>>) target(%arg16 : memref<128x128xf32, #tpu.memory_space<vmem>>) target_semaphore(%arg23 : memref<!tpu.dma_semaphore, #tpu.memory_space<semaphore_mem>>)
      %dma_wait3A = tpu.memref_slice %arg3[%mul3A_296] : memref<160000xi32, #tpu.memory_space<hbm>> -> memref<128xi32, #tpu.memory_space<hbm>>
      %dma_wait3A_306 = tpu.memref_slice %arg3[%mul3A_296] : memref<160000xi32, #tpu.memory_space<hbm>> -> memref<128xi32, #tpu.memory_space<hbm>>
      tpu.wait_dma2 semaphore(%arg20 : memref<!tpu.dma_semaphore, #tpu.memory_space<semaphore_mem>>) src(%dma_wait3A_306 : memref<128xi32, #tpu.memory_space<hbm>>) dst(%arg10 : memref<128xi32, #tpu.memory_space<vmem>>)
      %dma_start3A_307 = arith.constant 0 : i32
      %dma_start3A_308 = arith.constant 0 : i32
      %dma_start3A_309 = tpu.memref_slice %arg2[%dma_start3A_307, %dma_start3A_308] : memref<10000x128xf32, #tpu.memory_space<hbm>> -> memref<10000x128xf32, #tpu.memory_space<hbm>>
      tpu.enqueue_indirect_dma source(%dma_start3A_309 : memref<10000x128xf32, #tpu.memory_space<hbm>>) target(%arg15 : memref<128x128xf32, #tpu.memory_space<vmem>>) offsets(%arg10 : memref<128xi32, #tpu.memory_space<vmem>>) semaphore(%arg24 : memref<!tpu.dma_semaphore, #tpu.memory_space<semaphore_mem>>)
      %dma_wait3A_310 = tpu.memref_slice %arg5[%mul3A_296] : memref<160000xf32, #tpu.memory_space<hbm>> -> memref<128xf32, #tpu.memory_space<hbm>>
      %dma_wait3A_311 = tpu.memref_slice %arg5[%mul3A_296] : memref<160000xf32, #tpu.memory_space<hbm>> -> memref<128xf32, #tpu.memory_space<hbm>>
      tpu.wait_dma2 semaphore(%arg22 : memref<!tpu.dma_semaphore, #tpu.memory_space<semaphore_mem>>) src(%dma_wait3A_311 : memref<128xf32, #tpu.memory_space<hbm>>) dst(%arg12 : memref<128xf32, #tpu.memory_space<vmem>>)
      %get3A_312 = arith.constant 0 : index
      %get3A_313 = tpu.vector_load %arg12[%get3A_312] {strides = array<i32>} : memref<128xf32, #tpu.memory_space<vmem>>, vector<16xf32>,
      %sub3A = arith.subf %get3A_313, %get3A_3 : vector<16xf32>
      %exp3A = math.exp %sub3A : vector<16xf32>
      %swap3A_314 = arith.constant 0 : index
      %swap3A_315 = tpu.vector_load %arg13[%swap3A_314] {strides = array<i32>} : memref<128xf32, #tpu.memory_space<vmem>>, vector<16xf32>,
      tpu.vector_store %arg13[%swap3A_314], %exp3A {strides = array<i32>} : memref<128xf32, #tpu.memory_space<vmem>>, vector<16xf32>,
      %get3A_316 = arith.constant 16 : index
      %get3A_317 = tpu.vector_load %arg12[%get3A_316] {strides = array<i32>} : memref<128xf32, #tpu.memory_space<vmem>>, vector<16xf32>,
      %sub3A_318 = arith.subf %get3A_317, %get3A_3 : vector<16xf32>
      %exp3A_319 = math.exp %sub3A_318 : vector<16xf32>
      %swap3A_320 = arith.constant 16 : index
      %swap3A_321 = tpu.vector_load %arg13[%swap3A_320] {strides = array<i32>} : memref<128xf32, #tpu.memory_space<vmem>>, vector<16xf32>,
      tpu.vector_store %arg13[%swap3A_320], %exp3A_319 {strides = array<i32>} : memref<128xf32, #tpu.memory_space<vmem>>, vector<16xf32>,
      %get3A_322 = arith.constant 32 : index
      %get3A_323 = tpu.vector_load %arg12[%get3A_322] {strides = array<i32>} : memref<128xf32, #tpu.memory_space<vmem>>, vector<16xf32>,
      %sub3A_324 = arith.subf %get3A_323, %get3A_3 : vector<16xf32>
      %exp3A_325 = math.exp %sub3A_324 : vector<16xf32>
      %swap3A_326 = arith.constant 32 : index
      %swap3A_327 = tpu.vector_load %arg13[%swap3A_326] {strides = array<i32>} : memref<128xf32, #tpu.memory_space<vmem>>, vector<16xf32>,
      tpu.vector_store %arg13[%swap3A_326], %exp3A_325 {strides = array<i32>} : memref<128xf32, #tpu.memory_space<vmem>>, vector<16xf32>,
      %get3A_328 = arith.constant 48 : index
      %get3A_329 = tpu.vector_load %arg12[%get3A_328] {strides = array<i32>} : memref<128xf32, #tpu.memory_space<vmem>>, vector<16xf32>,
      %sub3A_330 = arith.subf %get3A_329, %get3A_3 : vector<16xf32>
      %exp3A_331 = math.exp %sub3A_330 : vector<16xf32>
      %swap3A_332 = arith.constant 48 : index
      %swap3A_333 = tpu.vector_load %arg13[%swap3A_332] {strides = array<i32>} : memref<128xf32, #tpu.memory_space<vmem>>, vector<16xf32>,
      tpu.vector_store %arg13[%swap3A_332], %exp3A_331 {strides = array<i32>} : memref<128xf32, #tpu.memory_space<vmem>>, vector<16xf32>,
      %get3A_334 = arith.constant 64 : index
      %get3A_335 = tpu.vector_load %arg12[%get3A_334] {strides = array<i32>} : memref<128xf32, #tpu.memory_space<vmem>>, vector<16xf32>,
      %sub3A_336 = arith.subf %get3A_335, %get3A_3 : vector<16xf32>
      %exp3A_337 = math.exp %sub3A_336 : vector<16xf32>
      %swap3A_338 = arith.constant 64 : index
      %swap3A_339 = tpu.vector_load %arg13[%swap3A_338] {strides = array<i32>} : memref<128xf32, #tpu.memory_space<vmem>>, vector<16xf32>,
      tpu.vector_store %arg13[%swap3A_338], %exp3A_337 {strides = array<i32>} : memref<128xf32, #tpu.memory_space<vmem>>, vector<16xf32>,
      %get3A_340 = arith.constant 80 : index
      %get3A_341 = tpu.vector_load %arg12[%get3A_340] {strides = array<i32>} : memref<128xf32, #tpu.memory_space<vmem>>, vector<16xf32>,
      %sub3A_342 = arith.subf %get3A_341, %get3A_3 : vector<16xf32>
      %exp3A_343 = math.exp %sub3A_342 : vector<16xf32>
      %swap3A_344 = arith.constant 80 : index
      %swap3A_345 = tpu.vector_load %arg13[%swap3A_344] {strides = array<i32>} : memref<128xf32, #tpu.memory_space<vmem>>, vector<16xf32>,
      tpu.vector_store %arg13[%swap3A_344], %exp3A_343 {strides = array<i32>} : memref<128xf32, #tpu.memory_space<vmem>>, vector<16xf32>,
      %get3A_346 = arith.constant 96 : index
      %get3A_347 = tpu.vector_load %arg12[%get3A_346] {strides = array<i32>} : memref<128xf32, #tpu.memory_space<vmem>>, vector<16xf32>,
      %sub3A_348 = arith.subf %get3A_347, %get3A_3 : vector<16xf32>
      %exp3A_349 = math.exp %sub3A_348 : vector<16xf32>
      %swap3A_350 = arith.constant 96 : index
      %swap3A_351 = tpu.vector_load %arg13[%swap3A_350] {strides = array<i32>} : memref<128xf32, #tpu.memory_space<vmem>>, vector<16xf32>,
      tpu.vector_store %arg13[%swap3A_350], %exp3A_349 {strides = array<i32>} : memref<128xf32, #tpu.memory_space<vmem>>, vector<16xf32>,
      %get3A_352 = arith.constant 112 : index
      %get3A_353 = tpu.vector_load %arg12[%get3A_352] {strides = array<i32>} : memref<128xf32, #tpu.memory_space<vmem>>, vector<16xf32>,
      %sub3A_354 = arith.subf %get3A_353, %get3A_3 : vector<16xf32>
      %exp3A_355 = math.exp %sub3A_354 : vector<16xf32>
      %swap3A_356 = arith.constant 112 : index
      %swap3A_357 = tpu.vector_load %arg13[%swap3A_356] {strides = array<i32>} : memref<128xf32, #tpu.memory_space<vmem>>, vector<16xf32>,
      tpu.vector_store %arg13[%swap3A_356], %exp3A_355 {strides = array<i32>} : memref<128xf32, #tpu.memory_space<vmem>>, vector<16xf32>,
      %dma_wait3A_358 = tpu.memref_slice %arg4[%mul3A_296] : memref<160000xi32, #tpu.memory_space<hbm>> -> memref<128xi32, #tpu.memory_space<hbm>>
      %dma_wait3A_359 = tpu.memref_slice %arg4[%mul3A_296] : memref<160000xi32, #tpu.memory_space<hbm>> -> memref<128xi32, #tpu.memory_space<hbm>>
      tpu.wait_dma2 semaphore(%arg21 : memref<!tpu.dma_semaphore, #tpu.memory_space<semaphore_mem>>) src(%dma_wait3A_359 : memref<128xi32, #tpu.memory_space<hbm>>) dst(%arg11 : memref<128xi32, #tpu.memory_space<vmem>>)
      "tpu.region"() ({
        %run_scoped3A = tpu.sem_alloc : memref<!tpu.dma_semaphore, #tpu.memory_space<semaphore_mem>>
        %dma_start3A_373 = arith.constant 0 : i32
        %dma_start3A_374 = tpu.memref_slice %arg19[%dma_start3A_373] : memref<10240xf32, #tpu.memory_space<vmem_shared>> -> memref<10240xf32, #tpu.memory_space<vmem_shared>>
        tpu.enqueue_indirect_dma source(%arg13 : memref<128xf32, #tpu.memory_space<vmem>>) target(%dma_start3A_374 : memref<10240xf32, #tpu.memory_space<vmem_shared>>) offsets(%arg11 : memref<128xi32, #tpu.memory_space<vmem>>) semaphore(%run_scoped3A : memref<!tpu.dma_semaphore, #tpu.memory_space<semaphore_mem>>) {add = true}
        %dma_wait3A_375 = arith.constant 0 : i32
        %dma_wait3A_376 = tpu.memref_slice %arg19[%dma_wait3A_375] : memref<10240xf32, #tpu.memory_space<vmem_shared>> -> memref<10240xf32, #tpu.memory_space<vmem_shared>>
        tpu.wait_indirect_dma semaphore(%run_scoped3A : memref<!tpu.dma_semaphore, #tpu.memory_space<semaphore_mem>>) src(%arg13 : memref<128xf32, #tpu.memory_space<vmem>>) dst(%dma_wait3A_376 : memref<10240xf32, #tpu.memory_space<vmem_shared>>)
        tpu.yield
      }) : () -> ()
      %dma_wait3A_360 = arith.constant 0 : i32
      %dma_wait3A_361 = tpu.memref_slice %arg7[%mul3A_296, %dma_wait3A_360] : memref<160000x128xf32, #tpu.memory_space<hbm>> -> memref<128x128xf32, #tpu.memory_space<hbm>>
      %dma_wait3A_362 = arith.constant 0 : i32
      %dma_wait3A_363 = tpu.memref_slice %arg7[%mul3A_296, %dma_wait3A_362] : memref<160000x128xf32, #tpu.memory_space<hbm>> -> memref<128x128xf32, #tpu.memory_space<hbm>>
      tpu.wait_dma2 semaphore(%arg23 : memref<!tpu.dma_semaphore, #tpu.memory_space<semaphore_mem>>) src(%dma_wait3A_363 : memref<128x128xf32, #tpu.memory_space<hbm>>) dst(%arg16 : memref<128x128xf32, #tpu.memory_space<vmem>>)
      %dma_wait3A_364 = arith.constant 0 : i32
      %dma_wait3A_365 = arith.constant 0 : i32
      %dma_wait3A_366 = tpu.memref_slice %arg2[%dma_wait3A_364, %dma_wait3A_365] : memref<10000x128xf32, #tpu.memory_space<hbm>> -> memref<10000x128xf32, #tpu.memory_space<hbm>>
      tpu.wait_indirect_dma semaphore(%arg24 : memref<!tpu.dma_semaphore, #tpu.memory_space<semaphore_mem>>) src(%dma_wait3A_366 : memref<10000x128xf32, #tpu.memory_space<hbm>>) dst(%arg15 : memref<128x128xf32, #tpu.memory_space<vmem>>)
      %scan3A_367 = arith.constant 0 : i32
      %scan3A_368 = arith.constant 0 : i32
      %scan3A_369 = arith.constant 32 : i32
      %scan3A_370 = arith.addi %scan3A_368, %scan3A_369 : i32
      %scan3A_371 = arith.constant 1 : i32
      scf.for %scan3A_373 = %scan3A_368 to %scan3A_370 step %scan3A_371  : i32 {
        %mul3A_374 = arith.constant 4 : i32
        %mul3A_375 = arith.muli %scan3A_373, %mul3A_374 : i32
        %add3A_376 = arith.constant 0 : i32
        %add3A_377 = arith.addi %mul3A_375, %add3A_376 : i32
        %broadcast_in_dim3A_378 = vector.broadcast %add3A_377 : i32 to vector<16xi32>
        %gather3A = tpu.vector_load_idx %arg13[%broadcast_in_dim3A_378] : memref<128xf32, #tpu.memory_space<vmem>>[vector<16xi32>], vector<16xf32>,
        %get3A_379 = arith.index_cast %add3A_377 : i32 to index
        %get3A_380 = arith.constant 0 : index
        %get3A_381 = tpu.vector_load %arg16[%get3A_379, %get3A_380] {strides = array<i32>} : memref<128x128xf32, #tpu.memory_space<vmem>>, vector<16xf32>,
        %get3A_382 = arith.index_cast %add3A_377 : i32 to index
        %get3A_383 = arith.constant 0 : index
        %get3A_384 = tpu.vector_load %arg15[%get3A_382, %get3A_383] {strides = array<i32>} : memref<128x128xf32, #tpu.memory_space<vmem>>, vector<16xf32>,
        %mul3A_385 = arith.mulf %get3A_381, %get3A_384 : vector<16xf32>
        %mul3A_386 = arith.mulf %mul3A_385, %gather3A : vector<16xf32>
        %swap3A_387 = arith.index_cast %add3A_377 : i32 to index
        %swap3A_388 = arith.constant 0 : index
        %swap3A_389 = tpu.vector_load %arg16[%swap3A_387, %swap3A_388] {strides = array<i32>} : memref<128x128xf32, #tpu.memory_space<vmem>>, vector<16xf32>,
        tpu.vector_store %arg16[%swap3A_387, %swap3A_388], %mul3A_386 {strides = array<i32>} : memref<128x128xf32, #tpu.memory_space<vmem>>, vector<16xf32>,
        %get3A_390 = arith.index_cast %add3A_377 : i32 to index
        %get3A_391 = arith.constant 16 : index
        %get3A_392 = tpu.vector_load %arg16[%get3A_390, %get3A_391] {strides = array<i32>} : memref<128x128xf32, #tpu.memory_space<vmem>>, vector<16xf32>,
        %get3A_393 = arith.index_cast %add3A_377 : i32 to index
        %get3A_394 = arith.constant 16 : index
        %get3A_395 = tpu.vector_load %arg15[%get3A_393, %get3A_394] {strides = array<i32>} : memref<128x128xf32, #tpu.memory_space<vmem>>, vector<16xf32>,
        %mul3A_396 = arith.mulf %get3A_392, %get3A_395 : vector<16xf32>
        %mul3A_397 = arith.mulf %mul3A_396, %gather3A : vector<16xf32>
        %swap3A_398 = arith.index_cast %add3A_377 : i32 to index
        %swap3A_399 = arith.constant 16 : index
        %swap3A_400 = tpu.vector_load %arg16[%swap3A_398, %swap3A_399] {strides = array<i32>} : memref<128x128xf32, #tpu.memory_space<vmem>>, vector<16xf32>,
        tpu.vector_store %arg16[%swap3A_398, %swap3A_399], %mul3A_397 {strides = array<i32>} : memref<128x128xf32, #tpu.memory_space<vmem>>, vector<16xf32>,
        %get3A_401 = arith.index_cast %add3A_377 : i32 to index
        %get3A_402 = arith.constant 32 : index
        %get3A_403 = tpu.vector_load %arg16[%get3A_401, %get3A_402] {strides = array<i32>} : memref<128x128xf32, #tpu.memory_space<vmem>>, vector<16xf32>,
        %get3A_404 = arith.index_cast %add3A_377 : i32 to index
        %get3A_405 = arith.constant 32 : index
        %get3A_406 = tpu.vector_load %arg15[%get3A_404, %get3A_405] {strides = array<i32>} : memref<128x128xf32, #tpu.memory_space<vmem>>, vector<16xf32>,
        %mul3A_407 = arith.mulf %get3A_403, %get3A_406 : vector<16xf32>
        %mul3A_408 = arith.mulf %mul3A_407, %gather3A : vector<16xf32>
        %swap3A_409 = arith.index_cast %add3A_377 : i32 to index
        %swap3A_410 = arith.constant 32 : index
        %swap3A_411 = tpu.vector_load %arg16[%swap3A_409, %swap3A_410] {strides = array<i32>} : memref<128x128xf32, #tpu.memory_space<vmem>>, vector<16xf32>,
        tpu.vector_store %arg16[%swap3A_409, %swap3A_410], %mul3A_408 {strides = array<i32>} : memref<128x128xf32, #tpu.memory_space<vmem>>, vector<16xf32>,
        %get3A_412 = arith.index_cast %add3A_377 : i32 to index
        %get3A_413 = arith.constant 48 : index
        %get3A_414 = tpu.vector_load %arg16[%get3A_412, %get3A_413] {strides = array<i32>} : memref<128x128xf32, #tpu.memory_space<vmem>>, vector<16xf32>,
        %get3A_415 = arith.index_cast %add3A_377 : i32 to index
        %get3A_416 = arith.constant 48 : index
        %get3A_417 = tpu.vector_load %arg15[%get3A_415, %get3A_416] {strides = array<i32>} : memref<128x128xf32, #tpu.memory_space<vmem>>, vector<16xf32>,
        %mul3A_418 = arith.mulf %get3A_414, %get3A_417 : vector<16xf32>
        %mul3A_419 = arith.mulf %mul3A_418, %gather3A : vector<16xf32>
        %swap3A_420 = arith.index_cast %add3A_377 : i32 to index
        %swap3A_421 = arith.constant 48 : index
        %swap3A_422 = tpu.vector_load %arg16[%swap3A_420, %swap3A_421] {strides = array<i32>} : memref<128x128xf32, #tpu.memory_space<vmem>>, vector<16xf32>,
        tpu.vector_store %arg16[%swap3A_420, %swap3A_421], %mul3A_419 {strides = array<i32>} : memref<128x128xf32, #tpu.memory_space<vmem>>, vector<16xf32>,
        %get3A_423 = arith.index_cast %add3A_377 : i32 to index
        %get3A_424 = arith.constant 64 : index
        %get3A_425 = tpu.vector_load %arg16[%get3A_423, %get3A_424] {strides = array<i32>} : memref<128x128xf32, #tpu.memory_space<vmem>>, vector<16xf32>,
        %get3A_426 = arith.index_cast %add3A_377 : i32 to index
        %get3A_427 = arith.constant 64 : index
        %get3A_428 = tpu.vector_load %arg15[%get3A_426, %get3A_427] {strides = array<i32>} : memref<128x128xf32, #tpu.memory_space<vmem>>, vector<16xf32>,
        %mul3A_429 = arith.mulf %get3A_425, %get3A_428 : vector<16xf32>
        %mul3A_430 = arith.mulf %mul3A_429, %gather3A : vector<16xf32>
        %swap3A_431 = arith.index_cast %add3A_377 : i32 to index
        %swap3A_432 = arith.constant 64 : index
        %swap3A_433 = tpu.vector_load %arg16[%swap3A_431, %swap3A_432] {strides = array<i32>} : memref<128x128xf32, #tpu.memory_space<vmem>>, vector<16xf32>,
        tpu.vector_store %arg16[%swap3A_431, %swap3A_432], %mul3A_430 {strides = array<i32>} : memref<128x128xf32, #tpu.memory_space<vmem>>, vector<16xf32>,
        %get3A_434 = arith.index_cast %add3A_377 : i32 to index
        %get3A_435 = arith.constant 80 : index
        %get3A_436 = tpu.vector_load %arg16[%get3A_434, %get3A_435] {strides = array<i32>} : memref<128x128xf32, #tpu.memory_space<vmem>>, vector<16xf32>,
        %get3A_437 = arith.index_cast %add3A_377 : i32 to index
        %get3A_438 = arith.constant 80 : index
        %get3A_439 = tpu.vector_load %arg15[%get3A_437, %get3A_438] {strides = array<i32>} : memref<128x128xf32, #tpu.memory_space<vmem>>, vector<16xf32>,
        %mul3A_440 = arith.mulf %get3A_436, %get3A_439 : vector<16xf32>
        %mul3A_441 = arith.mulf %mul3A_440, %gather3A : vector<16xf32>
        %swap3A_442 = arith.index_cast %add3A_377 : i32 to index
        %swap3A_443 = arith.constant 80 : index
        %swap3A_444 = tpu.vector_load %arg16[%swap3A_442, %swap3A_443] {strides = array<i32>} : memref<128x128xf32, #tpu.memory_space<vmem>>, vector<16xf32>,
        tpu.vector_store %arg16[%swap3A_442, %swap3A_443], %mul3A_441 {strides = array<i32>} : memref<128x128xf32, #tpu.memory_space<vmem>>, vector<16xf32>,
        %get3A_445 = arith.index_cast %add3A_377 : i32 to index
        %get3A_446 = arith.constant 96 : index
        %get3A_447 = tpu.vector_load %arg16[%get3A_445, %get3A_446] {strides = array<i32>} : memref<128x128xf32, #tpu.memory_space<vmem>>, vector<16xf32>,
        %get3A_448 = arith.index_cast %add3A_377 : i32 to index
        %get3A_449 = arith.constant 96 : index
        %get3A_450 = tpu.vector_load %arg15[%get3A_448, %get3A_449] {strides = array<i32>} : memref<128x128xf32, #tpu.memory_space<vmem>>, vector<16xf32>,
        %mul3A_451 = arith.mulf %get3A_447, %get3A_450 : vector<16xf32>
        %mul3A_452 = arith.mulf %mul3A_451, %gather3A : vector<16xf32>
        %swap3A_453 = arith.index_cast %add3A_377 : i32 to index
        %swap3A_454 = arith.constant 96 : index
        %swap3A_455 = tpu.vector_load %arg16[%swap3A_453, %swap3A_454] {strides = array<i32>} : memref<128x128xf32, #tpu.memory_space<vmem>>, vector<16xf32>,
        tpu.vector_store %arg16[%swap3A_453, %swap3A_454], %mul3A_452 {strides = array<i32>} : memref<128x128xf32, #tpu.memory_space<vmem>>, vector<16xf32>,
        %get3A_456 = arith.index_cast %add3A_377 : i32 to index
        %get3A_457 = arith.constant 112 : index
        %get3A_458 = tpu.vector_load %arg16[%get3A_456, %get3A_457] {strides = array<i32>} : memref<128x128xf32, #tpu.memory_space<vmem>>, vector<16xf32>,
        %get3A_459 = arith.index_cast %add3A_377 : i32 to index
        %get3A_460 = arith.constant 112 : index
        %get3A_461 = tpu.vector_load %arg15[%get3A_459, %get3A_460] {strides = array<i32>} : memref<128x128xf32, #tpu.memory_space<vmem>>, vector<16xf32>,
        %mul3A_462 = arith.mulf %get3A_458, %get3A_461 : vector<16xf32>
        %mul3A_463 = arith.mulf %mul3A_462, %gather3A : vector<16xf32>
        %swap3A_464 = arith.index_cast %add3A_377 : i32 to index
        %swap3A_465 = arith.constant 112 : index
        %swap3A_466 = tpu.vector_load %arg16[%swap3A_464, %swap3A_465] {strides = array<i32>} : memref<128x128xf32, #tpu.memory_space<vmem>>, vector<16xf32>,
        tpu.vector_store %arg16[%swap3A_464, %swap3A_465], %mul3A_463 {strides = array<i32>} : memref<128x128xf32, #tpu.memory_space<vmem>>, vector<16xf32>,
        %mul3A_467 = arith.constant 4 : i32
        %mul3A_468 = arith.muli %scan3A_373, %mul3A_467 : i32
        %add3A_469 = arith.constant 1 : i32
        %add3A_470 = arith.addi %mul3A_468, %add3A_469 : i32
        %broadcast_in_dim3A_471 = vector.broadcast %add3A_470 : i32 to vector<16xi32>
        %gather3A_472 = tpu.vector_load_idx %arg13[%broadcast_in_dim3A_471] : memref<128xf32, #tpu.memory_space<vmem>>[vector<16xi32>], vector<16xf32>,
        %get3A_473 = arith.index_cast %add3A_470 : i32 to index
        %get3A_474 = arith.constant 0 : index
        %get3A_475 = tpu.vector_load %arg16[%get3A_473, %get3A_474] {strides = array<i32>} : memref<128x128xf32, #tpu.memory_space<vmem>>, vector<16xf32>,
        %get3A_476 = arith.index_cast %add3A_470 : i32 to index
        %get3A_477 = arith.constant 0 : index
        %get3A_478 = tpu.vector_load %arg15[%get3A_476, %get3A_477] {strides = array<i32>} : memref<128x128xf32, #tpu.memory_space<vmem>>, vector<16xf32>,
        %mul3A_479 = arith.mulf %get3A_475, %get3A_478 : vector<16xf32>
        %mul3A_480 = arith.mulf %mul3A_479, %gather3A_472 : vector<16xf32>
        %swap3A_481 = arith.index_cast %add3A_470 : i32 to index
        %swap3A_482 = arith.constant 0 : index
        %swap3A_483 = tpu.vector_load %arg16[%swap3A_481, %swap3A_482] {strides = array<i32>} : memref<128x128xf32, #tpu.memory_space<vmem>>, vector<16xf32>,
        tpu.vector_store %arg16[%swap3A_481, %swap3A_482], %mul3A_480 {strides = array<i32>} : memref<128x128xf32, #tpu.memory_space<vmem>>, vector<16xf32>,
        %get3A_484 = arith.index_cast %add3A_470 : i32 to index
        %get3A_485 = arith.constant 16 : index
        %get3A_486 = tpu.vector_load %arg16[%get3A_484, %get3A_485] {strides = array<i32>} : memref<128x128xf32, #tpu.memory_space<vmem>>, vector<16xf32>,
        %get3A_487 = arith.index_cast %add3A_470 : i32 to index
        %get3A_488 = arith.constant 16 : index
        %get3A_489 = tpu.vector_load %arg15[%get3A_487, %get3A_488] {strides = array<i32>} : memref<128x128xf32, #tpu.memory_space<vmem>>, vector<16xf32>,
        %mul3A_490 = arith.mulf %get3A_486, %get3A_489 : vector<16xf32>
        %mul3A_491 = arith.mulf %mul3A_490, %gather3A_472 : vector<16xf32>
        %swap3A_492 = arith.index_cast %add3A_470 : i32 to index
        %swap3A_493 = arith.constant 16 : index
        %swap3A_494 = tpu.vector_load %arg16[%swap3A_492, %swap3A_493] {strides = array<i32>} : memref<128x128xf32, #tpu.memory_space<vmem>>, vector<16xf32>,
        tpu.vector_store %arg16[%swap3A_492, %swap3A_493], %mul3A_491 {strides = array<i32>} : memref<128x128xf32, #tpu.memory_space<vmem>>, vector<16xf32>,
        %get3A_495 = arith.index_cast %add3A_470 : i32 to index
        %get3A_496 = arith.constant 32 : index
        %get3A_497 = tpu.vector_load %arg16[%get3A_495, %get3A_496] {strides = array<i32>} : memref<128x128xf32, #tpu.memory_space<vmem>>, vector<16xf32>,
        %get3A_498 = arith.index_cast %add3A_470 : i32 to index
        %get3A_499 = arith.constant 32 : index
        %get3A_500 = tpu.vector_load %arg15[%get3A_498, %get3A_499] {strides = array<i32>} : memref<128x128xf32, #tpu.memory_space<vmem>>, vector<16xf32>,
        %mul3A_501 = arith.mulf %get3A_497, %get3A_500 : vector<16xf32>
        %mul3A_502 = arith.mulf %mul3A_501, %gather3A_472 : vector<16xf32>
        %swap3A_503 = arith.index_cast %add3A_470 : i32 to index
        %swap3A_504 = arith.constant 32 : index
        %swap3A_505 = tpu.vector_load %arg16[%swap3A_503, %swap3A_504] {strides = array<i32>} : memref<128x128xf32, #tpu.memory_space<vmem>>, vector<16xf32>,
        tpu.vector_store %arg16[%swap3A_503, %swap3A_504], %mul3A_502 {strides = array<i32>} : memref<128x128xf32, #tpu.memory_space<vmem>>, vector<16xf32>,
        %get3A_506 = arith.index_cast %add3A_470 : i32 to index
        %get3A_507 = arith.constant 48 : index
        %get3A_508 = tpu.vector_load %arg16[%get3A_506, %get3A_507] {strides = array<i32>} : memref<128x128xf32, #tpu.memory_space<vmem>>, vector<16xf32>,
        %get3A_509 = arith.index_cast %add3A_470 : i32 to index
        %get3A_510 = arith.constant 48 : index
        %get3A_511 = tpu.vector_load %arg15[%get3A_509, %get3A_510] {strides = array<i32>} : memref<128x128xf32, #tpu.memory_space<vmem>>, vector<16xf32>,
        %mul3A_512 = arith.mulf %get3A_508, %get3A_511 : vector<16xf32>
        %mul3A_513 = arith.mulf %mul3A_512, %gather3A_472 : vector<16xf32>
        %swap3A_514 = arith.index_cast %add3A_470 : i32 to index
        %swap3A_515 = arith.constant 48 : index
        %swap3A_516 = tpu.vector_load %arg16[%swap3A_514, %swap3A_515] {strides = array<i32>} : memref<128x128xf32, #tpu.memory_space<vmem>>, vector<16xf32>,
        tpu.vector_store %arg16[%swap3A_514, %swap3A_515], %mul3A_513 {strides = array<i32>} : memref<128x128xf32, #tpu.memory_space<vmem>>, vector<16xf32>,
        %get3A_517 = arith.index_cast %add3A_470 : i32 to index
        %get3A_518 = arith.constant 64 : index
        %get3A_519 = tpu.vector_load %arg16[%get3A_517, %get3A_518] {strides = array<i32>} : memref<128x128xf32, #tpu.memory_space<vmem>>, vector<16xf32>,
        %get3A_520 = arith.index_cast %add3A_470 : i32 to index
        %get3A_521 = arith.constant 64 : index
        %get3A_522 = tpu.vector_load %arg15[%get3A_520, %get3A_521] {strides = array<i32>} : memref<128x128xf32, #tpu.memory_space<vmem>>, vector<16xf32>,
        %mul3A_523 = arith.mulf %get3A_519, %get3A_522 : vector<16xf32>
        %mul3A_524 = arith.mulf %mul3A_523, %gather3A_472 : vector<16xf32>
        %swap3A_525 = arith.index_cast %add3A_470 : i32 to index
        %swap3A_526 = arith.constant 64 : index
        %swap3A_527 = tpu.vector_load %arg16[%swap3A_525, %swap3A_526] {strides = array<i32>} : memref<128x128xf32, #tpu.memory_space<vmem>>, vector<16xf32>,
        tpu.vector_store %arg16[%swap3A_525, %swap3A_526], %mul3A_524 {strides = array<i32>} : memref<128x128xf32, #tpu.memory_space<vmem>>, vector<16xf32>,
        %get3A_528 = arith.index_cast %add3A_470 : i32 to index
        %get3A_529 = arith.constant 80 : index
        %get3A_530 = tpu.vector_load %arg16[%get3A_528, %get3A_529] {strides = array<i32>} : memref<128x128xf32, #tpu.memory_space<vmem>>, vector<16xf32>,
        %get3A_531 = arith.index_cast %add3A_470 : i32 to index
        %get3A_532 = arith.constant 80 : index
        %get3A_533 = tpu.vector_load %arg15[%get3A_531, %get3A_532] {strides = array<i32>} : memref<128x128xf32, #tpu.memory_space<vmem>>, vector<16xf32>,
        %mul3A_534 = arith.mulf %get3A_530, %get3A_533 : vector<16xf32>
        %mul3A_535 = arith.mulf %mul3A_534, %gather3A_472 : vector<16xf32>
        %swap3A_536 = arith.index_cast %add3A_470 : i32 to index
        %swap3A_537 = arith.constant 80 : index
        %swap3A_538 = tpu.vector_load %arg16[%swap3A_536, %swap3A_537] {strides = array<i32>} : memref<128x128xf32, #tpu.memory_space<vmem>>, vector<16xf32>,
        tpu.vector_store %arg16[%swap3A_536, %swap3A_537], %mul3A_535 {strides = array<i32>} : memref<128x128xf32, #tpu.memory_space<vmem>>, vector<16xf32>,
        %get3A_539 = arith.index_cast %add3A_470 : i32 to index
        %get3A_540 = arith.constant 96 : index
        %get3A_541 = tpu.vector_load %arg16[%get3A_539, %get3A_540] {strides = array<i32>} : memref<128x128xf32, #tpu.memory_space<vmem>>, vector<16xf32>,
        %get3A_542 = arith.index_cast %add3A_470 : i32 to index
        %get3A_543 = arith.constant 96 : index
        %get3A_544 = tpu.vector_load %arg15[%get3A_542, %get3A_543] {strides = array<i32>} : memref<128x128xf32, #tpu.memory_space<vmem>>, vector<16xf32>,
        %mul3A_545 = arith.mulf %get3A_541, %get3A_544 : vector<16xf32>
        %mul3A_546 = arith.mulf %mul3A_545, %gather3A_472 : vector<16xf32>
        %swap3A_547 = arith.index_cast %add3A_470 : i32 to index
        %swap3A_548 = arith.constant 96 : index
        %swap3A_549 = tpu.vector_load %arg16[%swap3A_547, %swap3A_548] {strides = array<i32>} : memref<128x128xf32, #tpu.memory_space<vmem>>, vector<16xf32>,
        tpu.vector_store %arg16[%swap3A_547, %swap3A_548], %mul3A_546 {strides = array<i32>} : memref<128x128xf32, #tpu.memory_space<vmem>>, vector<16xf32>,
        %get3A_550 = arith.index_cast %add3A_470 : i32 to index
        %get3A_551 = arith.constant 112 : index
        %get3A_552 = tpu.vector_load %arg16[%get3A_550, %get3A_551] {strides = array<i32>} : memref<128x128xf32, #tpu.memory_space<vmem>>, vector<16xf32>,
        %get3A_553 = arith.index_cast %add3A_470 : i32 to index
        %get3A_554 = arith.constant 112 : index
        %get3A_555 = tpu.vector_load %arg15[%get3A_553, %get3A_554] {strides = array<i32>} : memref<128x128xf32, #tpu.memory_space<vmem>>, vector<16xf32>,
        %mul3A_556 = arith.mulf %get3A_552, %get3A_555 : vector<16xf32>
        %mul3A_557 = arith.mulf %mul3A_556, %gather3A_472 : vector<16xf32>
        %swap3A_558 = arith.index_cast %add3A_470 : i32 to index
        %swap3A_559 = arith.constant 112 : index
        %swap3A_560 = tpu.vector_load %arg16[%swap3A_558, %swap3A_559] {strides = array<i32>} : memref<128x128xf32, #tpu.memory_space<vmem>>, vector<16xf32>,
        tpu.vector_store %arg16[%swap3A_558, %swap3A_559], %mul3A_557 {strides = array<i32>} : memref<128x128xf32, #tpu.memory_space<vmem>>, vector<16xf32>,
        %mul3A_561 = arith.constant 4 : i32
        %mul3A_562 = arith.muli %scan3A_373, %mul3A_561 : i32
        %add3A_563 = arith.constant 2 : i32
        %add3A_564 = arith.addi %mul3A_562, %add3A_563 : i32
        %broadcast_in_dim3A_565 = vector.broadcast %add3A_564 : i32 to vector<16xi32>
        %gather3A_566 = tpu.vector_load_idx %arg13[%broadcast_in_dim3A_565] : memref<128xf32, #tpu.memory_space<vmem>>[vector<16xi32>], vector<16xf32>,
        %get3A_567 = arith.index_cast %add3A_564 : i32 to index
        %get3A_568 = arith.constant 0 : index
        %get3A_569 = tpu.vector_load %arg16[%get3A_567, %get3A_568] {strides = array<i32>} : memref<128x128xf32, #tpu.memory_space<vmem>>, vector<16xf32>,
        %get3A_570 = arith.index_cast %add3A_564 : i32 to index
        %get3A_571 = arith.constant 0 : index
        %get3A_572 = tpu.vector_load %arg15[%get3A_570, %get3A_571] {strides = array<i32>} : memref<128x128xf32, #tpu.memory_space<vmem>>, vector<16xf32>,
        %mul3A_573 = arith.mulf %get3A_569, %get3A_572 : vector<16xf32>
        %mul3A_574 = arith.mulf %mul3A_573, %gather3A_566 : vector<16xf32>
        %swap3A_575 = arith.index_cast %add3A_564 : i32 to index
        %swap3A_576 = arith.constant 0 : index
        %swap3A_577 = tpu.vector_load %arg16[%swap3A_575, %swap3A_576] {strides = array<i32>} : memref<128x128xf32, #tpu.memory_space<vmem>>, vector<16xf32>,
        tpu.vector_store %arg16[%swap3A_575, %swap3A_576], %mul3A_574 {strides = array<i32>} : memref<128x128xf32, #tpu.memory_space<vmem>>, vector<16xf32>,
        %get3A_578 = arith.index_cast %add3A_564 : i32 to index
        %get3A_579 = arith.constant 16 : index
        %get3A_580 = tpu.vector_load %arg16[%get3A_578, %get3A_579] {strides = array<i32>} : memref<128x128xf32, #tpu.memory_space<vmem>>, vector<16xf32>,
        %get3A_581 = arith.index_cast %add3A_564 : i32 to index
        %get3A_582 = arith.constant 16 : index
        %get3A_583 = tpu.vector_load %arg15[%get3A_581, %get3A_582] {strides = array<i32>} : memref<128x128xf32, #tpu.memory_space<vmem>>, vector<16xf32>,
        %mul3A_584 = arith.mulf %get3A_580, %get3A_583 : vector<16xf32>
        %mul3A_585 = arith.mulf %mul3A_584, %gather3A_566 : vector<16xf32>
        %swap3A_586 = arith.index_cast %add3A_564 : i32 to index
        %swap3A_587 = arith.constant 16 : index
        %swap3A_588 = tpu.vector_load %arg16[%swap3A_586, %swap3A_587] {strides = array<i32>} : memref<128x128xf32, #tpu.memory_space<vmem>>, vector<16xf32>,
        tpu.vector_store %arg16[%swap3A_586, %swap3A_587], %mul3A_585 {strides = array<i32>} : memref<128x128xf32, #tpu.memory_space<vmem>>, vector<16xf32>,
        %get3A_589 = arith.index_cast %add3A_564 : i32 to index
        %get3A_590 = arith.constant 32 : index
        %get3A_591 = tpu.vector_load %arg16[%get3A_589, %get3A_590] {strides = array<i32>} : memref<128x128xf32, #tpu.memory_space<vmem>>, vector<16xf32>,
        %get3A_592 = arith.index_cast %add3A_564 : i32 to index
        %get3A_593 = arith.constant 32 : index
        %get3A_594 = tpu.vector_load %arg15[%get3A_592, %get3A_593] {strides = array<i32>} : memref<128x128xf32, #tpu.memory_space<vmem>>, vector<16xf32>,
        %mul3A_595 = arith.mulf %get3A_591, %get3A_594 : vector<16xf32>
        %mul3A_596 = arith.mulf %mul3A_595, %gather3A_566 : vector<16xf32>
        %swap3A_597 = arith.index_cast %add3A_564 : i32 to index
        %swap3A_598 = arith.constant 32 : index
        %swap3A_599 = tpu.vector_load %arg16[%swap3A_597, %swap3A_598] {strides = array<i32>} : memref<128x128xf32, #tpu.memory_space<vmem>>, vector<16xf32>,
        tpu.vector_store %arg16[%swap3A_597, %swap3A_598], %mul3A_596 {strides = array<i32>} : memref<128x128xf32, #tpu.memory_space<vmem>>, vector<16xf32>,
        %get3A_600 = arith.index_cast %add3A_564 : i32 to index
        %get3A_601 = arith.constant 48 : index
        %get3A_602 = tpu.vector_load %arg16[%get3A_600, %get3A_601] {strides = array<i32>} : memref<128x128xf32, #tpu.memory_space<vmem>>, vector<16xf32>,
        %get3A_603 = arith.index_cast %add3A_564 : i32 to index
        %get3A_604 = arith.constant 48 : index
        %get3A_605 = tpu.vector_load %arg15[%get3A_603, %get3A_604] {strides = array<i32>} : memref<128x128xf32, #tpu.memory_space<vmem>>, vector<16xf32>,
        %mul3A_606 = arith.mulf %get3A_602, %get3A_605 : vector<16xf32>
        %mul3A_607 = arith.mulf %mul3A_606, %gather3A_566 : vector<16xf32>
        %swap3A_608 = arith.index_cast %add3A_564 : i32 to index
        %swap3A_609 = arith.constant 48 : index
        %swap3A_610 = tpu.vector_load %arg16[%swap3A_608, %swap3A_609] {strides = array<i32>} : memref<128x128xf32, #tpu.memory_space<vmem>>, vector<16xf32>,
        tpu.vector_store %arg16[%swap3A_608, %swap3A_609], %mul3A_607 {strides = array<i32>} : memref<128x128xf32, #tpu.memory_space<vmem>>, vector<16xf32>,
        %get3A_611 = arith.index_cast %add3A_564 : i32 to index
        %get3A_612 = arith.constant 64 : index
        %get3A_613 = tpu.vector_load %arg16[%get3A_611, %get3A_612] {strides = array<i32>} : memref<128x128xf32, #tpu.memory_space<vmem>>, vector<16xf32>,
        %get3A_614 = arith.index_cast %add3A_564 : i32 to index
        %get3A_615 = arith.constant 64 : index
        %get3A_616 = tpu.vector_load %arg15[%get3A_614, %get3A_615] {strides = array<i32>} : memref<128x128xf32, #tpu.memory_space<vmem>>, vector<16xf32>,
        %mul3A_617 = arith.mulf %get3A_613, %get3A_616 : vector<16xf32>
        %mul3A_618 = arith.mulf %mul3A_617, %gather3A_566 : vector<16xf32>
        %swap3A_619 = arith.index_cast %add3A_564 : i32 to index
        %swap3A_620 = arith.constant 64 : index
        %swap3A_621 = tpu.vector_load %arg16[%swap3A_619, %swap3A_620] {strides = array<i32>} : memref<128x128xf32, #tpu.memory_space<vmem>>, vector<16xf32>,
        tpu.vector_store %arg16[%swap3A_619, %swap3A_620], %mul3A_618 {strides = array<i32>} : memref<128x128xf32, #tpu.memory_space<vmem>>, vector<16xf32>,
        %get3A_622 = arith.index_cast %add3A_564 : i32 to index
        %get3A_623 = arith.constant 80 : index
        %get3A_624 = tpu.vector_load %arg16[%get3A_622, %get3A_623] {strides = array<i32>} : memref<128x128xf32, #tpu.memory_space<vmem>>, vector<16xf32>,
        %get3A_625 = arith.index_cast %add3A_564 : i32 to index
        %get3A_626 = arith.constant 80 : index
        %get3A_627 = tpu.vector_load %arg15[%get3A_625, %get3A_626] {strides = array<i32>} : memref<128x128xf32, #tpu.memory_space<vmem>>, vector<16xf32>,
        %mul3A_628 = arith.mulf %get3A_624, %get3A_627 : vector<16xf32>
        %mul3A_629 = arith.mulf %mul3A_628, %gather3A_566 : vector<16xf32>
        %swap3A_630 = arith.index_cast %add3A_564 : i32 to index
        %swap3A_631 = arith.constant 80 : index
        %swap3A_632 = tpu.vector_load %arg16[%swap3A_630, %swap3A_631] {strides = array<i32>} : memref<128x128xf32, #tpu.memory_space<vmem>>, vector<16xf32>,
        tpu.vector_store %arg16[%swap3A_630, %swap3A_631], %mul3A_629 {strides = array<i32>} : memref<128x128xf32, #tpu.memory_space<vmem>>, vector<16xf32>,
        %get3A_633 = arith.index_cast %add3A_564 : i32 to index
        %get3A_634 = arith.constant 96 : index
        %get3A_635 = tpu.vector_load %arg16[%get3A_633, %get3A_634] {strides = array<i32>} : memref<128x128xf32, #tpu.memory_space<vmem>>, vector<16xf32>,
        %get3A_636 = arith.index_cast %add3A_564 : i32 to index
        %get3A_637 = arith.constant 96 : index
        %get3A_638 = tpu.vector_load %arg15[%get3A_636, %get3A_637] {strides = array<i32>} : memref<128x128xf32, #tpu.memory_space<vmem>>, vector<16xf32>,
        %mul3A_639 = arith.mulf %get3A_635, %get3A_638 : vector<16xf32>
        %mul3A_640 = arith.mulf %mul3A_639, %gather3A_566 : vector<16xf32>
        %swap3A_641 = arith.index_cast %add3A_564 : i32 to index
        %swap3A_642 = arith.constant 96 : index
        %swap3A_643 = tpu.vector_load %arg16[%swap3A_641, %swap3A_642] {strides = array<i32>} : memref<128x128xf32, #tpu.memory_space<vmem>>, vector<16xf32>,
        tpu.vector_store %arg16[%swap3A_641, %swap3A_642], %mul3A_640 {strides = array<i32>} : memref<128x128xf32, #tpu.memory_space<vmem>>, vector<16xf32>,
        %get3A_644 = arith.index_cast %add3A_564 : i32 to index
        %get3A_645 = arith.constant 112 : index
        %get3A_646 = tpu.vector_load %arg16[%get3A_644, %get3A_645] {strides = array<i32>} : memref<128x128xf32, #tpu.memory_space<vmem>>, vector<16xf32>,
        %get3A_647 = arith.index_cast %add3A_564 : i32 to index
        %get3A_648 = arith.constant 112 : index
        %get3A_649 = tpu.vector_load %arg15[%get3A_647, %get3A_648] {strides = array<i32>} : memref<128x128xf32, #tpu.memory_space<vmem>>, vector<16xf32>,
        %mul3A_650 = arith.mulf %get3A_646, %get3A_649 : vector<16xf32>
        %mul3A_651 = arith.mulf %mul3A_650, %gather3A_566 : vector<16xf32>
        %swap3A_652 = arith.index_cast %add3A_564 : i32 to index
        %swap3A_653 = arith.constant 112 : index
        %swap3A_654 = tpu.vector_load %arg16[%swap3A_652, %swap3A_653] {strides = array<i32>} : memref<128x128xf32, #tpu.memory_space<vmem>>, vector<16xf32>,
        tpu.vector_store %arg16[%swap3A_652, %swap3A_653], %mul3A_651 {strides = array<i32>} : memref<128x128xf32, #tpu.memory_space<vmem>>, vector<16xf32>,
        %mul3A_655 = arith.constant 4 : i32
        %mul3A_656 = arith.muli %scan3A_373, %mul3A_655 : i32
        %add3A_657 = arith.constant 3 : i32
        %add3A_658 = arith.addi %mul3A_656, %add3A_657 : i32
        %broadcast_in_dim3A_659 = vector.broadcast %add3A_658 : i32 to vector<16xi32>
        %gather3A_660 = tpu.vector_load_idx %arg13[%broadcast_in_dim3A_659] : memref<128xf32, #tpu.memory_space<vmem>>[vector<16xi32>], vector<16xf32>,
        %get3A_661 = arith.index_cast %add3A_658 : i32 to index
        %get3A_662 = arith.constant 0 : index
        %get3A_663 = tpu.vector_load %arg16[%get3A_661, %get3A_662] {strides = array<i32>} : memref<128x128xf32, #tpu.memory_space<vmem>>, vector<16xf32>,
        %get3A_664 = arith.index_cast %add3A_658 : i32 to index
        %get3A_665 = arith.constant 0 : index
        %get3A_666 = tpu.vector_load %arg15[%get3A_664, %get3A_665] {strides = array<i32>} : memref<128x128xf32, #tpu.memory_space<vmem>>, vector<16xf32>,
        %mul3A_667 = arith.mulf %get3A_663, %get3A_666 : vector<16xf32>
        %mul3A_668 = arith.mulf %mul3A_667, %gather3A_660 : vector<16xf32>
        %swap3A_669 = arith.index_cast %add3A_658 : i32 to index
        %swap3A_670 = arith.constant 0 : index
        %swap3A_671 = tpu.vector_load %arg16[%swap3A_669, %swap3A_670] {strides = array<i32>} : memref<128x128xf32, #tpu.memory_space<vmem>>, vector<16xf32>,
        tpu.vector_store %arg16[%swap3A_669, %swap3A_670], %mul3A_668 {strides = array<i32>} : memref<128x128xf32, #tpu.memory_space<vmem>>, vector<16xf32>,
        %get3A_672 = arith.index_cast %add3A_658 : i32 to index
        %get3A_673 = arith.constant 16 : index
        %get3A_674 = tpu.vector_load %arg16[%get3A_672, %get3A_673] {strides = array<i32>} : memref<128x128xf32, #tpu.memory_space<vmem>>, vector<16xf32>,
        %get3A_675 = arith.index_cast %add3A_658 : i32 to index
        %get3A_676 = arith.constant 16 : index
        %get3A_677 = tpu.vector_load %arg15[%get3A_675, %get3A_676] {strides = array<i32>} : memref<128x128xf32, #tpu.memory_space<vmem>>, vector<16xf32>,
        %mul3A_678 = arith.mulf %get3A_674, %get3A_677 : vector<16xf32>
        %mul3A_679 = arith.mulf %mul3A_678, %gather3A_660 : vector<16xf32>
        %swap3A_680 = arith.index_cast %add3A_658 : i32 to index
        %swap3A_681 = arith.constant 16 : index
        %swap3A_682 = tpu.vector_load %arg16[%swap3A_680, %swap3A_681] {strides = array<i32>} : memref<128x128xf32, #tpu.memory_space<vmem>>, vector<16xf32>,
        tpu.vector_store %arg16[%swap3A_680, %swap3A_681], %mul3A_679 {strides = array<i32>} : memref<128x128xf32, #tpu.memory_space<vmem>>, vector<16xf32>,
        %get3A_683 = arith.index_cast %add3A_658 : i32 to index
        %get3A_684 = arith.constant 32 : index
        %get3A_685 = tpu.vector_load %arg16[%get3A_683, %get3A_684] {strides = array<i32>} : memref<128x128xf32, #tpu.memory_space<vmem>>, vector<16xf32>,
        %get3A_686 = arith.index_cast %add3A_658 : i32 to index
        %get3A_687 = arith.constant 32 : index
        %get3A_688 = tpu.vector_load %arg15[%get3A_686, %get3A_687] {strides = array<i32>} : memref<128x128xf32, #tpu.memory_space<vmem>>, vector<16xf32>,
        %mul3A_689 = arith.mulf %get3A_685, %get3A_688 : vector<16xf32>
        %mul3A_690 = arith.mulf %mul3A_689, %gather3A_660 : vector<16xf32>
        %swap3A_691 = arith.index_cast %add3A_658 : i32 to index
        %swap3A_692 = arith.constant 32 : index
        %swap3A_693 = tpu.vector_load %arg16[%swap3A_691, %swap3A_692] {strides = array<i32>} : memref<128x128xf32, #tpu.memory_space<vmem>>, vector<16xf32>,
        tpu.vector_store %arg16[%swap3A_691, %swap3A_692], %mul3A_690 {strides = array<i32>} : memref<128x128xf32, #tpu.memory_space<vmem>>, vector<16xf32>,
        %get3A_694 = arith.index_cast %add3A_658 : i32 to index
        %get3A_695 = arith.constant 48 : index
        %get3A_696 = tpu.vector_load %arg16[%get3A_694, %get3A_695] {strides = array<i32>} : memref<128x128xf32, #tpu.memory_space<vmem>>, vector<16xf32>,
        %get3A_697 = arith.index_cast %add3A_658 : i32 to index
        %get3A_698 = arith.constant 48 : index
        %get3A_699 = tpu.vector_load %arg15[%get3A_697, %get3A_698] {strides = array<i32>} : memref<128x128xf32, #tpu.memory_space<vmem>>, vector<16xf32>,
        %mul3A_700 = arith.mulf %get3A_696, %get3A_699 : vector<16xf32>
        %mul3A_701 = arith.mulf %mul3A_700, %gather3A_660 : vector<16xf32>
        %swap3A_702 = arith.index_cast %add3A_658 : i32 to index
        %swap3A_703 = arith.constant 48 : index
        %swap3A_704 = tpu.vector_load %arg16[%swap3A_702, %swap3A_703] {strides = array<i32>} : memref<128x128xf32, #tpu.memory_space<vmem>>, vector<16xf32>,
        tpu.vector_store %arg16[%swap3A_702, %swap3A_703], %mul3A_701 {strides = array<i32>} : memref<128x128xf32, #tpu.memory_space<vmem>>, vector<16xf32>,
        %get3A_705 = arith.index_cast %add3A_658 : i32 to index
        %get3A_706 = arith.constant 64 : index
        %get3A_707 = tpu.vector_load %arg16[%get3A_705, %get3A_706] {strides = array<i32>} : memref<128x128xf32, #tpu.memory_space<vmem>>, vector<16xf32>,
        %get3A_708 = arith.index_cast %add3A_658 : i32 to index
        %get3A_709 = arith.constant 64 : index
        %get3A_710 = tpu.vector_load %arg15[%get3A_708, %get3A_709] {strides = array<i32>} : memref<128x128xf32, #tpu.memory_space<vmem>>, vector<16xf32>,
        %mul3A_711 = arith.mulf %get3A_707, %get3A_710 : vector<16xf32>
        %mul3A_712 = arith.mulf %mul3A_711, %gather3A_660 : vector<16xf32>
        %swap3A_713 = arith.index_cast %add3A_658 : i32 to index
        %swap3A_714 = arith.constant 64 : index
        %swap3A_715 = tpu.vector_load %arg16[%swap3A_713, %swap3A_714] {strides = array<i32>} : memref<128x128xf32, #tpu.memory_space<vmem>>, vector<16xf32>,
        tpu.vector_store %arg16[%swap3A_713, %swap3A_714], %mul3A_712 {strides = array<i32>} : memref<128x128xf32, #tpu.memory_space<vmem>>, vector<16xf32>,
        %get3A_716 = arith.index_cast %add3A_658 : i32 to index
        %get3A_717 = arith.constant 80 : index
        %get3A_718 = tpu.vector_load %arg16[%get3A_716, %get3A_717] {strides = array<i32>} : memref<128x128xf32, #tpu.memory_space<vmem>>, vector<16xf32>,
        %get3A_719 = arith.index_cast %add3A_658 : i32 to index
        %get3A_720 = arith.constant 80 : index
        %get3A_721 = tpu.vector_load %arg15[%get3A_719, %get3A_720] {strides = array<i32>} : memref<128x128xf32, #tpu.memory_space<vmem>>, vector<16xf32>,
        %mul3A_722 = arith.mulf %get3A_718, %get3A_721 : vector<16xf32>
        %mul3A_723 = arith.mulf %mul3A_722, %gather3A_660 : vector<16xf32>
        %swap3A_724 = arith.index_cast %add3A_658 : i32 to index
        %swap3A_725 = arith.constant 80 : index
        %swap3A_726 = tpu.vector_load %arg16[%swap3A_724, %swap3A_725] {strides = array<i32>} : memref<128x128xf32, #tpu.memory_space<vmem>>, vector<16xf32>,
        tpu.vector_store %arg16[%swap3A_724, %swap3A_725], %mul3A_723 {strides = array<i32>} : memref<128x128xf32, #tpu.memory_space<vmem>>, vector<16xf32>,
        %get3A_727 = arith.index_cast %add3A_658 : i32 to index
        %get3A_728 = arith.constant 96 : index
        %get3A_729 = tpu.vector_load %arg16[%get3A_727, %get3A_728] {strides = array<i32>} : memref<128x128xf32, #tpu.memory_space<vmem>>, vector<16xf32>,
        %get3A_730 = arith.index_cast %add3A_658 : i32 to index
        %get3A_731 = arith.constant 96 : index
        %get3A_732 = tpu.vector_load %arg15[%get3A_730, %get3A_731] {strides = array<i32>} : memref<128x128xf32, #tpu.memory_space<vmem>>, vector<16xf32>,
        %mul3A_733 = arith.mulf %get3A_729, %get3A_732 : vector<16xf32>
        %mul3A_734 = arith.mulf %mul3A_733, %gather3A_660 : vector<16xf32>
        %swap3A_735 = arith.index_cast %add3A_658 : i32 to index
        %swap3A_736 = arith.constant 96 : index
        %swap3A_737 = tpu.vector_load %arg16[%swap3A_735, %swap3A_736] {strides = array<i32>} : memref<128x128xf32, #tpu.memory_space<vmem>>, vector<16xf32>,
        tpu.vector_store %arg16[%swap3A_735, %swap3A_736], %mul3A_734 {strides = array<i32>} : memref<128x128xf32, #tpu.memory_space<vmem>>, vector<16xf32>,
        %get3A_738 = arith.index_cast %add3A_658 : i32 to index
        %get3A_739 = arith.constant 112 : index
        %get3A_740 = tpu.vector_load %arg16[%get3A_738, %get3A_739] {strides = array<i32>} : memref<128x128xf32, #tpu.memory_space<vmem>>, vector<16xf32>,
        %get3A_741 = arith.index_cast %add3A_658 : i32 to index
        %get3A_742 = arith.constant 112 : index
        %get3A_743 = tpu.vector_load %arg15[%get3A_741, %get3A_742] {strides = array<i32>} : memref<128x128xf32, #tpu.memory_space<vmem>>, vector<16xf32>,
        %mul3A_744 = arith.mulf %get3A_740, %get3A_743 : vector<16xf32>
        %mul3A_745 = arith.mulf %mul3A_744, %gather3A_660 : vector<16xf32>
        %swap3A_746 = arith.index_cast %add3A_658 : i32 to index
        %swap3A_747 = arith.constant 112 : index
        %swap3A_748 = tpu.vector_load %arg16[%swap3A_746, %swap3A_747] {strides = array<i32>} : memref<128x128xf32, #tpu.memory_space<vmem>>, vector<16xf32>,
        tpu.vector_store %arg16[%swap3A_746, %swap3A_747], %mul3A_745 {strides = array<i32>} : memref<128x128xf32, #tpu.memory_space<vmem>>, vector<16xf32>,
      }
      %scan3A_372 = arith.constant 32 : i32
      "tpu.region"() ({
        %run_scoped3A = tpu.sem_alloc : memref<!tpu.dma_semaphore, #tpu.memory_space<semaphore_mem>>
        %dma_start3A_373 = arith.constant 0 : i32
        %dma_start3A_374 = arith.constant 0 : i32
        %dma_start3A_375 = tpu.memref_slice %arg18[%dma_start3A_373, %dma_start3A_374] : memref<10240x128xf32, #tpu.memory_space<vmem_shared>> -> memref<10240x128xf32, #tpu.memory_space<vmem_shared>>
        tpu.enqueue_indirect_dma source(%arg16 : memref<128x128xf32, #tpu.memory_space<vmem>>) target(%dma_start3A_375 : memref<10240x128xf32, #tpu.memory_space<vmem_shared>>) offsets(%arg11 : memref<128xi32, #tpu.memory_space<vmem>>) semaphore(%run_scoped3A : memref<!tpu.dma_semaphore, #tpu.memory_space<semaphore_mem>>) {add = true}
        %dma_wait3A_376 = arith.constant 0 : i32
        %dma_wait3A_377 = arith.constant 0 : i32
        %dma_wait3A_378 = tpu.memref_slice %arg18[%dma_wait3A_376, %dma_wait3A_377] : memref<10240x128xf32, #tpu.memory_space<vmem_shared>> -> memref<10240x128xf32, #tpu.memory_space<vmem_shared>>
        tpu.wait_indirect_dma semaphore(%run_scoped3A : memref<!tpu.dma_semaphore, #tpu.memory_space<semaphore_mem>>) src(%arg16 : memref<128x128xf32, #tpu.memory_space<vmem>>) dst(%dma_wait3A_378 : memref<10240x128xf32, #tpu.memory_space<vmem_shared>>)
        tpu.yield
      }) : () -> ()
    }
    %while3A_279 = arith.constant 1 : i32
    scf.for %while3A_291 = %while3A_277 to %while3A_273 step %while3A_279  : i32 {
      %mul3A_292 = arith.constant 32 : i32
      %mul3A_293 = arith.muli %mul3A_292, %while3A_291 : i32
      %add3A_294 = arith.addi %add3A, %mul3A_293 : i32
      %mul3A_295 = arith.constant 128 : i32
      %mul3A_296 = arith.muli %add3A_294, %mul3A_295 : i32
      %dma_start3A = tpu.memref_slice %arg3[%mul3A_296] : memref<160000xi32, #tpu.memory_space<hbm>> -> memref<128xi32, #tpu.memory_space<hbm>>
      %dma_start3A_297 = tpu.memref_slice %arg3[%mul3A_296] : memref<160000xi32, #tpu.memory_space<hbm>> -> memref<128xi32, #tpu.memory_space<hbm>>
      tpu.enqueue_dma source(%dma_start3A_297 : memref<128xi32, #tpu.memory_space<hbm>>) target(%arg10 : memref<128xi32, #tpu.memory_space<vmem>>) target_semaphore(%arg20 : memref<!tpu.dma_semaphore, #tpu.memory_space<semaphore_mem>>)
      %dma_start3A_298 = tpu.memref_slice %arg4[%mul3A_296] : memref<160000xi32, #tpu.memory_space<hbm>> -> memref<128xi32, #tpu.memory_space<hbm>>
      %dma_start3A_299 = tpu.memref_slice %arg4[%mul3A_296] : memref<160000xi32, #tpu.memory_space<hbm>> -> memref<128xi32, #tpu.memory_space<hbm>>
      tpu.enqueue_dma source(%dma_start3A_299 : memref<128xi32, #tpu.memory_space<hbm>>) target(%arg11 : memref<128xi32, #tpu.memory_space<vmem>>) target_semaphore(%arg21 : memref<!tpu.dma_semaphore, #tpu.memory_space<semaphore_mem>>)
      %dma_start3A_300 = tpu.memref_slice %arg5[%mul3A_296] : memref<160000xf32, #tpu.memory_space<hbm>> -> memref<128xf32, #tpu.memory_space<hbm>>
      %dma_start3A_301 = tpu.memref_slice %arg5[%mul3A_296] : memref<160000xf32, #tpu.memory_space<hbm>> -> memref<128xf32, #tpu.memory_space<hbm>>
      tpu.enqueue_dma source(%dma_start3A_301 : memref<128xf32, #tpu.memory_space<hbm>>) target(%arg12 : memref<128xf32, #tpu.memory_space<vmem>>) target_semaphore(%arg22 : memref<!tpu.dma_semaphore, #tpu.memory_space<semaphore_mem>>)
      %dma_start3A_302 = arith.constant 0 : i32
      %dma_start3A_303 = tpu.memref_slice %arg7[%mul3A_296, %dma_start3A_302] : memref<160000x128xf32, #tpu.memory_space<hbm>> -> memref<128x128xf32, #tpu.memory_space<hbm>>
      %dma_start3A_304 = arith.constant 0 : i32
      %dma_start3A_305 = tpu.memref_slice %arg7[%mul3A_296, %dma_start3A_304] : memref<160000x128xf32, #tpu.memory_space<hbm>> -> memref<128x128xf32, #tpu.memory_space<hbm>>
      tpu.enqueue_dma source(%dma_start3A_305 : memref<128x128xf32, #tpu.memory_space<hbm>>) target(%arg16 : memref<128x128xf32, #tpu.memory_space<vmem>>) target_semaphore(%arg23 : memref<!tpu.dma_semaphore, #tpu.memory_space<semaphore_mem>>)
      %dma_wait3A = tpu.memref_slice %arg3[%mul3A_296] : memref<160000xi32, #tpu.memory_space<hbm>> -> memref<128xi32, #tpu.memory_space<hbm>>
      %dma_wait3A_306 = tpu.memref_slice %arg3[%mul3A_296] : memref<160000xi32, #tpu.memory_space<hbm>> -> memref<128xi32, #tpu.memory_space<hbm>>
      tpu.wait_dma2 semaphore(%arg20 : memref<!tpu.dma_semaphore, #tpu.memory_space<semaphore_mem>>) src(%dma_wait3A_306 : memref<128xi32, #tpu.memory_space<hbm>>) dst(%arg10 : memref<128xi32, #tpu.memory_space<vmem>>)
      %dma_start3A_307 = arith.constant 0 : i32
      %dma_start3A_308 = arith.constant 0 : i32
      %dma_start3A_309 = tpu.memref_slice %arg2[%dma_start3A_307, %dma_start3A_308] : memref<10000x128xf32, #tpu.memory_space<hbm>> -> memref<10000x128xf32, #tpu.memory_space<hbm>>
      tpu.enqueue_indirect_dma source(%dma_start3A_309 : memref<10000x128xf32, #tpu.memory_space<hbm>>) target(%arg15 : memref<128x128xf32, #tpu.memory_space<vmem>>) offsets(%arg10 : memref<128xi32, #tpu.memory_space<vmem>>) semaphore(%arg24 : memref<!tpu.dma_semaphore, #tpu.memory_space<semaphore_mem>>)
      %dma_wait3A_310 = tpu.memref_slice %arg5[%mul3A_296] : memref<160000xf32, #tpu.memory_space<hbm>> -> memref<128xf32, #tpu.memory_space<hbm>>
      %dma_wait3A_311 = tpu.memref_slice %arg5[%mul3A_296] : memref<160000xf32, #tpu.memory_space<hbm>> -> memref<128xf32, #tpu.memory_space<hbm>>
      tpu.wait_dma2 semaphore(%arg22 : memref<!tpu.dma_semaphore, #tpu.memory_space<semaphore_mem>>) src(%dma_wait3A_311 : memref<128xf32, #tpu.memory_space<hbm>>) dst(%arg12 : memref<128xf32, #tpu.memory_space<vmem>>)
      %get3A_312 = arith.constant 0 : index
      %get3A_313 = tpu.vector_load %arg12[%get3A_312] {strides = array<i32>} : memref<128xf32, #tpu.memory_space<vmem>>, vector<16xf32>,
      %sub3A = arith.subf %get3A_313, %get3A_3 : vector<16xf32>
      %exp3A = math.exp %sub3A : vector<16xf32>
      %swap3A_314 = arith.constant 0 : index
      %swap3A_315 = tpu.vector_load %arg13[%swap3A_314] {strides = array<i32>} : memref<128xf32, #tpu.memory_space<vmem>>, vector<16xf32>,
      tpu.vector_store %arg13[%swap3A_314], %exp3A {strides = array<i32>} : memref<128xf32, #tpu.memory_space<vmem>>, vector<16xf32>,
      %get3A_316 = arith.constant 16 : index
      %get3A_317 = tpu.vector_load %arg12[%get3A_316] {strides = array<i32>} : memref<128xf32, #tpu.memory_space<vmem>>, vector<16xf32>,
      %sub3A_318 = arith.subf %get3A_317, %get3A_3 : vector<16xf32>
      %exp3A_319 = math.exp %sub3A_318 : vector<16xf32>
      %swap3A_320 = arith.constant 16 : index
      %swap3A_321 = tpu.vector_load %arg13[%swap3A_320] {strides = array<i32>} : memref<128xf32, #tpu.memory_space<vmem>>, vector<16xf32>,
      tpu.vector_store %arg13[%swap3A_320], %exp3A_319 {strides = array<i32>} : memref<128xf32, #tpu.memory_space<vmem>>, vector<16xf32>,
      %get3A_322 = arith.constant 32 : index
      %get3A_323 = tpu.vector_load %arg12[%get3A_322] {strides = array<i32>} : memref<128xf32, #tpu.memory_space<vmem>>, vector<16xf32>,
      %sub3A_324 = arith.subf %get3A_323, %get3A_3 : vector<16xf32>
      %exp3A_325 = math.exp %sub3A_324 : vector<16xf32>
      %swap3A_326 = arith.constant 32 : index
      %swap3A_327 = tpu.vector_load %arg13[%swap3A_326] {strides = array<i32>} : memref<128xf32, #tpu.memory_space<vmem>>, vector<16xf32>,
      tpu.vector_store %arg13[%swap3A_326], %exp3A_325 {strides = array<i32>} : memref<128xf32, #tpu.memory_space<vmem>>, vector<16xf32>,
      %get3A_328 = arith.constant 48 : index
      %get3A_329 = tpu.vector_load %arg12[%get3A_328] {strides = array<i32>} : memref<128xf32, #tpu.memory_space<vmem>>, vector<16xf32>,
      %sub3A_330 = arith.subf %get3A_329, %get3A_3 : vector<16xf32>
      %exp3A_331 = math.exp %sub3A_330 : vector<16xf32>
      %swap3A_332 = arith.constant 48 : index
      %swap3A_333 = tpu.vector_load %arg13[%swap3A_332] {strides = array<i32>} : memref<128xf32, #tpu.memory_space<vmem>>, vector<16xf32>,
      tpu.vector_store %arg13[%swap3A_332], %exp3A_331 {strides = array<i32>} : memref<128xf32, #tpu.memory_space<vmem>>, vector<16xf32>,
      %get3A_334 = arith.constant 64 : index
      %get3A_335 = tpu.vector_load %arg12[%get3A_334] {strides = array<i32>} : memref<128xf32, #tpu.memory_space<vmem>>, vector<16xf32>,
      %sub3A_336 = arith.subf %get3A_335, %get3A_3 : vector<16xf32>
      %exp3A_337 = math.exp %sub3A_336 : vector<16xf32>
      %swap3A_338 = arith.constant 64 : index
      %swap3A_339 = tpu.vector_load %arg13[%swap3A_338] {strides = array<i32>} : memref<128xf32, #tpu.memory_space<vmem>>, vector<16xf32>,
      tpu.vector_store %arg13[%swap3A_338], %exp3A_337 {strides = array<i32>} : memref<128xf32, #tpu.memory_space<vmem>>, vector<16xf32>,
      %get3A_340 = arith.constant 80 : index
      %get3A_341 = tpu.vector_load %arg12[%get3A_340] {strides = array<i32>} : memref<128xf32, #tpu.memory_space<vmem>>, vector<16xf32>,
      %sub3A_342 = arith.subf %get3A_341, %get3A_3 : vector<16xf32>
      %exp3A_343 = math.exp %sub3A_342 : vector<16xf32>
      %swap3A_344 = arith.constant 80 : index
      %swap3A_345 = tpu.vector_load %arg13[%swap3A_344] {strides = array<i32>} : memref<128xf32, #tpu.memory_space<vmem>>, vector<16xf32>,
      tpu.vector_store %arg13[%swap3A_344], %exp3A_343 {strides = array<i32>} : memref<128xf32, #tpu.memory_space<vmem>>, vector<16xf32>,
      %get3A_346 = arith.constant 96 : index
      %get3A_347 = tpu.vector_load %arg12[%get3A_346] {strides = array<i32>} : memref<128xf32, #tpu.memory_space<vmem>>, vector<16xf32>,
      %sub3A_348 = arith.subf %get3A_347, %get3A_3 : vector<16xf32>
      %exp3A_349 = math.exp %sub3A_348 : vector<16xf32>
      %swap3A_350 = arith.constant 96 : index
      %swap3A_351 = tpu.vector_load %arg13[%swap3A_350] {strides = array<i32>} : memref<128xf32, #tpu.memory_space<vmem>>, vector<16xf32>,
      tpu.vector_store %arg13[%swap3A_350], %exp3A_349 {strides = array<i32>} : memref<128xf32, #tpu.memory_space<vmem>>, vector<16xf32>,
      %get3A_352 = arith.constant 112 : index
      %get3A_353 = tpu.vector_load %arg12[%get3A_352] {strides = array<i32>} : memref<128xf32, #tpu.memory_space<vmem>>, vector<16xf32>,
      %sub3A_354 = arith.subf %get3A_353, %get3A_3 : vector<16xf32>
      %exp3A_355 = math.exp %sub3A_354 : vector<16xf32>
      %swap3A_356 = arith.constant 112 : index
      %swap3A_357 = tpu.vector_load %arg13[%swap3A_356] {strides = array<i32>} : memref<128xf32, #tpu.memory_space<vmem>>, vector<16xf32>,
      tpu.vector_store %arg13[%swap3A_356], %exp3A_355 {strides = array<i32>} : memref<128xf32, #tpu.memory_space<vmem>>, vector<16xf32>,
      %dma_wait3A_358 = tpu.memref_slice %arg4[%mul3A_296] : memref<160000xi32, #tpu.memory_space<hbm>> -> memref<128xi32, #tpu.memory_space<hbm>>
      %dma_wait3A_359 = tpu.memref_slice %arg4[%mul3A_296] : memref<160000xi32, #tpu.memory_space<hbm>> -> memref<128xi32, #tpu.memory_space<hbm>>
      tpu.wait_dma2 semaphore(%arg21 : memref<!tpu.dma_semaphore, #tpu.memory_space<semaphore_mem>>) src(%dma_wait3A_359 : memref<128xi32, #tpu.memory_space<hbm>>) dst(%arg11 : memref<128xi32, #tpu.memory_space<vmem>>)
      "tpu.region"() ({
        %run_scoped3A = tpu.sem_alloc : memref<!tpu.dma_semaphore, #tpu.memory_space<semaphore_mem>>
        %dma_start3A_373 = arith.constant 0 : i32
        %dma_start3A_374 = tpu.memref_slice %arg19[%dma_start3A_373] : memref<10240xf32, #tpu.memory_space<vmem_shared>> -> memref<10240xf32, #tpu.memory_space<vmem_shared>>
        tpu.enqueue_indirect_dma source(%arg13 : memref<128xf32, #tpu.memory_space<vmem>>) target(%dma_start3A_374 : memref<10240xf32, #tpu.memory_space<vmem_shared>>) offsets(%arg11 : memref<128xi32, #tpu.memory_space<vmem>>) semaphore(%run_scoped3A : memref<!tpu.dma_semaphore, #tpu.memory_space<semaphore_mem>>) {add = true}
        %dma_wait3A_375 = arith.constant 0 : i32
        %dma_wait3A_376 = tpu.memref_slice %arg19[%dma_wait3A_375] : memref<10240xf32, #tpu.memory_space<vmem_shared>> -> memref<10240xf32, #tpu.memory_space<vmem_shared>>
        tpu.wait_indirect_dma semaphore(%run_scoped3A : memref<!tpu.dma_semaphore, #tpu.memory_space<semaphore_mem>>) src(%arg13 : memref<128xf32, #tpu.memory_space<vmem>>) dst(%dma_wait3A_376 : memref<10240xf32, #tpu.memory_space<vmem_shared>>)
        tpu.yield
      }) : () -> ()
      %dma_wait3A_360 = arith.constant 0 : i32
      %dma_wait3A_361 = tpu.memref_slice %arg7[%mul3A_296, %dma_wait3A_360] : memref<160000x128xf32, #tpu.memory_space<hbm>> -> memref<128x128xf32, #tpu.memory_space<hbm>>
      %dma_wait3A_362 = arith.constant 0 : i32
      %dma_wait3A_363 = tpu.memref_slice %arg7[%mul3A_296, %dma_wait3A_362] : memref<160000x128xf32, #tpu.memory_space<hbm>> -> memref<128x128xf32, #tpu.memory_space<hbm>>
      tpu.wait_dma2 semaphore(%arg23 : memref<!tpu.dma_semaphore, #tpu.memory_space<semaphore_mem>>) src(%dma_wait3A_363 : memref<128x128xf32, #tpu.memory_space<hbm>>) dst(%arg16 : memref<128x128xf32, #tpu.memory_space<vmem>>)
      %dma_wait3A_364 = arith.constant 0 : i32
      %dma_wait3A_365 = arith.constant 0 : i32
      %dma_wait3A_366 = tpu.memref_slice %arg2[%dma_wait3A_364, %dma_wait3A_365] : memref<10000x128xf32, #tpu.memory_space<hbm>> -> memref<10000x128xf32, #tpu.memory_space<hbm>>
      tpu.wait_indirect_dma semaphore(%arg24 : memref<!tpu.dma_semaphore, #tpu.memory_space<semaphore_mem>>) src(%dma_wait3A_366 : memref<10000x128xf32, #tpu.memory_space<hbm>>) dst(%arg15 : memref<128x128xf32, #tpu.memory_space<vmem>>)
      %scan3A_367 = arith.constant 0 : i32
      %scan3A_368 = arith.constant 0 : i32
      %scan3A_369 = arith.constant 32 : i32
      %scan3A_370 = arith.addi %scan3A_368, %scan3A_369 : i32
      %scan3A_371 = arith.constant 1 : i32
      scf.for %scan3A_373 = %scan3A_368 to %scan3A_370 step %scan3A_371  : i32 {
        %mul3A_374 = arith.constant 4 : i32
        %mul3A_375 = arith.muli %scan3A_373, %mul3A_374 : i32
        %add3A_376 = arith.constant 0 : i32
        %add3A_377 = arith.addi %mul3A_375, %add3A_376 : i32
        %broadcast_in_dim3A_378 = vector.broadcast %add3A_377 : i32 to vector<16xi32>
        %gather3A = tpu.vector_load_idx %arg13[%broadcast_in_dim3A_378] : memref<128xf32, #tpu.memory_space<vmem>>[vector<16xi32>], vector<16xf32>,
        %get3A_379 = arith.index_cast %add3A_377 : i32 to index
        %get3A_380 = arith.constant 0 : index
        %get3A_381 = tpu.vector_load %arg16[%get3A_379, %get3A_380] {strides = array<i32>} : memref<128x128xf32, #tpu.memory_space<vmem>>, vector<16xf32>,
        %get3A_382 = arith.index_cast %add3A_377 : i32 to index
        %get3A_383 = arith.constant 0 : index
        %get3A_384 = tpu.vector_load %arg15[%get3A_382, %get3A_383] {strides = array<i32>} : memref<128x128xf32, #tpu.memory_space<vmem>>, vector<16xf32>,
        %mul3A_385 = arith.mulf %get3A_381, %get3A_384 : vector<16xf32>
        %mul3A_386 = arith.mulf %mul3A_385, %gather3A : vector<16xf32>
        %swap3A_387 = arith.index_cast %add3A_377 : i32 to index
        %swap3A_388 = arith.constant 0 : index
        %swap3A_389 = tpu.vector_load %arg16[%swap3A_387, %swap3A_388] {strides = array<i32>} : memref<128x128xf32, #tpu.memory_space<vmem>>, vector<16xf32>,
        tpu.vector_store %arg16[%swap3A_387, %swap3A_388], %mul3A_386 {strides = array<i32>} : memref<128x128xf32, #tpu.memory_space<vmem>>, vector<16xf32>,
        %get3A_390 = arith.index_cast %add3A_377 : i32 to index
        %get3A_391 = arith.constant 16 : index
        %get3A_392 = tpu.vector_load %arg16[%get3A_390, %get3A_391] {strides = array<i32>} : memref<128x128xf32, #tpu.memory_space<vmem>>, vector<16xf32>,
        %get3A_393 = arith.index_cast %add3A_377 : i32 to index
        %get3A_394 = arith.constant 16 : index
        %get3A_395 = tpu.vector_load %arg15[%get3A_393, %get3A_394] {strides = array<i32>} : memref<128x128xf32, #tpu.memory_space<vmem>>, vector<16xf32>,
        %mul3A_396 = arith.mulf %get3A_392, %get3A_395 : vector<16xf32>
        %mul3A_397 = arith.mulf %mul3A_396, %gather3A : vector<16xf32>
        %swap3A_398 = arith.index_cast %add3A_377 : i32 to index
        %swap3A_399 = arith.constant 16 : index
        %swap3A_400 = tpu.vector_load %arg16[%swap3A_398, %swap3A_399] {strides = array<i32>} : memref<128x128xf32, #tpu.memory_space<vmem>>, vector<16xf32>,
        tpu.vector_store %arg16[%swap3A_398, %swap3A_399], %mul3A_397 {strides = array<i32>} : memref<128x128xf32, #tpu.memory_space<vmem>>, vector<16xf32>,
        %get3A_401 = arith.index_cast %add3A_377 : i32 to index
        %get3A_402 = arith.constant 32 : index
        %get3A_403 = tpu.vector_load %arg16[%get3A_401, %get3A_402] {strides = array<i32>} : memref<128x128xf32, #tpu.memory_space<vmem>>, vector<16xf32>,
        %get3A_404 = arith.index_cast %add3A_377 : i32 to index
        %get3A_405 = arith.constant 32 : index
        %get3A_406 = tpu.vector_load %arg15[%get3A_404, %get3A_405] {strides = array<i32>} : memref<128x128xf32, #tpu.memory_space<vmem>>, vector<16xf32>,
        %mul3A_407 = arith.mulf %get3A_403, %get3A_406 : vector<16xf32>
        %mul3A_408 = arith.mulf %mul3A_407, %gather3A : vector<16xf32>
        %swap3A_409 = arith.index_cast %add3A_377 : i32 to index
        %swap3A_410 = arith.constant 32 : index
        %swap3A_411 = tpu.vector_load %arg16[%swap3A_409, %swap3A_410] {strides = array<i32>} : memref<128x128xf32, #tpu.memory_space<vmem>>, vector<16xf32>,
        tpu.vector_store %arg16[%swap3A_409, %swap3A_410], %mul3A_408 {strides = array<i32>} : memref<128x128xf32, #tpu.memory_space<vmem>>, vector<16xf32>,
        %get3A_412 = arith.index_cast %add3A_377 : i32 to index
        %get3A_413 = arith.constant 48 : index
        %get3A_414 = tpu.vector_load %arg16[%get3A_412, %get3A_413] {strides = array<i32>} : memref<128x128xf32, #tpu.memory_space<vmem>>, vector<16xf32>,
        %get3A_415 = arith.index_cast %add3A_377 : i32 to index
        %get3A_416 = arith.constant 48 : index
        %get3A_417 = tpu.vector_load %arg15[%get3A_415, %get3A_416] {strides = array<i32>} : memref<128x128xf32, #tpu.memory_space<vmem>>, vector<16xf32>,
        %mul3A_418 = arith.mulf %get3A_414, %get3A_417 : vector<16xf32>
        %mul3A_419 = arith.mulf %mul3A_418, %gather3A : vector<16xf32>
        %swap3A_420 = arith.index_cast %add3A_377 : i32 to index
        %swap3A_421 = arith.constant 48 : index
        %swap3A_422 = tpu.vector_load %arg16[%swap3A_420, %swap3A_421] {strides = array<i32>} : memref<128x128xf32, #tpu.memory_space<vmem>>, vector<16xf32>,
        tpu.vector_store %arg16[%swap3A_420, %swap3A_421], %mul3A_419 {strides = array<i32>} : memref<128x128xf32, #tpu.memory_space<vmem>>, vector<16xf32>,
        %get3A_423 = arith.index_cast %add3A_377 : i32 to index
        %get3A_424 = arith.constant 64 : index
        %get3A_425 = tpu.vector_load %arg16[%get3A_423, %get3A_424] {strides = array<i32>} : memref<128x128xf32, #tpu.memory_space<vmem>>, vector<16xf32>,
        %get3A_426 = arith.index_cast %add3A_377 : i32 to index
        %get3A_427 = arith.constant 64 : index
        %get3A_428 = tpu.vector_load %arg15[%get3A_426, %get3A_427] {strides = array<i32>} : memref<128x128xf32, #tpu.memory_space<vmem>>, vector<16xf32>,
        %mul3A_429 = arith.mulf %get3A_425, %get3A_428 : vector<16xf32>
        %mul3A_430 = arith.mulf %mul3A_429, %gather3A : vector<16xf32>
        %swap3A_431 = arith.index_cast %add3A_377 : i32 to index
        %swap3A_432 = arith.constant 64 : index
        %swap3A_433 = tpu.vector_load %arg16[%swap3A_431, %swap3A_432] {strides = array<i32>} : memref<128x128xf32, #tpu.memory_space<vmem>>, vector<16xf32>,
        tpu.vector_store %arg16[%swap3A_431, %swap3A_432], %mul3A_430 {strides = array<i32>} : memref<128x128xf32, #tpu.memory_space<vmem>>, vector<16xf32>,
        %get3A_434 = arith.index_cast %add3A_377 : i32 to index
        %get3A_435 = arith.constant 80 : index
        %get3A_436 = tpu.vector_load %arg16[%get3A_434, %get3A_435] {strides = array<i32>} : memref<128x128xf32, #tpu.memory_space<vmem>>, vector<16xf32>,
        %get3A_437 = arith.index_cast %add3A_377 : i32 to index
        %get3A_438 = arith.constant 80 : index
        %get3A_439 = tpu.vector_load %arg15[%get3A_437, %get3A_438] {strides = array<i32>} : memref<128x128xf32, #tpu.memory_space<vmem>>, vector<16xf32>,
        %mul3A_440 = arith.mulf %get3A_436, %get3A_439 : vector<16xf32>
        %mul3A_441 = arith.mulf %mul3A_440, %gather3A : vector<16xf32>
        %swap3A_442 = arith.index_cast %add3A_377 : i32 to index
        %swap3A_443 = arith.constant 80 : index
        %swap3A_444 = tpu.vector_load %arg16[%swap3A_442, %swap3A_443] {strides = array<i32>} : memref<128x128xf32, #tpu.memory_space<vmem>>, vector<16xf32>,
        tpu.vector_store %arg16[%swap3A_442, %swap3A_443], %mul3A_441 {strides = array<i32>} : memref<128x128xf32, #tpu.memory_space<vmem>>, vector<16xf32>,
        %get3A_445 = arith.index_cast %add3A_377 : i32 to index
        %get3A_446 = arith.constant 96 : index
        %get3A_447 = tpu.vector_load %arg16[%get3A_445, %get3A_446] {strides = array<i32>} : memref<128x128xf32, #tpu.memory_space<vmem>>, vector<16xf32>,
        %get3A_448 = arith.index_cast %add3A_377 : i32 to index
        %get3A_449 = arith.constant 96 : index
        %get3A_450 = tpu.vector_load %arg15[%get3A_448, %get3A_449] {strides = array<i32>} : memref<128x128xf32, #tpu.memory_space<vmem>>, vector<16xf32>,
        %mul3A_451 = arith.mulf %get3A_447, %get3A_450 : vector<16xf32>
        %mul3A_452 = arith.mulf %mul3A_451, %gather3A : vector<16xf32>
        %swap3A_453 = arith.index_cast %add3A_377 : i32 to index
        %swap3A_454 = arith.constant 96 : index
        %swap3A_455 = tpu.vector_load %arg16[%swap3A_453, %swap3A_454] {strides = array<i32>} : memref<128x128xf32, #tpu.memory_space<vmem>>, vector<16xf32>,
        tpu.vector_store %arg16[%swap3A_453, %swap3A_454], %mul3A_452 {strides = array<i32>} : memref<128x128xf32, #tpu.memory_space<vmem>>, vector<16xf32>,
        %get3A_456 = arith.index_cast %add3A_377 : i32 to index
        %get3A_457 = arith.constant 112 : index
        %get3A_458 = tpu.vector_load %arg16[%get3A_456, %get3A_457] {strides = array<i32>} : memref<128x128xf32, #tpu.memory_space<vmem>>, vector<16xf32>,
        %get3A_459 = arith.index_cast %add3A_377 : i32 to index
        %get3A_460 = arith.constant 112 : index
        %get3A_461 = tpu.vector_load %arg15[%get3A_459, %get3A_460] {strides = array<i32>} : memref<128x128xf32, #tpu.memory_space<vmem>>, vector<16xf32>,
        %mul3A_462 = arith.mulf %get3A_458, %get3A_461 : vector<16xf32>
        %mul3A_463 = arith.mulf %mul3A_462, %gather3A : vector<16xf32>
        %swap3A_464 = arith.index_cast %add3A_377 : i32 to index
        %swap3A_465 = arith.constant 112 : index
        %swap3A_466 = tpu.vector_load %arg16[%swap3A_464, %swap3A_465] {strides = array<i32>} : memref<128x128xf32, #tpu.memory_space<vmem>>, vector<16xf32>,
        tpu.vector_store %arg16[%swap3A_464, %swap3A_465], %mul3A_463 {strides = array<i32>} : memref<128x128xf32, #tpu.memory_space<vmem>>, vector<16xf32>,
        %mul3A_467 = arith.constant 4 : i32
        %mul3A_468 = arith.muli %scan3A_373, %mul3A_467 : i32
        %add3A_469 = arith.constant 1 : i32
        %add3A_470 = arith.addi %mul3A_468, %add3A_469 : i32
        %broadcast_in_dim3A_471 = vector.broadcast %add3A_470 : i32 to vector<16xi32>
        %gather3A_472 = tpu.vector_load_idx %arg13[%broadcast_in_dim3A_471] : memref<128xf32, #tpu.memory_space<vmem>>[vector<16xi32>], vector<16xf32>,
        %get3A_473 = arith.index_cast %add3A_470 : i32 to index
        %get3A_474 = arith.constant 0 : index
        %get3A_475 = tpu.vector_load %arg16[%get3A_473, %get3A_474] {strides = array<i32>} : memref<128x128xf32, #tpu.memory_space<vmem>>, vector<16xf32>,
        %get3A_476 = arith.index_cast %add3A_470 : i32 to index
        %get3A_477 = arith.constant 0 : index
        %get3A_478 = tpu.vector_load %arg15[%get3A_476, %get3A_477] {strides = array<i32>} : memref<128x128xf32, #tpu.memory_space<vmem>>, vector<16xf32>,
        %mul3A_479 = arith.mulf %get3A_475, %get3A_478 : vector<16xf32>
        %mul3A_480 = arith.mulf %mul3A_479, %gather3A_472 : vector<16xf32>
        %swap3A_481 = arith.index_cast %add3A_470 : i32 to index
        %swap3A_482 = arith.constant 0 : index
        %swap3A_483 = tpu.vector_load %arg16[%swap3A_481, %swap3A_482] {strides = array<i32>} : memref<128x128xf32, #tpu.memory_space<vmem>>, vector<16xf32>,
        tpu.vector_store %arg16[%swap3A_481, %swap3A_482], %mul3A_480 {strides = array<i32>} : memref<128x128xf32, #tpu.memory_space<vmem>>, vector<16xf32>,
        %get3A_484 = arith.index_cast %add3A_470 : i32 to index
        %get3A_485 = arith.constant 16 : index
        %get3A_486 = tpu.vector_load %arg16[%get3A_484, %get3A_485] {strides = array<i32>} : memref<128x128xf32, #tpu.memory_space<vmem>>, vector<16xf32>,
        %get3A_487 = arith.index_cast %add3A_470 : i32 to index
        %get3A_488 = arith.constant 16 : index
        %get3A_489 = tpu.vector_load %arg15[%get3A_487, %get3A_488] {strides = array<i32>} : memref<128x128xf32, #tpu.memory_space<vmem>>, vector<16xf32>,
        %mul3A_490 = arith.mulf %get3A_486, %get3A_489 : vector<16xf32>
        %mul3A_491 = arith.mulf %mul3A_490, %gather3A_472 : vector<16xf32>
        %swap3A_492 = arith.index_cast %add3A_470 : i32 to index
        %swap3A_493 = arith.constant 16 : index
        %swap3A_494 = tpu.vector_load %arg16[%swap3A_492, %swap3A_493] {strides = array<i32>} : memref<128x128xf32, #tpu.memory_space<vmem>>, vector<16xf32>,
        tpu.vector_store %arg16[%swap3A_492, %swap3A_493], %mul3A_491 {strides = array<i32>} : memref<128x128xf32, #tpu.memory_space<vmem>>, vector<16xf32>,
        %get3A_495 = arith.index_cast %add3A_470 : i32 to index
        %get3A_496 = arith.constant 32 : index
        %get3A_497 = tpu.vector_load %arg16[%get3A_495, %get3A_496] {strides = array<i32>} : memref<128x128xf32, #tpu.memory_space<vmem>>, vector<16xf32>,
        %get3A_498 = arith.index_cast %add3A_470 : i32 to index
        %get3A_499 = arith.constant 32 : index
        %get3A_500 = tpu.vector_load %arg15[%get3A_498, %get3A_499] {strides = array<i32>} : memref<128x128xf32, #tpu.memory_space<vmem>>, vector<16xf32>,
        %mul3A_501 = arith.mulf %get3A_497, %get3A_500 : vector<16xf32>
        %mul3A_502 = arith.mulf %mul3A_501, %gather3A_472 : vector<16xf32>
        %swap3A_503 = arith.index_cast %add3A_470 : i32 to index
        %swap3A_504 = arith.constant 32 : index
        %swap3A_505 = tpu.vector_load %arg16[%swap3A_503, %swap3A_504] {strides = array<i32>} : memref<128x128xf32, #tpu.memory_space<vmem>>, vector<16xf32>,
        tpu.vector_store %arg16[%swap3A_503, %swap3A_504], %mul3A_502 {strides = array<i32>} : memref<128x128xf32, #tpu.memory_space<vmem>>, vector<16xf32>,
        %get3A_506 = arith.index_cast %add3A_470 : i32 to index
        %get3A_507 = arith.constant 48 : index
        %get3A_508 = tpu.vector_load %arg16[%get3A_506, %get3A_507] {strides = array<i32>} : memref<128x128xf32, #tpu.memory_space<vmem>>, vector<16xf32>,
        %get3A_509 = arith.index_cast %add3A_470 : i32 to index
        %get3A_510 = arith.constant 48 : index
        %get3A_511 = tpu.vector_load %arg15[%get3A_509, %get3A_510] {strides = array<i32>} : memref<128x128xf32, #tpu.memory_space<vmem>>, vector<16xf32>,
        %mul3A_512 = arith.mulf %get3A_508, %get3A_511 : vector<16xf32>
        %mul3A_513 = arith.mulf %mul3A_512, %gather3A_472 : vector<16xf32>
        %swap3A_514 = arith.index_cast %add3A_470 : i32 to index
        %swap3A_515 = arith.constant 48 : index
        %swap3A_516 = tpu.vector_load %arg16[%swap3A_514, %swap3A_515] {strides = array<i32>} : memref<128x128xf32, #tpu.memory_space<vmem>>, vector<16xf32>,
        tpu.vector_store %arg16[%swap3A_514, %swap3A_515], %mul3A_513 {strides = array<i32>} : memref<128x128xf32, #tpu.memory_space<vmem>>, vector<16xf32>,
        %get3A_517 = arith.index_cast %add3A_470 : i32 to index
        %get3A_518 = arith.constant 64 : index
        %get3A_519 = tpu.vector_load %arg16[%get3A_517, %get3A_518] {strides = array<i32>} : memref<128x128xf32, #tpu.memory_space<vmem>>, vector<16xf32>,
        %get3A_520 = arith.index_cast %add3A_470 : i32 to index
        %get3A_521 = arith.constant 64 : index
        %get3A_522 = tpu.vector_load %arg15[%get3A_520, %get3A_521] {strides = array<i32>} : memref<128x128xf32, #tpu.memory_space<vmem>>, vector<16xf32>,
        %mul3A_523 = arith.mulf %get3A_519, %get3A_522 : vector<16xf32>
        %mul3A_524 = arith.mulf %mul3A_523, %gather3A_472 : vector<16xf32>
        %swap3A_525 = arith.index_cast %add3A_470 : i32 to index
        %swap3A_526 = arith.constant 64 : index
        %swap3A_527 = tpu.vector_load %arg16[%swap3A_525, %swap3A_526] {strides = array<i32>} : memref<128x128xf32, #tpu.memory_space<vmem>>, vector<16xf32>,
        tpu.vector_store %arg16[%swap3A_525, %swap3A_526], %mul3A_524 {strides = array<i32>} : memref<128x128xf32, #tpu.memory_space<vmem>>, vector<16xf32>,
        %get3A_528 = arith.index_cast %add3A_470 : i32 to index
        %get3A_529 = arith.constant 80 : index
        %get3A_530 = tpu.vector_load %arg16[%get3A_528, %get3A_529] {strides = array<i32>} : memref<128x128xf32, #tpu.memory_space<vmem>>, vector<16xf32>,
        %get3A_531 = arith.index_cast %add3A_470 : i32 to index
        %get3A_532 = arith.constant 80 : index
        %get3A_533 = tpu.vector_load %arg15[%get3A_531, %get3A_532] {strides = array<i32>} : memref<128x128xf32, #tpu.memory_space<vmem>>, vector<16xf32>,
        %mul3A_534 = arith.mulf %get3A_530, %get3A_533 : vector<16xf32>
        %mul3A_535 = arith.mulf %mul3A_534, %gather3A_472 : vector<16xf32>
        %swap3A_536 = arith.index_cast %add3A_470 : i32 to index
        %swap3A_537 = arith.constant 80 : index
        %swap3A_538 = tpu.vector_load %arg16[%swap3A_536, %swap3A_537] {strides = array<i32>} : memref<128x128xf32, #tpu.memory_space<vmem>>, vector<16xf32>,
        tpu.vector_store %arg16[%swap3A_536, %swap3A_537], %mul3A_535 {strides = array<i32>} : memref<128x128xf32, #tpu.memory_space<vmem>>, vector<16xf32>,
        %get3A_539 = arith.index_cast %add3A_470 : i32 to index
        %get3A_540 = arith.constant 96 : index
        %get3A_541 = tpu.vector_load %arg16[%get3A_539, %get3A_540] {strides = array<i32>} : memref<128x128xf32, #tpu.memory_space<vmem>>, vector<16xf32>,
        %get3A_542 = arith.index_cast %add3A_470 : i32 to index
        %get3A_543 = arith.constant 96 : index
        %get3A_544 = tpu.vector_load %arg15[%get3A_542, %get3A_543] {strides = array<i32>} : memref<128x128xf32, #tpu.memory_space<vmem>>, vector<16xf32>,
        %mul3A_545 = arith.mulf %get3A_541, %get3A_544 : vector<16xf32>
        %mul3A_546 = arith.mulf %mul3A_545, %gather3A_472 : vector<16xf32>
        %swap3A_547 = arith.index_cast %add3A_470 : i32 to index
        %swap3A_548 = arith.constant 96 : index
        %swap3A_549 = tpu.vector_load %arg16[%swap3A_547, %swap3A_548] {strides = array<i32>} : memref<128x128xf32, #tpu.memory_space<vmem>>, vector<16xf32>,
        tpu.vector_store %arg16[%swap3A_547, %swap3A_548], %mul3A_546 {strides = array<i32>} : memref<128x128xf32, #tpu.memory_space<vmem>>, vector<16xf32>,
        %get3A_550 = arith.index_cast %add3A_470 : i32 to index
        %get3A_551 = arith.constant 112 : index
        %get3A_552 = tpu.vector_load %arg16[%get3A_550, %get3A_551] {strides = array<i32>} : memref<128x128xf32, #tpu.memory_space<vmem>>, vector<16xf32>,
        %get3A_553 = arith.index_cast %add3A_470 : i32 to index
        %get3A_554 = arith.constant 112 : index
        %get3A_555 = tpu.vector_load %arg15[%get3A_553, %get3A_554] {strides = array<i32>} : memref<128x128xf32, #tpu.memory_space<vmem>>, vector<16xf32>,
        %mul3A_556 = arith.mulf %get3A_552, %get3A_555 : vector<16xf32>
        %mul3A_557 = arith.mulf %mul3A_556, %gather3A_472 : vector<16xf32>
        %swap3A_558 = arith.index_cast %add3A_470 : i32 to index
        %swap3A_559 = arith.constant 112 : index
        %swap3A_560 = tpu.vector_load %arg16[%swap3A_558, %swap3A_559] {strides = array<i32>} : memref<128x128xf32, #tpu.memory_space<vmem>>, vector<16xf32>,
        tpu.vector_store %arg16[%swap3A_558, %swap3A_559], %mul3A_557 {strides = array<i32>} : memref<128x128xf32, #tpu.memory_space<vmem>>, vector<16xf32>,
        %mul3A_561 = arith.constant 4 : i32
        %mul3A_562 = arith.muli %scan3A_373, %mul3A_561 : i32
        %add3A_563 = arith.constant 2 : i32
        %add3A_564 = arith.addi %mul3A_562, %add3A_563 : i32
        %broadcast_in_dim3A_565 = vector.broadcast %add3A_564 : i32 to vector<16xi32>
        %gather3A_566 = tpu.vector_load_idx %arg13[%broadcast_in_dim3A_565] : memref<128xf32, #tpu.memory_space<vmem>>[vector<16xi32>], vector<16xf32>,
        %get3A_567 = arith.index_cast %add3A_564 : i32 to index
        %get3A_568 = arith.constant 0 : index
        %get3A_569 = tpu.vector_load %arg16[%get3A_567, %get3A_568] {strides = array<i32>} : memref<128x128xf32, #tpu.memory_space<vmem>>, vector<16xf32>,
        %get3A_570 = arith.index_cast %add3A_564 : i32 to index
        %get3A_571 = arith.constant 0 : index
        %get3A_572 = tpu.vector_load %arg15[%get3A_570, %get3A_571] {strides = array<i32>} : memref<128x128xf32, #tpu.memory_space<vmem>>, vector<16xf32>,
        %mul3A_573 = arith.mulf %get3A_569, %get3A_572 : vector<16xf32>
        %mul3A_574 = arith.mulf %mul3A_573, %gather3A_566 : vector<16xf32>
        %swap3A_575 = arith.index_cast %add3A_564 : i32 to index
        %swap3A_576 = arith.constant 0 : index
        %swap3A_577 = tpu.vector_load %arg16[%swap3A_575, %swap3A_576] {strides = array<i32>} : memref<128x128xf32, #tpu.memory_space<vmem>>, vector<16xf32>,
        tpu.vector_store %arg16[%swap3A_575, %swap3A_576], %mul3A_574 {strides = array<i32>} : memref<128x128xf32, #tpu.memory_space<vmem>>, vector<16xf32>,
        %get3A_578 = arith.index_cast %add3A_564 : i32 to index
        %get3A_579 = arith.constant 16 : index
        %get3A_580 = tpu.vector_load %arg16[%get3A_578, %get3A_579] {strides = array<i32>} : memref<128x128xf32, #tpu.memory_space<vmem>>, vector<16xf32>,
        %get3A_581 = arith.index_cast %add3A_564 : i32 to index
        %get3A_582 = arith.constant 16 : index
        %get3A_583 = tpu.vector_load %arg15[%get3A_581, %get3A_582] {strides = array<i32>} : memref<128x128xf32, #tpu.memory_space<vmem>>, vector<16xf32>,
        %mul3A_584 = arith.mulf %get3A_580, %get3A_583 : vector<16xf32>
        %mul3A_585 = arith.mulf %mul3A_584, %gather3A_566 : vector<16xf32>
        %swap3A_586 = arith.index_cast %add3A_564 : i32 to index
        %swap3A_587 = arith.constant 16 : index
        %swap3A_588 = tpu.vector_load %arg16[%swap3A_586, %swap3A_587] {strides = array<i32>} : memref<128x128xf32, #tpu.memory_space<vmem>>, vector<16xf32>,
        tpu.vector_store %arg16[%swap3A_586, %swap3A_587], %mul3A_585 {strides = array<i32>} : memref<128x128xf32, #tpu.memory_space<vmem>>, vector<16xf32>,
        %get3A_589 = arith.index_cast %add3A_564 : i32 to index
        %get3A_590 = arith.constant 32 : index
        %get3A_591 = tpu.vector_load %arg16[%get3A_589, %get3A_590] {strides = array<i32>} : memref<128x128xf32, #tpu.memory_space<vmem>>, vector<16xf32>,
        %get3A_592 = arith.index_cast %add3A_564 : i32 to index
        %get3A_593 = arith.constant 32 : index
        %get3A_594 = tpu.vector_load %arg15[%get3A_592, %get3A_593] {strides = array<i32>} : memref<128x128xf32, #tpu.memory_space<vmem>>, vector<16xf32>,
        %mul3A_595 = arith.mulf %get3A_591, %get3A_594 : vector<16xf32>
        %mul3A_596 = arith.mulf %mul3A_595, %gather3A_566 : vector<16xf32>
        %swap3A_597 = arith.index_cast %add3A_564 : i32 to index
        %swap3A_598 = arith.constant 32 : index
        %swap3A_599 = tpu.vector_load %arg16[%swap3A_597, %swap3A_598] {strides = array<i32>} : memref<128x128xf32, #tpu.memory_space<vmem>>, vector<16xf32>,
        tpu.vector_store %arg16[%swap3A_597, %swap3A_598], %mul3A_596 {strides = array<i32>} : memref<128x128xf32, #tpu.memory_space<vmem>>, vector<16xf32>,
        %get3A_600 = arith.index_cast %add3A_564 : i32 to index
        %get3A_601 = arith.constant 48 : index
        %get3A_602 = tpu.vector_load %arg16[%get3A_600, %get3A_601] {strides = array<i32>} : memref<128x128xf32, #tpu.memory_space<vmem>>, vector<16xf32>,
        %get3A_603 = arith.index_cast %add3A_564 : i32 to index
        %get3A_604 = arith.constant 48 : index
        %get3A_605 = tpu.vector_load %arg15[%get3A_603, %get3A_604] {strides = array<i32>} : memref<128x128xf32, #tpu.memory_space<vmem>>, vector<16xf32>,
        %mul3A_606 = arith.mulf %get3A_602, %get3A_605 : vector<16xf32>
        %mul3A_607 = arith.mulf %mul3A_606, %gather3A_566 : vector<16xf32>
        %swap3A_608 = arith.index_cast %add3A_564 : i32 to index
        %swap3A_609 = arith.constant 48 : index
        %swap3A_610 = tpu.vector_load %arg16[%swap3A_608, %swap3A_609] {strides = array<i32>} : memref<128x128xf32, #tpu.memory_space<vmem>>, vector<16xf32>,
        tpu.vector_store %arg16[%swap3A_608, %swap3A_609], %mul3A_607 {strides = array<i32>} : memref<128x128xf32, #tpu.memory_space<vmem>>, vector<16xf32>,
        %get3A_611 = arith.index_cast %add3A_564 : i32 to index
        %get3A_612 = arith.constant 64 : index
        %get3A_613 = tpu.vector_load %arg16[%get3A_611, %get3A_612] {strides = array<i32>} : memref<128x128xf32, #tpu.memory_space<vmem>>, vector<16xf32>,
        %get3A_614 = arith.index_cast %add3A_564 : i32 to index
        %get3A_615 = arith.constant 64 : index
        %get3A_616 = tpu.vector_load %arg15[%get3A_614, %get3A_615] {strides = array<i32>} : memref<128x128xf32, #tpu.memory_space<vmem>>, vector<16xf32>,
        %mul3A_617 = arith.mulf %get3A_613, %get3A_616 : vector<16xf32>
        %mul3A_618 = arith.mulf %mul3A_617, %gather3A_566 : vector<16xf32>
        %swap3A_619 = arith.index_cast %add3A_564 : i32 to index
        %swap3A_620 = arith.constant 64 : index
        %swap3A_621 = tpu.vector_load %arg16[%swap3A_619, %swap3A_620] {strides = array<i32>} : memref<128x128xf32, #tpu.memory_space<vmem>>, vector<16xf32>,
        tpu.vector_store %arg16[%swap3A_619, %swap3A_620], %mul3A_618 {strides = array<i32>} : memref<128x128xf32, #tpu.memory_space<vmem>>, vector<16xf32>,
        %get3A_622 = arith.index_cast %add3A_564 : i32 to index
        %get3A_623 = arith.constant 80 : index
        %get3A_624 = tpu.vector_load %arg16[%get3A_622, %get3A_623] {strides = array<i32>} : memref<128x128xf32, #tpu.memory_space<vmem>>, vector<16xf32>,
        %get3A_625 = arith.index_cast %add3A_564 : i32 to index
        %get3A_626 = arith.constant 80 : index
        %get3A_627 = tpu.vector_load %arg15[%get3A_625, %get3A_626] {strides = array<i32>} : memref<128x128xf32, #tpu.memory_space<vmem>>, vector<16xf32>,
        %mul3A_628 = arith.mulf %get3A_624, %get3A_627 : vector<16xf32>
        %mul3A_629 = arith.mulf %mul3A_628, %gather3A_566 : vector<16xf32>
        %swap3A_630 = arith.index_cast %add3A_564 : i32 to index
        %swap3A_631 = arith.constant 80 : index
        %swap3A_632 = tpu.vector_load %arg16[%swap3A_630, %swap3A_631] {strides = array<i32>} : memref<128x128xf32, #tpu.memory_space<vmem>>, vector<16xf32>,
        tpu.vector_store %arg16[%swap3A_630, %swap3A_631], %mul3A_629 {strides = array<i32>} : memref<128x128xf32, #tpu.memory_space<vmem>>, vector<16xf32>,
        %get3A_633 = arith.index_cast %add3A_564 : i32 to index
        %get3A_634 = arith.constant 96 : index
        %get3A_635 = tpu.vector_load %arg16[%get3A_633, %get3A_634] {strides = array<i32>} : memref<128x128xf32, #tpu.memory_space<vmem>>, vector<16xf32>,
        %get3A_636 = arith.index_cast %add3A_564 : i32 to index
        %get3A_637 = arith.constant 96 : index
        %get3A_638 = tpu.vector_load %arg15[%get3A_636, %get3A_637] {strides = array<i32>} : memref<128x128xf32, #tpu.memory_space<vmem>>, vector<16xf32>,
        %mul3A_639 = arith.mulf %get3A_635, %get3A_638 : vector<16xf32>
        %mul3A_640 = arith.mulf %mul3A_639, %gather3A_566 : vector<16xf32>
        %swap3A_641 = arith.index_cast %add3A_564 : i32 to index
        %swap3A_642 = arith.constant 96 : index
        %swap3A_643 = tpu.vector_load %arg16[%swap3A_641, %swap3A_642] {strides = array<i32>} : memref<128x128xf32, #tpu.memory_space<vmem>>, vector<16xf32>,
        tpu.vector_store %arg16[%swap3A_641, %swap3A_642], %mul3A_640 {strides = array<i32>} : memref<128x128xf32, #tpu.memory_space<vmem>>, vector<16xf32>,
        %get3A_644 = arith.index_cast %add3A_564 : i32 to index
        %get3A_645 = arith.constant 112 : index
        %get3A_646 = tpu.vector_load %arg16[%get3A_644, %get3A_645] {strides = array<i32>} : memref<128x128xf32, #tpu.memory_space<vmem>>, vector<16xf32>,
        %get3A_647 = arith.index_cast %add3A_564 : i32 to index
        %get3A_648 = arith.constant 112 : index
        %get3A_649 = tpu.vector_load %arg15[%get3A_647, %get3A_648] {strides = array<i32>} : memref<128x128xf32, #tpu.memory_space<vmem>>, vector<16xf32>,
        %mul3A_650 = arith.mulf %get3A_646, %get3A_649 : vector<16xf32>
        %mul3A_651 = arith.mulf %mul3A_650, %gather3A_566 : vector<16xf32>
        %swap3A_652 = arith.index_cast %add3A_564 : i32 to index
        %swap3A_653 = arith.constant 112 : index
        %swap3A_654 = tpu.vector_load %arg16[%swap3A_652, %swap3A_653] {strides = array<i32>} : memref<128x128xf32, #tpu.memory_space<vmem>>, vector<16xf32>,
        tpu.vector_store %arg16[%swap3A_652, %swap3A_653], %mul3A_651 {strides = array<i32>} : memref<128x128xf32, #tpu.memory_space<vmem>>, vector<16xf32>,
        %mul3A_655 = arith.constant 4 : i32
        %mul3A_656 = arith.muli %scan3A_373, %mul3A_655 : i32
        %add3A_657 = arith.constant 3 : i32
        %add3A_658 = arith.addi %mul3A_656, %add3A_657 : i32
        %broadcast_in_dim3A_659 = vector.broadcast %add3A_658 : i32 to vector<16xi32>
        %gather3A_660 = tpu.vector_load_idx %arg13[%broadcast_in_dim3A_659] : memref<128xf32, #tpu.memory_space<vmem>>[vector<16xi32>], vector<16xf32>,
        %get3A_661 = arith.index_cast %add3A_658 : i32 to index
        %get3A_662 = arith.constant 0 : index
        %get3A_663 = tpu.vector_load %arg16[%get3A_661, %get3A_662] {strides = array<i32>} : memref<128x128xf32, #tpu.memory_space<vmem>>, vector<16xf32>,
        %get3A_664 = arith.index_cast %add3A_658 : i32 to index
        %get3A_665 = arith.constant 0 : index
        %get3A_666 = tpu.vector_load %arg15[%get3A_664, %get3A_665] {strides = array<i32>} : memref<128x128xf32, #tpu.memory_space<vmem>>, vector<16xf32>,
        %mul3A_667 = arith.mulf %get3A_663, %get3A_666 : vector<16xf32>
        %mul3A_668 = arith.mulf %mul3A_667, %gather3A_660 : vector<16xf32>
        %swap3A_669 = arith.index_cast %add3A_658 : i32 to index
        %swap3A_670 = arith.constant 0 : index
        %swap3A_671 = tpu.vector_load %arg16[%swap3A_669, %swap3A_670] {strides = array<i32>} : memref<128x128xf32, #tpu.memory_space<vmem>>, vector<16xf32>,
        tpu.vector_store %arg16[%swap3A_669, %swap3A_670], %mul3A_668 {strides = array<i32>} : memref<128x128xf32, #tpu.memory_space<vmem>>, vector<16xf32>,
        %get3A_672 = arith.index_cast %add3A_658 : i32 to index
        %get3A_673 = arith.constant 16 : index
        %get3A_674 = tpu.vector_load %arg16[%get3A_672, %get3A_673] {strides = array<i32>} : memref<128x128xf32, #tpu.memory_space<vmem>>, vector<16xf32>,
        %get3A_675 = arith.index_cast %add3A_658 : i32 to index
        %get3A_676 = arith.constant 16 : index
        %get3A_677 = tpu.vector_load %arg15[%get3A_675, %get3A_676] {strides = array<i32>} : memref<128x128xf32, #tpu.memory_space<vmem>>, vector<16xf32>,
        %mul3A_678 = arith.mulf %get3A_674, %get3A_677 : vector<16xf32>
        %mul3A_679 = arith.mulf %mul3A_678, %gather3A_660 : vector<16xf32>
        %swap3A_680 = arith.index_cast %add3A_658 : i32 to index
        %swap3A_681 = arith.constant 16 : index
        %swap3A_682 = tpu.vector_load %arg16[%swap3A_680, %swap3A_681] {strides = array<i32>} : memref<128x128xf32, #tpu.memory_space<vmem>>, vector<16xf32>,
        tpu.vector_store %arg16[%swap3A_680, %swap3A_681], %mul3A_679 {strides = array<i32>} : memref<128x128xf32, #tpu.memory_space<vmem>>, vector<16xf32>,
        %get3A_683 = arith.index_cast %add3A_658 : i32 to index
        %get3A_684 = arith.constant 32 : index
        %get3A_685 = tpu.vector_load %arg16[%get3A_683, %get3A_684] {strides = array<i32>} : memref<128x128xf32, #tpu.memory_space<vmem>>, vector<16xf32>,
        %get3A_686 = arith.index_cast %add3A_658 : i32 to index
        %get3A_687 = arith.constant 32 : index
        %get3A_688 = tpu.vector_load %arg15[%get3A_686, %get3A_687] {strides = array<i32>} : memref<128x128xf32, #tpu.memory_space<vmem>>, vector<16xf32>,
        %mul3A_689 = arith.mulf %get3A_685, %get3A_688 : vector<16xf32>
        %mul3A_690 = arith.mulf %mul3A_689, %gather3A_660 : vector<16xf32>
        %swap3A_691 = arith.index_cast %add3A_658 : i32 to index
        %swap3A_692 = arith.constant 32 : index
        %swap3A_693 = tpu.vector_load %arg16[%swap3A_691, %swap3A_692] {strides = array<i32>} : memref<128x128xf32, #tpu.memory_space<vmem>>, vector<16xf32>,
        tpu.vector_store %arg16[%swap3A_691, %swap3A_692], %mul3A_690 {strides = array<i32>} : memref<128x128xf32, #tpu.memory_space<vmem>>, vector<16xf32>,
        %get3A_694 = arith.index_cast %add3A_658 : i32 to index
        %get3A_695 = arith.constant 48 : index
        %get3A_696 = tpu.vector_load %arg16[%get3A_694, %get3A_695] {strides = array<i32>} : memref<128x128xf32, #tpu.memory_space<vmem>>, vector<16xf32>,
        %get3A_697 = arith.index_cast %add3A_658 : i32 to index
        %get3A_698 = arith.constant 48 : index
        %get3A_699 = tpu.vector_load %arg15[%get3A_697, %get3A_698] {strides = array<i32>} : memref<128x128xf32, #tpu.memory_space<vmem>>, vector<16xf32>,
        %mul3A_700 = arith.mulf %get3A_696, %get3A_699 : vector<16xf32>
        %mul3A_701 = arith.mulf %mul3A_700, %gather3A_660 : vector<16xf32>
        %swap3A_702 = arith.index_cast %add3A_658 : i32 to index
        %swap3A_703 = arith.constant 48 : index
        %swap3A_704 = tpu.vector_load %arg16[%swap3A_702, %swap3A_703] {strides = array<i32>} : memref<128x128xf32, #tpu.memory_space<vmem>>, vector<16xf32>,
        tpu.vector_store %arg16[%swap3A_702, %swap3A_703], %mul3A_701 {strides = array<i32>} : memref<128x128xf32, #tpu.memory_space<vmem>>, vector<16xf32>,
        %get3A_705 = arith.index_cast %add3A_658 : i32 to index
        %get3A_706 = arith.constant 64 : index
        %get3A_707 = tpu.vector_load %arg16[%get3A_705, %get3A_706] {strides = array<i32>} : memref<128x128xf32, #tpu.memory_space<vmem>>, vector<16xf32>,
        %get3A_708 = arith.index_cast %add3A_658 : i32 to index
        %get3A_709 = arith.constant 64 : index
        %get3A_710 = tpu.vector_load %arg15[%get3A_708, %get3A_709] {strides = array<i32>} : memref<128x128xf32, #tpu.memory_space<vmem>>, vector<16xf32>,
        %mul3A_711 = arith.mulf %get3A_707, %get3A_710 : vector<16xf32>
        %mul3A_712 = arith.mulf %mul3A_711, %gather3A_660 : vector<16xf32>
        %swap3A_713 = arith.index_cast %add3A_658 : i32 to index
        %swap3A_714 = arith.constant 64 : index
        %swap3A_715 = tpu.vector_load %arg16[%swap3A_713, %swap3A_714] {strides = array<i32>} : memref<128x128xf32, #tpu.memory_space<vmem>>, vector<16xf32>,
        tpu.vector_store %arg16[%swap3A_713, %swap3A_714], %mul3A_712 {strides = array<i32>} : memref<128x128xf32, #tpu.memory_space<vmem>>, vector<16xf32>,
        %get3A_716 = arith.index_cast %add3A_658 : i32 to index
        %get3A_717 = arith.constant 80 : index
        %get3A_718 = tpu.vector_load %arg16[%get3A_716, %get3A_717] {strides = array<i32>} : memref<128x128xf32, #tpu.memory_space<vmem>>, vector<16xf32>,
        %get3A_719 = arith.index_cast %add3A_658 : i32 to index
        %get3A_720 = arith.constant 80 : index
        %get3A_721 = tpu.vector_load %arg15[%get3A_719, %get3A_720] {strides = array<i32>} : memref<128x128xf32, #tpu.memory_space<vmem>>, vector<16xf32>,
        %mul3A_722 = arith.mulf %get3A_718, %get3A_721 : vector<16xf32>
        %mul3A_723 = arith.mulf %mul3A_722, %gather3A_660 : vector<16xf32>
        %swap3A_724 = arith.index_cast %add3A_658 : i32 to index
        %swap3A_725 = arith.constant 80 : index
        %swap3A_726 = tpu.vector_load %arg16[%swap3A_724, %swap3A_725] {strides = array<i32>} : memref<128x128xf32, #tpu.memory_space<vmem>>, vector<16xf32>,
        tpu.vector_store %arg16[%swap3A_724, %swap3A_725], %mul3A_723 {strides = array<i32>} : memref<128x128xf32, #tpu.memory_space<vmem>>, vector<16xf32>,
        %get3A_727 = arith.index_cast %add3A_658 : i32 to index
        %get3A_728 = arith.constant 96 : index
        %get3A_729 = tpu.vector_load %arg16[%get3A_727, %get3A_728] {strides = array<i32>} : memref<128x128xf32, #tpu.memory_space<vmem>>, vector<16xf32>,
        %get3A_730 = arith.index_cast %add3A_658 : i32 to index
        %get3A_731 = arith.constant 96 : index
        %get3A_732 = tpu.vector_load %arg15[%get3A_730, %get3A_731] {strides = array<i32>} : memref<128x128xf32, #tpu.memory_space<vmem>>, vector<16xf32>,
        %mul3A_733 = arith.mulf %get3A_729, %get3A_732 : vector<16xf32>
        %mul3A_734 = arith.mulf %mul3A_733, %gather3A_660 : vector<16xf32>
        %swap3A_735 = arith.index_cast %add3A_658 : i32 to index
        %swap3A_736 = arith.constant 96 : index
        %swap3A_737 = tpu.vector_load %arg16[%swap3A_735, %swap3A_736] {strides = array<i32>} : memref<128x128xf32, #tpu.memory_space<vmem>>, vector<16xf32>,
        tpu.vector_store %arg16[%swap3A_735, %swap3A_736], %mul3A_734 {strides = array<i32>} : memref<128x128xf32, #tpu.memory_space<vmem>>, vector<16xf32>,
        %get3A_738 = arith.index_cast %add3A_658 : i32 to index
        %get3A_739 = arith.constant 112 : index
        %get3A_740 = tpu.vector_load %arg16[%get3A_738, %get3A_739] {strides = array<i32>} : memref<128x128xf32, #tpu.memory_space<vmem>>, vector<16xf32>,
        %get3A_741 = arith.index_cast %add3A_658 : i32 to index
        %get3A_742 = arith.constant 112 : index
        %get3A_743 = tpu.vector_load %arg15[%get3A_741, %get3A_742] {strides = array<i32>} : memref<128x128xf32, #tpu.memory_space<vmem>>, vector<16xf32>,
        %mul3A_744 = arith.mulf %get3A_740, %get3A_743 : vector<16xf32>
        %mul3A_745 = arith.mulf %mul3A_744, %gather3A_660 : vector<16xf32>
        %swap3A_746 = arith.index_cast %add3A_658 : i32 to index
        %swap3A_747 = arith.constant 112 : index
        %swap3A_748 = tpu.vector_load %arg16[%swap3A_746, %swap3A_747] {strides = array<i32>} : memref<128x128xf32, #tpu.memory_space<vmem>>, vector<16xf32>,
        tpu.vector_store %arg16[%swap3A_746, %swap3A_747], %mul3A_745 {strides = array<i32>} : memref<128x128xf32, #tpu.memory_space<vmem>>, vector<16xf32>,
      }
      %scan3A_372 = arith.constant 32 : i32
      "tpu.region"() ({
        %run_scoped3A = tpu.sem_alloc : memref<!tpu.dma_semaphore, #tpu.memory_space<semaphore_mem>>
        %dma_start3A_373 = arith.constant 0 : i32
        %dma_start3A_374 = arith.constant 0 : i32
        %dma_start3A_375 = tpu.memref_slice %arg18[%dma_start3A_373, %dma_start3A_374] : memref<10240x128xf32, #tpu.memory_space<vmem_shared>> -> memref<10240x128xf32, #tpu.memory_space<vmem_shared>>
        tpu.enqueue_indirect_dma source(%arg16 : memref<128x128xf32, #tpu.memory_space<vmem>>) target(%dma_start3A_375 : memref<10240x128xf32, #tpu.memory_space<vmem_shared>>) offsets(%arg11 : memref<128xi32, #tpu.memory_space<vmem>>) semaphore(%run_scoped3A : memref<!tpu.dma_semaphore, #tpu.memory_space<semaphore_mem>>) {add = true}
        %dma_wait3A_376 = arith.constant 0 : i32
        %dma_wait3A_377 = arith.constant 0 : i32
        %dma_wait3A_378 = tpu.memref_slice %arg18[%dma_wait3A_376, %dma_wait3A_377] : memref<10240x128xf32, #tpu.memory_space<vmem_shared>> -> memref<10240x128xf32, #tpu.memory_space<vmem_shared>>
        tpu.wait_indirect_dma semaphore(%run_scoped3A : memref<!tpu.dma_semaphore, #tpu.memory_space<semaphore_mem>>) src(%arg16 : memref<128x128xf32, #tpu.memory_space<vmem>>) dst(%dma_wait3A_378 : memref<10240x128xf32, #tpu.memory_space<vmem_shared>>)
        tpu.yield
      }) : () -> ()
    }
    %barrier3A_280 = arith.constant 0 : index
    tpu.barrier barrier_id(%barrier3A_280)
    %scan3A_281 = arith.constant 0 : i32
    %scan3A_282 = arith.constant 0 : i32
    %scan3A_283 = arith.constant 5 : i32
    %scan3A_284 = arith.addi %scan3A_282, %scan3A_283 : i32
    %scan3A_285 = arith.constant 1 : i32
    scf.for %scan3A_291 = %scan3A_282 to %scan3A_284 step %scan3A_285  : i32 {
      %mul3A_292 = arith.constant 640 : i32
      %mul3A_293 = arith.muli %arg1, %mul3A_292 : i32
      %mul3A_294 = arith.constant 128 : i32
      %mul3A_295 = arith.muli %scan3A_291, %mul3A_294 : i32
      %add3A_296 = arith.addi %mul3A_293, %mul3A_295 : i32
      "tpu.region"() ({
        %run_scoped3A = tpu.sem_alloc : memref<!tpu.dma_semaphore, #tpu.memory_space<semaphore_mem>>
        %dma_start3A = arith.constant 0 : i32
        %dma_start3A_297 = tpu.memref_slice %arg18[%add3A_296, %dma_start3A] : memref<10240x128xf32, #tpu.memory_space<vmem_shared>> -> memref<128x128xf32, #tpu.memory_space<vmem_shared>>
        %dma_start3A_298 = arith.constant 0 : i32
        %dma_start3A_299 = tpu.memref_slice %arg18[%add3A_296, %dma_start3A_298] : memref<10240x128xf32, #tpu.memory_space<vmem_shared>> -> memref<128x128xf32, #tpu.memory_space<vmem_shared>>
        tpu.enqueue_dma source(%dma_start3A_299 : memref<128x128xf32, #tpu.memory_space<vmem_shared>>) target(%arg15 : memref<128x128xf32, #tpu.memory_space<vmem>>) target_semaphore(%run_scoped3A : memref<!tpu.dma_semaphore, #tpu.memory_space<semaphore_mem>>)
        %dma_wait3A = arith.constant 0 : i32
        %dma_wait3A_300 = tpu.memref_slice %arg18[%add3A_296, %dma_wait3A] : memref<10240x128xf32, #tpu.memory_space<vmem_shared>> -> memref<128x128xf32, #tpu.memory_space<vmem_shared>>
        %dma_wait3A_301 = arith.constant 0 : i32
        %dma_wait3A_302 = tpu.memref_slice %arg18[%add3A_296, %dma_wait3A_301] : memref<10240x128xf32, #tpu.memory_space<vmem_shared>> -> memref<128x128xf32, #tpu.memory_space<vmem_shared>>
        tpu.wait_dma2 semaphore(%run_scoped3A : memref<!tpu.dma_semaphore, #tpu.memory_space<semaphore_mem>>) src(%dma_wait3A_302 : memref<128x128xf32, #tpu.memory_space<vmem_shared>>) dst(%arg15 : memref<128x128xf32, #tpu.memory_space<vmem>>)
        tpu.yield
      }) : () -> ()
      "tpu.region"() ({
        %run_scoped3A = tpu.sem_alloc : memref<!tpu.dma_semaphore, #tpu.memory_space<semaphore_mem>>
        %dma_start3A = arith.constant 0 : i32
        %dma_start3A_297 = tpu.memref_slice %arg8[%arg0, %add3A_296, %dma_start3A] : memref<2x10240x128xf32, #tpu.memory_space<hbm>> -> memref<1x128x128xf32, #tpu.memory_space<hbm>>
        %dma_start3A_298 = tpu.memref_squeeze %dma_start3A_297 : memref<1x128x128xf32, #tpu.memory_space<hbm>> -> memref<128x128xf32, #tpu.memory_space<hbm>>
        %dma_start3A_299 = arith.constant 0 : i32
        %dma_start3A_300 = tpu.memref_slice %arg8[%arg0, %add3A_296, %dma_start3A_299] : memref<2x10240x128xf32, #tpu.memory_space<hbm>> -> memref<1x128x128xf32, #tpu.memory_space<hbm>>
        %dma_start3A_301 = tpu.memref_squeeze %dma_start3A_300 : memref<1x128x128xf32, #tpu.memory_space<hbm>> -> memref<128x128xf32, #tpu.memory_space<hbm>>
        tpu.enqueue_dma source(%arg15 : memref<128x128xf32, #tpu.memory_space<vmem>>) target(%dma_start3A_301 : memref<128x128xf32, #tpu.memory_space<hbm>>) target_semaphore(%run_scoped3A : memref<!tpu.dma_semaphore, #tpu.memory_space<semaphore_mem>>)
        %dma_wait3A = arith.constant 0 : i32
        %dma_wait3A_302 = tpu.memref_slice %arg8[%arg0, %add3A_296, %dma_wait3A] : memref<2x10240x128xf32, #tpu.memory_space<hbm>> -> memref<1x128x128xf32, #tpu.memory_space<hbm>>
        %dma_wait3A_303 = tpu.memref_squeeze %dma_wait3A_302 : memref<1x128x128xf32, #tpu.memory_space<hbm>> -> memref<128x128xf32, #tpu.memory_space<hbm>>
        %dma_wait3A_304 = arith.constant 0 : i32
        %dma_wait3A_305 = tpu.memref_slice %arg8[%arg0, %add3A_296, %dma_wait3A_304] : memref<2x10240x128xf32, #tpu.memory_space<hbm>> -> memref<1x128x128xf32, #tpu.memory_space<hbm>>
        %dma_wait3A_306 = tpu.memref_squeeze %dma_wait3A_305 : memref<1x128x128xf32, #tpu.memory_space<hbm>> -> memref<128x128xf32, #tpu.memory_space<hbm>>
        tpu.wait_dma2 semaphore(%run_scoped3A : memref<!tpu.dma_semaphore, #tpu.memory_space<semaphore_mem>>) src(%arg15 : memref<128x128xf32, #tpu.memory_space<vmem>>) dst(%dma_wait3A_306 : memref<128x128xf32, #tpu.memory_space<hbm>>)
        tpu.yield
      }) : () -> ()
    }
    %scan3A_286 = arith.constant 5 : i32
    %mul3A_287 = arith.constant 640 : i32
    %mul3A_288 = arith.muli %arg1, %mul3A_287 : i32
    "tpu.region"() ({
      %run_scoped3A = tpu.sem_alloc : memref<!tpu.dma_semaphore, #tpu.memory_space<semaphore_mem>>
      %dma_start3A = arith.constant 0 : i32
      %dma_start3A_291 = tpu.memref_slice %arg17[%dma_start3A] : memref<1024xf32, #tpu.memory_space<vmem>> -> memref<640xf32, #tpu.memory_space<vmem>>
      %dma_start3A_292 = tpu.memref_slice %arg19[%mul3A_288] : memref<10240xf32, #tpu.memory_space<vmem_shared>> -> memref<640xf32, #tpu.memory_space<vmem_shared>>
      %dma_start3A_293 = arith.constant 0 : i32
      %dma_start3A_294 = tpu.memref_slice %arg17[%dma_start3A_293] : memref<1024xf32, #tpu.memory_space<vmem>> -> memref<640xf32, #tpu.memory_space<vmem>>
      %dma_start3A_295 = tpu.memref_slice %arg19[%mul3A_288] : memref<10240xf32, #tpu.memory_space<vmem_shared>> -> memref<640xf32, #tpu.memory_space<vmem_shared>>
      tpu.enqueue_dma source(%dma_start3A_295 : memref<640xf32, #tpu.memory_space<vmem_shared>>) target(%dma_start3A_294 : memref<640xf32, #tpu.memory_space<vmem>>) target_semaphore(%run_scoped3A : memref<!tpu.dma_semaphore, #tpu.memory_space<semaphore_mem>>)
      %dma_wait3A = arith.constant 0 : i32
      %dma_wait3A_296 = tpu.memref_slice %arg17[%dma_wait3A] : memref<1024xf32, #tpu.memory_space<vmem>> -> memref<640xf32, #tpu.memory_space<vmem>>
      %dma_wait3A_297 = tpu.memref_slice %arg19[%mul3A_288] : memref<10240xf32, #tpu.memory_space<vmem_shared>> -> memref<640xf32, #tpu.memory_space<vmem_shared>>
      %dma_wait3A_298 = arith.constant 0 : i32
      %dma_wait3A_299 = tpu.memref_slice %arg17[%dma_wait3A_298] : memref<1024xf32, #tpu.memory_space<vmem>> -> memref<640xf32, #tpu.memory_space<vmem>>
      %dma_wait3A_300 = tpu.memref_slice %arg19[%mul3A_288] : memref<10240xf32, #tpu.memory_space<vmem_shared>> -> memref<640xf32, #tpu.memory_space<vmem_shared>>
      tpu.wait_dma2 semaphore(%run_scoped3A : memref<!tpu.dma_semaphore, #tpu.memory_space<semaphore_mem>>) src(%dma_wait3A_300 : memref<640xf32, #tpu.memory_space<vmem_shared>>) dst(%dma_wait3A_299 : memref<640xf32, #tpu.memory_space<vmem>>)
      tpu.yield
    }) : () -> ()
    %mul3A_289 = arith.constant 640 : i32
    %mul3A_290 = arith.muli %arg1, %mul3A_289 : i32
    "tpu.region"() ({
      %run_scoped3A = tpu.sem_alloc : memref<!tpu.dma_semaphore, #tpu.memory_space<semaphore_mem>>
      %dma_start3A = arith.constant 0 : i32
      %dma_start3A_291 = tpu.memref_slice %arg17[%dma_start3A] : memref<1024xf32, #tpu.memory_space<vmem>> -> memref<640xf32, #tpu.memory_space<vmem>>
      %dma_start3A_292 = tpu.memref_slice %arg9[%arg0, %mul3A_290] : memref<2x10240xf32, #tpu.memory_space<hbm>> -> memref<1x640xf32, #tpu.memory_space<hbm>>
      %dma_start3A_293 = tpu.memref_squeeze %dma_start3A_292 : memref<1x640xf32, #tpu.memory_space<hbm>> -> memref<640xf32, #tpu.memory_space<hbm>>
      %dma_start3A_294 = tpu.memref_slice %arg9[%arg0, %mul3A_290] : memref<2x10240xf32, #tpu.memory_space<hbm>> -> memref<1x640xf32, #tpu.memory_space<hbm>>
      %dma_start3A_295 = tpu.memref_squeeze %dma_start3A_294 : memref<1x640xf32, #tpu.memory_space<hbm>> -> memref<640xf32, #tpu.memory_space<hbm>>
      %dma_start3A_296 = arith.constant 0 : i32
      %dma_start3A_297 = tpu.memref_slice %arg17[%dma_start3A_296] : memref<1024xf32, #tpu.memory_space<vmem>> -> memref<640xf32, #tpu.memory_space<vmem>>
      tpu.enqueue_dma source(%dma_start3A_297 : memref<640xf32, #tpu.memory_space<vmem>>) target(%dma_start3A_295 : memref<640xf32, #tpu.memory_space<hbm>>) target_semaphore(%run_scoped3A : memref<!tpu.dma_semaphore, #tpu.memory_space<semaphore_mem>>)
      %dma_wait3A = arith.constant 0 : i32
      %dma_wait3A_298 = tpu.memref_slice %arg17[%dma_wait3A] : memref<1024xf32, #tpu.memory_space<vmem>> -> memref<640xf32, #tpu.memory_space<vmem>>
      %dma_wait3A_299 = tpu.memref_slice %arg9[%arg0, %mul3A_290] : memref<2x10240xf32, #tpu.memory_space<hbm>> -> memref<1x640xf32, #tpu.memory_space<hbm>>
      %dma_wait3A_300 = tpu.memref_squeeze %dma_wait3A_299 : memref<1x640xf32, #tpu.memory_space<hbm>> -> memref<640xf32, #tpu.memory_space<hbm>>
      %dma_wait3A_301 = tpu.memref_slice %arg9[%arg0, %mul3A_290] : memref<2x10240xf32, #tpu.memory_space<hbm>> -> memref<1x640xf32, #tpu.memory_space<hbm>>
      %dma_wait3A_302 = tpu.memref_squeeze %dma_wait3A_301 : memref<1x640xf32, #tpu.memory_space<hbm>> -> memref<640xf32, #tpu.memory_space<hbm>>
      %dma_wait3A_303 = arith.constant 0 : i32
      %dma_wait3A_304 = tpu.memref_slice %arg17[%dma_wait3A_303] : memref<1024xf32, #tpu.memory_space<vmem>> -> memref<640xf32, #tpu.memory_space<vmem>>
      tpu.wait_dma2 semaphore(%run_scoped3A : memref<!tpu.dma_semaphore, #tpu.memory_space<semaphore_mem>>) src(%dma_wait3A_304 : memref<640xf32, #tpu.memory_space<vmem>>) dst(%dma_wait3A_302 : memref<640xf32, #tpu.memory_space<hbm>>)
      tpu.yield
    }) : () -> ()
    return
  }
}

module attributes {stable_mosaic.version = 14 : i64} {
  func.func @_pa_body(%arg0: i32, %arg1: memref<2000x128xf32, #tpu.memory_space<vmem>>, %arg2: memref<2000x1xf32, #tpu.memory_space<vmem>>, %arg3: memref<128x128xf32, #tpu.memory_space<vmem>>, %arg4: memref<128x128xf32, #tpu.memory_space<vmem>>, %arg5: memref<128x8xf32, #tpu.memory_space<vmem>>, %arg6: memref<8x128xf32, #tpu.memory_space<vmem>>, %arg7: memref<128x128xf32, #tpu.memory_space<vmem>>, %arg8: memref<2000x128xf32, #tpu.memory_space<vmem>>, %arg9: memref<2000x128xf32, #tpu.memory_space<vmem>>, %arg10: memref<2000x128xf32, #tpu.memory_space<vmem>>, %arg11: memref<2000x128xf32, #tpu.memory_space<vmem>>) attributes {dimension_semantics = [#tpu.dimension_semantics<arbitrary>], iteration_bounds = array<i64: 5>, scalar_prefetch = 0 : i64, scratch_operands = 0 : i64, tpu.core_type = #tpu.core_type<tc>, window_params = [{transform_indices = @transform_0, window_bounds = array<i64: 2000, 128>}, {transform_indices = @transform_1, window_bounds = array<i64: 2000, 1>}, {pipeline_mode = #tpu.pipeline_mode<synchronous>, transform_indices = @transform_2, window_bounds = array<i64: 128, 128>}, {pipeline_mode = #tpu.pipeline_mode<synchronous>, transform_indices = @transform_3, window_bounds = array<i64: 128, 128>}, {pipeline_mode = #tpu.pipeline_mode<synchronous>, transform_indices = @transform_4, window_bounds = array<i64: 128, 8>}, {pipeline_mode = #tpu.pipeline_mode<synchronous>, transform_indices = @transform_5, window_bounds = array<i64: 8, 128>}, {pipeline_mode = #tpu.pipeline_mode<synchronous>, transform_indices = @transform_6, window_bounds = array<i64: 128, 128>}, {transform_indices = @transform_7, window_bounds = array<i64: 2000, 128>}, {transform_indices = @transform_8, window_bounds = array<i64: 2000, 128>}, {transform_indices = @transform_9, window_bounds = array<i64: 2000, 128>}, {transform_indices = @transform_10, window_bounds = array<i64: 2000, 128>}]} {
    %get3A = arith.constant 0 : index
    %get3A_0 = arith.constant 0 : index
    %get3A_1 = vector.load %arg1[%get3A, %get3A_0] : memref<2000x128xf32, #tpu.memory_space<vmem>>, vector<2000x128xf32>
    %get3A_2 = arith.constant 0 : index
    %get3A_3 = arith.constant 0 : index
    %get3A_4 = vector.load %arg3[%get3A_2, %get3A_3] : memref<128x128xf32, #tpu.memory_space<vmem>>, vector<128x128xf32>
    %dot_general3A = arith.constant dense<0.000000e+00> : vector<2000x128xf32>
    %dot_general3A_5 = tpu.matmul %get3A_1, %get3A_4, %dot_general3A {dimension_numbers = #tpu.dot_dimension_numbers<[1], [0], [0], [1], [0, 0, 1, 1], [], []>, transpose_lhs_hint = false} : vector<2000x128xf32>, vector<128x128xf32>, vector<2000x128xf32> -> vector<2000x128xf32>
    %mul3A = arith.constant 0.0883883461 : f32
    %mul3A_6 = vector.broadcast %mul3A : f32 to vector<2000x128xf32>
    %mul3A_7 = arith.mulf %dot_general3A_5, %mul3A_6 : vector<2000x128xf32>
    %swap3A = arith.constant 0 : index
    %swap3A_8 = arith.constant 0 : index
    %swap3A_9 = vector.load %arg8[%swap3A, %swap3A_8] : memref<2000x128xf32, #tpu.memory_space<vmem>>, vector<2000x128xf32>
    tpu.vector_store %arg8[%swap3A, %swap3A_8], %mul3A_7 {strides = array<i32>} : memref<2000x128xf32, #tpu.memory_space<vmem>>, vector<2000x128xf32>,
    %get3A_10 = arith.constant 0 : index
    %get3A_11 = arith.constant 0 : index
    %get3A_12 = vector.load %arg4[%get3A_10, %get3A_11] : memref<128x128xf32, #tpu.memory_space<vmem>>, vector<128x128xf32>
    %dot_general3A_13 = arith.constant dense<0.000000e+00> : vector<2000x128xf32>
    %dot_general3A_14 = tpu.matmul %mul3A_7, %get3A_12, %dot_general3A_13 {dimension_numbers = #tpu.dot_dimension_numbers<[1], [0], [0], [1], [0, 0, 1, 1], [], []>, transpose_lhs_hint = false} : vector<2000x128xf32>, vector<128x128xf32>, vector<2000x128xf32> -> vector<2000x128xf32>
    %swap3A_15 = arith.constant 0 : index
    %swap3A_16 = arith.constant 0 : index
    %swap3A_17 = vector.load %arg9[%swap3A_15, %swap3A_16] : memref<2000x128xf32, #tpu.memory_space<vmem>>, vector<2000x128xf32>
    tpu.vector_store %arg9[%swap3A_15, %swap3A_16], %dot_general3A_14 {strides = array<i32>} : memref<2000x128xf32, #tpu.memory_space<vmem>>, vector<2000x128xf32>,
    %get3A_18 = arith.constant 0 : index
    %get3A_19 = arith.constant 0 : index
    %get3A_20 = vector.load %arg5[%get3A_18, %get3A_19] : memref<128x8xf32, #tpu.memory_space<vmem>>, vector<128x8xf32>
    %dot_general3A_21 = arith.constant dense<0.000000e+00> : vector<2000x8xf32>
    %dot_general3A_22 = tpu.matmul %mul3A_7, %get3A_20, %dot_general3A_21 {dimension_numbers = #tpu.dot_dimension_numbers<[1], [0], [0], [1], [0, 0, 1, 1], [], []>, transpose_lhs_hint = false} : vector<2000x128xf32>, vector<128x8xf32>, vector<2000x8xf32> -> vector<2000x8xf32>
    %mul3A_23 = arith.constant 0.0883883461 : f32
    %mul3A_24 = vector.broadcast %mul3A_23 : f32 to vector<2000x8xf32>
    %mul3A_25 = arith.mulf %dot_general3A_22, %mul3A_24 : vector<2000x8xf32>
    %get3A_26 = arith.constant 0 : index
    %get3A_27 = arith.constant 0 : index
    %get3A_28 = vector.load %arg6[%get3A_26, %get3A_27] : memref<8x128xf32, #tpu.memory_space<vmem>>, vector<8x128xf32>
    %dot_general3A_29 = arith.constant dense<0.000000e+00> : vector<2000x128xf32>
    %dot_general3A_30 = tpu.matmul %mul3A_25, %get3A_28, %dot_general3A_29 {dimension_numbers = #tpu.dot_dimension_numbers<[1], [0], [0], [1], [0, 0, 1, 1], [], []>, transpose_lhs_hint = false} : vector<2000x8xf32>, vector<8x128xf32>, vector<2000x128xf32> -> vector<2000x128xf32>
    %mul3A_31 = arith.constant 2.500000e-01 : f32
    %mul3A_32 = vector.broadcast %mul3A_31 : f32 to vector<2000x128xf32>
    %mul3A_33 = arith.mulf %dot_general3A_30, %mul3A_32 : vector<2000x128xf32>
    %swap3A_34 = arith.constant 0 : index
    %swap3A_35 = arith.constant 0 : index
    %swap3A_36 = vector.load %arg10[%swap3A_34, %swap3A_35] : memref<2000x128xf32, #tpu.memory_space<vmem>>, vector<2000x128xf32>
    tpu.vector_store %arg10[%swap3A_34, %swap3A_35], %mul3A_33 {strides = array<i32>} : memref<2000x128xf32, #tpu.memory_space<vmem>>, vector<2000x128xf32>,
    %get3A_37 = arith.constant 0 : index
    %get3A_38 = arith.constant 0 : index
    %get3A_39 = vector.load %arg2[%get3A_37, %get3A_38] : memref<2000x1xf32, #tpu.memory_space<vmem>>, vector<2000x1xf32>
    %mul3A_40 = vector.broadcast %get3A_39 : vector<2000x1xf32> to vector<2000x128xf32>
    %mul3A_41 = arith.mulf %get3A_1, %mul3A_40 : vector<2000x128xf32>
    %get3A_42 = arith.constant 0 : index
    %get3A_43 = arith.constant 0 : index
    %get3A_44 = vector.load %arg7[%get3A_42, %get3A_43] : memref<128x128xf32, #tpu.memory_space<vmem>>, vector<128x128xf32>
    %dot_general3A_45 = arith.constant dense<0.000000e+00> : vector<2000x128xf32>
    %dot_general3A_46 = tpu.matmul %mul3A_41, %get3A_44, %dot_general3A_45 {dimension_numbers = #tpu.dot_dimension_numbers<[1], [0], [0], [1], [0, 0, 1, 1], [], []>, transpose_lhs_hint = false} : vector<2000x128xf32>, vector<128x128xf32>, vector<2000x128xf32> -> vector<2000x128xf32>
    %mul3A_47 = arith.constant 0.0883883461 : f32
    %mul3A_48 = vector.broadcast %mul3A_47 : f32 to vector<2000x128xf32>
    %mul3A_49 = arith.mulf %dot_general3A_46, %mul3A_48 : vector<2000x128xf32>
    %swap3A_50 = arith.constant 0 : index
    %swap3A_51 = arith.constant 0 : index
    %swap3A_52 = vector.load %arg11[%swap3A_50, %swap3A_51] : memref<2000x128xf32, #tpu.memory_space<vmem>>, vector<2000x128xf32>
    tpu.vector_store %arg11[%swap3A_50, %swap3A_51], %mul3A_49 {strides = array<i32>} : memref<2000x128xf32, #tpu.memory_space<vmem>>, vector<2000x128xf32>,
    return
  }
  func.func @transform_0(%arg0: i32) -> (i32, i32) {
    %c0_i32 = arith.constant 0 : i32
    %c0_i32_0 = arith.constant 0 : i32
    return %arg0, %c0_i32 : i32, i32
  }
  func.func @transform_1(%arg0: i32) -> (i32, i32) {
    %c0_i32 = arith.constant 0 : i32
    %c0_i32_0 = arith.constant 0 : i32
    return %arg0, %c0_i32 : i32, i32
  }
  func.func @transform_2(%arg0: i32) -> (i32, i32) {
    %c0_i32 = arith.constant 0 : i32
    %c0_i32_0 = arith.constant 0 : i32
    %c0_i32_1 = arith.constant 0 : i32
    return %c0_i32, %c0_i32_0 : i32, i32
  }
  func.func @transform_3(%arg0: i32) -> (i32, i32) {
    %c0_i32 = arith.constant 0 : i32
    %c0_i32_0 = arith.constant 0 : i32
    %c0_i32_1 = arith.constant 0 : i32
    return %c0_i32, %c0_i32_0 : i32, i32
  }
  func.func @transform_4(%arg0: i32) -> (i32, i32) {
    %c0_i32 = arith.constant 0 : i32
    %c0_i32_0 = arith.constant 0 : i32
    %c0_i32_1 = arith.constant 0 : i32
    return %c0_i32, %c0_i32_0 : i32, i32
  }
  func.func @transform_5(%arg0: i32) -> (i32, i32) {
    %c0_i32 = arith.constant 0 : i32
    %c0_i32_0 = arith.constant 0 : i32
    %c0_i32_1 = arith.constant 0 : i32
    return %c0_i32, %c0_i32_0 : i32, i32
  }
  func.func @transform_6(%arg0: i32) -> (i32, i32) {
    %c0_i32 = arith.constant 0 : i32
    %c0_i32_0 = arith.constant 0 : i32
    %c0_i32_1 = arith.constant 0 : i32
    return %c0_i32, %c0_i32_0 : i32, i32
  }
  func.func @transform_7(%arg0: i32) -> (i32, i32) {
    %c0_i32 = arith.constant 0 : i32
    %c0_i32_0 = arith.constant 0 : i32
    return %arg0, %c0_i32 : i32, i32
  }
  func.func @transform_8(%arg0: i32) -> (i32, i32) {
    %c0_i32 = arith.constant 0 : i32
    %c0_i32_0 = arith.constant 0 : i32
    return %arg0, %c0_i32 : i32, i32
  }
  func.func @transform_9(%arg0: i32) -> (i32, i32) {
    %c0_i32 = arith.constant 0 : i32
    %c0_i32_0 = arith.constant 0 : i32
    return %arg0, %c0_i32 : i32, i32
  }
  func.func @transform_10(%arg0: i32) -> (i32, i32) {
    %c0_i32 = arith.constant 0 : i32
    %c0_i32_0 = arith.constant 0 : i32
    return %arg0, %c0_i32 : i32, i32
  }
}

module attributes {stable_mosaic.version = 14 : i64} {
  func.func @_pc1_body(%arg0: i32, %arg1: memref<2000x128xf32, #tpu.memory_space<vmem>>, %arg2: memref<128x128xf32, #tpu.memory_space<vmem>>, %arg3: memref<128x128xf32, #tpu.memory_space<vmem>>, %arg4: memref<128x128xf32, #tpu.memory_space<vmem>>, %arg5: memref<2000x128xf32, #tpu.memory_space<vmem>>) attributes {dimension_semantics = [#tpu.dimension_semantics<arbitrary>], iteration_bounds = array<i64: 10>, scalar_prefetch = 0 : i64, scratch_operands = 0 : i64, tpu.core_type = #tpu.core_type<tc>, window_params = [{transform_indices = @transform_0, window_bounds = array<i64: 2000, 128>}, {pipeline_mode = #tpu.pipeline_mode<synchronous>, transform_indices = @transform_1, window_bounds = array<i64: 128, 128>}, {pipeline_mode = #tpu.pipeline_mode<synchronous>, transform_indices = @transform_2, window_bounds = array<i64: 128, 128>}, {pipeline_mode = #tpu.pipeline_mode<synchronous>, transform_indices = @transform_3, window_bounds = array<i64: 128, 128>}, {transform_indices = @transform_4, window_bounds = array<i64: 2000, 128>}]} {
    %get3A = arith.constant 0 : index
    %get3A_0 = arith.constant 0 : index
    %get3A_1 = vector.load %arg1[%get3A, %get3A_0] : memref<2000x128xf32, #tpu.memory_space<vmem>>, vector<2000x128xf32>
    %get3A_2 = arith.constant 0 : index
    %get3A_3 = arith.constant 0 : index
    %get3A_4 = vector.load %arg2[%get3A_2, %get3A_3] : memref<128x128xf32, #tpu.memory_space<vmem>>, vector<128x128xf32>
    %dot_general3A = arith.constant dense<0.000000e+00> : vector<2000x128xf32>
    %dot_general3A_5 = tpu.matmul %get3A_1, %get3A_4, %dot_general3A {dimension_numbers = #tpu.dot_dimension_numbers<[1], [0], [0], [1], [0, 0, 1, 1], [], []>, transpose_lhs_hint = false} : vector<2000x128xf32>, vector<128x128xf32>, vector<2000x128xf32> -> vector<2000x128xf32>
    %mul3A = arith.constant 2.500000e-01 : f32
    %mul3A_6 = vector.broadcast %mul3A : f32 to vector<2000x128xf32>
    %mul3A_7 = arith.mulf %dot_general3A_5, %mul3A_6 : vector<2000x128xf32>
    %logistic3A = arith.negf %mul3A_7 : vector<2000x128xf32>
    %logistic3A_8 = math.exp %logistic3A : vector<2000x128xf32>
    %logistic3A_9 = arith.constant 1.000000e+00 : f32
    %logistic3A_10 = vector.broadcast %logistic3A_9 : f32 to vector<2000x128xf32>
    %logistic3A_11 = arith.addf %logistic3A_10, %logistic3A_8 : vector<2000x128xf32>
    %logistic3A_12 = arith.divf %logistic3A_10, %logistic3A_11 : vector<2000x128xf32>
    %mul3A_13 = arith.mulf %mul3A_7, %logistic3A_12 : vector<2000x128xf32>
    %get3A_14 = arith.constant 0 : index
    %get3A_15 = arith.constant 0 : index
    %get3A_16 = vector.load %arg3[%get3A_14, %get3A_15] : memref<128x128xf32, #tpu.memory_space<vmem>>, vector<128x128xf32>
    %dot_general3A_17 = arith.constant dense<0.000000e+00> : vector<2000x128xf32>
    %dot_general3A_18 = tpu.matmul %mul3A_13, %get3A_16, %dot_general3A_17 {dimension_numbers = #tpu.dot_dimension_numbers<[1], [0], [0], [1], [0, 0, 1, 1], [], []>, transpose_lhs_hint = false} : vector<2000x128xf32>, vector<128x128xf32>, vector<2000x128xf32> -> vector<2000x128xf32>
    %mul3A_19 = arith.constant 0.353553385 : f32
    %mul3A_20 = vector.broadcast %mul3A_19 : f32 to vector<2000x128xf32>
    %mul3A_21 = arith.mulf %dot_general3A_18, %mul3A_20 : vector<2000x128xf32>
    %logistic3A_22 = arith.negf %mul3A_21 : vector<2000x128xf32>
    %logistic3A_23 = math.exp %logistic3A_22 : vector<2000x128xf32>
    %logistic3A_24 = arith.constant 1.000000e+00 : f32
    %logistic3A_25 = vector.broadcast %logistic3A_24 : f32 to vector<2000x128xf32>
    %logistic3A_26 = arith.addf %logistic3A_25, %logistic3A_23 : vector<2000x128xf32>
    %logistic3A_27 = arith.divf %logistic3A_25, %logistic3A_26 : vector<2000x128xf32>
    %mul3A_28 = arith.mulf %mul3A_21, %logistic3A_27 : vector<2000x128xf32>
    %get3A_29 = arith.constant 0 : index
    %get3A_30 = arith.constant 0 : index
    %get3A_31 = vector.load %arg4[%get3A_29, %get3A_30] : memref<128x128xf32, #tpu.memory_space<vmem>>, vector<128x128xf32>
    %dot_general3A_32 = arith.constant dense<0.000000e+00> : vector<2000x128xf32>
    %dot_general3A_33 = tpu.matmul %mul3A_28, %get3A_31, %dot_general3A_32 {dimension_numbers = #tpu.dot_dimension_numbers<[1], [0], [0], [1], [0, 0, 1, 1], [], []>, transpose_lhs_hint = false} : vector<2000x128xf32>, vector<128x128xf32>, vector<2000x128xf32> -> vector<2000x128xf32>
    %mul3A_34 = arith.constant 0.353553385 : f32
    %mul3A_35 = vector.broadcast %mul3A_34 : f32 to vector<2000x128xf32>
    %mul3A_36 = arith.mulf %dot_general3A_33, %mul3A_35 : vector<2000x128xf32>
    %logistic3A_37 = arith.negf %mul3A_36 : vector<2000x128xf32>
    %logistic3A_38 = math.exp %logistic3A_37 : vector<2000x128xf32>
    %logistic3A_39 = arith.constant 1.000000e+00 : f32
    %logistic3A_40 = vector.broadcast %logistic3A_39 : f32 to vector<2000x128xf32>
    %logistic3A_41 = arith.addf %logistic3A_40, %logistic3A_38 : vector<2000x128xf32>
    %logistic3A_42 = arith.divf %logistic3A_40, %logistic3A_41 : vector<2000x128xf32>
    %mul3A_43 = arith.mulf %mul3A_36, %logistic3A_42 : vector<2000x128xf32>
    %swap3A = arith.constant 0 : index
    %swap3A_44 = arith.constant 0 : index
    %swap3A_45 = vector.load %arg5[%swap3A, %swap3A_44] : memref<2000x128xf32, #tpu.memory_space<vmem>>, vector<2000x128xf32>
    tpu.vector_store %arg5[%swap3A, %swap3A_44], %mul3A_43 {strides = array<i32>} : memref<2000x128xf32, #tpu.memory_space<vmem>>, vector<2000x128xf32>,
    return
  }
  func.func @transform_0(%arg0: i32) -> (i32, i32) {
    %c0_i32 = arith.constant 0 : i32
    %c0_i32_0 = arith.constant 0 : i32
    return %arg0, %c0_i32 : i32, i32
  }
  func.func @transform_1(%arg0: i32) -> (i32, i32) {
    %c0_i32 = arith.constant 0 : i32
    %c0_i32_0 = arith.constant 0 : i32
    %c0_i32_1 = arith.constant 0 : i32
    return %c0_i32, %c0_i32_0 : i32, i32
  }
  func.func @transform_2(%arg0: i32) -> (i32, i32) {
    %c0_i32 = arith.constant 0 : i32
    %c0_i32_0 = arith.constant 0 : i32
    %c0_i32_1 = arith.constant 0 : i32
    return %c0_i32, %c0_i32_0 : i32, i32
  }
  func.func @transform_3(%arg0: i32) -> (i32, i32) {
    %c0_i32 = arith.constant 0 : i32
    %c0_i32_0 = arith.constant 0 : i32
    %c0_i32_1 = arith.constant 0 : i32
    return %c0_i32, %c0_i32_0 : i32, i32
  }
  func.func @transform_4(%arg0: i32) -> (i32, i32) {
    %c0_i32 = arith.constant 0 : i32
    %c0_i32_0 = arith.constant 0 : i32
    return %arg0, %c0_i32 : i32, i32
  }
}

module attributes {stable_mosaic.version = 14 : i64} {
  func.func @_pc_body(%arg0: i32, %arg1: memref<4000x16xf32, #tpu.memory_space<vmem>>, %arg2: memref<4000x32xf32, #tpu.memory_space<vmem>>, %arg3: memref<4000x128xf32, #tpu.memory_space<vmem>>, %arg4: memref<4000x1xf32, #tpu.memory_space<vmem>>, %arg5: memref<8x128xf32, #tpu.memory_space<vmem>>, %arg6: memref<8x32xf32, #tpu.memory_space<vmem>>, %arg7: memref<32x128xf32, #tpu.memory_space<vmem>>, %arg8: memref<4000x128xf32, #tpu.memory_space<vmem>>, %arg9: memref<4000x1xf32, #tpu.memory_space<vmem>>, %arg10: memref<1x128xf32, #tpu.memory_space<vmem>>, %arg11: memref<1xf32, #tpu.memory_space<smem>>) attributes {dimension_semantics = [#tpu.dimension_semantics<arbitrary>], iteration_bounds = array<i64: 40>, scalar_prefetch = 0 : i64, scratch_operands = 1 : i64, tpu.core_type = #tpu.core_type<tc>, window_params = [{transform_indices = @transform_0, window_bounds = array<i64: 4000, 16>}, {transform_indices = @transform_1, window_bounds = array<i64: 4000, 32>}, {transform_indices = @transform_2, window_bounds = array<i64: 4000, 128>}, {transform_indices = @transform_3, window_bounds = array<i64: 4000, 1>}, {pipeline_mode = #tpu.pipeline_mode<synchronous>, transform_indices = @transform_4, window_bounds = array<i64: 8, 128>}, {pipeline_mode = #tpu.pipeline_mode<synchronous>, transform_indices = @transform_5, window_bounds = array<i64: 8, 32>}, {pipeline_mode = #tpu.pipeline_mode<synchronous>, transform_indices = @transform_6, window_bounds = array<i64: 32, 128>}, {transform_indices = @transform_7, window_bounds = array<i64: 4000, 128>}, {transform_indices = @transform_8, window_bounds = array<i64: 4000, 1>}, {pipeline_mode = #tpu.pipeline_mode<synchronous>, transform_indices = @transform_9, window_bounds = array<i64: 1, 128>}]} {
    %get3A = arith.constant 0 : index
    %get3A_0 = arith.constant 0 : index
    %get3A_1 = vector.load %arg1[%get3A, %get3A_0] : memref<4000x16xf32, #tpu.memory_space<vmem>>, vector<4000x16xf32>
    %slice3A = vector.extract_strided_slice %get3A_1 {offsets = [0, 0], sizes = [4000, 8], strides = [1, 1]} : vector<4000x16xf32> to vector<4000x8xf32>
    %slice3A_2 = vector.extract_strided_slice %get3A_1 {offsets = [0, 8], sizes = [4000, 8], strides = [1, 1]} : vector<4000x16xf32> to vector<4000x8xf32>
    %get3A_3 = arith.constant 0 : index
    %get3A_4 = arith.constant 0 : index
    %get3A_5 = vector.load %arg5[%get3A_3, %get3A_4] : memref<8x128xf32, #tpu.memory_space<vmem>>, vector<8x128xf32>
    %dot_general3A = arith.constant dense<0.000000e+00> : vector<4000x128xf32>
    %dot_general3A_6 = tpu.matmul %slice3A_2, %get3A_5, %dot_general3A {dimension_numbers = #tpu.dot_dimension_numbers<[1], [0], [0], [1], [0, 0, 1, 1], [], []>, transpose_lhs_hint = false} : vector<4000x8xf32>, vector<8x128xf32>, vector<4000x128xf32> -> vector<4000x128xf32>
    %mul3A = arith.constant 0.353553385 : f32
    %mul3A_7 = vector.broadcast %mul3A : f32 to vector<4000x128xf32>
    %mul3A_8 = arith.mulf %dot_general3A_6, %mul3A_7 : vector<4000x128xf32>
    %get3A_9 = arith.constant 0 : index
    %get3A_10 = arith.constant 0 : index
    %get3A_11 = vector.load %arg4[%get3A_9, %get3A_10] : memref<4000x1xf32, #tpu.memory_space<vmem>>, vector<4000x1xf32>
    %mul3A_12 = vector.broadcast %get3A_11 : vector<4000x1xf32> to vector<4000x128xf32>
    %mul3A_13 = arith.mulf %mul3A_8, %mul3A_12 : vector<4000x128xf32>
    %swap3A = arith.constant 0 : index
    %swap3A_14 = arith.constant 0 : index
    %swap3A_15 = vector.load %arg8[%swap3A, %swap3A_14] : memref<4000x128xf32, #tpu.memory_space<vmem>>, vector<4000x128xf32>
    tpu.vector_store %arg8[%swap3A, %swap3A_14], %mul3A_13 {strides = array<i32>} : memref<4000x128xf32, #tpu.memory_space<vmem>>, vector<4000x128xf32>,
    %get3A_16 = arith.constant 0 : index
    %get3A_17 = arith.constant 0 : index
    %get3A_18 = vector.load %arg2[%get3A_16, %get3A_17] : memref<4000x32xf32, #tpu.memory_space<vmem>>, vector<4000x32xf32>
    %get3A_19 = arith.constant 0 : index
    %get3A_20 = arith.constant 0 : index
    %get3A_21 = vector.load %arg6[%get3A_19, %get3A_20] : memref<8x32xf32, #tpu.memory_space<vmem>>, vector<8x32xf32>
    %dot_general3A_22 = arith.constant dense<0.000000e+00> : vector<4000x32xf32>
    %dot_general3A_23 = tpu.matmul %slice3A, %get3A_21, %dot_general3A_22 {dimension_numbers = #tpu.dot_dimension_numbers<[1], [0], [0], [1], [0, 0, 1, 1], [], []>, transpose_lhs_hint = false} : vector<4000x8xf32>, vector<8x32xf32>, vector<4000x32xf32> -> vector<4000x32xf32>
    %mul3A_24 = arith.mulf %get3A_18, %dot_general3A_23 : vector<4000x32xf32>
    %get3A_25 = arith.constant 0 : index
    %get3A_26 = arith.constant 0 : index
    %get3A_27 = vector.load %arg7[%get3A_25, %get3A_26] : memref<32x128xf32, #tpu.memory_space<vmem>>, vector<32x128xf32>
    %dot_general3A_28 = arith.constant dense<0.000000e+00> : vector<4000x128xf32>
    %dot_general3A_29 = tpu.matmul %mul3A_24, %get3A_27, %dot_general3A_28 {dimension_numbers = #tpu.dot_dimension_numbers<[1], [0], [0], [1], [0, 0, 1, 1], [], []>, transpose_lhs_hint = false} : vector<4000x32xf32>, vector<32x128xf32>, vector<4000x128xf32> -> vector<4000x128xf32>
    %get3A_30 = arith.constant 0 : index
    %get3A_31 = arith.constant 0 : index
    %get3A_32 = vector.load %arg3[%get3A_30, %get3A_31] : memref<4000x128xf32, #tpu.memory_space<vmem>>, vector<4000x128xf32>
    %mul3A_33 = arith.mulf %dot_general3A_29, %get3A_32 : vector<4000x128xf32>
    %reduce_sum3A = arith.constant dense<0.000000e+00> : vector<4000xf32>
    %reduce_sum3A_34 = vector.multi_reduction <add>, %mul3A_33, %reduce_sum3A [1] : vector<4000x128xf32> to vector<4000xf32>
    %broadcast_in_dim3A = vector.shape_cast %reduce_sum3A_34 : vector<4000xf32> to vector<4000x1xf32>
    %mul3A_35 = arith.mulf %broadcast_in_dim3A, %get3A_11 : vector<4000x1xf32>
    %mul3A_36 = arith.constant 3.125000e-02 : f32
    %mul3A_37 = vector.broadcast %mul3A_36 : f32 to vector<4000x1xf32>
    %mul3A_38 = arith.mulf %mul3A_35, %mul3A_37 : vector<4000x1xf32>
    %swap3A_39 = arith.constant 0 : index
    %swap3A_40 = arith.constant 0 : index
    %swap3A_41 = vector.load %arg9[%swap3A_39, %swap3A_40] : memref<4000x1xf32, #tpu.memory_space<vmem>>, vector<4000x1xf32>
    tpu.vector_store %arg9[%swap3A_39, %swap3A_40], %mul3A_38 {strides = array<i32>} : memref<4000x1xf32, #tpu.memory_space<vmem>>, vector<4000x1xf32>,
    %eq3A = arith.constant 0 : i32
    %eq3A_42 = arith.cmpi eq, %arg0, %eq3A : i32
    %convert_element_type3A = arith.extui %eq3A_42 : i1 to i32
    %cond3A = arith.constant 0 : i32
    %cond3A_43 = arith.cmpi ne, %convert_element_type3A, %cond3A : i32
    scf.if %cond3A_43 {
      %swap3A_56 = arith.constant 0xFF800000 : f32
      %swap3A_57 = arith.constant 0 : index
      %swap3A_58 = memref.load %arg11[%swap3A_57] : memref<1xf32, #tpu.memory_space<smem>>
      memref.store %swap3A_56, %arg11[%swap3A_57] : memref<1xf32, #tpu.memory_space<smem>>
    } else {
    }
    %get3A_44 = arith.constant 0 : index
    %get3A_45 = memref.load %arg11[%get3A_44] : memref<1xf32, #tpu.memory_space<smem>>
    %reduce_max3A = vector.shape_cast %mul3A_38 : vector<4000x1xf32> to vector<1x4000x1xf32>
    %reduce_max3A_46 = arith.constant dense<0xFF800000> : vector<1xf32>
    %reduce_max3A_47 = vector.multi_reduction <maximumf>, %reduce_max3A, %reduce_max3A_46 [1, 2] : vector<1x4000x1xf32> to vector<1xf32>
    %reduce_max3A_48 = vector.shape_cast %reduce_max3A_47 : vector<1xf32> to vector<1x1x1xf32>
    %reduce_max3A_49 = vector.extract %reduce_max3A_48[0, 0, 0] : f32 from vector<1x1x1xf32>
    %max3A = arith.maximumf %get3A_45, %reduce_max3A_49 : f32
    %swap3A_50 = arith.constant 0 : index
    %swap3A_51 = memref.load %arg11[%swap3A_50] : memref<1xf32, #tpu.memory_space<smem>>
    memref.store %max3A, %arg11[%swap3A_50] : memref<1xf32, #tpu.memory_space<smem>>
    %broadcast_in_dim3A_52 = vector.broadcast %max3A : f32 to vector<1x128xf32>
    %swap3A_53 = arith.constant 0 : index
    %swap3A_54 = arith.constant 0 : index
    %swap3A_55 = vector.load %arg10[%swap3A_53, %swap3A_54] : memref<1x128xf32, #tpu.memory_space<vmem>>, vector<1x128xf32>
    tpu.vector_store %arg10[%swap3A_53, %swap3A_54], %broadcast_in_dim3A_52 {strides = array<i32>} : memref<1x128xf32, #tpu.memory_space<vmem>>, vector<1x128xf32>,
    return
  }
  func.func @transform_0(%arg0: i32) -> (i32, i32) {
    %c0_i32 = arith.constant 0 : i32
    %c0_i32_0 = arith.constant 0 : i32
    return %arg0, %c0_i32 : i32, i32
  }
  func.func @transform_1(%arg0: i32) -> (i32, i32) {
    %c0_i32 = arith.constant 0 : i32
    %c0_i32_0 = arith.constant 0 : i32
    return %arg0, %c0_i32 : i32, i32
  }
  func.func @transform_2(%arg0: i32) -> (i32, i32) {
    %c0_i32 = arith.constant 0 : i32
    %c0_i32_0 = arith.constant 0 : i32
    return %arg0, %c0_i32 : i32, i32
  }
  func.func @transform_3(%arg0: i32) -> (i32, i32) {
    %c0_i32 = arith.constant 0 : i32
    %c0_i32_0 = arith.constant 0 : i32
    return %arg0, %c0_i32 : i32, i32
  }
  func.func @transform_4(%arg0: i32) -> (i32, i32) {
    %c0_i32 = arith.constant 0 : i32
    %c0_i32_0 = arith.constant 0 : i32
    %c0_i32_1 = arith.constant 0 : i32
    return %c0_i32, %c0_i32_0 : i32, i32
  }
  func.func @transform_5(%arg0: i32) -> (i32, i32) {
    %c0_i32 = arith.constant 0 : i32
    %c0_i32_0 = arith.constant 0 : i32
    %c0_i32_1 = arith.constant 0 : i32
    return %c0_i32, %c0_i32_0 : i32, i32
  }
  func.func @transform_6(%arg0: i32) -> (i32, i32) {
    %c0_i32 = arith.constant 0 : i32
    %c0_i32_0 = arith.constant 0 : i32
    %c0_i32_1 = arith.constant 0 : i32
    return %c0_i32, %c0_i32_0 : i32, i32
  }
  func.func @transform_7(%arg0: i32) -> (i32, i32) {
    %c0_i32 = arith.constant 0 : i32
    %c0_i32_0 = arith.constant 0 : i32
    return %arg0, %c0_i32 : i32, i32
  }
  func.func @transform_8(%arg0: i32) -> (i32, i32) {
    %c0_i32 = arith.constant 0 : i32
    %c0_i32_0 = arith.constant 0 : i32
    return %arg0, %c0_i32 : i32, i32
  }
  func.func @transform_9(%arg0: i32) -> (i32, i32) {
    %c0_i32 = arith.constant 0 : i32
    %c0_i32_0 = arith.constant 0 : i32
    %c0_i32_1 = arith.constant 0 : i32
    return %c0_i32, %c0_i32_0 : i32, i32
  }
}

module attributes {stable_mosaic.version = 14 : i64} {
  func.func @_pg_body(%arg0: i32, %arg1: memref<2000x128xf32, #tpu.memory_space<vmem>>, %arg2: memref<2000x128xf32, #tpu.memory_space<vmem>>, %arg3: memref<2000x128xf32, #tpu.memory_space<vmem>>, %arg4: memref<2000x1xf32, #tpu.memory_space<vmem>>, %arg5: memref<2000x1xf32, #tpu.memory_space<vmem>>, %arg6: memref<128x128xf32, #tpu.memory_space<vmem>>, %arg7: memref<2000x128xf32, #tpu.memory_space<vmem>>) attributes {dimension_semantics = [#tpu.dimension_semantics<arbitrary>], iteration_bounds = array<i64: 5>, scalar_prefetch = 0 : i64, scratch_operands = 0 : i64, tpu.core_type = #tpu.core_type<tc>, window_params = [{transform_indices = @transform_0, window_bounds = array<i64: 2000, 128>}, {transform_indices = @transform_1, window_bounds = array<i64: 2000, 128>}, {transform_indices = @transform_2, window_bounds = array<i64: 2000, 128>}, {transform_indices = @transform_3, window_bounds = array<i64: 2000, 1>}, {transform_indices = @transform_4, window_bounds = array<i64: 2000, 1>}, {pipeline_mode = #tpu.pipeline_mode<synchronous>, transform_indices = @transform_5, window_bounds = array<i64: 128, 128>}, {transform_indices = @transform_6, window_bounds = array<i64: 2000, 128>}]} {
    %get3A = arith.constant 0 : index
    %get3A_0 = arith.constant 0 : index
    %get3A_1 = vector.load %arg4[%get3A, %get3A_0] : memref<2000x1xf32, #tpu.memory_space<vmem>>, vector<2000x1xf32>
    %get3A_2 = arith.constant 0 : index
    %get3A_3 = arith.constant 0 : index
    %get3A_4 = vector.load %arg5[%get3A_2, %get3A_3] : memref<2000x1xf32, #tpu.memory_space<vmem>>, vector<2000x1xf32>
    %add3A = arith.addf %get3A_1, %get3A_4 : vector<2000x1xf32>
    %eq3A = arith.constant 0.000000e+00 : f32
    %eq3A_5 = vector.broadcast %eq3A : f32 to vector<2000x1xf32>
    %eq3A_6 = arith.cmpf oeq, %add3A, %eq3A_5 : vector<2000x1xf32>
    %broadcast_in_dim3A = arith.constant 1.000000e+00 : f32
    %broadcast_in_dim3A_7 = vector.broadcast %broadcast_in_dim3A : f32 to vector<2000x1xf32>
    %select_n3A = arith.select %eq3A_6, %broadcast_in_dim3A_7, %add3A : vector<2000x1xi1>, vector<2000x1xf32>
    %get3A_8 = arith.constant 0 : index
    %get3A_9 = arith.constant 0 : index
    %get3A_10 = vector.load %arg2[%get3A_8, %get3A_9] : memref<2000x128xf32, #tpu.memory_space<vmem>>, vector<2000x128xf32>
    %get3A_11 = arith.constant 0 : index
    %get3A_12 = arith.constant 0 : index
    %get3A_13 = vector.load %arg3[%get3A_11, %get3A_12] : memref<2000x128xf32, #tpu.memory_space<vmem>>, vector<2000x128xf32>
    %add3A_14 = arith.addf %get3A_10, %get3A_13 : vector<2000x128xf32>
    %div3A = vector.broadcast %select_n3A : vector<2000x1xf32> to vector<2000x128xf32>
    %div3A_15 = arith.divf %add3A_14, %div3A : vector<2000x128xf32>
    %get3A_16 = arith.constant 0 : index
    %get3A_17 = arith.constant 0 : index
    %get3A_18 = vector.load %arg1[%get3A_16, %get3A_17] : memref<2000x128xf32, #tpu.memory_space<vmem>>, vector<2000x128xf32>
    %get3A_19 = arith.constant 0 : index
    %get3A_20 = arith.constant 0 : index
    %get3A_21 = vector.load %arg6[%get3A_19, %get3A_20] : memref<128x128xf32, #tpu.memory_space<vmem>>, vector<128x128xf32>
    %dot_general3A = arith.constant dense<0.000000e+00> : vector<2000x128xf32>
    %dot_general3A_22 = tpu.matmul %div3A_15, %get3A_21, %dot_general3A {dimension_numbers = #tpu.dot_dimension_numbers<[1], [0], [0], [1], [0, 0, 1, 1], [], []>, transpose_lhs_hint = false} : vector<2000x128xf32>, vector<128x128xf32>, vector<2000x128xf32> -> vector<2000x128xf32>
    %mul3A = arith.constant 0.0883883461 : f32
    %mul3A_23 = vector.broadcast %mul3A : f32 to vector<2000x128xf32>
    %mul3A_24 = arith.mulf %dot_general3A_22, %mul3A_23 : vector<2000x128xf32>
    %add3A_25 = arith.addf %get3A_18, %mul3A_24 : vector<2000x128xf32>
    %swap3A = arith.constant 0 : index
    %swap3A_26 = arith.constant 0 : index
    %swap3A_27 = vector.load %arg7[%swap3A, %swap3A_26] : memref<2000x128xf32, #tpu.memory_space<vmem>>, vector<2000x128xf32>
    tpu.vector_store %arg7[%swap3A, %swap3A_26], %add3A_25 {strides = array<i32>} : memref<2000x128xf32, #tpu.memory_space<vmem>>, vector<2000x128xf32>,
    return
  }
  func.func @transform_0(%arg0: i32) -> (i32, i32) {
    %c0_i32 = arith.constant 0 : i32
    %c0_i32_0 = arith.constant 0 : i32
    return %arg0, %c0_i32 : i32, i32
  }
  func.func @transform_1(%arg0: i32) -> (i32, i32) {
    %c0_i32 = arith.constant 0 : i32
    %c0_i32_0 = arith.constant 0 : i32
    return %arg0, %c0_i32 : i32, i32
  }
  func.func @transform_2(%arg0: i32) -> (i32, i32) {
    %c0_i32 = arith.constant 0 : i32
    %c0_i32_0 = arith.constant 0 : i32
    return %arg0, %c0_i32 : i32, i32
  }
  func.func @transform_3(%arg0: i32) -> (i32, i32) {
    %c0_i32 = arith.constant 0 : i32
    %c0_i32_0 = arith.constant 0 : i32
    return %arg0, %c0_i32 : i32, i32
  }
  func.func @transform_4(%arg0: i32) -> (i32, i32) {
    %c0_i32 = arith.constant 0 : i32
    %c0_i32_0 = arith.constant 0 : i32
    return %arg0, %c0_i32 : i32, i32
  }
  func.func @transform_5(%arg0: i32) -> (i32, i32) {
    %c0_i32 = arith.constant 0 : i32
    %c0_i32_0 = arith.constant 0 : i32
    %c0_i32_1 = arith.constant 0 : i32
    return %c0_i32, %c0_i32_0 : i32, i32
  }
  func.func @transform_6(%arg0: i32) -> (i32, i32) {
    %c0_i32 = arith.constant 0 : i32
    %c0_i32_0 = arith.constant 0 : i32
    return %arg0, %c0_i32 : i32, i32
  }
}

</mosaic_0001>

<sc_bundles>
// kernel: kernel.11.cloned.1.call-start
scs
__scs_entry_jumppad:
0x0: {  	(pc) =	sbr.rel $0x88, $3  }
0x1: {  	(tag) =	ssettag $0x0;
	lr =	simm.s32 $0x1  }
0x2: {  	[smem:$0x3F8E] =	sst lr;
	_ =	strace $0xD0000000  }
0x3: {  	_ = 	snop  }
0x4: {  	_ = 	snop  }
0x5: {  	_ = 	snop  }
0x6: {  	_ = 	snop  }
0x7: {  	_ = 	snop  }
__scs_overlays_trampoline_lowered:
0x8: {  	[smem:$0x3F9D] =	sst s0  }
0x9: {  	[smem:$0x3F9E] =	sst s1  }
0xa: {  	[smem:$0x3F9F] =	sst s2  }
0xb: {  	[smem:$0x3FA0] =	sst s3  }
0xc: {  	[smem:$0x3FA1] =	sst s4  }
0xd: {  	[smem:$0x3FA2] =	sst s5  }
0xe: {  	[smem:$0x3FA3] =	sst s6  }
0xf: {  	[smem:$0x3FA4] =	sst s7  }
0x10: {  	[smem:$0x3FA5] =	sst s8  }
0x11: {  	[smem:$0x3FA6] =	sst s9;
	s0 =	simm.s32 @!p0 $0x0  }
0x12: {  	s1 =	sld [smem:$0x3F8C];
	s0 =	simm.s32 @p0 $0x1  }
0x13: {  	[smem:$0x3FA7] =	sst s0;
	s0 =	simm.s32 @!p1 $0x0  }
0x14: {  	s2 =	sld [smem:$0x3F8B];
	s0 =	simm.s32 @p1 $0x1  }
0x15: {  	[smem:$0x3FA8] =	sst s0;
	s0 =	simm.s32 @!p2 $0x0  }
0x16: {  	s3 =	sld [smem:$0x3FDB];
	s0 =	simm.s32 @p2 $0x1  }
0x17: {  	s4 =	simm.s32 $0x1BF5;
	[smem:$0x3FAA] =	sst s0  }
0x18: {  	s0 =	sld [smem:$0x3F8D];
	_ =	swait.ge [sflag:s4], $0x0  }
0x19: {  	s7 =	sld [smem:$0x3F8E]  }
0x1a: {  	s8 =	sadd.s32 $0xFFFFE003, lr  }
0x1b: {  	s9 =	sadd.s32 $0xFFFFFEF7, lr;
	s5 =	simm.s32 $0xFFFFFFFF;
	p2 =	slt.u32 s8, $0xFFFFF086  }
0x1c: {  	p1 =	slt.u32 s9, $0xF7A;
	s5 =	simm.s32 @!p2 $0x0  }
0x1d: {  	s5 =	simm.s32 @p1 $0x1;
	p0 =	seq.s32 s7, s2  }
0x1e: {  	s7 =	smul.u32 @!p0 $0xF7A, s2;
	p2 =	seq.s32 @!p0 s5, $0x0  }
0x1f: {  	s9 =	smul.u32 $0xF7A, s1;
	s8 =	simm.s32 @!p0 $0x1BF5;
	p2 =	por !p2, p0  }
0x20: {  	[sflag:s8] =	ssyncset.s32 @!p0 $0xFFFFF086;
	s6 =	sadd.s32 @!p0 s3, s7;
	s7 =	simm.s32 @!p0 $0x108  }
0x21: {  	s3 =	sadd.s32 s3, s9;
	s6 =	sadd.s32 @!p0 $0x88, s6;
	s7 =	simm.s32 @p2 $0x1082  }
0x22: {  	[simem:s7], [sflag:s8] =	dma.local @!p0 [hbm:s6], $0xF7A  }
0x23: {  	s9 =	sor.u32 $0xD0000000, s2;
	s6 =	simm.s32 $0x108;
	_ =	swait.ge @!p0 [sflag:s8], $0x0  }
0x24: {  	s3 =	sadd.s32 $0x88, s3;
	s6 =	simm.s32 @!p1 $0x1082;
	[sflag:s4] =	ssyncset.s32 $0xFFFFF086  }
0x25: {  	[simem:s6], [sflag:s4] =	dma.local [hbm:s3], $0xF7A  }
0x26: {  	[smem:$0x3F8E] =	sst s1;
	(tag) =	ssettag s2;
	_ =	strace s9  }
0x27: {  	s1 =	sld [smem:$0x3F9E]  }
0x28: {  	s2 =	sld [smem:$0x3F9F]  }
0x29: {  	s4 =	sld [smem:$0x3FA1]  }
0x2a: {  	p0 =	seq.s32 s5, $0x0;
	s5 =	sld [smem:$0x3FA2]  }
0x2b: {  	s6 =	sld [smem:$0x3FA3]  }
0x2c: {  	s7 =	sld [smem:$0x3FA4]  }
0x2d: {  	s3 =	simm.s32 $0x108;
	s8 =	sld [smem:$0x3FA5]  }
0x2e: {  	s3 =	simm.s32 @!p0 $0x1082;
	s9 =	sld [smem:$0x3FA6]  }
0x2f: {  	lr =	sadd.s32 s0, s3;
	s0 =	sld [smem:$0x3F9D]  }
0x30: {  	s3 =	sld [smem:$0x3FA0]  }
0x31: {  	[smem:$0x3FA9] =	sst s10  }
0x32: {  	s10 =	sld [smem:$0x3FA7];
	_ =	sdelay $0x3  }
0x33: {  	p0 =	seq.s32 s10, $0x1;
	s10 =	sld [smem:$0x3FA9];
	_ =	sdelay $0x3  }
0x34: {  	[smem:$0x3FA9] =	sst s10  }
0x35: {  	s10 =	sld [smem:$0x3FA8];
	_ =	sdelay $0x3  }
0x36: {  	p1 =	seq.s32 s10, $0x1;
	s10 =	sld [smem:$0x3FA9];
	_ =	sdelay $0x3  }
0x37: {  	[smem:$0x3FA9] =	sst s10  }
0x38: {  	s10 =	sld [smem:$0x3FAA]  }
0x39: {  	_ = 	snop;
	(pc) =	sbr.ind lr, $3  }
0x3a: {  	_ = 	snop  }
0x3b: {  	_ = 	snop  }
0x3c: {  	p2 =	seq.s32 s10, $0x1;
	s10 =	sld [smem:$0x3FA9]  }
0x3d: {  	_ =	shalt  }
0x3e: {  	_ =	shalt  }
0x3f: {  	_ =	shalt  }
0x40: {  	_ =	shalt  }
0x41: {  	_ =	shalt  }
0x42: {  	_ =	shalt  }
0x43: {  	_ =	shalt  }
0x44: {  	_ =	shalt  }
0x45: {  	_ =	shalt  }
0x46: {  	_ =	shalt  }
0x47: {  	_ =	shalt  }
0x48: {  	_ =	shalt  }
0x49: {  	_ =	shalt  }
0x4a: {  	_ =	shalt  }
0x4b: {  	_ =	shalt  }
0x4c: {  	_ =	shalt  }
0x4d: {  	_ =	shalt  }
0x4e: {  	_ =	shalt  }
0x4f: {  	_ =	shalt  }
0x50: {  	_ =	shalt  }
0x51: {  	_ =	shalt  }
0x52: {  	_ =	shalt  }
0x53: {  	_ =	shalt  }
0x54: {  	_ =	shalt  }
0x55: {  	_ =	shalt  }
0x56: {  	_ =	shalt  }
0x57: {  	_ =	shalt  }
0x58: {  	_ =	shalt  }
0x59: {  	_ =	shalt  }
0x5a: {  	_ =	shalt  }
0x5b: {  	_ =	shalt  }
0x5c: {  	_ =	shalt  }
0x5d: {  	_ =	shalt  }
0x5e: {  	_ =	shalt  }
0x5f: {  	_ =	shalt  }
0x60: {  	_ =	shalt  }
0x61: {  	_ =	shalt  }
0x62: {  	_ =	shalt  }
0x63: {  	_ =	shalt  }
0x64: {  	_ =	shalt  }
0x65: {  	_ =	shalt  }
0x66: {  	_ =	shalt  }
0x67: {  	_ =	shalt  }
0x68: {  	_ =	shalt  }
0x69: {  	_ =	shalt  }
0x6a: {  	_ =	shalt  }
0x6b: {  	_ =	shalt  }
0x6c: {  	_ =	shalt  }
0x6d: {  	_ =	shalt  }
0x6e: {  	_ =	shalt  }
0x6f: {  	_ =	shalt  }
0x70: {  	_ =	shalt  }
0x71: {  	_ =	shalt  }
0x72: {  	_ =	shalt  }
0x73: {  	_ =	shalt  }
0x74: {  	_ =	shalt  }
0x75: {  	_ =	shalt  }
0x76: {  	_ =	shalt  }
0x77: {  	_ =	shalt  }
0x78: {  	_ =	shalt  }
0x79: {  	_ =	shalt  }
0x7a: {  	_ =	shalt  }
0x7b: {  	_ =	shalt  }
0x7c: {  	_ =	shalt  }
0x7d: {  	_ =	shalt  }
0x7e: {  	_ =	shalt  }
0x7f: {  	_ =	shalt  }
0x80: {  	_ =	shalt  }
0x81: {  	_ =	shalt  }
0x82: {  	_ =	shalt  }
0x83: {  	_ =	shalt  }
0x84: {  	_ =	shalt  }
0x85: {  	_ =	shalt  }
0x86: {  	_ =	shalt  }
0x87: {  	_ =	shalt  }
.Lfunc_end0:
.L_simem_size_0:
called_computation.1_lowered:
.L_overlay_start_0:
0x88: {  	s2 =	sld [smem:$0x3FD9]  }
0x89: {  	s3 =	sld [smem:$0x3FFE];
	_ =	sdelay $0x1  }
0x8a: {  	s1 =	srdreg.scid  }
0x8b: {  	s0 =	sand.u32 $0x1, s1  }
0x8c: {  	s17 =	sshll.u32 s0, $0xA;
	s2 =	sadd.s32 s3, s2  }
0x8d: {  	s2 =	sadd.s32 s2, s17  }
0x8e: {  	[smem:$0x3FB5] =	sst s2  }
0x8f: {  	_ = 	snop  }
0x90: {  	s2 =	sld [smem:$0x3FC7]  }
0x91: {  	s18 =	sld [smem:$0x3FC6];
	(tm) =	ssettm $0x1  }
0x92: {  	s4 =	sld [smem:$0x3FFB];
	_ =	sdelay $0x3  }
0x93: {  	_ =	strace s4  }
0x94: {  	s4 =	sld [smem:$0x3FFC];
	_ =	sdelay $0x3  }
0x95: {  	_ =	strace s4  }
0x96: {  	s4 =	sld [smem:$0x3FFD];
	_ =	sdelay $0x3  }
0x97: {  	_ =	strace s4  }
0x98: {  	_ =	strace $0x8FFFFFFF  }
0x99: {  	s19 =	sld [smem:$0x3FDB];
	_ =	sdelay $0x1  }
0x9a: {  	s5 =	simm.s32 $_scs_section_size  }
0x9b: {  	s6 =	simm.s32 $_size__tile_overlayer_lowered;
	s7 =	simm.s32 $_tile_overlayer_lowered  }
0x9c: {  	s22 =	simm.s32 $0x1BFF;
	s21 =	sshll.u32 s7, $0x1;
	s4 =	sadd.s32 s5, s19  }
0x9d: {  	s8 =	simm.s32 $0x0;
	s20 =	sshll.u32 s6, $0x1;
	s6 =	sadd.s32 s21, s4  }
0x9e: {  	[timem:s8], [sflag:s22] =	dma.local [hbm:s6], s20  }
0x9f: {  	_ =	swait.ge [sflag:s22], s20  }
0xa0: {  	s5 =	ssub.s32 $0x0, s20;
	[sflag:s22] =	ssyncset.done $0x0  }
0xa1: {  	[sflag:s22] =	ssyncadd.s32 s5;
	_ =	sdelay $0x1  }
0xa2: {  	s23 =	simm.s32 $0x1B8B  }
0xa3: {  	_ =	swait.ge [sflag:s23], $0x1  }
0xa4: {  	[sflag:s23] =	ssyncset.done $0x0  }
0xa5: {  	s25 =	simm.s32 $0x1B8E;
	s24 =	sld [smem:$0x3FFE];
	[sflag:s23] =	ssyncadd.s32 $0xFFFFFFFF  }
0xa6: {  	s26 =	simm.s32 $execute0_lowered;
	[smem:$0x3FD2] =	sst s25  }
0xa7: {  	s6 =	sshll.u32 s26, $0x1;
	_ =	strace $0x80000049;
	[dreg:$0x1] =	wrdreg $0xFFFFFFFF  }
0xa8: {  	s28 =	simm.s32 $_size_execute0_lowered;
	s4 =	sadd.s32 s4, s6;
	[dreg:$0x0] =	wrdreg $0x0  }
0xa9: {  	s6 =	sshll.u32 s28, $0x1;
	[dreg:$0x2] =	wrdreg s4  }
0xaa: {  	[dreg:$0x3] =	wrdreg s6  }
0xab: {  	[dreg:$0x4] =	wrdreg $0xC0  }
0xac: {  	_ =	task [dreg:s8], $0x5FFFF  }
0xad: {  	[dreg:$0x1] =	wrdreg $0xFFFFFFFF  }
0xae: {  	[dreg:$0x0] =	wrdreg $0x60  }
0xaf: {  	[dreg:$0x2] =	wrdreg s24  }
0xb0: {  	[dreg:$0x3] =	wrdreg s2  }
0xb1: {  	[dreg:$0x4] =	wrdreg s18  }
0xb2: {  	[dreg:$0x5] =	wrdreg $0x86800  }
0xb3: {  	[dreg:$0x6] =	wrdreg $0x1C6800  }
0xb4: {  	[dreg:$0x7] =	wrdreg $0x9  }
0xb5: {  	_ =	task.clear_ibuf [dreg:s8], $0x8FFFF;
	_ =	strace $0x90000049  }
0xb6: {  	s29 =	simm.s32 $0x9;
	_ =	strace $0x8000004B  }
0xb7: {  	_ =	swait.ge [sflag:s29], $0x1  }
0xb8: {  	[sflag:s29] =	ssyncadd.s32 $0xFFFFFFFF  }
0xb9: {  	_ =	strace $0x9000004B  }
0xba: {  	_ =	sfence  }
0xbb: {  	s30 =	sld [smem:$0x0];
	_ =	sdelay $0x2  }
0xbc: {  	s31 =	sshll.u32 s1, $0xD;
	s1 =	sshrl.u32 s1, $0x2  }
0xbd: {  	s3 =	sand.u32 $0x4000, s31;
	s1 =	sadd.s32 s1, s30  }
0xbe: {  	s0 =	sor.u32 s3, s0;
	s1 =	sshll.u32 s1, $0x11  }
0xbf: {  	s0 =	sor.u32 s1, s0  }
0xc0: {  	s0 =	sadd.s32 $0x8F2B, s0  }
0xc1: {  	[sflag:s0] =	ssyncadd.remote.s32 $0x1  }
0xc2: {  	_ =	sfence.sel $0xFFFF  }
0xc3: {  	[dreg:$0x0] =	wrdreg $0xFFFFFFFF;
	(pc) =	sbr.abs _section_cstart, $3  }
0xc4: {  	[dreg:$0x1] =	wrdreg $0xFFFFFFFF  }
0xc5: {  	_ =	task.clear_ibuf [dreg:s8], $0x2FFFF;
	_ =	strace $0x9FFFFFFF  }
0xc6: {  	(tm) =	ssettm $0x7FFFFFFF  }
0xc7: {  	_ =	shalt  }
tec
execute0_lowered:
.L_overlay_start_1:
0x0: {  	(tag) =	ssettag $0x1  }
0x1: {  	s0 =	rddreg [dreg:$0x0]  }
0x2: {  	s1 =	rddreg [dreg:$0x1]  }
0x3: {  	s2 =	rddreg [dreg:$0x2]  }
0x4: {  	s3 =	rddreg [dreg:$0x3]  }
0x5: {  	s4 =	rddreg [dreg:$0x4];
	s5 =	simm.s32 $0x0;
	s6 =	srdreg.scid  }
0x6: {  	s21 =	stileid.u32;
	[smem:$0x7FF] =	sst s5  }
0x7: {  	s7 =	sadd.s32 $0x53200, s0;
	s6 =	sand.u32 $0x1, s6;
	s9 =	smul.u32 $0x500, s21  }
0x8: {  	s8 =	sadd.s32 $0x5000, s0;
	s10 =	sadd.s32 $0x4E00, s0;
	s12 =	smul.u32 $0x280, s21  }
0x9: {  	s11 =	sadd.s32 $0x7A400, s0;
	s15 =	smul.u32 $0x14000, s21;
	p0 =	seq.s32 s21, $0x0  }
0xa: {  	s18 =	smul.u32 $0x50000, s21;
	_ =	strace $0x8000004A;
	[dreg:$0x6] =	wrdreg s10  }
0xb: {  	s10 =	sshll.u32 s6, $0x7;
	s13 =	ssub.s32 $0x2, s6;
	s6 =	smul.u32 $0x140000, s6  }
0xc: {  	s9 =	sor.u32 s10, s9;
	s14 =	sshrl.u32 s13, $0x1;
	s16 =	sshll.u32 s12, $0x7  }
0xd: {  	s28 =	sadd.s32 s12, s4;
	s9 =	sshrl.u32 s9, $0x3;
	s13 =	ssub.s32 s13, s14  }
0xe: {  	s22 =	sadd.s32 $0x4000, s16;
	s15 =	sadd.s32 s6, s15;
	s24 =	sadd.s32 $0x8000, s16  }
0xf: {  	s19 =	sadd.s32 $0xC000, s16;
	s20 =	sadd.s32 $0x10000, s16;
	[dreg:$0xd] =	wrdreg s28  }
0x10: {  	s9 =	sadd.s32 s9, s0;
	s17 =	sadd.s32 s6, s22;
	s15 =	sshrl.u32 s15, $0x3  }
0x11: {  	s26 =	sadd.s32 s6, s24;
	s30 =	sadd.s32 s6, s19;
	s6 =	sadd.s32 s6, s20  }
0x12: {  	s13 =	smax.u32 s13, $0x1;
	s14 =	sadd.s32 s22, s3;
	s22 =	sadd.s32 s19, s3  }
0x13: {  	s19 =	simm.s32 $0x8280;
	s17 =	sshrl.u32 s17, $0x3;
	s15 =	sadd.s32 s11, s15  }
0x14: {  	s29 =	sshrl.u32 s26, $0x3;
	s31 =	sshrl.u32 s30, $0x3;
	[dreg:$0xf] =	wrdreg s13  }
0x15: {  	s6 =	sshrl.u32 s6, $0x3;
	s12 =	sadd.s32 $0xA000, s9;
	[dreg:$0x10] =	wrdreg s14  }
0x16: {  	[dreg:$0x12] =	wrdreg s22;
	s26 =	sshll.u32 s21, $0x8;
	s13 =	simm.s32 $0x4280  }
0x17: {  	s14 =	simm.s32 $0x1;
	s21 =	simm.s32 $0x180;
	[dreg:$0x7] =	wrdreg s15  }
0x18: {  	s22 =	simm.s32 $0x4;
	s23 =	sadd.s32 s11, s17;
	[dreg:$0xe] =	wrdreg s12  }
0x19: {  	s16 =	sadd.s32 s11, s29;
	s6 =	sadd.s32 s11, s6;
	[dreg:$0x8] =	wrdreg s23  }
0x1a: {  	s17 =	sadd.s32 $0xD4B800, s0;
	s0 =	simm.s32 $0x280;
	[dreg:$0x9] =	wrdreg s16  }
0x1b: {  	s12 =	simm.s32 $0x100;
	s16 =	sadd.s32 s11, s31;
	[dreg:$0xb] =	wrdreg s6  }
0x1c: {  	s11 =	sshrl.u32 s18, $0x2;
	s18 =	sadd.s32 s24, s3;
	[dreg:$0xa] =	wrdreg s16  }
0x1d: {  	s15 =	simm.s32 $0x3;
	s23 =	sadd.s32 s20, s3;
	[dreg:$0x11] =	wrdreg s18  }
0x1e: {  	s6 =	simm.s32 $0x6;
	s25 =	sadd.s32 s11, s3;
	[dreg:$0x13] =	wrdreg s23  }
0x1f: {  	s20 =	simm.s32 $0x2;
	s24 =	sadd.s32 $0x4000, s25;
	[dreg:$0xc] =	wrdreg s25  }
0x20: {  	s16 =	simm.s32 $0x28;
	s29 =	sadd.s32 $0x8000, s25;
	[dreg:$0x14] =	wrdreg s24  }
0x21: {  	s11 =	simm.s32 $0x80;
	s30 =	sadd.s32 $0xC000, s25;
	[dreg:$0x15] =	wrdreg s29  }
0x22: {  	s23 =	simm.s32 $0x5;
	s31 =	sadd.s32 $0x10000, s25;
	[dreg:$0x16] =	wrdreg s30  }
0x23: {  	v0 =	vimm.f32 $0.0e+00;
	s16 =	simm.s32 @!p0 $0x27;
	[dreg:$0x17] =	wrdreg s31;
	s24 =	simm.s32 $0x0  }
.LBB2_1:
0x24: {  	s9 =	rddreg [dreg:$0x6];
	s18 =	simm.s32 $0x200  }
0x25: {  	[tilespmem:s18], [sflag:$0x6] =	stream.linear.gather [hbm4b:s9+s5], $0x80, $0x38;
	[tilespmem:$0x1C900] =	vst v63  }
0x26: {  	_ =	swait.ge [sflag:s6], $0x80  }
0x27: {  	[sflag:s6] =	ssyncset.done $0x0  }
0x28: {  	[sflag:s6] =	ssyncadd.s32 $0xFFFFFF80  }
0x29: {  	s9 =	simm.s32 $0x0;
	s18 =	simm.s32 $0x200;
	v1 =	vld [tilespmem:$0x200]  }
.LBB2_2:
0x2a: {  	p0 =	sne.s32 s18, $0xFE00;
	[tilespmem:s9+$0x2F0] =	vst v0  }
0x2b: {  	[tilespmem:s9+$0x280] =	vst v0  }
0x2c: {  	[tilespmem:s9+$0x290] =	vst v0  }
.Ltmp0:
0x2d: {  	[tilespmem:s9+$0x2A0] =	vst v0;
	(pc) =	sbr.rel @p0 .LBB2_2-.Ltmp0, $4  }
0x2e: {  	[tilespmem:s9+$0x2B0] =	vst v0  }
0x2f: {  	[tilespmem:s9+$0x2C0] =	vst v0  }
0x30: {  	[tilespmem:s9+$0x2D0] =	vst v0  }
0x31: {  	[tilespmem:s9+$0x2E0] =	vst v0;
	s9 =	sshra.s32 s18, $0x2;
	s18 =	sadd.s32 $0x200, s18  }
0x32: {  	[tilespmem:s9+$0x2F0] =	vst v0  }
0x33: {  	[tilespmem:s9+$0x280] =	vst v0  }
0x34: {  	[tilespmem:s9+$0x290] =	vst v0  }
0x35: {  	[tilespmem:s9+$0x2A0] =	vst v0  }
0x36: {  	[tilespmem:s9+$0x2B0] =	vst v0  }
0x37: {  	[tilespmem:s9+$0x2C0] =	vst v0  }
0x38: {  	[tilespmem:s9+$0x2D0] =	vst v0  }
0x39: {  	[tilespmem:s9+$0x2E0] =	vst v0  }
0x3a: {  	[tilespmem:$0x8280] =	vst v0  }
0x3b: {  	[tilespmem:$0x8290] =	vst v0  }
0x3c: {  	[tilespmem:$0x82A0] =	vst v0  }
0x3d: {  	[tilespmem:$0x82B0] =	vst v0  }
0x3e: {  	[tilespmem:$0x82C0] =	vst v0  }
0x3f: {  	[tilespmem:$0x82D0] =	vst v0  }
0x40: {  	[tilespmem:$0x82E0] =	vst v0  }
0x41: {  	[tilespmem:$0x82F0] =	vst v0  }
0x42: {  	[tilespmem:$0x8300] =	vst v0  }
0x43: {  	[tilespmem:$0x8310] =	vst v0  }
0x44: {  	[tilespmem:$0x8320] =	vst v0  }
0x45: {  	[tilespmem:$0x8330] =	vst v0  }
0x46: {  	[tilespmem:$0x8340] =	vst v0  }
0x47: {  	[tilespmem:$0x8350] =	vst v0  }
0x48: {  	[tilespmem:$0x8360] =	vst v0  }
0x49: {  	[tilespmem:$0x8370] =	vst v0  }
0x4a: {  	[tilespmem:$0x8380] =	vst v0  }
0x4b: {  	[tilespmem:$0x8390] =	vst v0  }
0x4c: {  	[tilespmem:$0x83A0] =	vst v0  }
0x4d: {  	[tilespmem:$0x83B0] =	vst v0  }
0x4e: {  	[tilespmem:$0x83C0] =	vst v0  }
0x4f: {  	[tilespmem:$0x83D0] =	vst v0  }
0x50: {  	[tilespmem:$0x83E0] =	vst v0  }
0x51: {  	[tilespmem:$0x83F0] =	vst v0  }
0x52: {  	[tilespmem:$0x8400] =	vst v0  }
0x53: {  	[tilespmem:$0x8410] =	vst v0  }
0x54: {  	[tilespmem:$0x8420] =	vst v0  }
0x55: {  	[tilespmem:$0x8430] =	vst v0  }
0x56: {  	[tilespmem:$0x8440] =	vst v0  }
0x57: {  	[tilespmem:$0x8450] =	vst v0  }
0x58: {  	[tilespmem:$0x8460] =	vst v0  }
0x59: {  	[tilespmem:$0x8470] =	vst v0  }
0x5a: {  	[tilespmem:$0x8480] =	vst v0  }
0x5b: {  	[tilespmem:$0x8490] =	vst v0  }
0x5c: {  	[tilespmem:$0x84A0] =	vst v0  }
0x5d: {  	[tilespmem:$0x84B0] =	vst v0  }
0x5e: {  	[tilespmem:$0x84C0] =	vst v0  }
0x5f: {  	[tilespmem:$0x84D0] =	vst v0  }
0x60: {  	[tilespmem:$0x84E0] =	vst v0  }
0x61: {  	[tilespmem:$0x84F0] =	vst v0  }
0x62: {  	[tilespmem:$0x8500] =	vst v0  }
0x63: {  	[tilespmem:$0x8510] =	vst v0  }
0x64: {  	[tilespmem:$0x8520] =	vst v0  }
0x65: {  	[tilespmem:$0x8530] =	vst v0  }
0x66: {  	[tilespmem:$0x8540] =	vst v0  }
0x67: {  	[tilespmem:$0x8550] =	vst v0  }
0x68: {  	[tilespmem:$0x8560] =	vst v0  }
0x69: {  	[tilespmem:$0x8570] =	vst v0  }
0x6a: {  	[tilespmem:$0x8580] =	vst v0  }
0x6b: {  	[tilespmem:$0x8590] =	vst v0  }
0x6c: {  	[tilespmem:$0x85A0] =	vst v0  }
0x6d: {  	[tilespmem:$0x85B0] =	vst v0  }
0x6e: {  	[tilespmem:$0x85C0] =	vst v0  }
0x6f: {  	[tilespmem:$0x85D0] =	vst v0  }
0x70: {  	[tilespmem:$0x85E0] =	vst v0  }
0x71: {  	[tilespmem:$0x85F0] =	vst v0  }
0x72: {  	[tilespmem:$0x8600] =	vst v0  }
0x73: {  	[tilespmem:$0x8610] =	vst v0  }
0x74: {  	[tilespmem:$0x8620] =	vst v0  }
0x75: {  	[tilespmem:$0x8630] =	vst v0  }
0x76: {  	[tilespmem:$0x8640] =	vst v0  }
0x77: {  	[tilespmem:$0x8650] =	vst v0  }
0x78: {  	[tilespmem:$0x8660] =	vst v0  }
0x79: {  	[tilespmem:$0x8670] =	vst v0  }
0x7a: {  	[spmem:s25] =	stream.linear.scatter [tilespmem:s0], [sflag:$0x6], $0x4000, $0x38;
	[tilespmem:$0x1C900] =	vst v63  }
0x7b: {  	_ =	swait.ge [sflag:s6], $0x4000  }
0x7c: {  	[sflag:s6] =	ssyncset.done $0x0  }
0x7d: {  	s5 =	rddreg [dreg:$0x14];
	[sflag:s6] =	ssyncadd.s32 $0xFFFFC000  }
0x7e: {  	[spmem:s5] =	stream.linear.scatter [tilespmem:s0], [sflag:$0x6], $0x4000, $0x38;
	[tilespmem:$0x1C900] =	vst v63  }
0x7f: {  	_ =	swait.ge [sflag:s6], $0x4000  }
0x80: {  	[sflag:s6] =	ssyncset.done $0x0  }
0x81: {  	s29 =	rddreg [dreg:$0x15];
	[sflag:s6] =	ssyncadd.s32 $0xFFFFC000  }
0x82: {  	[spmem:s29] =	stream.linear.scatter [tilespmem:s0], [sflag:$0x6], $0x4000, $0x38;
	[tilespmem:$0x1C900] =	vst v63  }
0x83: {  	_ =	swait.ge [sflag:s6], $0x4000  }
0x84: {  	[sflag:s6] =	ssyncset.done $0x0  }
0x85: {  	s30 =	rddreg [dreg:$0x16];
	[sflag:s6] =	ssyncadd.s32 $0xFFFFC000  }
0x86: {  	[spmem:s30] =	stream.linear.scatter [tilespmem:s0], [sflag:$0x6], $0x4000, $0x38;
	[tilespmem:$0x1C900] =	vst v63  }
0x87: {  	_ =	swait.ge [sflag:s6], $0x4000  }
0x88: {  	[sflag:s6] =	ssyncset.done $0x0  }
0x89: {  	s31 =	rddreg [dreg:$0x17];
	[sflag:s6] =	ssyncadd.s32 $0xFFFFC000  }
0x8a: {  	[spmem:s31] =	stream.linear.scatter [tilespmem:s0], [sflag:$0x6], $0x4000, $0x38;
	[tilespmem:$0x1C900] =	vst v63  }
0x8b: {  	_ =	swait.ge [sflag:s6], $0x4000  }
0x8c: {  	[sflag:s6] =	ssyncset.done $0x0  }
0x8d: {  	[sflag:s6] =	ssyncadd.s32 $0xFFFFC000  }
0x8e: {  	[spmem:s28] =	stream.linear.scatter [tilespmem:s19], [sflag:$0x6], $0x280, $0x38;
	[tilespmem:$0x1C900] =	vst v63  }
0x8f: {  	_ =	swait.ge [sflag:s6], $0x280  }
0x90: {  	[sflag:s6] =	ssyncset.done $0x0  }
0x91: {  	[sflag:s6] =	ssyncadd.s32 $0xFFFFFD80  }
0x92: {  	s25 =	simm.s32 $0x0;
	s28 =	simm.s32 $0x0;
	[bflag:$0x0] =	sbarrier.arrive $0xFFFF  }
.LBB2_4:
0x93: {  	s9 =	sshll.u32 s28, $0xC  }
0x94: {  	s9 =	sor.u32 s9, s26  }
0x95: {  	s9 =	sor.u32 s10, s9  }
0x96: {  	s18 =	sshrl.u32 s9, $0x3  }
0x97: {  	s19 =	sadd.s32 s1, s18  }
0x98: {  	[tilespmem:s25], [sflag:$0x1] =	stream.linear.gather [hbm4b:s19+s25], $0x80, $0x38;
	[tilespmem:$0x1C900] =	vst v63  }
0x99: {  	s5 =	sadd.s32 s2, s18  }
0x9a: {  	[tilespmem:s11], [sflag:$0x2] =	stream.linear.gather [hbm4b:s5+s25], $0x80, $0x38;
	[tilespmem:$0x1C900] =	vst v63  }
0x9b: {  	s9 =	sshll.u32 s9, $0x4;
	s18 =	sadd.s32 s8, s18  }
0x9c: {  	[tilespmem:s12], [sflag:$0x3] =	stream.linear.gather [hbm4b:s18+s25], $0x80, $0x38;
	[tilespmem:$0x1C900] =	vst v63  }
0x9d: {  	s9 =	sadd.s32 s17, s9  }
0x9e: {  	[tilespmem:s13], [sflag:$0x4] =	stream.linear.gather [hbm4b:s9+s25], $0x4000, $0x38;
	[tilespmem:$0x1C900] =	vst v63  }
0x9f: {  	_ =	swait.ge [sflag:s14], $0x80  }
0xa0: {  	[sflag:s14] =	ssyncset.done $0x0  }
0xa1: {  	[sflag:s14] =	ssyncadd.s32 $0xFFFFFF80  }
0xa2: {  	[tilespmem:s0], [sflag:$0x5] =	stream.indirect.gather [hbm4b:s7+s11], $0x80, s25, s11, $0xb8;
	[tilespmem:$0x1C900] =	vst v63  }
0xa3: {  	_ =	swait.ge [sflag:s15], $0x80  }
0xa4: {  	[sflag:s15] =	ssyncset.done $0x0  }
0xa5: {  	[sflag:s15] =	ssyncadd.s32 $0xFFFFFF80  }
0xa6: {  	v2 =	vld [tilespmem:$0x100]  }
0xa7: {  	v3 =	vld [tilespmem:$0x110]  }
0xa8: {  	v4 =	vld [tilespmem:$0x120]  }
0xa9: {  	v5 =	vld [tilespmem:$0x130]  }
0xaa: {  	v6 =	vld [tilespmem:$0x140]  }
0xab: {  	v7 =	vld [tilespmem:$0x150];
	v2 =	vsub.f32 v2, v1  }
0xac: {  	v8 =	vld [tilespmem:$0x160];
	v3 =	vsub.f32 v3, v1  }
0xad: {  	v9 =	vld [tilespmem:$0x170];
	v4 =	vsub.f32 v4, v1;
	v2 =	vmul.f32 $1.442695020e+00, v2  }
0xae: {  	v5 =	vsub.f32 v5, v1;
	v3 =	vmul.f32 $1.442695020e+00, v3  }
0xaf: {  	(erf) = vpow2.f32 v2;
	v2 =	vmul.f32 $1.442695020e+00, v4;
	v4 =	vsub.f32 v6, v1  }
0xb0: {  	(erf) = vpow2.f32 v3;
	v3 =	vmul.f32 $1.442695020e+00, v5;
	v5 =	vsub.f32 v7, v1  }
0xb1: {  	(erf) = vpow2.f32 v2;
	v2 =	vmul.f32 $1.442695020e+00, v4;
	v4 =	vsub.f32 v8, v1  }
0xb2: {  	(erf) = vpow2.f32 v3;
	v3 =	vmul.f32 $1.442695020e+00, v5;
	v5 =	vsub.f32 v9, v1  }
0xb3: {  	(erf) = vpow2.f32 v2;
	v2 =	vmul.f32 $1.442695020e+00, v4  }
0xb4: {  	(erf) = vpow2.f32 v3;
	v3 =	vmul.f32 $1.442695020e+00, v5  }
0xb5: {  	(erf) = vpow2.f32 v2  }
0xb6: {  	(erf) = vpow2.f32 v3;
	_ =	sdelay $0x1  }
0xb7: {  	v2 =	vpop (erf)  }
0xb8: {  	v3 =	vpop (erf);
	[tilespmem:$0x180] =	vst v2  }
0xb9: {  	v2 =	vpop (erf);
	[tilespmem:$0x190] =	vst v3  }
0xba: {  	v3 =	vpop (erf);
	[tilespmem:$0x1A0] =	vst v2  }
0xbb: {  	v2 =	vpop (erf);
	[tilespmem:$0x1B0] =	vst v3  }
0xbc: {  	v3 =	vpop (erf);
	[tilespmem:$0x1C0] =	vst v2  }
0xbd: {  	v2 =	vpop (erf);
	[tilespmem:$0x1D0] =	vst v3  }
0xbe: {  	[tilespmem:$0x1E0] =	vst v2;
	v2 =	vpop (erf)  }
0xbf: {  	[tilespmem:$0x1F0] =	vst v2  }
0xc0: {  	_ =	swait.ge [sflag:s20], $0x80  }
0xc1: {  	[sflag:s20] =	ssyncset.done $0x0  }
0xc2: {  	[sflag:s20] =	ssyncadd.s32 $0xFFFFFF80  }
0xc3: {  	[spmem:s4] =	stream.indirect.scatter.add.f32 [tilespmem:s21], [sflag:$0x6], $0x1, s11, s11, $0xb8;
	[tilespmem:$0x1C900] =	vst v63  }
0xc4: {  	_ =	swait.ge [sflag:s6], $0x80  }
0xc5: {  	[sflag:s6] =	ssyncset.done $0x0  }
0xc6: {  	[sflag:s6] =	ssyncadd.s32 $0xFFFFFF80  }
0xc7: {  	_ =	swait.ge [sflag:s22], $0x4000  }
0xc8: {  	v2 =	vmov s25;
	[sflag:s22] =	ssyncset.done $0x0  }
0xc9: {  	v2 =	vand.u32 $0xFFFFFFFC, v2;
	[sflag:s22] =	ssyncadd.s32 $0xFFFFC000  }
0xca: {  	v2 =	vbroadcast v2, $0x0;
	_ =	swait.ge [sflag:s23], $0x4000  }
0xcb: {  	[sflag:s23] =	ssyncset.done $0x0  }
0xcc: {  	s30 =	simm.s32 $0x4380;
	[sflag:s23] =	ssyncadd.s32 $0xFFFFC000  }
0xcd: {  	s29 =	simm.s32 $0x380;
	v3 =	vld [tilespmem:s30+$0xFFFFFF00]  }
0xce: {  	v4 =	vld [tilespmem:s29+$0xFFFFFF00];
	_ =	sdelay $0x1  }
0xcf: {  	v2 =	vld.idx.msk [tilespmem:v2+s21+$0x0], $0xffff;
	_ =	sdelay $0x2  }
0xd0: {  	v3 =	vmul.f32 v4, v3;
	_ =	sdelay $0x1  }
0xd1: {  	v3 =	vmul.f32 v3, v2;
	_ =	sdelay $0x1  }
0xd2: {  	[tilespmem:s30+$0xFFFFFF00] =	vst v3;
	v3 =	vld [tilespmem:s30+$0xFFFFFF10]  }
0xd3: {  	v4 =	vld [tilespmem:s29+$0xFFFFFF10];
	_ =	sdelay $0x4  }
0xd4: {  	v3 =	vmul.f32 v4, v3;
	_ =	sdelay $0x1  }
0xd5: {  	v3 =	vmul.f32 v3, v2;
	_ =	sdelay $0x1  }
0xd6: {  	[tilespmem:s30+$0xFFFFFF10] =	vst v3;
	v3 =	vld [tilespmem:s30+$0xFFFFFF20]  }
0xd7: {  	v4 =	vld [tilespmem:s29+$0xFFFFFF20];
	_ =	sdelay $0x4  }
0xd8: {  	v3 =	vmul.f32 v4, v3;
	_ =	sdelay $0x1  }
0xd9: {  	v3 =	vmul.f32 v3, v2;
	_ =	sdelay $0x1  }
0xda: {  	[tilespmem:s30+$0xFFFFFF20] =	vst v3;
	v3 =	vld [tilespmem:s30+$0xFFFFFF30]  }
0xdb: {  	v4 =	vld [tilespmem:s29+$0xFFFFFF30];
	_ =	sdelay $0x4  }
0xdc: {  	v3 =	vmul.f32 v4, v3;
	_ =	sdelay $0x1  }
0xdd: {  	v3 =	vmul.f32 v3, v2;
	_ =	sdelay $0x1  }
0xde: {  	[tilespmem:s30+$0xFFFFFF30] =	vst v3;
	v3 =	vld [tilespmem:s30+$0xFFFFFF40]  }
0xdf: {  	v4 =	vld [tilespmem:s29+$0xFFFFFF40];
	_ =	sdelay $0x4  }
0xe0: {  	v3 =	vmul.f32 v4, v3;
	_ =	sdelay $0x1  }
0xe1: {  	v3 =	vmul.f32 v3, v2;
	_ =	sdelay $0x1  }
0xe2: {  	[tilespmem:s30+$0xFFFFFF40] =	vst v3;
	v3 =	vld [tilespmem:s30+$0xFFFFFF50]  }
0xe3: {  	v4 =	vld [tilespmem:s29+$0xFFFFFF50];
	_ =	sdelay $0x4  }
0xe4: {  	v3 =	vmul.f32 v4, v3;
	_ =	sdelay $0x1  }
0xe5: {  	v3 =	vmul.f32 v3, v2;
	_ =	sdelay $0x1  }
0xe6: {  	[tilespmem:s30+$0xFFFFFF50] =	vst v3;
	v3 =	vld [tilespmem:s30+$0xFFFFFF60]  }
0xe7: {  	v4 =	vld [tilespmem:s29+$0xFFFFFF60];
	_ =	sdelay $0x4  }
0xe8: {  	v3 =	vmul.f32 v4, v3;
	_ =	sdelay $0x1  }
0xe9: {  	v3 =	vmul.f32 v3, v2;
	_ =	sdelay $0x1  }
0xea: {  	[tilespmem:s30+$0xFFFFFF60] =	vst v3;
	v3 =	vld [tilespmem:s30+$0xFFFFFF70]  }
0xeb: {  	v4 =	vld [tilespmem:s29+$0xFFFFFF70];
	_ =	sdelay $0x2  }
0xec: {  	s5 =	simm.s32 $0x1  }
0xed: {  	v5 =	vmov s5  }
0xee: {  	v3 =	vmul.f32 v4, v3;
	v4 =	vand.u32 $0xFFFFFFFD, v5  }
0xef: {  	v4 =	vbroadcast v4, $0x0  }
0xf0: {  	v2 =	vmul.f32 v3, v2;
	_ =	sdelay $0x1  }
0xf1: {  	[tilespmem:s30+$0xFFFFFF70] =	vst v2;
	v2 =	vld [tilespmem:s30+$0xFFFFFF80]  }
0xf2: {  	v3 =	vld [tilespmem:s29+$0xFFFFFF80];
	_ =	sdelay $0x1  }
0xf3: {  	v4 =	vld.idx.msk [tilespmem:v4+s21+$0x0], $0xffff;
	_ =	sdelay $0x2  }
0xf4: {  	v2 =	vmul.f32 v3, v2;
	_ =	sdelay $0x1  }
0xf5: {  	v2 =	vmul.f32 v2, v4;
	_ =	sdelay $0x1  }
0xf6: {  	[tilespmem:s30+$0xFFFFFF80] =	vst v2;
	v2 =	vld [tilespmem:s30+$0xFFFFFF90]  }
0xf7: {  	v3 =	vld [tilespmem:s29+$0xFFFFFF90];
	_ =	sdelay $0x4  }
0xf8: {  	v2 =	vmul.f32 v3, v2;
	_ =	sdelay $0x1  }
0xf9: {  	v2 =	vmul.f32 v2, v4;
	_ =	sdelay $0x1  }
0xfa: {  	[tilespmem:s30+$0xFFFFFF90] =	vst v2;
	v2 =	vld [tilespmem:s30+$0xFFFFFFA0]  }
0xfb: {  	v3 =	vld [tilespmem:s29+$0xFFFFFFA0];
	_ =	sdelay $0x4  }
0xfc: {  	v2 =	vmul.f32 v3, v2;
	_ =	sdelay $0x1  }
0xfd: {  	v2 =	vmul.f32 v2, v4;
	_ =	sdelay $0x1  }
0xfe: {  	[tilespmem:s30+$0xFFFFFFA0] =	vst v2;
	v2 =	vld [tilespmem:s30+$0xFFFFFFB0]  }
0xff: {  	v3 =	vld [tilespmem:s29+$0xFFFFFFB0];
	_ =	sdelay $0x4  }
0x100: {  	v2 =	vmul.f32 v3, v2;
	_ =	sdelay $0x1  }
0x101: {  	v2 =	vmul.f32 v2, v4;
	_ =	sdelay $0x1  }
0x102: {  	[tilespmem:s30+$0xFFFFFFB0] =	vst v2;
	v2 =	vld [tilespmem:s30+$0xFFFFFFC0]  }
0x103: {  	v3 =	vld [tilespmem:s29+$0xFFFFFFC0];
	_ =	sdelay $0x4  }
0x104: {  	v2 =	vmul.f32 v3, v2;
	_ =	sdelay $0x1  }
0x105: {  	v2 =	vmul.f32 v2, v4;
	_ =	sdelay $0x1  }
0x106: {  	[tilespmem:s30+$0xFFFFFFC0] =	vst v2;
	v2 =	vld [tilespmem:s30+$0xFFFFFFD0]  }
0x107: {  	v3 =	vld [tilespmem:s29+$0xFFFFFFD0];
	_ =	sdelay $0x4  }
0x108: {  	v2 =	vmul.f32 v3, v2;
	_ =	sdelay $0x1  }
0x109: {  	v2 =	vmul.f32 v2, v4;
	_ =	sdelay $0x1  }
0x10a: {  	[tilespmem:s30+$0xFFFFFFD0] =	vst v2;
	v2 =	vld [tilespmem:s30+$0xFFFFFFE0]  }
0x10b: {  	v3 =	vld [tilespmem:s29+$0xFFFFFFE0];
	_ =	sdelay $0x4  }
0x10c: {  	v2 =	vmul.f32 v3, v2;
	_ =	sdelay $0x1  }
0x10d: {  	v2 =	vmul.f32 v2, v4;
	_ =	sdelay $0x1  }
0x10e: {  	[tilespmem:s30+$0xFFFFFFE0] =	vst v2;
	v2 =	vld [tilespmem:s30+$0xFFFFFFF0]  }
0x10f: {  	v3 =	vld [tilespmem:s29+$0xFFFFFFF0];
	_ =	sdelay $0x2  }
0x110: {  	s18 =	simm.s32 $0x2  }
0x111: {  	v5 =	vmov s18  }
0x112: {  	v2 =	vmul.f32 v3, v2;
	v3 =	vand.u32 $0xFFFFFFFE, v5  }
0x113: {  	v3 =	vbroadcast v3, $0x0  }
0x114: {  	v2 =	vmul.f32 v2, v4;
	_ =	sdelay $0x1  }
0x115: {  	[tilespmem:s30+$0xFFFFFFF0] =	vst v2;
	v2 =	vld [tilespmem:s30+$0x0]  }
0x116: {  	v4 =	vld [tilespmem:s29+$0x0];
	_ =	sdelay $0x1  }
0x117: {  	v3 =	vld.idx.msk [tilespmem:v3+s21+$0x0], $0xffff;
	_ =	sdelay $0x2  }
0x118: {  	v2 =	vmul.f32 v4, v2;
	_ =	sdelay $0x1  }
0x119: {  	v2 =	vmul.f32 v2, v3;
	_ =	sdelay $0x1  }
0x11a: {  	[tilespmem:s30+$0x0] =	vst v2;
	v2 =	vld [tilespmem:s30+$0x10]  }
0x11b: {  	v4 =	vld [tilespmem:s29+$0x10];
	_ =	sdelay $0x4  }
0x11c: {  	v2 =	vmul.f32 v4, v2;
	_ =	sdelay $0x1  }
0x11d: {  	v2 =	vmul.f32 v2, v3;
	_ =	sdelay $0x1  }
0x11e: {  	[tilespmem:s30+$0x10] =	vst v2;
	v2 =	vld [tilespmem:s30+$0x20]  }
0x11f: {  	v4 =	vld [tilespmem:s29+$0x20];
	_ =	sdelay $0x4  }
0x120: {  	v2 =	vmul.f32 v4, v2;
	_ =	sdelay $0x1  }
0x121: {  	v2 =	vmul.f32 v2, v3;
	_ =	sdelay $0x1  }
0x122: {  	[tilespmem:s30+$0x20] =	vst v2;
	v2 =	vld [tilespmem:s30+$0x30]  }
0x123: {  	v4 =	vld [tilespmem:s29+$0x30];
	_ =	sdelay $0x4  }
0x124: {  	v2 =	vmul.f32 v4, v2;
	_ =	sdelay $0x1  }
0x125: {  	v2 =	vmul.f32 v2, v3;
	_ =	sdelay $0x1  }
0x126: {  	[tilespmem:s30+$0x30] =	vst v2;
	v2 =	vld [tilespmem:s30+$0x40]  }
0x127: {  	v4 =	vld [tilespmem:s29+$0x40];
	_ =	sdelay $0x4  }
0x128: {  	v2 =	vmul.f32 v4, v2;
	_ =	sdelay $0x1  }
0x129: {  	v2 =	vmul.f32 v2, v3;
	_ =	sdelay $0x1  }
0x12a: {  	[tilespmem:s30+$0x40] =	vst v2;
	v2 =	vld [tilespmem:s30+$0x50]  }
0x12b: {  	v4 =	vld [tilespmem:s29+$0x50];
	_ =	sdelay $0x4  }
0x12c: {  	v2 =	vmul.f32 v4, v2;
	_ =	sdelay $0x1  }
0x12d: {  	v2 =	vmul.f32 v2, v3;
	_ =	sdelay $0x1  }
0x12e: {  	[tilespmem:s30+$0x50] =	vst v2;
	v2 =	vld [tilespmem:s30+$0x60]  }
0x12f: {  	v4 =	vld [tilespmem:s29+$0x60];
	_ =	sdelay $0x4  }
0x130: {  	v2 =	vmul.f32 v4, v2;
	_ =	sdelay $0x1  }
0x131: {  	v2 =	vmul.f32 v2, v3;
	_ =	sdelay $0x1  }
0x132: {  	[tilespmem:s30+$0x60] =	vst v2;
	v2 =	vld [tilespmem:s30+$0x70]  }
0x133: {  	v4 =	vld [tilespmem:s29+$0x70];
	_ =	sdelay $0x4  }
0x134: {  	v2 =	vmul.f32 v4, v2  }
0x135: {  	s19 =	simm.s32 $0x3  }
0x136: {  	v2 =	vmul.f32 v2, v3;
	v3 =	vmov s19;
	_ =	sdelay $0x1  }
0x137: {  	[tilespmem:s30+$0x70] =	vst v2;
	v2 =	vld [tilespmem:s30+$0x80]  }
0x138: {  	v4 =	vld [tilespmem:s29+$0x80];
	_ =	sdelay $0x1  }
0x139: {  	v3 =	vld.idx.msk [tilespmem:v3+s21+$0x0], $0xffff;
	_ =	sdelay $0x2  }
0x13a: {  	v2 =	vmul.f32 v4, v2;
	_ =	sdelay $0x1  }
0x13b: {  	v2 =	vmul.f32 v2, v3;
	_ =	sdelay $0x1  }
0x13c: {  	[tilespmem:s30+$0x80] =	vst v2;
	v2 =	vld [tilespmem:s30+$0x90]  }
0x13d: {  	v4 =	vld [tilespmem:s29+$0x90];
	_ =	sdelay $0x4  }
0x13e: {  	v2 =	vmul.f32 v4, v2;
	_ =	sdelay $0x1  }
0x13f: {  	v2 =	vmul.f32 v2, v3;
	_ =	sdelay $0x1  }
0x140: {  	[tilespmem:s30+$0x90] =	vst v2;
	v2 =	vld [tilespmem:s30+$0xA0]  }
0x141: {  	v4 =	vld [tilespmem:s29+$0xA0];
	_ =	sdelay $0x4  }
0x142: {  	v2 =	vmul.f32 v4, v2;
	_ =	sdelay $0x1  }
0x143: {  	v2 =	vmul.f32 v2, v3;
	_ =	sdelay $0x1  }
0x144: {  	[tilespmem:s30+$0xA0] =	vst v2;
	v2 =	vld [tilespmem:s30+$0xB0]  }
0x145: {  	v4 =	vld [tilespmem:s29+$0xB0];
	_ =	sdelay $0x4  }
0x146: {  	v2 =	vmul.f32 v4, v2;
	_ =	sdelay $0x1  }
0x147: {  	v2 =	vmul.f32 v2, v3;
	_ =	sdelay $0x1  }
0x148: {  	[tilespmem:s30+$0xB0] =	vst v2;
	v2 =	vld [tilespmem:s30+$0xC0]  }
0x149: {  	v4 =	vld [tilespmem:s29+$0xC0];
	_ =	sdelay $0x4  }
0x14a: {  	v2 =	vmul.f32 v4, v2;
	_ =	sdelay $0x1  }
0x14b: {  	v2 =	vmul.f32 v2, v3;
	_ =	sdelay $0x1  }
0x14c: {  	[tilespmem:s30+$0xC0] =	vst v2;
	v2 =	vld [tilespmem:s30+$0xD0]  }
0x14d: {  	v4 =	vld [tilespmem:s29+$0xD0];
	_ =	sdelay $0x4  }
0x14e: {  	v2 =	vmul.f32 v4, v2;
	_ =	sdelay $0x1  }
0x14f: {  	v2 =	vmul.f32 v2, v3;
	_ =	sdelay $0x1  }
0x150: {  	[tilespmem:s30+$0xD0] =	vst v2;
	v2 =	vld [tilespmem:s30+$0xE0]  }
0x151: {  	v4 =	vld [tilespmem:s29+$0xE0];
	_ =	sdelay $0x4  }
0x152: {  	v2 =	vmul.f32 v4, v2;
	_ =	sdelay $0x1  }
0x153: {  	v2 =	vmul.f32 v2, v3;
	_ =	sdelay $0x1  }
0x154: {  	[tilespmem:s30+$0xE0] =	vst v2;
	v2 =	vld [tilespmem:s30+$0xF0]  }
0x155: {  	v4 =	vld [tilespmem:s29+$0xF0];
	_ =	sdelay $0x2  }
0x156: {  	s9 =	simm.s32 $0x4  }
0x157: {  	v5 =	vmov s9  }
0x158: {  	v4 =	vmul.f32 v4, v2;
	v2 =	vand.u32 $0xFFFFFFFC, v5  }
0x159: {  	v2 =	vbroadcast v2, $0x0;
	_ =	sdelay $0x1  }
0x15a: {  	s31 =	simm.s32 $0x4580;
	s19 =	simm.s32 $0x8;
	v3 =	vmul.f32 v4, v3  }
.LBB2_5:
0x15b: {  	p0 =	sne.s32 s19, $0x7C;
	s29 =	sadd.s32 $0x200, s29  }
0x15c: {  	v4 =	vld [tilespmem:s31+$0xFFFFFF00];
	[tilespmem:s30+$0xF0] =	vst v3;
	s18 =	smov.u32 s19;
	s19 =	sadd.s32 $0x4, s19;
	s30 =	smov.u32 s31  }
0x15d: {  	v3 =	vld [tilespmem:s29+$0xFFFFFF00]  }
0x15e: {  	v2 =	vld.idx.msk [tilespmem:v2+s21+$0x0], $0xffff;
	_ =	sdelay $0x3  }
0x15f: {  	v3 =	vmul.f32 v3, v4;
	_ =	sdelay $0x1  }
0x160: {  	v3 =	vmul.f32 v3, v2;
	_ =	sdelay $0x1  }
0x161: {  	[tilespmem:s31+$0xFFFFFF00] =	vst v3;
	v3 =	vld [tilespmem:s31+$0xFFFFFF10]  }
0x162: {  	v4 =	vld [tilespmem:s29+$0xFFFFFF10];
	_ =	sdelay $0x4  }
0x163: {  	v3 =	vmul.f32 v4, v3;
	_ =	sdelay $0x1  }
0x164: {  	v3 =	vmul.f32 v3, v2;
	_ =	sdelay $0x1  }
0x165: {  	[tilespmem:s31+$0xFFFFFF10] =	vst v3;
	v3 =	vld [tilespmem:s31+$0xFFFFFF20]  }
0x166: {  	v4 =	vld [tilespmem:s29+$0xFFFFFF20];
	_ =	sdelay $0x4  }
0x167: {  	v3 =	vmul.f32 v4, v3;
	_ =	sdelay $0x1  }
0x168: {  	v3 =	vmul.f32 v3, v2;
	_ =	sdelay $0x1  }
0x169: {  	[tilespmem:s31+$0xFFFFFF20] =	vst v3;
	v3 =	vld [tilespmem:s31+$0xFFFFFF30]  }
0x16a: {  	v4 =	vld [tilespmem:s29+$0xFFFFFF30];
	_ =	sdelay $0x4  }
0x16b: {  	v3 =	vmul.f32 v4, v3;
	_ =	sdelay $0x1  }
0x16c: {  	v3 =	vmul.f32 v3, v2;
	_ =	sdelay $0x1  }
0x16d: {  	[tilespmem:s31+$0xFFFFFF30] =	vst v3;
	v3 =	vld [tilespmem:s31+$0xFFFFFF40]  }
0x16e: {  	v4 =	vld [tilespmem:s29+$0xFFFFFF40];
	_ =	sdelay $0x4  }
0x16f: {  	v3 =	vmul.f32 v4, v3;
	_ =	sdelay $0x1  }
0x170: {  	v3 =	vmul.f32 v3, v2;
	_ =	sdelay $0x1  }
0x171: {  	[tilespmem:s31+$0xFFFFFF40] =	vst v3;
	v3 =	vld [tilespmem:s31+$0xFFFFFF50]  }
0x172: {  	v4 =	vld [tilespmem:s29+$0xFFFFFF50];
	_ =	sdelay $0x4  }
0x173: {  	v3 =	vmul.f32 v4, v3;
	_ =	sdelay $0x1  }
0x174: {  	v3 =	vmul.f32 v3, v2;
	_ =	sdelay $0x1  }
0x175: {  	[tilespmem:s31+$0xFFFFFF50] =	vst v3;
	v3 =	vld [tilespmem:s31+$0xFFFFFF60]  }
0x176: {  	v4 =	vld [tilespmem:s29+$0xFFFFFF60];
	_ =	sdelay $0x4  }
0x177: {  	v3 =	vmul.f32 v4, v3;
	_ =	sdelay $0x1  }
0x178: {  	v3 =	vmul.f32 v3, v2;
	_ =	sdelay $0x1  }
0x179: {  	[tilespmem:s31+$0xFFFFFF60] =	vst v3;
	v3 =	vld [tilespmem:s31+$0xFFFFFF70]  }
0x17a: {  	v4 =	vld [tilespmem:s29+$0xFFFFFF70];
	_ =	sdelay $0x1  }
0x17b: {  	s5 =	sadd.s32 $0x1, s9  }
0x17c: {  	v5 =	vmov s5  }
0x17d: {  	v5 =	vand.u32 $0xFFFFFFFD, v5  }
0x17e: {  	v3 =	vmul.f32 v4, v3;
	v4 =	vbroadcast v5, $0x0;
	_ =	sdelay $0x1  }
0x17f: {  	v2 =	vmul.f32 v3, v2;
	_ =	sdelay $0x1  }
0x180: {  	[tilespmem:s31+$0xFFFFFF70] =	vst v2;
	v2 =	vld [tilespmem:s31+$0xFFFFFF80]  }
0x181: {  	v3 =	vld [tilespmem:s29+$0xFFFFFF80]  }
0x182: {  	v4 =	vld.idx.msk [tilespmem:v4+s21+$0x0], $0xffff;
	_ =	sdelay $0x3  }
0x183: {  	v2 =	vmul.f32 v3, v2;
	_ =	sdelay $0x1  }
0x184: {  	v2 =	vmul.f32 v2, v4;
	_ =	sdelay $0x1  }
0x185: {  	[tilespmem:s31+$0xFFFFFF80] =	vst v2;
	v2 =	vld [tilespmem:s31+$0xFFFFFF90]  }
0x186: {  	v3 =	vld [tilespmem:s29+$0xFFFFFF90];
	_ =	sdelay $0x4  }
0x187: {  	v2 =	vmul.f32 v3, v2;
	_ =	sdelay $0x1  }
0x188: {  	v2 =	vmul.f32 v2, v4;
	_ =	sdelay $0x1  }
0x189: {  	[tilespmem:s31+$0xFFFFFF90] =	vst v2;
	v2 =	vld [tilespmem:s31+$0xFFFFFFA0]  }
0x18a: {  	v3 =	vld [tilespmem:s29+$0xFFFFFFA0];
	_ =	sdelay $0x4  }
0x18b: {  	v2 =	vmul.f32 v3, v2;
	_ =	sdelay $0x1  }
0x18c: {  	v2 =	vmul.f32 v2, v4;
	_ =	sdelay $0x1  }
0x18d: {  	[tilespmem:s31+$0xFFFFFFA0] =	vst v2;
	v2 =	vld [tilespmem:s31+$0xFFFFFFB0]  }
0x18e: {  	v3 =	vld [tilespmem:s29+$0xFFFFFFB0];
	_ =	sdelay $0x4  }
0x18f: {  	v2 =	vmul.f32 v3, v2;
	_ =	sdelay $0x1  }
0x190: {  	v2 =	vmul.f32 v2, v4;
	_ =	sdelay $0x1  }
0x191: {  	[tilespmem:s31+$0xFFFFFFB0] =	vst v2;
	v2 =	vld [tilespmem:s31+$0xFFFFFFC0]  }
0x192: {  	v3 =	vld [tilespmem:s29+$0xFFFFFFC0];
	_ =	sdelay $0x4  }
0x193: {  	v2 =	vmul.f32 v3, v2;
	_ =	sdelay $0x1  }
0x194: {  	v2 =	vmul.f32 v2, v4;
	_ =	sdelay $0x1  }
0x195: {  	[tilespmem:s31+$0xFFFFFFC0] =	vst v2;
	v2 =	vld [tilespmem:s31+$0xFFFFFFD0]  }
0x196: {  	v3 =	vld [tilespmem:s29+$0xFFFFFFD0];
	_ =	sdelay $0x4  }
0x197: {  	v2 =	vmul.f32 v3, v2;
	_ =	sdelay $0x1  }
0x198: {  	v2 =	vmul.f32 v2, v4;
	_ =	sdelay $0x1  }
0x199: {  	[tilespmem:s31+$0xFFFFFFD0] =	vst v2;
	v2 =	vld [tilespmem:s31+$0xFFFFFFE0]  }
0x19a: {  	v3 =	vld [tilespmem:s29+$0xFFFFFFE0];
	_ =	sdelay $0x4  }
0x19b: {  	v2 =	vmul.f32 v3, v2;
	_ =	sdelay $0x1  }
0x19c: {  	v2 =	vmul.f32 v2, v4;
	_ =	sdelay $0x1  }
0x19d: {  	[tilespmem:s31+$0xFFFFFFE0] =	vst v2;
	v2 =	vld [tilespmem:s31+$0xFFFFFFF0]  }
0x19e: {  	v3 =	vld [tilespmem:s29+$0xFFFFFFF0];
	_ =	sdelay $0x1  }
0x19f: {  	s5 =	sadd.s32 $0x2, s9  }
0x1a0: {  	v5 =	vmov s5  }
0x1a1: {  	v5 =	vand.u32 $0xFFFFFFFE, v5  }
0x1a2: {  	v2 =	vmul.f32 v3, v2;
	v3 =	vbroadcast v5, $0x0;
	_ =	sdelay $0x1  }
0x1a3: {  	v2 =	vmul.f32 v2, v4;
	_ =	sdelay $0x1  }
0x1a4: {  	[tilespmem:s31+$0xFFFFFFF0] =	vst v2;
	v2 =	vld [tilespmem:s31+$0x0]  }
0x1a5: {  	v4 =	vld [tilespmem:s29+$0x0]  }
0x1a6: {  	v3 =	vld.idx.msk [tilespmem:v3+s21+$0x0], $0xffff;
	_ =	sdelay $0x3  }
0x1a7: {  	v2 =	vmul.f32 v4, v2;
	_ =	sdelay $0x1  }
0x1a8: {  	v2 =	vmul.f32 v2, v3;
	_ =	sdelay $0x1  }
0x1a9: {  	[tilespmem:s31+$0x0] =	vst v2;
	v2 =	vld [tilespmem:s31+$0x10]  }
0x1aa: {  	v4 =	vld [tilespmem:s29+$0x10];
	_ =	sdelay $0x4  }
0x1ab: {  	v2 =	vmul.f32 v4, v2;
	_ =	sdelay $0x1  }
0x1ac: {  	v2 =	vmul.f32 v2, v3;
	_ =	sdelay $0x1  }
0x1ad: {  	[tilespmem:s31+$0x10] =	vst v2;
	v2 =	vld [tilespmem:s31+$0x20]  }
0x1ae: {  	v4 =	vld [tilespmem:s29+$0x20];
	_ =	sdelay $0x4  }
0x1af: {  	v2 =	vmul.f32 v4, v2;
	_ =	sdelay $0x1  }
0x1b0: {  	v2 =	vmul.f32 v2, v3;
	_ =	sdelay $0x1  }
0x1b1: {  	[tilespmem:s31+$0x20] =	vst v2;
	v2 =	vld [tilespmem:s31+$0x30]  }
0x1b2: {  	v4 =	vld [tilespmem:s29+$0x30];
	_ =	sdelay $0x4  }
0x1b3: {  	v2 =	vmul.f32 v4, v2;
	_ =	sdelay $0x1  }
0x1b4: {  	v2 =	vmul.f32 v2, v3;
	_ =	sdelay $0x1  }
0x1b5: {  	[tilespmem:s31+$0x30] =	vst v2;
	v2 =	vld [tilespmem:s31+$0x40]  }
0x1b6: {  	v4 =	vld [tilespmem:s29+$0x40];
	_ =	sdelay $0x4  }
0x1b7: {  	v2 =	vmul.f32 v4, v2;
	_ =	sdelay $0x1  }
0x1b8: {  	v2 =	vmul.f32 v2, v3;
	_ =	sdelay $0x1  }
0x1b9: {  	[tilespmem:s31+$0x40] =	vst v2;
	v2 =	vld [tilespmem:s31+$0x50]  }
0x1ba: {  	v4 =	vld [tilespmem:s29+$0x50];
	_ =	sdelay $0x4  }
0x1bb: {  	v2 =	vmul.f32 v4, v2;
	_ =	sdelay $0x1  }
0x1bc: {  	v2 =	vmul.f32 v2, v3;
	_ =	sdelay $0x1  }
0x1bd: {  	[tilespmem:s31+$0x50] =	vst v2;
	v2 =	vld [tilespmem:s31+$0x60]  }
0x1be: {  	v4 =	vld [tilespmem:s29+$0x60];
	_ =	sdelay $0x4  }
0x1bf: {  	v2 =	vmul.f32 v4, v2;
	_ =	sdelay $0x1  }
0x1c0: {  	v2 =	vmul.f32 v2, v3;
	_ =	sdelay $0x1  }
0x1c1: {  	[tilespmem:s31+$0x60] =	vst v2;
	v2 =	vld [tilespmem:s31+$0x70]  }
0x1c2: {  	v4 =	vld [tilespmem:s29+$0x70];
	_ =	sdelay $0x4  }
0x1c3: {  	s5 =	sadd.s32 $0x3, s9;
	s9 =	smov.u32 s18;
	v2 =	vmul.f32 v4, v2  }
0x1c4: {  	v4 =	vmov s5  }
0x1c5: {  	v2 =	vmul.f32 v2, v3;
	_ =	sdelay $0x1  }
0x1c6: {  	[tilespmem:s31+$0x70] =	vst v2;
	v2 =	vld [tilespmem:s31+$0x80]  }
0x1c7: {  	v3 =	vld [tilespmem:s29+$0x80]  }
0x1c8: {  	v4 =	vld.idx.msk [tilespmem:v4+s21+$0x0], $0xffff;
	_ =	sdelay $0x3  }
0x1c9: {  	v2 =	vmul.f32 v3, v2;
	_ =	sdelay $0x1  }
0x1ca: {  	v2 =	vmul.f32 v2, v4;
	_ =	sdelay $0x1  }
0x1cb: {  	[tilespmem:s31+$0x80] =	vst v2;
	v2 =	vld [tilespmem:s31+$0x90]  }
0x1cc: {  	v3 =	vld [tilespmem:s29+$0x90];
	_ =	sdelay $0x4  }
0x1cd: {  	v2 =	vmul.f32 v3, v2;
	_ =	sdelay $0x1  }
0x1ce: {  	v2 =	vmul.f32 v2, v4;
	_ =	sdelay $0x1  }
0x1cf: {  	[tilespmem:s31+$0x90] =	vst v2;
	v2 =	vld [tilespmem:s31+$0xA0]  }
0x1d0: {  	v3 =	vld [tilespmem:s29+$0xA0];
	_ =	sdelay $0x4  }
0x1d1: {  	v2 =	vmul.f32 v3, v2;
	_ =	sdelay $0x1  }
0x1d2: {  	v2 =	vmul.f32 v2, v4;
	_ =	sdelay $0x1  }
0x1d3: {  	[tilespmem:s31+$0xA0] =	vst v2;
	v2 =	vld [tilespmem:s31+$0xB0]  }
0x1d4: {  	v3 =	vld [tilespmem:s29+$0xB0];
	_ =	sdelay $0x4  }
0x1d5: {  	v2 =	vmul.f32 v3, v2;
	_ =	sdelay $0x1  }
0x1d6: {  	v2 =	vmul.f32 v2, v4;
	_ =	sdelay $0x1  }
0x1d7: {  	[tilespmem:s31+$0xB0] =	vst v2;
	v2 =	vld [tilespmem:s31+$0xC0]  }
0x1d8: {  	v3 =	vld [tilespmem:s29+$0xC0];
	_ =	sdelay $0x4  }
0x1d9: {  	v2 =	vmul.f32 v3, v2;
	_ =	sdelay $0x1  }
0x1da: {  	v2 =	vmul.f32 v2, v4;
	_ =	sdelay $0x1  }
0x1db: {  	[tilespmem:s31+$0xC0] =	vst v2;
	v2 =	vld [tilespmem:s31+$0xD0]  }
0x1dc: {  	v3 =	vld [tilespmem:s29+$0xD0];
	_ =	sdelay $0x4  }
0x1dd: {  	v2 =	vmul.f32 v3, v2;
	_ =	sdelay $0x1  }
0x1de: {  	v2 =	vmul.f32 v2, v4;
	_ =	sdelay $0x1  }
0x1df: {  	[tilespmem:s31+$0xD0] =	vst v2;
	v2 =	vld [tilespmem:s31+$0xE0]  }
0x1e0: {  	v3 =	vld [tilespmem:s29+$0xE0];
	_ =	sdelay $0x4  }
0x1e1: {  	v2 =	vmul.f32 v3, v2;
	_ =	sdelay $0x1  }
0x1e2: {  	v2 =	vmul.f32 v2, v4;
	_ =	sdelay $0x1  }
0x1e3: {  	[tilespmem:s31+$0xE0] =	vst v2;
	v3 =	vld [tilespmem:s31+$0xF0]  }
0x1e4: {  	v5 =	vld [tilespmem:s29+$0xF0];
	_ =	sdelay $0x2  }
0x1e5: {  	v2 =	vmov s9  }
.Ltmp1:
0x1e6: {  	v2 =	vand.u32 $0xFFFFFFFC, v2;
	(pc) =	sbr.rel @p0 .LBB2_5-.Ltmp1, $3  }
0x1e7: {  	v2 =	vbroadcast v2, $0x0;
	v3 =	vmul.f32 v5, v3;
	_ =	sdelay $0x1  }
0x1e8: {  	v3 =	vmul.f32 v3, v4  }
0x1e9: {  	s31 =	sadd.s32 $0x200, s31  }
0x1ea: {  	_ = 	snop  }
0x1eb: {  	v4 =	vld [tilespmem:s31+$0xFFFFFF00];
	[tilespmem:s30+$0xF0] =	vst v3;
	s18 =	sadd.s32 $0x200, s29  }
0x1ec: {  	v3 =	vld [tilespmem:s18+$0xFFFFFF00];
	_ =	sdelay $0x1  }
0x1ed: {  	v2 =	vld.idx.msk [tilespmem:v2+s21+$0x0], $0xffff;
	_ =	sdelay $0x2  }
0x1ee: {  	v3 =	vmul.f32 v3, v4;
	_ =	sdelay $0x1  }
0x1ef: {  	v3 =	vmul.f32 v3, v2;
	_ =	sdelay $0x1  }
0x1f0: {  	[tilespmem:s31+$0xFFFFFF00] =	vst v3;
	v3 =	vld [tilespmem:s31+$0xFFFFFF10]  }
0x1f1: {  	v39 =	vld [tilespmem:s18+$0xFFFFFF10];
	_ =	sdelay $0x4  }
0x1f2: {  	v3 =	vmul.f32 v39, v3;
	_ =	sdelay $0x1  }
0x1f3: {  	v3 =	vmul.f32 v3, v2;
	_ =	sdelay $0x1  }
0x1f4: {  	[tilespmem:s31+$0xFFFFFF10] =	vst v3;
	v3 =	vld [tilespmem:s31+$0xFFFFFF20]  }
0x1f5: {  	v40 =	vld [tilespmem:s18+$0xFFFFFF20];
	_ =	sdelay $0x4  }
0x1f6: {  	v3 =	vmul.f32 v40, v3;
	_ =	sdelay $0x1  }
0x1f7: {  	v3 =	vmul.f32 v3, v2;
	_ =	sdelay $0x1  }
0x1f8: {  	[tilespmem:s31+$0xFFFFFF20] =	vst v3;
	v3 =	vld [tilespmem:s31+$0xFFFFFF30]  }
0x1f9: {  	v41 =	vld [tilespmem:s18+$0xFFFFFF30];
	_ =	sdelay $0x4  }
0x1fa: {  	v3 =	vmul.f32 v41, v3;
	_ =	sdelay $0x1  }
0x1fb: {  	v3 =	vmul.f32 v3, v2;
	_ =	sdelay $0x1  }
0x1fc: {  	[tilespmem:s31+$0xFFFFFF30] =	vst v3;
	v3 =	vld [tilespmem:s31+$0xFFFFFF40]  }
0x1fd: {  	v42 =	vld [tilespmem:s18+$0xFFFFFF40];
	_ =	sdelay $0x4  }
0x1fe: {  	v3 =	vmul.f32 v42, v3;
	_ =	sdelay $0x1  }
0x1ff: {  	v3 =	vmul.f32 v3, v2;
	_ =	sdelay $0x1  }
0x200: {  	[tilespmem:s31+$0xFFFFFF40] =	vst v3;
	v3 =	vld [tilespmem:s31+$0xFFFFFF50]  }
0x201: {  	v43 =	vld [tilespmem:s18+$0xFFFFFF50];
	_ =	sdelay $0x4  }
0x202: {  	v3 =	vmul.f32 v43, v3;
	_ =	sdelay $0x1  }
0x203: {  	v3 =	vmul.f32 v3, v2;
	_ =	sdelay $0x1  }
0x204: {  	[tilespmem:s31+$0xFFFFFF50] =	vst v3;
	v3 =	vld [tilespmem:s31+$0xFFFFFF60]  }
0x205: {  	v44 =	vld [tilespmem:s18+$0xFFFFFF60];
	_ =	sdelay $0x4  }
0x206: {  	v3 =	vmul.f32 v44, v3;
	_ =	sdelay $0x1  }
0x207: {  	v3 =	vmul.f32 v3, v2;
	_ =	sdelay $0x1  }
0x208: {  	[tilespmem:s31+$0xFFFFFF60] =	vst v3;
	v3 =	vld [tilespmem:s31+$0xFFFFFF70]  }
0x209: {  	v45 =	vld [tilespmem:s18+$0xFFFFFF70];
	_ =	sdelay $0x2  }
0x20a: {  	s5 =	sadd.s32 $0x1, s9  }
0x20b: {  	v5 =	vmov s5  }
0x20c: {  	v46 =	vand.u32 $0xFFFFFFFD, v5;
	v3 =	vmul.f32 v45, v3  }
0x20d: {  	v4 =	vbroadcast v46, $0x0  }
0x20e: {  	v2 =	vmul.f32 v3, v2;
	_ =	sdelay $0x1  }
0x20f: {  	[tilespmem:s31+$0xFFFFFF70] =	vst v2;
	v2 =	vld [tilespmem:s31+$0xFFFFFF80]  }
0x210: {  	v3 =	vld [tilespmem:s18+$0xFFFFFF80];
	_ =	sdelay $0x1  }
0x211: {  	v4 =	vld.idx.msk [tilespmem:v4+s21+$0x0], $0xffff;
	_ =	sdelay $0x2  }
0x212: {  	v2 =	vmul.f32 v3, v2;
	_ =	sdelay $0x1  }
0x213: {  	v2 =	vmul.f32 v2, v4;
	_ =	sdelay $0x1  }
0x214: {  	[tilespmem:s31+$0xFFFFFF80] =	vst v2;
	v2 =	vld [tilespmem:s31+$0xFFFFFF90]  }
0x215: {  	v3 =	vld [tilespmem:s18+$0xFFFFFF90];
	_ =	sdelay $0x4  }
0x216: {  	v2 =	vmul.f32 v3, v2;
	_ =	sdelay $0x1  }
0x217: {  	v2 =	vmul.f32 v2, v4;
	_ =	sdelay $0x1  }
0x218: {  	[tilespmem:s31+$0xFFFFFF90] =	vst v2;
	v2 =	vld [tilespmem:s31+$0xFFFFFFA0]  }
0x219: {  	v3 =	vld [tilespmem:s18+$0xFFFFFFA0];
	_ =	sdelay $0x4  }
0x21a: {  	v2 =	vmul.f32 v3, v2;
	_ =	sdelay $0x1  }
0x21b: {  	v2 =	vmul.f32 v2, v4;
	_ =	sdelay $0x1  }
0x21c: {  	[tilespmem:s31+$0xFFFFFFA0] =	vst v2;
	v2 =	vld [tilespmem:s31+$0xFFFFFFB0]  }
0x21d: {  	v3 =	vld [tilespmem:s18+$0xFFFFFFB0];
	_ =	sdelay $0x4  }
0x21e: {  	v2 =	vmul.f32 v3, v2;
	_ =	sdelay $0x1  }
0x21f: {  	v2 =	vmul.f32 v2, v4;
	_ =	sdelay $0x1  }
0x220: {  	[tilespmem:s31+$0xFFFFFFB0] =	vst v2;
	v2 =	vld [tilespmem:s31+$0xFFFFFFC0]  }
0x221: {  	v3 =	vld [tilespmem:s18+$0xFFFFFFC0];
	_ =	sdelay $0x4  }
0x222: {  	v2 =	vmul.f32 v3, v2;
	_ =	sdelay $0x1  }
0x223: {  	v2 =	vmul.f32 v2, v4;
	_ =	sdelay $0x1  }
0x224: {  	[tilespmem:s31+$0xFFFFFFC0] =	vst v2;
	v2 =	vld [tilespmem:s31+$0xFFFFFFD0]  }
0x225: {  	v3 =	vld [tilespmem:s18+$0xFFFFFFD0];
	_ =	sdelay $0x4  }
0x226: {  	v2 =	vmul.f32 v3, v2;
	_ =	sdelay $0x1  }
0x227: {  	v2 =	vmul.f32 v2, v4;
	_ =	sdelay $0x1  }
0x228: {  	[tilespmem:s31+$0xFFFFFFD0] =	vst v2;
	v2 =	vld [tilespmem:s31+$0xFFFFFFE0]  }
0x229: {  	v3 =	vld [tilespmem:s18+$0xFFFFFFE0];
	_ =	sdelay $0x4  }
0x22a: {  	v2 =	vmul.f32 v3, v2;
	_ =	sdelay $0x1  }
0x22b: {  	v2 =	vmul.f32 v2, v4;
	_ =	sdelay $0x1  }
0x22c: {  	[tilespmem:s31+$0xFFFFFFE0] =	vst v2;
	v2 =	vld [tilespmem:s31+$0xFFFFFFF0]  }
0x22d: {  	v3 =	vld [tilespmem:s18+$0xFFFFFFF0];
	_ =	sdelay $0x2  }
0x22e: {  	s29 =	sadd.s32 $0x2, s9  }
0x22f: {  	v47 =	vmov s29  }
0x230: {  	v2 =	vmul.f32 v3, v2;
	v3 =	vand.u32 $0xFFFFFFFE, v47  }
0x231: {  	v3 =	vbroadcast v3, $0x0  }
0x232: {  	v2 =	vmul.f32 v2, v4;
	_ =	sdelay $0x1  }
0x233: {  	[tilespmem:s31+$0xFFFFFFF0] =	vst v2;
	v2 =	vld [tilespmem:s31+$0x0]  }
0x234: {  	v48 =	vld [tilespmem:s18+$0x0];
	_ =	sdelay $0x1  }
0x235: {  	v3 =	vld.idx.msk [tilespmem:v3+s21+$0x0], $0xffff;
	_ =	sdelay $0x2  }
0x236: {  	v2 =	vmul.f32 v48, v2;
	_ =	sdelay $0x1  }
0x237: {  	v2 =	vmul.f32 v2, v3;
	_ =	sdelay $0x1  }
0x238: {  	[tilespmem:s31+$0x0] =	vst v2;
	v2 =	vld [tilespmem:s31+$0x10]  }
0x239: {  	v49 =	vld [tilespmem:s18+$0x10];
	_ =	sdelay $0x4  }
0x23a: {  	v2 =	vmul.f32 v49, v2;
	_ =	sdelay $0x1  }
0x23b: {  	v2 =	vmul.f32 v2, v3;
	_ =	sdelay $0x1  }
0x23c: {  	[tilespmem:s31+$0x10] =	vst v2;
	v2 =	vld [tilespmem:s31+$0x20]  }
0x23d: {  	v50 =	vld [tilespmem:s18+$0x20];
	_ =	sdelay $0x4  }
0x23e: {  	v2 =	vmul.f32 v50, v2;
	_ =	sdelay $0x1  }
0x23f: {  	v2 =	vmul.f32 v2, v3;
	_ =	sdelay $0x1  }
0x240: {  	[tilespmem:s31+$0x20] =	vst v2;
	v2 =	vld [tilespmem:s31+$0x30]  }
0x241: {  	v51 =	vld [tilespmem:s18+$0x30];
	_ =	sdelay $0x4  }
0x242: {  	v2 =	vmul.f32 v51, v2;
	_ =	sdelay $0x1  }
0x243: {  	v2 =	vmul.f32 v2, v3;
	_ =	sdelay $0x1  }
0x244: {  	[tilespmem:s31+$0x30] =	vst v2;
	v2 =	vld [tilespmem:s31+$0x40]  }
0x245: {  	v52 =	vld [tilespmem:s18+$0x40];
	_ =	sdelay $0x4  }
0x246: {  	v2 =	vmul.f32 v52, v2;
	_ =	sdelay $0x1  }
0x247: {  	v2 =	vmul.f32 v2, v3;
	_ =	sdelay $0x1  }
0x248: {  	[tilespmem:s31+$0x40] =	vst v2;
	v2 =	vld [tilespmem:s31+$0x50]  }
0x249: {  	v53 =	vld [tilespmem:s18+$0x50];
	_ =	sdelay $0x4  }
0x24a: {  	v2 =	vmul.f32 v53, v2;
	_ =	sdelay $0x1  }
0x24b: {  	v2 =	vmul.f32 v2, v3;
	_ =	sdelay $0x1  }
0x24c: {  	[tilespmem:s31+$0x50] =	vst v2;
	v2 =	vld [tilespmem:s31+$0x60]  }
0x24d: {  	v54 =	vld [tilespmem:s18+$0x60];
	_ =	sdelay $0x4  }
0x24e: {  	v2 =	vmul.f32 v54, v2;
	_ =	sdelay $0x1  }
0x24f: {  	v2 =	vmul.f32 v2, v3;
	_ =	sdelay $0x1  }
0x250: {  	[tilespmem:s31+$0x60] =	vst v2;
	v2 =	vld [tilespmem:s31+$0x70]  }
0x251: {  	v55 =	vld [tilespmem:s18+$0x70];
	_ =	sdelay $0x4  }
0x252: {  	v2 =	vmul.f32 v55, v2  }
0x253: {  	s30 =	sadd.s32 $0x3, s9  }
0x254: {  	v2 =	vmul.f32 v2, v3;
	v3 =	vmov s30;
	_ =	sdelay $0x1  }
0x255: {  	[tilespmem:s31+$0x70] =	vst v2;
	v2 =	vld [tilespmem:s31+$0x80]  }
0x256: {  	v56 =	vld [tilespmem:s18+$0x80];
	_ =	sdelay $0x1  }
0x257: {  	v3 =	vld.idx.msk [tilespmem:v3+s21+$0x0], $0xffff;
	_ =	sdelay $0x2  }
0x258: {  	v2 =	vmul.f32 v56, v2;
	_ =	sdelay $0x1  }
0x259: {  	v2 =	vmul.f32 v2, v3;
	_ =	sdelay $0x1  }
0x25a: {  	[tilespmem:s31+$0x80] =	vst v2;
	v2 =	vld [tilespmem:s31+$0x90]  }
0x25b: {  	v57 =	vld [tilespmem:s18+$0x90];
	_ =	sdelay $0x4  }
0x25c: {  	v2 =	vmul.f32 v57, v2;
	_ =	sdelay $0x1  }
0x25d: {  	v2 =	vmul.f32 v2, v3;
	_ =	sdelay $0x1  }
0x25e: {  	[tilespmem:s31+$0x90] =	vst v2;
	v2 =	vld [tilespmem:s31+$0xA0]  }
0x25f: {  	v58 =	vld [tilespmem:s18+$0xA0];
	_ =	sdelay $0x4  }
0x260: {  	v2 =	vmul.f32 v58, v2;
	_ =	sdelay $0x1  }
0x261: {  	v2 =	vmul.f32 v2, v3;
	_ =	sdelay $0x1  }
0x262: {  	[tilespmem:s31+$0xA0] =	vst v2;
	v2 =	vld [tilespmem:s31+$0xB0]  }
0x263: {  	v59 =	vld [tilespmem:s18+$0xB0];
	_ =	sdelay $0x4  }
0x264: {  	v2 =	vmul.f32 v59, v2;
	_ =	sdelay $0x1  }
0x265: {  	v2 =	vmul.f32 v2, v3;
	_ =	sdelay $0x1  }
0x266: {  	[tilespmem:s31+$0xB0] =	vst v2;
	v2 =	vld [tilespmem:s31+$0xC0]  }
0x267: {  	v60 =	vld [tilespmem:s18+$0xC0];
	_ =	sdelay $0x4  }
0x268: {  	v2 =	vmul.f32 v60, v2;
	_ =	sdelay $0x1  }
0x269: {  	v2 =	vmul.f32 v2, v3;
	_ =	sdelay $0x1  }
0x26a: {  	[tilespmem:s31+$0xC0] =	vst v2;
	v2 =	vld [tilespmem:s31+$0xD0]  }
0x26b: {  	v61 =	vld [tilespmem:s18+$0xD0];
	_ =	sdelay $0x4  }
0x26c: {  	v2 =	vmul.f32 v61, v2;
	_ =	sdelay $0x1  }
0x26d: {  	v2 =	vmul.f32 v2, v3;
	_ =	sdelay $0x1  }
0x26e: {  	[tilespmem:s31+$0xD0] =	vst v2;
	v2 =	vld [tilespmem:s31+$0xE0]  }
0x26f: {  	v62 =	vld [tilespmem:s18+$0xE0];
	_ =	sdelay $0x4  }
0x270: {  	v2 =	vmul.f32 v62, v2;
	_ =	sdelay $0x1  }
0x271: {  	v2 =	vmul.f32 v2, v3;
	_ =	sdelay $0x1  }
0x272: {  	[tilespmem:s31+$0xE0] =	vst v2;
	v2 =	vld [tilespmem:s31+$0xF0]  }
0x273: {  	v63 =	vld [tilespmem:s18+$0xF0];
	_ =	sdelay $0x4  }
0x274: {  	v2 =	vmul.f32 v63, v2;
	_ =	sdelay $0x1  }
0x275: {  	s28 =	sadd.s32 $0x1, s28;
	v2 =	vmul.f32 v2, v3  }
0x276: {  	p0 =	sne.s32 s28, s16  }
.Ltmp2:
0x277: {  	[tilespmem:s31+$0xF0] =	vst v2;
	(pc) =	sbr.rel @p0 .LBB2_4-.Ltmp2, $4  }
0x278: {  	[spmem:s3] =	stream.indirect.scatter.add.f32 [tilespmem:s13], [sflag:$0x6], $0x80, s11, s11, $0xb8;
	[tilespmem:$0x1C900] =	vst v63  }
0x279: {  	_ =	swait.ge [sflag:s6], $0x4000  }
0x27a: {  	[sflag:s6] =	ssyncset.done $0x0  }
0x27b: {  	[sflag:s6] =	ssyncadd.s32 $0xFFFFC000  }
0x27c: {  	[bflag:$0x0] =	sbarrier.arrive $0xFFFF  }
0x27d: {  	s25 =	rddreg [dreg:$0xc]  }
0x27e: {  	[tilespmem:s0], [sflag:$0x6] =	stream.linear.gather [spmem:s25], $0x4000, $0x38;
	[tilespmem:$0x1C900] =	vst v63  }
0x27f: {  	_ =	swait.ge [sflag:s6], $0x4000  }
0x280: {  	[sflag:s6] =	ssyncset.done $0x0  }
0x281: {  	s5 =	simm.s32 $0x0;
	s9 =	rddreg [dreg:$0x7];
	[sflag:s6] =	ssyncadd.s32 $0xFFFFC000  }
0x282: {  	[hbm4b:s9+s5] =	stream.linear.scatter [tilespmem:s0], [sflag:$0x6], $0x4000, $0x38;
	[tilespmem:$0x1C900] =	vst v63  }
0x283: {  	_ =	swait.ge [sflag:s6], $0x4000  }
0x284: {  	[sflag:s6] =	ssyncset.done $0x0  }
0x285: {  	s18 =	rddreg [dreg:$0x10];
	[sflag:s6] =	ssyncadd.s32 $0xFFFFC000  }
0x286: {  	[tilespmem:s0], [sflag:$0x6] =	stream.linear.gather [spmem:s18], $0x4000, $0x38;
	[tilespmem:$0x1C900] =	vst v63  }
0x287: {  	_ =	swait.ge [sflag:s6], $0x4000  }
0x288: {  	[sflag:s6] =	ssyncset.done $0x0  }
0x289: {  	s19 =	rddreg [dreg:$0x8];
	[sflag:s6] =	ssyncadd.s32 $0xFFFFC000  }
0x28a: {  	[hbm4b:s19+s5] =	stream.linear.scatter [tilespmem:s0], [sflag:$0x6], $0x4000, $0x38;
	[tilespmem:$0x1C900] =	vst v63  }
0x28b: {  	_ =	swait.ge [sflag:s6], $0x4000  }
0x28c: {  	[sflag:s6] =	ssyncset.done $0x0  }
0x28d: {  	s29 =	rddreg [dreg:$0x11];
	[sflag:s6] =	ssyncadd.s32 $0xFFFFC000  }
0x28e: {  	[tilespmem:s0], [sflag:$0x6] =	stream.linear.gather [spmem:s29], $0x4000, $0x38;
	[tilespmem:$0x1C900] =	vst v63  }
0x28f: {  	_ =	swait.ge [sflag:s6], $0x4000  }
0x290: {  	[sflag:s6] =	ssyncset.done $0x0  }
0x291: {  	s30 =	rddreg [dreg:$0x9];
	[sflag:s6] =	ssyncadd.s32 $0xFFFFC000  }
0x292: {  	[hbm4b:s30+s5] =	stream.linear.scatter [tilespmem:s0], [sflag:$0x6], $0x4000, $0x38;
	[tilespmem:$0x1C900] =	vst v63  }
0x293: {  	_ =	swait.ge [sflag:s6], $0x4000  }
0x294: {  	[sflag:s6] =	ssyncset.done $0x0  }
0x295: {  	s31 =	rddreg [dreg:$0x12];
	[sflag:s6] =	ssyncadd.s32 $0xFFFFC000  }
0x296: {  	[tilespmem:s0], [sflag:$0x6] =	stream.linear.gather [spmem:s31], $0x4000, $0x38;
	[tilespmem:$0x1C900] =	vst v63  }
0x297: {  	_ =	swait.ge [sflag:s6], $0x4000  }
0x298: {  	[sflag:s6] =	ssyncset.done $0x0  }
0x299: {  	s18 =	rddreg [dreg:$0xa];
	[sflag:s6] =	ssyncadd.s32 $0xFFFFC000  }
0x29a: {  	[hbm4b:s18+s5] =	stream.linear.scatter [tilespmem:s0], [sflag:$0x6], $0x4000, $0x38;
	[tilespmem:$0x1C900] =	vst v63  }
0x29b: {  	_ =	swait.ge [sflag:s6], $0x4000  }
0x29c: {  	[sflag:s6] =	ssyncset.done $0x0  }
0x29d: {  	s19 =	rddreg [dreg:$0x13];
	[sflag:s6] =	ssyncadd.s32 $0xFFFFC000  }
0x29e: {  	[tilespmem:s0], [sflag:$0x6] =	stream.linear.gather [spmem:s19], $0x4000, $0x38;
	[tilespmem:$0x1C900] =	vst v63  }
0x29f: {  	_ =	swait.ge [sflag:s6], $0x4000  }
0x2a0: {  	[sflag:s6] =	ssyncset.done $0x0  }
0x2a1: {  	s29 =	rddreg [dreg:$0xb];
	[sflag:s6] =	ssyncadd.s32 $0xFFFFC000  }
0x2a2: {  	[hbm4b:s29+s5] =	stream.linear.scatter [tilespmem:s0], [sflag:$0x6], $0x4000, $0x38;
	[tilespmem:$0x1C900] =	vst v63  }
0x2a3: {  	_ =	swait.ge [sflag:s6], $0x4000  }
0x2a4: {  	[sflag:s6] =	ssyncset.done $0x0  }
0x2a5: {  	s19 =	simm.s32 $0x8280;
	s28 =	rddreg [dreg:$0xd];
	[sflag:s6] =	ssyncadd.s32 $0xFFFFC000  }
0x2a6: {  	[tilespmem:s19], [sflag:$0x6] =	stream.linear.gather [spmem:s28], $0x280, $0x38;
	[tilespmem:$0x1C900] =	vst v63  }
0x2a7: {  	_ =	swait.ge [sflag:s6], $0x280  }
0x2a8: {  	[sflag:s6] =	ssyncset.done $0x0  }
0x2a9: {  	s30 =	rddreg [dreg:$0xe];
	[sflag:s6] =	ssyncadd.s32 $0xFFFFFD80  }
0x2aa: {  	[hbm4b:s30+s11] =	stream.strided.scatter [tilespmem:s19], [sflag:$0x6], $0x280, s12, s11, $0x38;
	[tilespmem:$0x1C900] =	vst v63  }
0x2ab: {  	_ =	swait.ge [sflag:s6], $0x280  }
0x2ac: {  	s24 =	sadd.s32 $0x1, s24;
	s31 =	rddreg [dreg:$0xf]  }
0x2ad: {  	p0 =	sne.s32 s24, s31  }
.Ltmp3:
0x2ae: {  	_ = 	snop;
	(pc) =	sbr.rel @p0 .LBB2_1-.Ltmp3, $3  }
0x2af: {  	_ =	sdelay $0x1  }
0x2b0: {  	[sflag:s6] =	ssyncset.done $0x0  }
0x2b1: {  	[sflag:s6] =	ssyncadd.s32 $0xFFFFFD80  }
0x2b2: {  	_ =	sfence.sel $0x180000  }
0x2b3: {  	[bflag:$0x0] =	sbarrier.arrive $0xFFFF  }
0x2b4: {  	_ =	strace $0x9000004A  }
0x2b5: {  	s0 =	stileid.u32;
	[bflag:$0x2] =	sbarrier.arrive $0xFFFF  }
0x2b6: {  	p0 =	sne.s32 s0, $0x0;
	s0 =	rddreg [dreg:$0x5]  }
0x2b7: {  	s0 =	sadd.s32 @!p0 $0x100000, s0  }
0x2b8: {  	[sflag:s0] =	ssyncadd.tile.s32 @!p0 $0x1;
	_ =	shalt  }
.Lfunc_end2:
_tile_overlayer_lowered:
.L_overlay_start_2:
0x2b9: {  	(tag) =	ssettag $0x2  }
0x2ba: {  	s0 =	rddreg [dreg:$0x0];
	s2 =	stileid.u32  }
0x2bb: {  	s1 =	rddreg [dreg:$0x1];
	p0 =	sne.s32 s2, $0x0  }
0x2bc: {  	s3 =	rddreg [dreg:$0x2];
	[bflag:$0x3] =	sbarrier.arrive $0xFFFF;
	s2 =	simm.s32 @!p0 $0x1C06  }
0x2bd: {  	[timem:s3], [sflag:s2] =	dma.local @!p0 [hbm:s0], s1  }
0x2be: {  	s0 =	simm.s32 @!p0 $0x6  }
0x2bf: {  	_ =	swait.ge @!p0 [sflag:s0], s1  }
0x2c0: {  	s1 =	ssub.s32 @!p0 $0x0, s1;
	[sflag:s0] =	ssyncset.done @!p0 $0x0  }
0x2c1: {  	[sflag:s0] =	ssyncadd.s32 @!p0 s1  }
0x2c2: {  	[bflag:$0x3] =	sbarrier.arrive $0xFFFF  }
0x2c3: {  	_ =	shalt  }

// kernel: kernel.8.cloned.1.call-start
scs
__scs_entry_jumppad:
0x0: {  	(pc) =	sbr.rel $0x88, $3  }
0x1: {  	(tag) =	ssettag $0x0;
	lr =	simm.s32 $0x1  }
0x2: {  	[smem:$0x3F8E] =	sst lr;
	_ =	strace $0xD0000000  }
0x3: {  	_ = 	snop  }
0x4: {  	_ = 	snop  }
0x5: {  	_ = 	snop  }
0x6: {  	_ = 	snop  }
0x7: {  	_ = 	snop  }
__scs_overlays_trampoline_lowered:
0x8: {  	[smem:$0x3F9D] =	sst s0  }
0x9: {  	[smem:$0x3F9E] =	sst s1  }
0xa: {  	[smem:$0x3F9F] =	sst s2  }
0xb: {  	[smem:$0x3FA0] =	sst s3  }
0xc: {  	[smem:$0x3FA1] =	sst s4  }
0xd: {  	[smem:$0x3FA2] =	sst s5  }
0xe: {  	[smem:$0x3FA3] =	sst s6  }
0xf: {  	[smem:$0x3FA4] =	sst s7  }
0x10: {  	[smem:$0x3FA5] =	sst s8  }
0x11: {  	[smem:$0x3FA6] =	sst s9;
	s0 =	simm.s32 @!p0 $0x0  }
0x12: {  	s1 =	sld [smem:$0x3F8C];
	s0 =	simm.s32 @p0 $0x1  }
0x13: {  	[smem:$0x3FA7] =	sst s0;
	s0 =	simm.s32 @!p1 $0x0  }
0x14: {  	s2 =	sld [smem:$0x3F8B];
	s0 =	simm.s32 @p1 $0x1  }
0x15: {  	[smem:$0x3FA8] =	sst s0;
	s0 =	simm.s32 @!p2 $0x0  }
0x16: {  	s3 =	sld [smem:$0x3FDB];
	s0 =	simm.s32 @p2 $0x1  }
0x17: {  	s4 =	simm.s32 $0x1BF5;
	[smem:$0x3FAA] =	sst s0  }
0x18: {  	s0 =	sld [smem:$0x3F8D];
	_ =	swait.ge [sflag:s4], $0x0  }
0x19: {  	s7 =	sld [smem:$0x3F8E]  }
0x1a: {  	s8 =	sadd.s32 $0xFFFFE003, lr  }
0x1b: {  	s9 =	sadd.s32 $0xFFFFFEF7, lr;
	s5 =	simm.s32 $0xFFFFFFFF;
	p2 =	slt.u32 s8, $0xFFFFF086  }
0x1c: {  	p1 =	slt.u32 s9, $0xF7A;
	s5 =	simm.s32 @!p2 $0x0  }
0x1d: {  	s5 =	simm.s32 @p1 $0x1;
	p0 =	seq.s32 s7, s2  }
0x1e: {  	s7 =	smul.u32 @!p0 $0xF7A, s2;
	p2 =	seq.s32 @!p0 s5, $0x0  }
0x1f: {  	s9 =	smul.u32 $0xF7A, s1;
	s8 =	simm.s32 @!p0 $0x1BF5;
	p2 =	por !p2, p0  }
0x20: {  	[sflag:s8] =	ssyncset.s32 @!p0 $0xFFFFF086;
	s6 =	sadd.s32 @!p0 s3, s7;
	s7 =	simm.s32 @!p0 $0x108  }
0x21: {  	s3 =	sadd.s32 s3, s9;
	s6 =	sadd.s32 @!p0 $0x88, s6;
	s7 =	simm.s32 @p2 $0x1082  }
0x22: {  	[simem:s7], [sflag:s8] =	dma.local @!p0 [hbm:s6], $0xF7A  }
0x23: {  	s9 =	sor.u32 $0xD0000000, s2;
	s6 =	simm.s32 $0x108;
	_ =	swait.ge @!p0 [sflag:s8], $0x0  }
0x24: {  	s3 =	sadd.s32 $0x88, s3;
	s6 =	simm.s32 @!p1 $0x1082;
	[sflag:s4] =	ssyncset.s32 $0xFFFFF086  }
0x25: {  	[simem:s6], [sflag:s4] =	dma.local [hbm:s3], $0xF7A  }
0x26: {  	[smem:$0x3F8E] =	sst s1;
	(tag) =	ssettag s2;
	_ =	strace s9  }
0x27: {  	s1 =	sld [smem:$0x3F9E]  }
0x28: {  	s2 =	sld [smem:$0x3F9F]  }
0x29: {  	s4 =	sld [smem:$0x3FA1]  }
0x2a: {  	p0 =	seq.s32 s5, $0x0;
	s5 =	sld [smem:$0x3FA2]  }
0x2b: {  	s6 =	sld [smem:$0x3FA3]  }
0x2c: {  	s7 =	sld [smem:$0x3FA4]  }
0x2d: {  	s3 =	simm.s32 $0x108;
	s8 =	sld [smem:$0x3FA5]  }
0x2e: {  	s3 =	simm.s32 @!p0 $0x1082;
	s9 =	sld [smem:$0x3FA6]  }
0x2f: {  	lr =	sadd.s32 s0, s3;
	s0 =	sld [smem:$0x3F9D]  }
0x30: {  	s3 =	sld [smem:$0x3FA0]  }
0x31: {  	[smem:$0x3FA9] =	sst s10  }
0x32: {  	s10 =	sld [smem:$0x3FA7];
	_ =	sdelay $0x3  }
0x33: {  	p0 =	seq.s32 s10, $0x1;
	s10 =	sld [smem:$0x3FA9];
	_ =	sdelay $0x3  }
0x34: {  	[smem:$0x3FA9] =	sst s10  }
0x35: {  	s10 =	sld [smem:$0x3FA8];
	_ =	sdelay $0x3  }
0x36: {  	p1 =	seq.s32 s10, $0x1;
	s10 =	sld [smem:$0x3FA9];
	_ =	sdelay $0x3  }
0x37: {  	[smem:$0x3FA9] =	sst s10  }
0x38: {  	s10 =	sld [smem:$0x3FAA]  }
0x39: {  	_ = 	snop;
	(pc) =	sbr.ind lr, $3  }
0x3a: {  	_ = 	snop  }
0x3b: {  	_ = 	snop  }
0x3c: {  	p2 =	seq.s32 s10, $0x1;
	s10 =	sld [smem:$0x3FA9]  }
0x3d: {  	_ =	shalt  }
0x3e: {  	_ =	shalt  }
0x3f: {  	_ =	shalt  }
0x40: {  	_ =	shalt  }
0x41: {  	_ =	shalt  }
0x42: {  	_ =	shalt  }
0x43: {  	_ =	shalt  }
0x44: {  	_ =	shalt  }
0x45: {  	_ =	shalt  }
0x46: {  	_ =	shalt  }
0x47: {  	_ =	shalt  }
0x48: {  	_ =	shalt  }
0x49: {  	_ =	shalt  }
0x4a: {  	_ =	shalt  }
0x4b: {  	_ =	shalt  }
0x4c: {  	_ =	shalt  }
0x4d: {  	_ =	shalt  }
0x4e: {  	_ =	shalt  }
0x4f: {  	_ =	shalt  }
0x50: {  	_ =	shalt  }
0x51: {  	_ =	shalt  }
0x52: {  	_ =	shalt  }
0x53: {  	_ =	shalt  }
0x54: {  	_ =	shalt  }
0x55: {  	_ =	shalt  }
0x56: {  	_ =	shalt  }
0x57: {  	_ =	shalt  }
0x58: {  	_ =	shalt  }
0x59: {  	_ =	shalt  }
0x5a: {  	_ =	shalt  }
0x5b: {  	_ =	shalt  }
0x5c: {  	_ =	shalt  }
0x5d: {  	_ =	shalt  }
0x5e: {  	_ =	shalt  }
0x5f: {  	_ =	shalt  }
0x60: {  	_ =	shalt  }
0x61: {  	_ =	shalt  }
0x62: {  	_ =	shalt  }
0x63: {  	_ =	shalt  }
0x64: {  	_ =	shalt  }
0x65: {  	_ =	shalt  }
0x66: {  	_ =	shalt  }
0x67: {  	_ =	shalt  }
0x68: {  	_ =	shalt  }
0x69: {  	_ =	shalt  }
0x6a: {  	_ =	shalt  }
0x6b: {  	_ =	shalt  }
0x6c: {  	_ =	shalt  }
0x6d: {  	_ =	shalt  }
0x6e: {  	_ =	shalt  }
0x6f: {  	_ =	shalt  }
0x70: {  	_ =	shalt  }
0x71: {  	_ =	shalt  }
0x72: {  	_ =	shalt  }
0x73: {  	_ =	shalt  }
0x74: {  	_ =	shalt  }
0x75: {  	_ =	shalt  }
0x76: {  	_ =	shalt  }
0x77: {  	_ =	shalt  }
0x78: {  	_ =	shalt  }
0x79: {  	_ =	shalt  }
0x7a: {  	_ =	shalt  }
0x7b: {  	_ =	shalt  }
0x7c: {  	_ =	shalt  }
0x7d: {  	_ =	shalt  }
0x7e: {  	_ =	shalt  }
0x7f: {  	_ =	shalt  }
0x80: {  	_ =	shalt  }
0x81: {  	_ =	shalt  }
0x82: {  	_ =	shalt  }
0x83: {  	_ =	shalt  }
0x84: {  	_ =	shalt  }
0x85: {  	_ =	shalt  }
0x86: {  	_ =	shalt  }
0x87: {  	_ =	shalt  }
.Lfunc_end0:
.L_simem_size_0:
called_computation_lowered:
.L_overlay_start_0:
0x88: {  	s2 =	sld [smem:$0x3FD9]  }
0x89: {  	s3 =	sld [smem:$0x3FFE];
	_ =	sdelay $0x1  }
0x8a: {  	s1 =	srdreg.scid  }
0x8b: {  	s0 =	sand.u32 $0x1, s1  }
0x8c: {  	s17 =	sshll.u32 s0, $0xA;
	s2 =	sadd.s32 s3, s2  }
0x8d: {  	s2 =	sadd.s32 s2, s17  }
0x8e: {  	[smem:$0x3FB5] =	sst s2  }
0x8f: {  	_ = 	snop  }
0x90: {  	s2 =	sld [smem:$0x3FC7]  }
0x91: {  	s18 =	sld [smem:$0x3FC6];
	(tm) =	ssettm $0x1  }
0x92: {  	s4 =	sld [smem:$0x3FFB];
	_ =	sdelay $0x3  }
0x93: {  	_ =	strace s4  }
0x94: {  	s4 =	sld [smem:$0x3FFC];
	_ =	sdelay $0x3  }
0x95: {  	_ =	strace s4  }
0x96: {  	s4 =	sld [smem:$0x3FFD];
	_ =	sdelay $0x3  }
0x97: {  	_ =	strace s4  }
0x98: {  	_ =	strace $0x8FFFFFFF  }
0x99: {  	s19 =	sld [smem:$0x3FDB];
	_ =	sdelay $0x1  }
0x9a: {  	s5 =	simm.s32 $_scs_section_size  }
0x9b: {  	s6 =	simm.s32 $_size__tile_overlayer_lowered;
	s7 =	simm.s32 $_tile_overlayer_lowered  }
0x9c: {  	s22 =	simm.s32 $0x1BFF;
	s21 =	sshll.u32 s7, $0x1;
	s4 =	sadd.s32 s5, s19  }
0x9d: {  	s8 =	simm.s32 $0x0;
	s20 =	sshll.u32 s6, $0x1;
	s6 =	sadd.s32 s21, s4  }
0x9e: {  	[timem:s8], [sflag:s22] =	dma.local [hbm:s6], s20  }
0x9f: {  	_ =	swait.ge [sflag:s22], s20  }
0xa0: {  	s5 =	ssub.s32 $0x0, s20;
	[sflag:s22] =	ssyncset.done $0x0  }
0xa1: {  	[sflag:s22] =	ssyncadd.s32 s5;
	_ =	sdelay $0x1  }
0xa2: {  	s23 =	simm.s32 $0x1B8B  }
0xa3: {  	_ =	swait.ge [sflag:s23], $0x1  }
0xa4: {  	[sflag:s23] =	ssyncset.done $0x0  }
0xa5: {  	s25 =	simm.s32 $0x1B8E;
	s24 =	sld [smem:$0x3FFE];
	[sflag:s23] =	ssyncadd.s32 $0xFFFFFFFF  }
0xa6: {  	s26 =	simm.s32 $execute0_lowered;
	[smem:$0x3FD2] =	sst s25  }
0xa7: {  	s6 =	sshll.u32 s26, $0x1;
	_ =	strace $0x80000046;
	[dreg:$0x1] =	wrdreg $0xFFFFFFFF  }
0xa8: {  	s28 =	simm.s32 $_size_execute0_lowered;
	s4 =	sadd.s32 s4, s6;
	[dreg:$0x0] =	wrdreg $0x0  }
0xa9: {  	s6 =	sshll.u32 s28, $0x1;
	[dreg:$0x2] =	wrdreg s4  }
0xaa: {  	[dreg:$0x3] =	wrdreg s6  }
0xab: {  	[dreg:$0x4] =	wrdreg $0xC0  }
0xac: {  	_ =	task [dreg:s8], $0x5FFFF  }
0xad: {  	[dreg:$0x1] =	wrdreg $0xFFFFFFFF  }
0xae: {  	[dreg:$0x0] =	wrdreg $0x60  }
0xaf: {  	[dreg:$0x2] =	wrdreg s24  }
0xb0: {  	[dreg:$0x3] =	wrdreg s2  }
0xb1: {  	[dreg:$0x4] =	wrdreg s18  }
0xb2: {  	[dreg:$0x5] =	wrdreg $0x9  }
0xb3: {  	_ =	task.clear_ibuf [dreg:s8], $0x6FFFF;
	_ =	strace $0x90000046  }
0xb4: {  	s29 =	simm.s32 $0x9;
	_ =	strace $0x80000048  }
0xb5: {  	_ =	swait.ge [sflag:s29], $0x1  }
0xb6: {  	[sflag:s29] =	ssyncadd.s32 $0xFFFFFFFF  }
0xb7: {  	_ =	strace $0x90000048  }
0xb8: {  	_ =	sfence  }
0xb9: {  	s30 =	sld [smem:$0x0];
	_ =	sdelay $0x2  }
0xba: {  	s31 =	sshll.u32 s1, $0xD;
	s1 =	sshrl.u32 s1, $0x2  }
0xbb: {  	s3 =	sand.u32 $0x4000, s31;
	s1 =	sadd.s32 s1, s30  }
0xbc: {  	s0 =	sor.u32 s3, s0;
	s1 =	sshll.u32 s1, $0x11  }
0xbd: {  	s0 =	sor.u32 s1, s0  }
0xbe: {  	s0 =	sadd.s32 $0x8F2B, s0  }
0xbf: {  	[sflag:s0] =	ssyncadd.remote.s32 $0x1  }
0xc0: {  	_ =	sfence.sel $0xFFFF  }
0xc1: {  	[dreg:$0x0] =	wrdreg $0xFFFFFFFF;
	(pc) =	sbr.abs _section_cstart, $3  }
0xc2: {  	[dreg:$0x1] =	wrdreg $0xFFFFFFFF  }
0xc3: {  	_ =	task.clear_ibuf [dreg:s8], $0x2FFFF;
	_ =	strace $0x9FFFFFFF  }
0xc4: {  	(tm) =	ssettm $0x7FFFFFFF  }
0xc5: {  	_ =	shalt  }
tec
execute0_lowered:
.L_overlay_start_1:
0x0: {  	(tag) =	ssettag $0x1  }
0x1: {  	s6 =	rddreg [dreg:$0x0]  }
0x2: {  	s1 =	rddreg [dreg:$0x1]  }
0x3: {  	s2 =	rddreg [dreg:$0x2]  }
0x4: {  	s0 =	rddreg [dreg:$0x3];
	s3 =	simm.s32 $0x0  }
0x5: {  	s5 =	srdreg.scid;
	s9 =	simm.s32 $0x28;
	s14 =	simm.s32 $0x7  }
0x6: {  	s15 =	simm.s32 $0x8200;
	s16 =	simm.s32 $0x6;
	s17 =	simm.s32 $0x8  }
0x7: {  	s18 =	simm.s32 $0xC200;
	s19 =	simm.s32 $0x0;
	[smem:$0x7FF] =	sst s3  }
0x8: {  	s4 =	sadd.s32 $0x4E00, s6;
	s10 =	sand.u32 $0x1, s5;
	s5 =	sadd.s32 $0x2C000, s6  }
.Ltmp0:
0x9: {  	s7 =	sadd.s32 $0x7A400, s6;
	s8 =	sadd.s32 $0x116800, s6;
	(pc) =	sbr.rel .LBB2_1-.Ltmp0, $4  }
0xa: {  	s6 =	stileid.u32;
	_ =	strace $0x80000047;
	s11 =	ssub.s32 $0x2, s10  }
0xb: {  	s13 =	sshll.u32 s6, $0x1;
	p0 =	seq.s32 s6, $0x0;
	s12 =	sshrl.u32 s11, $0x1  }
0xc: {  	s10 =	sor.u32 s10, s13;
	s9 =	simm.s32 @!p0 $0x27;
	s12 =	ssub.s32 s11, s12  }
0xd: {  	s13 =	simm.s32 $0x5;
	s11 =	sshll.u32 s10, $0x4;
	s12 =	smax.u32 s12, $0x1  }
.LBB2_15:
0xe: {  	s19 =	sadd.s32 $0x1, s19  }
0xf: {  	p0 =	sne.s32 s19, s12  }
.Ltmp1:
0x10: {  	_ = 	snop;
	(pc) =	sbr.rel @!p0 .LBB2_16-.Ltmp1, $1  }
0x11: {  	_ =	sdelay $0x3  }
.LBB2_1:
.Ltmp2:
0x12: {  	(pc) =	sbr.rel .LBB2_2-.Ltmp2, $2  }
0x13: {  	_ =	sdelay $0x2  }
0x14: {  	s20 =	simm.s32 $0x0  }
.LBB2_14:
0x15: {  	s21 =	simm.s32 @!p0 $0x9  }
0x16: {  	_ =	swait.ge @!p0 [sflag:s21], $0x1000  }
0x17: {  	[sflag:s21] =	ssyncset.done @!p0 $0x0  }
0x18: {  	[sflag:s21] =	ssyncadd.s32 @!p0 $0xFFFFF000;
	s21 =	simm.s32 @!p0 $0x7  }
0x19: {  	_ =	swait.ge @!p0 [sflag:s21], $0x4000  }
0x1a: {  	[sflag:s21] =	ssyncset.done @!p0 $0x0  }
0x1b: {  	s20 =	sadd.s32 $0x1, s20;
	[sflag:s21] =	ssyncadd.s32 @!p0 $0xFFFFC000;
	s21 =	simm.s32 @!p1 $0xA  }
0x1c: {  	p0 =	sne.s32 s20, $0x14;
	_ =	swait.ge @!p1 [sflag:s21], $0x1000  }
.Ltmp3:
0x1d: {  	[sflag:s21] =	ssyncset.done @!p1 $0x0;
	(pc) =	sbr.rel @!p0 .LBB2_15-.Ltmp3, $4  }
0x1e: {  	[sflag:s21] =	ssyncadd.s32 @!p1 $0xFFFFF000;
	s21 =	simm.s32 @!p1 $0x8  }
0x1f: {  	_ =	swait.ge @!p1 [sflag:s21], $0x4000  }
0x20: {  	[sflag:s21] =	ssyncset.done @!p1 $0x0  }
0x21: {  	[sflag:s21] =	ssyncadd.s32 @!p1 $0xFFFFC000  }
.LBB2_2:
0x22: {  	s21 =	sshll.u32 s20, $0x1  }
0x23: {  	p0 =	sge.u32 s21, s9  }
0x24: {  	s22 =	sshll.u32 @!p0 s20, $0xA  }
0x25: {  	s22 =	sor.u32 @!p0 s11, s22  }
0x26: {  	s21 =	sor.u32 $0x1, s21;
	s24 =	simm.s32 @!p0 $0x0;
	s23 =	sadd.s32 @!p0 s1, s22  }
0x27: {  	[tilespmem:s24], [sflag:$0x1] =	stream.linear.gather @!p0 [hbm4b:s23+s24], $0x80, $0x38;
	[tilespmem:$0x12200] =	vst v63  }
0x28: {  	p1 =	sge.u32 s21, s9;
	s22 =	sadd.s32 @!p0 s2, s22;
	s23 =	simm.s32 @!p0 $0x100  }
0x29: {  	[tilespmem:s23], [sflag:$0x3] =	stream.linear.gather @!p0 [hbm4b:s22+s24], $0x80, $0x38;
	[tilespmem:$0x12200] =	vst v63  }
0x2a: {  	s22 =	sshll.u32 @!p1 s21, $0x9  }
0x2b: {  	s22 =	sor.u32 @!p1 s11, s22  }
0x2c: {  	s26 =	simm.s32 @!p1 $0x0;
	s28 =	simm.s32 @!p1 $0x80;
	s25 =	sadd.s32 @!p1 s1, s22  }
0x2d: {  	[tilespmem:s28], [sflag:$0x2] =	stream.linear.gather @!p1 [hbm4b:s25+s26], $0x80, $0x38;
	[tilespmem:$0x12200] =	vst v63  }
0x2e: {  	s22 =	sadd.s32 @!p1 s2, s22;
	s25 =	simm.s32 @!p1 $0x180  }
0x2f: {  	[tilespmem:s25], [sflag:$0x4] =	stream.linear.gather @!p1 [hbm4b:s22+s26], $0x80, $0x38;
	[tilespmem:$0x12200] =	vst v63  }
0x30: {  	s22 =	simm.s32 @!p0 $0x1  }
0x31: {  	_ =	swait.ge @!p0 [sflag:s22], $0x80  }
0x32: {  	[sflag:s22] =	ssyncset.done @!p0 $0x0  }
0x33: {  	[sflag:s22] =	ssyncadd.s32 @!p0 $0xFFFFFF80;
	s22 =	simm.s32 @!p0 $0x3  }
0x34: {  	_ =	swait.ge @!p0 [sflag:s22], $0x80  }
0x35: {  	[sflag:s22] =	ssyncset.done @!p0 $0x0  }
0x36: {  	s26 =	simm.s32 @!p0 $0x200;
	[sflag:s22] =	ssyncadd.s32 @!p0 $0xFFFFFF80;
	s22 =	simm.s32 @!p0 $0x80  }
0x37: {  	[tilespmem:s26], [sflag:$0x5] =	stream.indirect.gather @!p0 [hbm4b:s4+s22], $0x80, s24, s22, $0xb8;
	[tilespmem:$0x12200] =	vst v63  }
0x38: {  	s24 =	simm.s32 @!p0 $0x8200  }
0x39: {  	[tilespmem:s24], [sflag:$0x7] =	stream.indirect.gather @!p0 [hbm4b:s5+s22], $0x80, s23, s22, $0xb8;
	[tilespmem:$0x12200] =	vst v63  }
0x3a: {  	s22 =	simm.s32 @!p1 $0x2  }
0x3b: {  	_ =	swait.ge @!p1 [sflag:s22], $0x80  }
0x3c: {  	[sflag:s22] =	ssyncset.done @!p1 $0x0  }
0x3d: {  	[sflag:s22] =	ssyncadd.s32 @!p1 $0xFFFFFF80;
	s22 =	simm.s32 @!p1 $0x4  }
0x3e: {  	_ =	swait.ge @!p1 [sflag:s22], $0x80  }
.Ltmp4:
0x3f: {  	[sflag:s22] =	ssyncset.done @!p1 $0x0;
	(pc) =	sbr.rel @p0 .LBB2_8-.Ltmp4, $4  }
0x40: {  	[sflag:s22] =	ssyncadd.s32 @!p1 $0xFFFFFF80;
	s22 =	simm.s32 @!p1 $0x4200  }
0x41: {  	[tilespmem:s22], [sflag:$0x6] =	stream.indirect.gather @!p1 [hbm4b:s4+s28], $0x80, s28, s28, $0xb8;
	[tilespmem:$0x12200] =	vst v63  }
0x42: {  	s22 =	simm.s32 @!p1 $0xC200  }
0x43: {  	[tilespmem:s22], [sflag:$0x8] =	stream.indirect.gather @!p1 [hbm4b:s5+s28], $0x80, s25, s28, $0xb8;
	[tilespmem:$0x12200] =	vst v63  }
0x44: {  	_ =	swait.ge [sflag:s13], $0x4000  }
0x45: {  	[sflag:s13] =	ssyncset.done $0x0  }
0x46: {  	s23 =	simm.s32 $0x0;
	[sflag:s13] =	ssyncadd.s32 $0xFFFFC000  }
0x47: {  	v0 =	vld [tilespmem:s23+$0x200];
	_ =	sdelay $0x3  }
0x48: {  	s22 =	simm.s32 $0x10240  }
0x49: {  	[tilespmem:s22+$0xFFFFFFC0] =	vst v0  }
0x4a: {  	v0 =	vld [tilespmem:s23+$0x210];
	_ =	sdelay $0x4  }
0x4b: {  	[tilespmem:s22+$0xFFFFFFD0] =	vst v0  }
0x4c: {  	v0 =	vld [tilespmem:s23+$0x280];
	_ =	sdelay $0x4  }
0x4d: {  	[tilespmem:s22+$0xFFFFFFE0] =	vst v0  }
0x4e: {  	v0 =	vld [tilespmem:s23+$0x290];
	_ =	sdelay $0x4  }
0x4f: {  	[tilespmem:s22+$0xFFFFFFF0] =	vst v0  }
0x50: {  	v0 =	vld [tilespmem:s23+$0x300];
	_ =	sdelay $0x4  }
0x51: {  	[tilespmem:s22+$0x0] =	vst v0  }
0x52: {  	v0 =	vld [tilespmem:s23+$0x310];
	_ =	sdelay $0x4  }
0x53: {  	[tilespmem:s22+$0x10] =	vst v0  }
0x54: {  	v0 =	vld [tilespmem:s23+$0x380];
	_ =	sdelay $0x4  }
0x55: {  	[tilespmem:s22+$0x20] =	vst v0  }
0x56: {  	v0 =	vld [tilespmem:s23+$0x390];
	_ =	sdelay $0x4  }
0x57: {  	s24 =	simm.s32 $0x1000;
	s23 =	simm.s32 $0x200;
	[tilespmem:s22+$0x30] =	vst v0  }
.LBB2_4:
0x58: {  	p2 =	sne.s32 s24, $0xF800;
	v0 =	vld [tilespmem:s23+$0x200];
	_ =	sdelay $0x3  }
0x59: {  	s22 =	sadd.s32 $0x100, s22  }
0x5a: {  	[tilespmem:s22+$0xFFFFFFC0] =	vst v0  }
0x5b: {  	v0 =	vld [tilespmem:s23+$0x210];
	_ =	sdelay $0x4  }
0x5c: {  	[tilespmem:s22+$0xFFFFFFD0] =	vst v0  }
0x5d: {  	v0 =	vld [tilespmem:s23+$0x280];
	_ =	sdelay $0x4  }
0x5e: {  	[tilespmem:s22+$0xFFFFFFE0] =	vst v0  }
0x5f: {  	v0 =	vld [tilespmem:s23+$0x290];
	_ =	sdelay $0x4  }
0x60: {  	[tilespmem:s22+$0xFFFFFFF0] =	vst v0  }
0x61: {  	v0 =	vld [tilespmem:s23+$0x300];
	_ =	sdelay $0x4  }
0x62: {  	[tilespmem:s22+$0x0] =	vst v0  }
0x63: {  	v0 =	vld [tilespmem:s23+$0x310];
	_ =	sdelay $0x4  }
0x64: {  	[tilespmem:s22+$0x10] =	vst v0  }
0x65: {  	v0 =	vld [tilespmem:s23+$0x380];
	_ =	sdelay $0x4  }
0x66: {  	[tilespmem:s22+$0x20] =	vst v0  }
0x67: {  	v0 =	vld [tilespmem:s23+$0x390]  }
.Ltmp5:
0x68: {  	(pc) =	sbr.rel @p2 .LBB2_4-.Ltmp5, $2  }
0x69: {  	_ =	sdelay $0x2  }
0x6a: {  	s23 =	sshra.s32 s24, $0x2;
	s24 =	sadd.s32 $0x800, s24;
	[tilespmem:s22+$0x30] =	vst v0  }
0x6b: {  	v0 =	vld [tilespmem:s23+$0x200];
	_ =	sdelay $0x3  }
0x6c: {  	s25 =	sadd.s32 $0x100, s22  }
0x6d: {  	[tilespmem:s25+$0xFFFFFFC0] =	vst v0  }
0x6e: {  	v0 =	vld [tilespmem:s23+$0x210];
	_ =	sdelay $0x4  }
0x6f: {  	[tilespmem:s25+$0xFFFFFFD0] =	vst v0  }
0x70: {  	v0 =	vld [tilespmem:s23+$0x280];
	_ =	sdelay $0x4  }
0x71: {  	[tilespmem:s25+$0xFFFFFFE0] =	vst v0  }
0x72: {  	v0 =	vld [tilespmem:s23+$0x290];
	_ =	sdelay $0x4  }
0x73: {  	[tilespmem:s25+$0xFFFFFFF0] =	vst v0  }
0x74: {  	v0 =	vld [tilespmem:s23+$0x300];
	_ =	sdelay $0x4  }
0x75: {  	[tilespmem:s25+$0x0] =	vst v0  }
0x76: {  	v0 =	vld [tilespmem:s23+$0x310];
	_ =	sdelay $0x4  }
0x77: {  	[tilespmem:s25+$0x10] =	vst v0  }
0x78: {  	v0 =	vld [tilespmem:s23+$0x380];
	_ =	sdelay $0x4  }
0x79: {  	[tilespmem:s25+$0x20] =	vst v0  }
0x7a: {  	v0 =	vld [tilespmem:s23+$0x390]  }
0x7b: {  	s30 =	sshll.u32 s20, $0x6  }
0x7c: {  	s22 =	sor.u32 s10, s30  }
0x7d: {  	s31 =	sshll.u32 s22, $0x9  }
0x7e: {  	s24 =	simm.s32 $0x10200;
	s23 =	sadd.s32 s7, s31  }
0x7f: {  	s26 =	simm.s32 $0x10300;
	s28 =	sadd.s32 $0x0, s23;
	[tilespmem:s25+$0x30] =	vst v0;
	s25 =	simm.s32 $0x10  }
.LBB2_6:
0x80: {  	[hbm4b:s28+s3] =	stream.linear.scatter [tilespmem:s24], [sflag:$0x9], $0x80, $0x38;
	[tilespmem:$0x12200] =	vst v63  }
0x81: {  	s28 =	smov.u32 s25;
	s24 =	smov.u32 s26;
	p2 =	sne.s32 s25, $0x1F0  }
.Ltmp6:
0x82: {  	s25 =	sadd.s32 $0x10, s25;
	(pc) =	sbr.rel @p2 .LBB2_6-.Ltmp6, $2  }
0x83: {  	_ =	sdelay $0x2  }
0x84: {  	s26 =	sadd.s32 $0x100, s26;
	s28 =	sadd.s32 s28, s23  }
0x85: {  	[hbm4b:s28+s3] =	stream.linear.scatter [tilespmem:s24], [sflag:$0x9], $0x80, $0x38;
	[tilespmem:$0x12200] =	vst v63  }
0x86: {  	_ =	swait.ge [sflag:s14], $0x4000  }
0x87: {  	s22 =	sshll.u32 s22, $0xB;
	[sflag:s14] =	ssyncset.done $0x0  }
0x88: {  	s22 =	sadd.s32 s8, s22;
	[sflag:s14] =	ssyncadd.s32 $0xFFFFC000  }
0x89: {  	[hbm4b:s22+s3] =	stream.linear.scatter [tilespmem:s15], [sflag:$0x7], $0x4000, $0x38;
	[tilespmem:$0x12200] =	vst v63  }
.LBB2_8:
.Ltmp7:
0x8a: {  	(pc) =	sbr.rel @p1 .LBB2_14-.Ltmp7, $1  }
0x8b: {  	_ =	sdelay $0x3  }
0x8c: {  	_ =	swait.ge [sflag:s16], $0x4000  }
0x8d: {  	[sflag:s16] =	ssyncset.done $0x0  }
0x8e: {  	s23 =	simm.s32 $0x0;
	[sflag:s16] =	ssyncadd.s32 $0xFFFFC000  }
0x8f: {  	v0 =	vld [tilespmem:s23+$0x4200];
	_ =	sdelay $0x3  }
0x90: {  	s22 =	simm.s32 $0x102F0  }
0x91: {  	[tilespmem:s22+$0xFFFFFF90] =	vst v0  }
0x92: {  	v0 =	vld [tilespmem:s23+$0x4210];
	_ =	sdelay $0x4  }
0x93: {  	[tilespmem:s22+$0xFFFFFFA0] =	vst v0  }
0x94: {  	v0 =	vld [tilespmem:s23+$0x4280];
	_ =	sdelay $0x4  }
0x95: {  	[tilespmem:s22+$0xFFFFFFB0] =	vst v0  }
0x96: {  	v0 =	vld [tilespmem:s23+$0x4290];
	_ =	sdelay $0x4  }
0x97: {  	[tilespmem:s22+$0xFFFFFFC0] =	vst v0  }
0x98: {  	v0 =	vld [tilespmem:s23+$0x4300];
	_ =	sdelay $0x4  }
0x99: {  	[tilespmem:s22+$0xFFFFFFD0] =	vst v0  }
0x9a: {  	v0 =	vld [tilespmem:s23+$0x4310];
	_ =	sdelay $0x4  }
0x9b: {  	[tilespmem:s22+$0xFFFFFFE0] =	vst v0  }
0x9c: {  	v0 =	vld [tilespmem:s23+$0x4380];
	_ =	sdelay $0x4  }
0x9d: {  	[tilespmem:s22+$0xFFFFFFF0] =	vst v0  }
0x9e: {  	v0 =	vld [tilespmem:s23+$0x4390];
	_ =	sdelay $0x4  }
0x9f: {  	s24 =	simm.s32 $0x1000;
	s23 =	simm.s32 $0x200;
	[tilespmem:s22+$0x0] =	vst v0  }
.LBB2_10:
0xa0: {  	p2 =	sne.s32 s24, $0xF800;
	v0 =	vld [tilespmem:s23+$0x4200];
	_ =	sdelay $0x3  }
0xa1: {  	s22 =	sadd.s32 $0x100, s22  }
0xa2: {  	[tilespmem:s22+$0xFFFFFF90] =	vst v0  }
0xa3: {  	v0 =	vld [tilespmem:s23+$0x4210];
	_ =	sdelay $0x4  }
0xa4: {  	[tilespmem:s22+$0xFFFFFFA0] =	vst v0  }
0xa5: {  	v0 =	vld [tilespmem:s23+$0x4280];
	_ =	sdelay $0x4  }
0xa6: {  	[tilespmem:s22+$0xFFFFFFB0] =	vst v0  }
0xa7: {  	v0 =	vld [tilespmem:s23+$0x4290];
	_ =	sdelay $0x4  }
0xa8: {  	[tilespmem:s22+$0xFFFFFFC0] =	vst v0  }
0xa9: {  	v0 =	vld [tilespmem:s23+$0x4300];
	_ =	sdelay $0x4  }
0xaa: {  	[tilespmem:s22+$0xFFFFFFD0] =	vst v0  }
0xab: {  	v0 =	vld [tilespmem:s23+$0x4310];
	_ =	sdelay $0x4  }
0xac: {  	[tilespmem:s22+$0xFFFFFFE0] =	vst v0  }
0xad: {  	v0 =	vld [tilespmem:s23+$0x4380];
	_ =	sdelay $0x4  }
0xae: {  	[tilespmem:s22+$0xFFFFFFF0] =	vst v0  }
0xaf: {  	v0 =	vld [tilespmem:s23+$0x4390]  }
.Ltmp8:
0xb0: {  	(pc) =	sbr.rel @p2 .LBB2_10-.Ltmp8, $2  }
0xb1: {  	_ =	sdelay $0x2  }
0xb2: {  	s23 =	sshra.s32 s24, $0x2;
	s24 =	sadd.s32 $0x800, s24;
	[tilespmem:s22+$0x0] =	vst v0  }
0xb3: {  	v0 =	vld [tilespmem:s23+$0x4200];
	_ =	sdelay $0x3  }
0xb4: {  	s24 =	sadd.s32 $0x100, s22  }
0xb5: {  	[tilespmem:s24+$0xFFFFFF90] =	vst v0  }
0xb6: {  	v0 =	vld [tilespmem:s23+$0x4210];
	_ =	sdelay $0x4  }
0xb7: {  	[tilespmem:s24+$0xFFFFFFA0] =	vst v0  }
0xb8: {  	v0 =	vld [tilespmem:s23+$0x4280];
	_ =	sdelay $0x4  }
0xb9: {  	[tilespmem:s24+$0xFFFFFFB0] =	vst v0  }
0xba: {  	v0 =	vld [tilespmem:s23+$0x4290];
	_ =	sdelay $0x4  }
0xbb: {  	[tilespmem:s24+$0xFFFFFFC0] =	vst v0  }
0xbc: {  	v0 =	vld [tilespmem:s23+$0x4300];
	_ =	sdelay $0x4  }
0xbd: {  	[tilespmem:s24+$0xFFFFFFD0] =	vst v0  }
0xbe: {  	v0 =	vld [tilespmem:s23+$0x4310];
	_ =	sdelay $0x4  }
0xbf: {  	[tilespmem:s24+$0xFFFFFFE0] =	vst v0  }
0xc0: {  	v0 =	vld [tilespmem:s23+$0x4380];
	_ =	sdelay $0x4  }
0xc1: {  	[tilespmem:s24+$0xFFFFFFF0] =	vst v0  }
0xc2: {  	s21 =	sshll.u32 s21, $0x5;
	v0 =	vld [tilespmem:s23+$0x4390]  }
0xc3: {  	s21 =	sor.u32 s10, s21  }
0xc4: {  	s31 =	sshll.u32 s21, $0x9  }
0xc5: {  	s22 =	sand.u32 $0x1FFFFE00, s31  }
0xc6: {  	s25 =	simm.s32 $0x10380;
	s22 =	sadd.s32 s7, s22  }
0xc7: {  	s26 =	sadd.s32 $0x0, s22;
	s23 =	simm.s32 $0x10280;
	[tilespmem:s24+$0x0] =	vst v0;
	s24 =	simm.s32 $0x10  }
.LBB2_12:
0xc8: {  	[hbm4b:s26+s3] =	stream.linear.scatter [tilespmem:s23], [sflag:$0xA], $0x80, $0x38;
	[tilespmem:$0x12200] =	vst v63  }
0xc9: {  	s26 =	smov.u32 s24;
	s23 =	smov.u32 s25;
	p2 =	sne.s32 s24, $0x1F0  }
.Ltmp9:
0xca: {  	s24 =	sadd.s32 $0x10, s24;
	(pc) =	sbr.rel @p2 .LBB2_12-.Ltmp9, $2  }
0xcb: {  	_ =	sdelay $0x2  }
0xcc: {  	s25 =	sadd.s32 $0x100, s25;
	s26 =	sadd.s32 s26, s22  }
0xcd: {  	[hbm4b:s26+s3] =	stream.linear.scatter [tilespmem:s23], [sflag:$0xA], $0x80, $0x38;
	[tilespmem:$0x12200] =	vst v63  }
.Ltmp10:
0xce: {  	_ = 	snop;
	(pc) =	sbr.rel .LBB2_14-.Ltmp10, $4  }
0xcf: {  	s21 =	sshll.u32 s21, $0xB;
	_ =	swait.ge [sflag:s17], $0x4000  }
0xd0: {  	s21 =	sand.u32 $0x1FFFF800, s21;
	[sflag:s17] =	ssyncset.done $0x0  }
0xd1: {  	s21 =	sadd.s32 s8, s21;
	[sflag:s17] =	ssyncadd.s32 $0xFFFFC000  }
0xd2: {  	[hbm4b:s21+s3] =	stream.linear.scatter [tilespmem:s18], [sflag:$0x8], $0x4000, $0x38;
	[tilespmem:$0x12200] =	vst v63  }
.LBB2_16:
0xd3: {  	_ =	sfence.sel $0x180000  }
0xd4: {  	[bflag:$0x0] =	sbarrier.arrive $0xFFFF  }
0xd5: {  	p0 =	sne.s32 s6, $0x0;
	_ =	strace $0x90000047  }
0xd6: {  	s0 =	sadd.s32 @!p0 $0x100000, s0;
	[bflag:$0x2] =	sbarrier.arrive $0xFFFF  }
0xd7: {  	[sflag:s0] =	ssyncadd.tile.s32 @!p0 $0x1;
	_ =	shalt  }
.Lfunc_end2:
_tile_overlayer_lowered:
.L_overlay_start_2:
0xd8: {  	(tag) =	ssettag $0x2  }
0xd9: {  	s0 =	rddreg [dreg:$0x0];
	s2 =	stileid.u32  }
0xda: {  	s1 =	rddreg [dreg:$0x1];
	p0 =	sne.s32 s2, $0x0  }
0xdb: {  	s3 =	rddreg [dreg:$0x2];
	[bflag:$0x3] =	sbarrier.arrive $0xFFFF;
	s2 =	simm.s32 @!p0 $0x1C0B  }
0xdc: {  	[timem:s3], [sflag:s2] =	dma.local @!p0 [hbm:s0], s1  }
0xdd: {  	s0 =	simm.s32 @!p0 $0xB  }
0xde: {  	_ =	swait.ge @!p0 [sflag:s0], s1  }
0xdf: {  	s1 =	ssub.s32 @!p0 $0x0, s1;
	[sflag:s0] =	ssyncset.done @!p0 $0x0  }
0xe0: {  	[sflag:s0] =	ssyncadd.s32 @!p0 s1  }
0xe1: {  	[bflag:$0x3] =	sbarrier.arrive $0xFFFF  }
0xe2: {  	_ =	shalt  }

</sc_bundles>
